<compile_context>
chip_gen: v7x
topology: tpu7x:2x2x1
jax: 0.10.2.dev20260603
libtpu: 0.0.44.dev20260713+nightly
codegen_flags: <defaults>
</compile_context>

<pallas_src>
import functools

import jax
import jax.numpy as jnp
from jax import lax
from jax.experimental import pallas as pl
from jax.experimental.pallas import tpu as pltpu
from jax.experimental.pallas import tpu_sc as plsc

_N = 10000
_E = 320000
_NCORE = 2
_NSUB = 16
_CLEN = 128
_NC0 = 114
_NC1 = 44
_NCMAX = max(_NC0, _NC1)
assert _NSUB * (_NC0 + _NC1) * _CLEN >= _E
_RPAD = 10240
_RPT = _RPAD // _NSUB
_DEGW = 16

_MESH = plsc.VectorSubcoreMesh(core_axis_name="c", subcore_axis_name="s")


def _percore_loop(c, body):
  if _NC0 == _NC1:
    lax.fori_loop(0, _NC0, body, 0)
  else:
    @pl.when(c == 0)
    def _():
      lax.fori_loop(0, _NC0, body, 0)

    @pl.when(c != 0)
    def _():
      lax.fori_loop(0, _NC1, body, 0)



def _make_seg(D):

  @functools.partial(
      pl.kernel,
      out_type=jax.ShapeDtypeStruct((_NCORE, _RPAD, D), jnp.float32),
      mesh=_MESH,
      compiler_params=pltpu.CompilerParams(use_tc_tiling_on_sc=False),
      scratch_types=[
          pltpu.VMEM_SHARED((_RPAD, D), jnp.float32),
          pltpu.VMEM((_NCMAX, _CLEN), jnp.int32),
          pltpu.VMEM((_NCMAX, _CLEN), jnp.int32),
          pltpu.VMEM((_CLEN, D), jnp.float32),
          pltpu.SemaphoreType.DMA,
      ],
  )
  def seg(y_hbm, src_hbm, dst_hbm, zeros_hbm, out_hbm, acc, sidx, didx, rows, sem):
    c = lax.axis_index("c")
    s = lax.axis_index("s")
    r0 = s * _RPT
    pltpu.sync_copy(zeros_hbm.at[pl.ds(r0, _RPT)], acc.at[pl.ds(r0, _RPT)])
    pltpu.sync_copy(src_hbm.at[c, s], sidx)
    pltpu.sync_copy(dst_hbm.at[c, s], didx)
    plsc.subcore_barrier()

    def body(j, carry):
      pltpu.async_copy(y_hbm.at[sidx.at[j]], rows, sem).wait()
      pltpu.sync_copy(rows, acc.at[didx.at[j]], add=True)
      return carry

    _percore_loop(c, body)
    plsc.subcore_barrier()
    pltpu.sync_copy(acc.at[pl.ds(r0, _RPT)], out_hbm.at[c, pl.ds(r0, _RPT)])

  return seg


def _make_seg_pipe(D, clen, nc0, nc1):
  assert nc0 % 2 == 0 and nc1 % 2 == 0
  ncmax = max(nc0, nc1)

  @functools.partial(
      pl.kernel,
      out_type=jax.ShapeDtypeStruct((_NCORE, _RPAD, D), jnp.float32),
      mesh=_MESH,
      compiler_params=pltpu.CompilerParams(use_tc_tiling_on_sc=False),
      scratch_types=[
          pltpu.VMEM_SHARED((_RPAD, D), jnp.float32),
          pltpu.VMEM((ncmax, clen), jnp.int32),
          pltpu.VMEM((ncmax, clen), jnp.int32),
          pltpu.VMEM((clen, D), jnp.float32),
          pltpu.VMEM((clen, D), jnp.float32),
          pltpu.SemaphoreType.DMA,
          pltpu.SemaphoreType.DMA,
      ],
  )
  def seg(y_hbm, src_hbm, dst_hbm, zeros_hbm, out_hbm, acc, sidx, didx,
          rows0, rows1, sem0, sem1):
    c = lax.axis_index("c")
    s = lax.axis_index("s")
    r0 = s * _RPT
    pltpu.sync_copy(zeros_hbm.at[pl.ds(r0, _RPT)], acc.at[pl.ds(r0, _RPT)])
    pltpu.sync_copy(src_hbm.at[c, s], sidx)
    pltpu.sync_copy(dst_hbm.at[c, s], didx)
    plsc.subcore_barrier()

    def run(nc):
      pltpu.async_copy(y_hbm.at[sidx.at[0]], rows0, sem0)
      pltpu.async_copy(y_hbm.at[sidx.at[1]], rows1, sem1)

      def body(t, carry):
        j = 2 * t
        pltpu.make_async_copy(y_hbm.at[sidx.at[0]], rows0, sem0).wait()
        pltpu.sync_copy(rows0, acc.at[didx.at[j]], add=True)
        pltpu.async_copy(y_hbm.at[sidx.at[j + 2]], rows0, sem0)
        pltpu.make_async_copy(y_hbm.at[sidx.at[0]], rows1, sem1).wait()
        pltpu.sync_copy(rows1, acc.at[didx.at[j + 1]], add=True)
        pltpu.async_copy(y_hbm.at[sidx.at[j + 3]], rows1, sem1)
        return carry

      lax.fori_loop(0, nc // 2 - 1, body, 0)
      pltpu.make_async_copy(y_hbm.at[sidx.at[0]], rows0, sem0).wait()
      pltpu.sync_copy(rows0, acc.at[didx.at[nc - 2]], add=True)
      pltpu.make_async_copy(y_hbm.at[sidx.at[0]], rows1, sem1).wait()
      pltpu.sync_copy(rows1, acc.at[didx.at[nc - 1]], add=True)

    @pl.when(c == 0)
    def _():
      run(nc0)

    @pl.when(c != 0)
    def _():
      run(nc1)

    plsc.subcore_barrier()
    pltpu.sync_copy(acc.at[pl.ds(r0, _RPT)], out_hbm.at[c, pl.ds(r0, _RPT)])

  return seg


_CLEN2 = 64
_NC0_2 = 2 * _NC0
_NC1_2 = 2 * _NC1
_SEG64 = _make_seg_pipe(64, _CLEN, _NC0, _NC1)
_SEG128 = _make_seg_pipe(128, _CLEN2, _NC0_2, _NC1_2)


@functools.partial(
    pl.kernel,
    out_type=[
        jax.ShapeDtypeStruct((_NCORE, _RPAD, _DEGW), jnp.float32),
        jax.ShapeDtypeStruct((_NCORE, _RPAD, _DEGW), jnp.float32),
    ],
    mesh=_MESH,
    compiler_params=pltpu.CompilerParams(use_tc_tiling_on_sc=False),
    scratch_types=[
        pltpu.VMEM_SHARED((_RPAD, _DEGW), jnp.float32),
        pltpu.VMEM_SHARED((_RPAD, _DEGW), jnp.float32),
        pltpu.VMEM((_NCMAX, _CLEN), jnp.int32),
        pltpu.VMEM((_CLEN, _DEGW), jnp.float32),
    ],
)
def _deg(dstS_hbm, dstC_hbm, zeros_hbm, ones_hbm, outS_hbm, outC_hbm,
         accS, accC, didx, ones_v):
  c = lax.axis_index("c")
  s = lax.axis_index("s")
  r0 = s * _RPT
  pltpu.sync_copy(zeros_hbm.at[pl.ds(r0, _RPT)], accS.at[pl.ds(r0, _RPT)])
  pltpu.sync_copy(zeros_hbm.at[pl.ds(r0, _RPT)], accC.at[pl.ds(r0, _RPT)])
  pltpu.sync_copy(ones_hbm, ones_v)
  pltpu.sync_copy(dstS_hbm.at[c, s], didx)
  plsc.subcore_barrier()

  def bodyS(j, carry):
    pltpu.sync_copy(ones_v, accS.at[didx.at[j]], add=True)
    return carry

  _percore_loop(c, bodyS)
  pltpu.sync_copy(dstC_hbm.at[c, s], didx)

  def bodyC(j, carry):
    pltpu.sync_copy(ones_v, accC.at[didx.at[j]], add=True)
    return carry

  _percore_loop(c, bodyC)
  plsc.subcore_barrier()
  pltpu.sync_copy(accS.at[pl.ds(r0, _RPT)], outS_hbm.at[c, pl.ds(r0, _RPT)])
  pltpu.sync_copy(accC.at[pl.ds(r0, _RPT)], outC_hbm.at[c, pl.ds(r0, _RPT)])



_BN = 1000
_GRID = _N // _BN


def _row_spec(d):
  return pl.BlockSpec((_BN, d), lambda i: (i, 0))


def _full_spec(shape):
  nd = len(shape)
  return pl.BlockSpec(shape, lambda i, _n=nd: (0,) * _n)


def _part_spec(d):
  return pl.BlockSpec((_NCORE, _BN, d), lambda i: (0, i, 0))


def _tc1_body(s_ref, x_ref, ws_ref, bs_ref, wc_ref, bc_ref,
              ys_ref, rs_ref, yc_ref, rc_ref):
  sb = s_ref[...]
  a = jnp.dot(sb, ws_ref[...], preferred_element_type=jnp.float32) + bs_ref[...]
  ys_ref[...] = a[:, :64]
  rs_ref[...] = a[:, 64:]
  xcat = jnp.concatenate([x_ref[...], sb], axis=1)
  b = jnp.dot(xcat, wc_ref[...], preferred_element_type=jnp.float32) + bc_ref[...]
  yc_ref[...] = b[:, :128]
  rc_ref[...] = b[:, 128:]


def _tc1(S, x, ws, bs, wc, bc):
  return pl.pallas_call(
      _tc1_body,
      grid=(_GRID,),
      in_specs=[
          _row_spec(64), _row_spec(128),
          _full_spec((64, 128)), _full_spec((1, 128)),
          _full_spec((192, 256)), _full_spec((1, 256)),
      ],
      out_specs=[_row_spec(64), _row_spec(64), _row_spec(128), _row_spec(128)],
      out_shape=[
          jax.ShapeDtypeStruct((_N, 64), jnp.float32),
          jax.ShapeDtypeStruct((_N, 64), jnp.float32),
          jax.ShapeDtypeStruct((_N, 128), jnp.float32),
          jax.ShapeDtypeStruct((_N, 128), jnp.float32),
      ],
  )(S, x, ws, bs, wc, bc)


def _inv_deg(deg_ref):
  return 1.0 / jnp.maximum(deg_ref[0, :, 0:1] + deg_ref[1, :, 0:1], 1.0)


def _tc2_body(ps_ref, pc_ref, degs_ref, degc_ref, rs0_ref, rc0_ref,
              ws_ref, bs_ref, wc_ref, bc_ref,
              ys_ref, rs_ref, yc_ref, rc_ref):
  inv_s = _inv_deg(degs_ref)
  inv_c = _inv_deg(degc_ref)
  s = jnp.maximum((ps_ref[0] + ps_ref[1]) * inv_s + rs0_ref[...], 0.0)
  h = jnp.maximum((pc_ref[0] + pc_ref[1]) * inv_c + rc0_ref[...], 0.0)
  a = jnp.dot(s, ws_ref[...], preferred_element_type=jnp.float32) + bs_ref[...]
  ys_ref[...] = a[:, :64]
  rs_ref[...] = a[:, 64:]
  xcat = jnp.concatenate([h, s], axis=1)
  b = jnp.dot(xcat, wc_ref[...], preferred_element_type=jnp.float32) + bc_ref[...]
  yc_ref[...] = b[:, :128]
  rc_ref[...] = b[:, 128:]


def _tc2(ps, pc, degs, degc, rs0, rc0, ws, bs, wc, bc):
  return pl.pallas_call(
      _tc2_body,
      grid=(_GRID,),
      in_specs=[
          _part_spec(64), _part_spec(128),
          _part_spec(_DEGW), _part_spec(_DEGW),
          _row_spec(64), _row_spec(128),
          _full_spec((64, 128)), _full_spec((1, 128)),
          _full_spec((192, 256)), _full_spec((1, 256)),
      ],
      out_specs=[_row_spec(64), _row_spec(64), _row_spec(128), _row_spec(128)],
      out_shape=[
          jax.ShapeDtypeStruct((_N, 64), jnp.float32),
          jax.ShapeDtypeStruct((_N, 64), jnp.float32),
          jax.ShapeDtypeStruct((_N, 128), jnp.float32),
          jax.ShapeDtypeStruct((_N, 128), jnp.float32),
      ],
  )(ps, pc, degs, degc, rs0, rc0, ws, bs, wc, bc)


def _tc3_body(ps_ref, pc_ref, degs_ref, degc_ref, rs1_ref, rc1_ref,
              wo_ref, bo_ref, sout_ref, prob_ref):
  inv_s = _inv_deg(degs_ref)
  inv_c = _inv_deg(degc_ref)
  s_out = (ps_ref[0] + ps_ref[1]) * inv_s + rs1_ref[...]
  h = jnp.maximum((pc_ref[0] + pc_ref[1]) * inv_c + rc1_ref[...], 0.0)
  xcat = jnp.concatenate([h, s_out], axis=1)
  logits = jnp.dot(xcat, wo_ref[...], preferred_element_type=jnp.float32) + bo_ref[...]
  m = jnp.max(logits, axis=1, keepdims=True)
  e = jnp.exp(logits - m)
  sout_ref[...] = s_out
  prob_ref[...] = e / jnp.sum(e, axis=1, keepdims=True)


def _tc3(ps, pc, degs, degc, rs1, rc1, wo, bo):
  return pl.pallas_call(
      _tc3_body,
      grid=(_GRID,),
      in_specs=[
          _part_spec(64), _part_spec(128),
          _part_spec(_DEGW), _part_spec(_DEGW),
          _row_spec(64), _row_spec(128),
          _full_spec((192, 128)), _full_spec((1, 128)),
      ],
      out_specs=[_row_spec(64), _row_spec(128)],
      out_shape=[
          jax.ShapeDtypeStruct((_N, 64), jnp.float32),
          jax.ShapeDtypeStruct((_N, 128), jnp.float32),
      ],
  )(ps, pc, degs, degc, rs1, rc1, wo, bo)



def _prep_edges(ei, clen=_CLEN, nc0=_NC0, nc1=_NC1):
  ncmax = max(nc0, nc1)
  cap0 = _NSUB * nc0 * clen
  cap1 = _NSUB * nc1 * clen

  def pad_tail(n, is_dst):
    if not is_dst:
      return jnp.zeros((n,), jnp.int32)
    return _N + (jnp.arange(n, dtype=jnp.int32) % (_RPAD - _N))

  def per_core(a, lo, hi, cap, nc, is_dst):
    part = jnp.concatenate([a[lo:hi], pad_tail(cap - (hi - lo), is_dst)])
    part = part.reshape(_NSUB, nc, clen)
    if nc < ncmax:
      fill = pad_tail(_NSUB * (ncmax - nc) * clen, is_dst).reshape(
          _NSUB, ncmax - nc, clen)
      part = jnp.concatenate([part, fill], axis=1)
    return part

  arrs = []
  for a, is_dst in ((ei[0], False), (ei[1], True)):
    c0 = per_core(a, 0, cap0, cap0, nc0, is_dst)
    c1 = per_core(a, cap0, _E, cap1, nc1, is_dst)
    arrs.append(jnp.stack([c0, c1]))
  return tuple(arrs)


def kernel(x, structural_features, node_ids, sub_edge_index, struct_edge_index,
           sWl0, sbl0, sWr0, sWl1, sbl1, sWr1,
           cWl0, cbl0, cWr0, cWl1, cbl1, cWr1, Wo, bo):
  del node_ids

  srcS, dstS = _prep_edges(struct_edge_index)
  srcC, dstC = _prep_edges(sub_edge_index)
  srcC2, dstC2 = _prep_edges(sub_edge_index, _CLEN2, _NC0_2, _NC1_2)
  zeros64 = jnp.zeros((_RPAD, 64), jnp.float32)
  zeros128 = jnp.zeros((_RPAD, 128), jnp.float32)
  zerosdeg = jnp.zeros((_RPAD, _DEGW), jnp.float32)
  ones = jnp.ones((_CLEN, _DEGW), jnp.float32)

  ws0 = jnp.concatenate([sWl0.T, sWr0.T], axis=1)
  bs0 = jnp.concatenate([jnp.zeros((64,), jnp.float32), sbl0])[None, :]
  wc0 = jnp.concatenate([cWl0.T, cWr0.T], axis=1)
  bc0 = jnp.concatenate([jnp.zeros((128,), jnp.float32), cbl0])[None, :]
  ws1 = jnp.concatenate([sWl1.T, sWr1.T], axis=1)
  bs1 = jnp.concatenate([jnp.zeros((64,), jnp.float32), sbl1])[None, :]
  wc1 = jnp.concatenate([cWl1.T, cWr1.T], axis=1)
  bc1 = jnp.concatenate([jnp.zeros((128,), jnp.float32), cbl1])[None, :]
  wo = jnp.pad(Wo.T, ((0, 0), (0, 128 - 40)))
  bo_pad = jnp.concatenate([bo, jnp.full((128 - 40,), -1e30, jnp.float32)])[None, :]

  deg_s, deg_c = _deg(dstS, dstC, zerosdeg, ones)
  ys0, rs0, yc0, rc0 = _tc1(structural_features, x, ws0, bs0, wc0, bc0)
  ps0 = _SEG64(ys0, srcS, dstS, zeros64)
  pc0 = _SEG128(yc0, srcC2, dstC2, zeros128)
  ys1, rs1, yc1, rc1 = _tc2(ps0, pc0, deg_s, deg_c, rs0, rc0, ws1, bs1, wc1, bc1)
  ps1 = _SEG64(ys1, srcS, dstS, zeros64)
  pc1 = _SEG128(yc1, srcC2, dstC2, zeros128)
  s_out, prob = _tc3(ps1, pc1, deg_s, deg_c, rs1, rc1, wo, bo_pad)
  return (s_out, prob[:, :40])

# --- scband reference (transcript-rebuilt; emitter-appended) ---
"""Pipeline reference for scband-joint-model-27650999452046 (READ-ONLY COPY).

The authoritative reference and input builder live on the scoring server;
editing this copy changes nothing except your own understanding.
"""

import jax, jax.numpy as jnp
import numpy as np

N = 10000
E = 320000
DC = 128
DS = 64
NC = 40


def _sage(x, ei, Wl, bl, Wr):
    # PyG-style SAGEConv with mean aggregation:
    # out = lin_l(mean_{j in N(i)} x_j) + lin_r(x_i)
    src = ei[0]
    dst = ei[1]
    msg = jnp.take(x, src, axis=0)
    agg = jax.ops.segment_sum(msg, dst, num_segments=x.shape[0])
    deg = jax.ops.segment_sum(jnp.ones((ei.shape[1],), jnp.float32), dst, num_segments=x.shape[0])
    agg = agg / jnp.clip(deg, 1.0, None)[:, None]
    return agg @ Wl.T + bl + x @ Wr.T


def _winit(key, shape, fan_in):
    return jax.random.normal(key, shape, jnp.float32) * (1.0 / np.sqrt(fan_in))


def setup_inputs(seed: int = 0):
    key = jax.random.key(seed)
    ks = jax.random.split(key, 24)
    x = jax.random.normal(ks[0], (N, DC), jnp.float32)
    structural_features = jax.random.normal(ks[1], (N, DS), jnp.float32)
    node_ids = jnp.arange(N, dtype=jnp.int32)
    sub_edge_index = jax.random.randint(ks[2], (2, E), 0, N, dtype=jnp.int32)
    struct_edge_index = jax.random.randint(ks[3], (2, E), 0, N, dtype=jnp.int32)
    # structure model: 2 SAGEConv layers (64 -> 64 -> 64)
    sWl0 = _winit(ks[4], (DS, DS), DS); sbl0 = jnp.zeros((DS,), jnp.float32); sWr0 = _winit(ks[5], (DS, DS), DS)
    sWl1 = _winit(ks[6], (DS, DS), DS); sbl1 = jnp.zeros((DS,), jnp.float32); sWr1 = _winit(ks[7], (DS, DS), DS)
    # client model: 2 SAGEConv layers ((128+64) -> 128, (128+64) -> 128) + output Linear(128+64 -> 40)
    cin = DC + DS
    cWl0 = _winit(ks[8], (DC, cin), cin); cbl0 = jnp.zeros((DC,), jnp.float32); cWr0 = _winit(ks[9], (DC, cin), cin)
    cWl1 = _winit(ks[10], (DC, cin), cin); cbl1 = jnp.zeros((DC,), jnp.float32); cWr1 = _winit(ks[11], (DC, cin), cin)
    Wo = _winit(ks[12], (NC, cin), cin); bo = jnp.zeros((NC,), jnp.float32)
    return {
        'x': x, 'structural_features': structural_features,
        'node_ids': node_ids, 'sub_edge_index': sub_edge_index, 'struct_edge_index': struct_edge_index,
        'sWl0': sWl0, 'sbl0': sbl0, 'sWr0': sWr0, 'sWl1': sWl1, 'sbl1': sbl1, 'sWr1': sWr1,
        'cWl0': cWl0, 'cbl0': cbl0, 'cWr0': cWr0, 'cWl1': cWl1, 'cbl1': cbl1, 'cWr1': cWr1,
        'Wo': Wo, 'bo': bo,
    }


def reference(x, structural_features, node_ids, sub_edge_index, struct_edge_index,
              sWl0, sbl0, sWr0, sWl1, sbl1, sWr1,
              cWl0, cbl0, cWr0, cWl1, cbl1, cWr1, Wo, bo):
    # eval mode: dropout is identity
    S = structural_features
    H = x
    # layer 0
    s = jax.nn.relu(_sage(S, struct_edge_index, sWl0, sbl0, sWr0))
    xcat = jnp.concatenate([H, jnp.take(S, node_ids, axis=0)], axis=1)
    H = jax.nn.relu(_sage(xcat, sub_edge_index, cWl0, cbl0, cWr0))
    S = s
    # layer 1 (last structure layer: no relu on s)
    s = _sage(S, struct_edge_index, sWl1, sbl1, sWr1)
    xcat = jnp.concatenate([H, jnp.take(S, node_ids, axis=0)], axis=1)
    H = jax.nn.relu(_sage(xcat, sub_edge_index, cWl1, cbl1, cWr1))
    S = s
    # output layer
    xcat = jnp.concatenate([H, jnp.take(S, node_ids, axis=0)], axis=1)
    h = xcat @ Wo.T + bo
    client_out = jax.nn.softmax(h, axis=1)
    return (S, client_out)

if __name__ == "__main__":
    import jax
    _d = setup_inputs()
    print(jax.jit(kernel)(*tuple(_d.values())))

</pallas_src>

<mosaic_0001>
#map = affine_map<(d0, d1) -> (0, 0)>
#map1 = affine_map<(d0, d1) -> (0, 0, 0, 0)>
#map2 = affine_map<(d0, d1) -> (0, 0, 0)>
module attributes {stable_mosaic.version = 14 : i64} {
  func.func @seg(%arg0: i32, %arg1: i32, %arg2: memref<10000x64xf32, #tpu.memory_space<hbm>>, %arg3: memref<2x16x114x128xi32, #tpu.memory_space<hbm>>, %arg4: memref<2x16x114x128xi32, #tpu.memory_space<hbm>>, %arg5: memref<10240x64xf32, #tpu.memory_space<hbm>>, %arg6: memref<2x10240x64xf32, #tpu.memory_space<hbm>>, %arg7: memref<10240x64xf32, #tpu.memory_space<vmem_shared>>, %arg8: memref<114x128xi32, #tpu.memory_space<vmem>>, %arg9: memref<114x128xi32, #tpu.memory_space<vmem>>, %arg10: memref<128x64xf32, #tpu.memory_space<vmem>>, %arg11: memref<128x64xf32, #tpu.memory_space<vmem>>, %arg12: memref<!tpu.dma_semaphore, #tpu.memory_space<semaphore_mem>>, %arg13: memref<!tpu.dma_semaphore, #tpu.memory_space<semaphore_mem>>) attributes {dimension_semantics = [#tpu.dimension_semantics<core_parallel>, #tpu.dimension_semantics<subcore_parallel>], iteration_bounds = array<i64: 2, 16>, scalar_prefetch = 0 : i64, scratch_operands = 7 : i64, tpu.core_type = #tpu.core_type<sc_vector_subcore>, window_params = [{transform_indices = #map}, {transform_indices = #map1}, {transform_indices = #map1}, {transform_indices = #map}, {transform_indices = #map2}]} {
    %mul3A = arith.constant 640 : i32
    %mul3A_0 = arith.muli %arg1, %mul3A : i32
    "tpu.region"() ({
      %run_scoped3A = tpu.sem_alloc : memref<!tpu.dma_semaphore, #tpu.memory_space<semaphore_mem>>
      %dma_start3A = arith.constant 0 : i32
      %dma_start3A_8 = tpu.memref_slice %arg7[%mul3A_0, %dma_start3A] : memref<10240x64xf32, #tpu.memory_space<vmem_shared>> -> memref<640x64xf32, #tpu.memory_space<vmem_shared>>
      %dma_start3A_9 = arith.constant 0 : i32
      %dma_start3A_10 = tpu.memref_slice %arg5[%mul3A_0, %dma_start3A_9] : memref<10240x64xf32, #tpu.memory_space<hbm>> -> memref<640x64xf32, #tpu.memory_space<hbm>>
      tpu.enqueue_dma source(%dma_start3A_10 : memref<640x64xf32, #tpu.memory_space<hbm>>) target(%dma_start3A_8 : memref<640x64xf32, #tpu.memory_space<vmem_shared>>) target_semaphore(%run_scoped3A : memref<!tpu.dma_semaphore, #tpu.memory_space<semaphore_mem>>)
      %dma_wait3A = arith.constant 0 : i32
      %dma_wait3A_11 = tpu.memref_slice %arg7[%mul3A_0, %dma_wait3A] : memref<10240x64xf32, #tpu.memory_space<vmem_shared>> -> memref<640x64xf32, #tpu.memory_space<vmem_shared>>
      %dma_wait3A_12 = arith.constant 0 : i32
      %dma_wait3A_13 = tpu.memref_slice %arg5[%mul3A_0, %dma_wait3A_12] : memref<10240x64xf32, #tpu.memory_space<hbm>> -> memref<640x64xf32, #tpu.memory_space<hbm>>
      tpu.wait_dma2 semaphore(%run_scoped3A : memref<!tpu.dma_semaphore, #tpu.memory_space<semaphore_mem>>) src(%dma_wait3A_13 : memref<640x64xf32, #tpu.memory_space<hbm>>) dst(%dma_wait3A_11 : memref<640x64xf32, #tpu.memory_space<vmem_shared>>)
      tpu.yield
    }) : () -> ()
    "tpu.region"() ({
      %run_scoped3A = tpu.sem_alloc : memref<!tpu.dma_semaphore, #tpu.memory_space<semaphore_mem>>
      %dma_start3A = arith.constant 0 : i32
      %dma_start3A_8 = arith.constant 0 : i32
      %dma_start3A_9 = tpu.memref_slice %arg3[%arg0, %arg1, %dma_start3A, %dma_start3A_8] : memref<2x16x114x128xi32, #tpu.memory_space<hbm>> -> memref<1x1x114x128xi32, #tpu.memory_space<hbm>>
      %dma_start3A_10 = tpu.memref_squeeze %dma_start3A_9 : memref<1x1x114x128xi32, #tpu.memory_space<hbm>> -> memref<114x128xi32, #tpu.memory_space<hbm>>
      %dma_start3A_11 = arith.constant 0 : i32
      %dma_start3A_12 = arith.constant 0 : i32
      %dma_start3A_13 = tpu.memref_slice %arg3[%arg0, %arg1, %dma_start3A_11, %dma_start3A_12] : memref<2x16x114x128xi32, #tpu.memory_space<hbm>> -> memref<1x1x114x128xi32, #tpu.memory_space<hbm>>
      %dma_start3A_14 = tpu.memref_squeeze %dma_start3A_13 : memref<1x1x114x128xi32, #tpu.memory_space<hbm>> -> memref<114x128xi32, #tpu.memory_space<hbm>>
      tpu.enqueue_dma source(%dma_start3A_14 : memref<114x128xi32, #tpu.memory_space<hbm>>) target(%arg8 : memref<114x128xi32, #tpu.memory_space<vmem>>) target_semaphore(%run_scoped3A : memref<!tpu.dma_semaphore, #tpu.memory_space<semaphore_mem>>)
      %dma_wait3A = arith.constant 0 : i32
      %dma_wait3A_15 = arith.constant 0 : i32
      %dma_wait3A_16 = tpu.memref_slice %arg3[%arg0, %arg1, %dma_wait3A, %dma_wait3A_15] : memref<2x16x114x128xi32, #tpu.memory_space<hbm>> -> memref<1x1x114x128xi32, #tpu.memory_space<hbm>>
      %dma_wait3A_17 = tpu.memref_squeeze %dma_wait3A_16 : memref<1x1x114x128xi32, #tpu.memory_space<hbm>> -> memref<114x128xi32, #tpu.memory_space<hbm>>
      %dma_wait3A_18 = arith.constant 0 : i32
      %dma_wait3A_19 = arith.constant 0 : i32
      %dma_wait3A_20 = tpu.memref_slice %arg3[%arg0, %arg1, %dma_wait3A_18, %dma_wait3A_19] : memref<2x16x114x128xi32, #tpu.memory_space<hbm>> -> memref<1x1x114x128xi32, #tpu.memory_space<hbm>>
      %dma_wait3A_21 = tpu.memref_squeeze %dma_wait3A_20 : memref<1x1x114x128xi32, #tpu.memory_space<hbm>> -> memref<114x128xi32, #tpu.memory_space<hbm>>
      tpu.wait_dma2 semaphore(%run_scoped3A : memref<!tpu.dma_semaphore, #tpu.memory_space<semaphore_mem>>) src(%dma_wait3A_21 : memref<114x128xi32, #tpu.memory_space<hbm>>) dst(%arg8 : memref<114x128xi32, #tpu.memory_space<vmem>>)
      tpu.yield
    }) : () -> ()
    "tpu.region"() ({
      %run_scoped3A = tpu.sem_alloc : memref<!tpu.dma_semaphore, #tpu.memory_space<semaphore_mem>>
      %dma_start3A = arith.constant 0 : i32
      %dma_start3A_8 = arith.constant 0 : i32
      %dma_start3A_9 = tpu.memref_slice %arg4[%arg0, %arg1, %dma_start3A, %dma_start3A_8] : memref<2x16x114x128xi32, #tpu.memory_space<hbm>> -> memref<1x1x114x128xi32, #tpu.memory_space<hbm>>
      %dma_start3A_10 = tpu.memref_squeeze %dma_start3A_9 : memref<1x1x114x128xi32, #tpu.memory_space<hbm>> -> memref<114x128xi32, #tpu.memory_space<hbm>>
      %dma_start3A_11 = arith.constant 0 : i32
      %dma_start3A_12 = arith.constant 0 : i32
      %dma_start3A_13 = tpu.memref_slice %arg4[%arg0, %arg1, %dma_start3A_11, %dma_start3A_12] : memref<2x16x114x128xi32, #tpu.memory_space<hbm>> -> memref<1x1x114x128xi32, #tpu.memory_space<hbm>>
      %dma_start3A_14 = tpu.memref_squeeze %dma_start3A_13 : memref<1x1x114x128xi32, #tpu.memory_space<hbm>> -> memref<114x128xi32, #tpu.memory_space<hbm>>
      tpu.enqueue_dma source(%dma_start3A_14 : memref<114x128xi32, #tpu.memory_space<hbm>>) target(%arg9 : memref<114x128xi32, #tpu.memory_space<vmem>>) target_semaphore(%run_scoped3A : memref<!tpu.dma_semaphore, #tpu.memory_space<semaphore_mem>>)
      %dma_wait3A = arith.constant 0 : i32
      %dma_wait3A_15 = arith.constant 0 : i32
      %dma_wait3A_16 = tpu.memref_slice %arg4[%arg0, %arg1, %dma_wait3A, %dma_wait3A_15] : memref<2x16x114x128xi32, #tpu.memory_space<hbm>> -> memref<1x1x114x128xi32, #tpu.memory_space<hbm>>
      %dma_wait3A_17 = tpu.memref_squeeze %dma_wait3A_16 : memref<1x1x114x128xi32, #tpu.memory_space<hbm>> -> memref<114x128xi32, #tpu.memory_space<hbm>>
      %dma_wait3A_18 = arith.constant 0 : i32
      %dma_wait3A_19 = arith.constant 0 : i32
      %dma_wait3A_20 = tpu.memref_slice %arg4[%arg0, %arg1, %dma_wait3A_18, %dma_wait3A_19] : memref<2x16x114x128xi32, #tpu.memory_space<hbm>> -> memref<1x1x114x128xi32, #tpu.memory_space<hbm>>
      %dma_wait3A_21 = tpu.memref_squeeze %dma_wait3A_20 : memref<1x1x114x128xi32, #tpu.memory_space<hbm>> -> memref<114x128xi32, #tpu.memory_space<hbm>>
      tpu.wait_dma2 semaphore(%run_scoped3A : memref<!tpu.dma_semaphore, #tpu.memory_space<semaphore_mem>>) src(%dma_wait3A_21 : memref<114x128xi32, #tpu.memory_space<hbm>>) dst(%arg9 : memref<114x128xi32, #tpu.memory_space<vmem>>)
      tpu.yield
    }) : () -> ()
    %barrier3A = arith.constant 0 : index
    tpu.barrier barrier_id(%barrier3A)
    %eq3A = arith.constant 0 : i32
    %eq3A_1 = arith.cmpi eq, %arg0, %eq3A : i32
    %convert_element_type3A = arith.extui %eq3A_1 : i1 to i32
    %cond3A = arith.constant 0 : i32
    %cond3A_2 = arith.cmpi ne, %convert_element_type3A, %cond3A : i32
    scf.if %cond3A_2 {
      %dma_start3A = arith.constant 0 : i32
      %dma_start3A_8 = arith.constant 0 : i32
      %dma_start3A_9 = tpu.memref_slice %arg8[%dma_start3A, %dma_start3A_8] : memref<114x128xi32, #tpu.memory_space<vmem>> -> memref<1x128xi32, #tpu.memory_space<vmem>>
      %dma_start3A_10 = tpu.memref_squeeze %dma_start3A_9 : memref<1x128xi32, #tpu.memory_space<vmem>> -> memref<128xi32, #tpu.memory_space<vmem>>
      %dma_start3A_11 = arith.constant 0 : i32
      %dma_start3A_12 = arith.constant 0 : i32
      %dma_start3A_13 = tpu.memref_slice %arg2[%dma_start3A_11, %dma_start3A_12] : memref<10000x64xf32, #tpu.memory_space<hbm>> -> memref<10000x64xf32, #tpu.memory_space<hbm>>
      tpu.enqueue_indirect_dma source(%dma_start3A_13 : memref<10000x64xf32, #tpu.memory_space<hbm>>) target(%arg10 : memref<128x64xf32, #tpu.memory_space<vmem>>) offsets(%dma_start3A_10 : memref<128xi32, #tpu.memory_space<vmem>>) semaphore(%arg12 : memref<!tpu.dma_semaphore, #tpu.memory_space<semaphore_mem>>)
      %dma_start3A_14 = arith.constant 1 : i32
      %dma_start3A_15 = arith.constant 0 : i32
      %dma_start3A_16 = tpu.memref_slice %arg8[%dma_start3A_14, %dma_start3A_15] : memref<114x128xi32, #tpu.memory_space<vmem>> -> memref<1x128xi32, #tpu.memory_space<vmem>>
      %dma_start3A_17 = tpu.memref_squeeze %dma_start3A_16 : memref<1x128xi32, #tpu.memory_space<vmem>> -> memref<128xi32, #tpu.memory_space<vmem>>
      %dma_start3A_18 = arith.constant 0 : i32
      %dma_start3A_19 = arith.constant 0 : i32
      %dma_start3A_20 = tpu.memref_slice %arg2[%dma_start3A_18, %dma_start3A_19] : memref<10000x64xf32, #tpu.memory_space<hbm>> -> memref<10000x64xf32, #tpu.memory_space<hbm>>
      tpu.enqueue_indirect_dma source(%dma_start3A_20 : memref<10000x64xf32, #tpu.memory_space<hbm>>) target(%arg11 : memref<128x64xf32, #tpu.memory_space<vmem>>) offsets(%dma_start3A_17 : memref<128xi32, #tpu.memory_space<vmem>>) semaphore(%arg13 : memref<!tpu.dma_semaphore, #tpu.memory_space<semaphore_mem>>)
      %scan3A = arith.constant 0 : i32
      %scan3A_21 = arith.constant 0 : i32
      %scan3A_22 = arith.constant 56 : i32
      %scan3A_23 = arith.addi %scan3A_21, %scan3A_22 : i32
      %scan3A_24 = arith.constant 1 : i32
      scf.for %scan3A_40 = %scan3A_21 to %scan3A_23 step %scan3A_24  : i32 {
        %mul3A_41 = arith.constant 2 : i32
        %mul3A_42 = arith.muli %mul3A_41, %scan3A_40 : i32
        %dma_wait3A_43 = arith.constant 0 : i32
        %dma_wait3A_44 = arith.constant 0 : i32
        %dma_wait3A_45 = tpu.memref_slice %arg8[%dma_wait3A_43, %dma_wait3A_44] : memref<114x128xi32, #tpu.memory_space<vmem>> -> memref<1x128xi32, #tpu.memory_space<vmem>>
        %dma_wait3A_46 = tpu.memref_squeeze %dma_wait3A_45 : memref<1x128xi32, #tpu.memory_space<vmem>> -> memref<128xi32, #tpu.memory_space<vmem>>
        %dma_wait3A_47 = arith.constant 0 : i32
        %dma_wait3A_48 = arith.constant 0 : i32
        %dma_wait3A_49 = tpu.memref_slice %arg2[%dma_wait3A_47, %dma_wait3A_48] : memref<10000x64xf32, #tpu.memory_space<hbm>> -> memref<10000x64xf32, #tpu.memory_space<hbm>>
        tpu.wait_indirect_dma semaphore(%arg12 : memref<!tpu.dma_semaphore, #tpu.memory_space<semaphore_mem>>) src(%dma_wait3A_49 : memref<10000x64xf32, #tpu.memory_space<hbm>>) dst(%arg10 : memref<128x64xf32, #tpu.memory_space<vmem>>)
        "tpu.region"() ({
          %run_scoped3A_74 = tpu.sem_alloc : memref<!tpu.dma_semaphore, #tpu.memory_space<semaphore_mem>>
          %dma_start3A_75 = arith.constant 0 : i32
          %dma_start3A_76 = tpu.memref_slice %arg9[%mul3A_42, %dma_start3A_75] : memref<114x128xi32, #tpu.memory_space<vmem>> -> memref<1x128xi32, #tpu.memory_space<vmem>>
          %dma_start3A_77 = tpu.memref_squeeze %dma_start3A_76 : memref<1x128xi32, #tpu.memory_space<vmem>> -> memref<128xi32, #tpu.memory_space<vmem>>
          %dma_start3A_78 = arith.constant 0 : i32
          %dma_start3A_79 = arith.constant 0 : i32
          %dma_start3A_80 = tpu.memref_slice %arg7[%dma_start3A_78, %dma_start3A_79] : memref<10240x64xf32, #tpu.memory_space<vmem_shared>> -> memref<10240x64xf32, #tpu.memory_space<vmem_shared>>
          tpu.enqueue_indirect_dma source(%arg10 : memref<128x64xf32, #tpu.memory_space<vmem>>) target(%dma_start3A_80 : memref<10240x64xf32, #tpu.memory_space<vmem_shared>>) offsets(%dma_start3A_77 : memref<128xi32, #tpu.memory_space<vmem>>) semaphore(%run_scoped3A_74 : memref<!tpu.dma_semaphore, #tpu.memory_space<semaphore_mem>>) {add = true}
          %dma_wait3A_81 = arith.constant 0 : i32
          %dma_wait3A_82 = tpu.memref_slice %arg9[%mul3A_42, %dma_wait3A_81] : memref<114x128xi32, #tpu.memory_space<vmem>> -> memref<1x128xi32, #tpu.memory_space<vmem>>
          %dma_wait3A_83 = tpu.memref_squeeze %dma_wait3A_82 : memref<1x128xi32, #tpu.memory_space<vmem>> -> memref<128xi32, #tpu.memory_space<vmem>>
          %dma_wait3A_84 = arith.constant 0 : i32
          %dma_wait3A_85 = arith.constant 0 : i32
          %dma_wait3A_86 = tpu.memref_slice %arg7[%dma_wait3A_84, %dma_wait3A_85] : memref<10240x64xf32, #tpu.memory_space<vmem_shared>> -> memref<10240x64xf32, #tpu.memory_space<vmem_shared>>
          tpu.wait_indirect_dma semaphore(%run_scoped3A_74 : memref<!tpu.dma_semaphore, #tpu.memory_space<semaphore_mem>>) src(%arg10 : memref<128x64xf32, #tpu.memory_space<vmem>>) dst(%dma_wait3A_86 : memref<10240x64xf32, #tpu.memory_space<vmem_shared>>)
          tpu.yield
        }) : () -> ()
        %add3A = arith.constant 2 : i32
        %add3A_50 = arith.addi %mul3A_42, %add3A : i32
        %dma_start3A_51 = arith.constant 0 : i32
        %dma_start3A_52 = tpu.memref_slice %arg8[%add3A_50, %dma_start3A_51] : memref<114x128xi32, #tpu.memory_space<vmem>> -> memref<1x128xi32, #tpu.memory_space<vmem>>
        %dma_start3A_53 = tpu.memref_squeeze %dma_start3A_52 : memref<1x128xi32, #tpu.memory_space<vmem>> -> memref<128xi32, #tpu.memory_space<vmem>>
        %dma_start3A_54 = arith.constant 0 : i32
        %dma_start3A_55 = arith.constant 0 : i32
        %dma_start3A_56 = tpu.memref_slice %arg2[%dma_start3A_54, %dma_start3A_55] : memref<10000x64xf32, #tpu.memory_space<hbm>> -> memref<10000x64xf32, #tpu.memory_space<hbm>>
        tpu.enqueue_indirect_dma source(%dma_start3A_56 : memref<10000x64xf32, #tpu.memory_space<hbm>>) target(%arg10 : memref<128x64xf32, #tpu.memory_space<vmem>>) offsets(%dma_start3A_53 : memref<128xi32, #tpu.memory_space<vmem>>) semaphore(%arg12 : memref<!tpu.dma_semaphore, #tpu.memory_space<semaphore_mem>>)
        %dma_wait3A_57 = arith.constant 0 : i32
        %dma_wait3A_58 = arith.constant 0 : i32
        %dma_wait3A_59 = tpu.memref_slice %arg8[%dma_wait3A_57, %dma_wait3A_58] : memref<114x128xi32, #tpu.memory_space<vmem>> -> memref<1x128xi32, #tpu.memory_space<vmem>>
        %dma_wait3A_60 = tpu.memref_squeeze %dma_wait3A_59 : memref<1x128xi32, #tpu.memory_space<vmem>> -> memref<128xi32, #tpu.memory_space<vmem>>
        %dma_wait3A_61 = arith.constant 0 : i32
        %dma_wait3A_62 = arith.constant 0 : i32
        %dma_wait3A_63 = tpu.memref_slice %arg2[%dma_wait3A_61, %dma_wait3A_62] : memref<10000x64xf32, #tpu.memory_space<hbm>> -> memref<10000x64xf32, #tpu.memory_space<hbm>>
        tpu.wait_indirect_dma semaphore(%arg13 : memref<!tpu.dma_semaphore, #tpu.memory_space<semaphore_mem>>) src(%dma_wait3A_63 : memref<10000x64xf32, #tpu.memory_space<hbm>>) dst(%arg11 : memref<128x64xf32, #tpu.memory_space<vmem>>)
        %add3A_64 = arith.constant 1 : i32
        %add3A_65 = arith.addi %mul3A_42, %add3A_64 : i32
        "tpu.region"() ({
          %run_scoped3A_74 = tpu.sem_alloc : memref<!tpu.dma_semaphore, #tpu.memory_space<semaphore_mem>>
          %dma_start3A_75 = arith.constant 0 : i32
          %dma_start3A_76 = tpu.memref_slice %arg9[%add3A_65, %dma_start3A_75] : memref<114x128xi32, #tpu.memory_space<vmem>> -> memref<1x128xi32, #tpu.memory_space<vmem>>
          %dma_start3A_77 = tpu.memref_squeeze %dma_start3A_76 : memref<1x128xi32, #tpu.memory_space<vmem>> -> memref<128xi32, #tpu.memory_space<vmem>>
          %dma_start3A_78 = arith.constant 0 : i32
          %dma_start3A_79 = arith.constant 0 : i32
          %dma_start3A_80 = tpu.memref_slice %arg7[%dma_start3A_78, %dma_start3A_79] : memref<10240x64xf32, #tpu.memory_space<vmem_shared>> -> memref<10240x64xf32, #tpu.memory_space<vmem_shared>>
          tpu.enqueue_indirect_dma source(%arg11 : memref<128x64xf32, #tpu.memory_space<vmem>>) target(%dma_start3A_80 : memref<10240x64xf32, #tpu.memory_space<vmem_shared>>) offsets(%dma_start3A_77 : memref<128xi32, #tpu.memory_space<vmem>>) semaphore(%run_scoped3A_74 : memref<!tpu.dma_semaphore, #tpu.memory_space<semaphore_mem>>) {add = true}
          %dma_wait3A_81 = arith.constant 0 : i32
          %dma_wait3A_82 = tpu.memref_slice %arg9[%add3A_65, %dma_wait3A_81] : memref<114x128xi32, #tpu.memory_space<vmem>> -> memref<1x128xi32, #tpu.memory_space<vmem>>
          %dma_wait3A_83 = tpu.memref_squeeze %dma_wait3A_82 : memref<1x128xi32, #tpu.memory_space<vmem>> -> memref<128xi32, #tpu.memory_space<vmem>>
          %dma_wait3A_84 = arith.constant 0 : i32
          %dma_wait3A_85 = arith.constant 0 : i32
          %dma_wait3A_86 = tpu.memref_slice %arg7[%dma_wait3A_84, %dma_wait3A_85] : memref<10240x64xf32, #tpu.memory_space<vmem_shared>> -> memref<10240x64xf32, #tpu.memory_space<vmem_shared>>
          tpu.wait_indirect_dma semaphore(%run_scoped3A_74 : memref<!tpu.dma_semaphore, #tpu.memory_space<semaphore_mem>>) src(%arg11 : memref<128x64xf32, #tpu.memory_space<vmem>>) dst(%dma_wait3A_86 : memref<10240x64xf32, #tpu.memory_space<vmem_shared>>)
          tpu.yield
        }) : () -> ()
        %add3A_66 = arith.constant 3 : i32
        %add3A_67 = arith.addi %mul3A_42, %add3A_66 : i32
        %dma_start3A_68 = arith.constant 0 : i32
        %dma_start3A_69 = tpu.memref_slice %arg8[%add3A_67, %dma_start3A_68] : memref<114x128xi32, #tpu.memory_space<vmem>> -> memref<1x128xi32, #tpu.memory_space<vmem>>
        %dma_start3A_70 = tpu.memref_squeeze %dma_start3A_69 : memref<1x128xi32, #tpu.memory_space<vmem>> -> memref<128xi32, #tpu.memory_space<vmem>>
        %dma_start3A_71 = arith.constant 0 : i32
        %dma_start3A_72 = arith.constant 0 : i32
        %dma_start3A_73 = tpu.memref_slice %arg2[%dma_start3A_71, %dma_start3A_72] : memref<10000x64xf32, #tpu.memory_space<hbm>> -> memref<10000x64xf32, #tpu.memory_space<hbm>>
        tpu.enqueue_indirect_dma source(%dma_start3A_73 : memref<10000x64xf32, #tpu.memory_space<hbm>>) target(%arg11 : memref<128x64xf32, #tpu.memory_space<vmem>>) offsets(%dma_start3A_70 : memref<128xi32, #tpu.memory_space<vmem>>) semaphore(%arg13 : memref<!tpu.dma_semaphore, #tpu.memory_space<semaphore_mem>>)
      }
      %scan3A_25 = arith.constant 56 : i32
      %dma_wait3A = arith.constant 0 : i32
      %dma_wait3A_26 = arith.constant 0 : i32
      %dma_wait3A_27 = tpu.memref_slice %arg8[%dma_wait3A, %dma_wait3A_26] : memref<114x128xi32, #tpu.memory_space<vmem>> -> memref<1x128xi32, #tpu.memory_space<vmem>>
      %dma_wait3A_28 = tpu.memref_squeeze %dma_wait3A_27 : memref<1x128xi32, #tpu.memory_space<vmem>> -> memref<128xi32, #tpu.memory_space<vmem>>
      %dma_wait3A_29 = arith.constant 0 : i32
      %dma_wait3A_30 = arith.constant 0 : i32
      %dma_wait3A_31 = tpu.memref_slice %arg2[%dma_wait3A_29, %dma_wait3A_30] : memref<10000x64xf32, #tpu.memory_space<hbm>> -> memref<10000x64xf32, #tpu.memory_space<hbm>>
      tpu.wait_indirect_dma semaphore(%arg12 : memref<!tpu.dma_semaphore, #tpu.memory_space<semaphore_mem>>) src(%dma_wait3A_31 : memref<10000x64xf32, #tpu.memory_space<hbm>>) dst(%arg10 : memref<128x64xf32, #tpu.memory_space<vmem>>)
      %run_scoped3A = arith.constant 112 : i32
      "tpu.region"() ({
        %run_scoped3A_40 = tpu.sem_alloc : memref<!tpu.dma_semaphore, #tpu.memory_space<semaphore_mem>>
        %dma_start3A_41 = arith.constant 0 : i32
        %dma_start3A_42 = tpu.memref_slice %arg9[%run_scoped3A, %dma_start3A_41] : memref<114x128xi32, #tpu.memory_space<vmem>> -> memref<1x128xi32, #tpu.memory_space<vmem>>
        %dma_start3A_43 = tpu.memref_squeeze %dma_start3A_42 : memref<1x128xi32, #tpu.memory_space<vmem>> -> memref<128xi32, #tpu.memory_space<vmem>>
        %dma_start3A_44 = arith.constant 0 : i32
        %dma_start3A_45 = arith.constant 0 : i32
        %dma_start3A_46 = tpu.memref_slice %arg7[%dma_start3A_44, %dma_start3A_45] : memref<10240x64xf32, #tpu.memory_space<vmem_shared>> -> memref<10240x64xf32, #tpu.memory_space<vmem_shared>>
        tpu.enqueue_indirect_dma source(%arg10 : memref<128x64xf32, #tpu.memory_space<vmem>>) target(%dma_start3A_46 : memref<10240x64xf32, #tpu.memory_space<vmem_shared>>) offsets(%dma_start3A_43 : memref<128xi32, #tpu.memory_space<vmem>>) semaphore(%run_scoped3A_40 : memref<!tpu.dma_semaphore, #tpu.memory_space<semaphore_mem>>) {add = true}
        %dma_wait3A_47 = arith.constant 0 : i32
        %dma_wait3A_48 = tpu.memref_slice %arg9[%run_scoped3A, %dma_wait3A_47] : memref<114x128xi32, #tpu.memory_space<vmem>> -> memref<1x128xi32, #tpu.memory_space<vmem>>
        %dma_wait3A_49 = tpu.memref_squeeze %dma_wait3A_48 : memref<1x128xi32, #tpu.memory_space<vmem>> -> memref<128xi32, #tpu.memory_space<vmem>>
        %dma_wait3A_50 = arith.constant 0 : i32
        %dma_wait3A_51 = arith.constant 0 : i32
        %dma_wait3A_52 = tpu.memref_slice %arg7[%dma_wait3A_50, %dma_wait3A_51] : memref<10240x64xf32, #tpu.memory_space<vmem_shared>> -> memref<10240x64xf32, #tpu.memory_space<vmem_shared>>
        tpu.wait_indirect_dma semaphore(%run_scoped3A_40 : memref<!tpu.dma_semaphore, #tpu.memory_space<semaphore_mem>>) src(%arg10 : memref<128x64xf32, #tpu.memory_space<vmem>>) dst(%dma_wait3A_52 : memref<10240x64xf32, #tpu.memory_space<vmem_shared>>)
        tpu.yield
      }) : () -> ()
      %dma_wait3A_32 = arith.constant 0 : i32
      %dma_wait3A_33 = arith.constant 0 : i32
      %dma_wait3A_34 = tpu.memref_slice %arg8[%dma_wait3A_32, %dma_wait3A_33] : memref<114x128xi32, #tpu.memory_space<vmem>> -> memref<1x128xi32, #tpu.memory_space<vmem>>
      %dma_wait3A_35 = tpu.memref_squeeze %dma_wait3A_34 : memref<1x128xi32, #tpu.memory_space<vmem>> -> memref<128xi32, #tpu.memory_space<vmem>>
      %dma_wait3A_36 = arith.constant 0 : i32
      %dma_wait3A_37 = arith.constant 0 : i32
      %dma_wait3A_38 = tpu.memref_slice %arg2[%dma_wait3A_36, %dma_wait3A_37] : memref<10000x64xf32, #tpu.memory_space<hbm>> -> memref<10000x64xf32, #tpu.memory_space<hbm>>
      tpu.wait_indirect_dma semaphore(%arg13 : memref<!tpu.dma_semaphore, #tpu.memory_space<semaphore_mem>>) src(%dma_wait3A_38 : memref<10000x64xf32, #tpu.memory_space<hbm>>) dst(%arg11 : memref<128x64xf32, #tpu.memory_space<vmem>>)
      %run_scoped3A_39 = arith.constant 113 : i32
      "tpu.region"() ({
        %run_scoped3A_40 = tpu.sem_alloc : memref<!tpu.dma_semaphore, #tpu.memory_space<semaphore_mem>>
        %dma_start3A_41 = arith.constant 0 : i32
        %dma_start3A_42 = tpu.memref_slice %arg9[%run_scoped3A_39, %dma_start3A_41] : memref<114x128xi32, #tpu.memory_space<vmem>> -> memref<1x128xi32, #tpu.memory_space<vmem>>
        %dma_start3A_43 = tpu.memref_squeeze %dma_start3A_42 : memref<1x128xi32, #tpu.memory_space<vmem>> -> memref<128xi32, #tpu.memory_space<vmem>>
        %dma_start3A_44 = arith.constant 0 : i32
        %dma_start3A_45 = arith.constant 0 : i32
        %dma_start3A_46 = tpu.memref_slice %arg7[%dma_start3A_44, %dma_start3A_45] : memref<10240x64xf32, #tpu.memory_space<vmem_shared>> -> memref<10240x64xf32, #tpu.memory_space<vmem_shared>>
        tpu.enqueue_indirect_dma source(%arg11 : memref<128x64xf32, #tpu.memory_space<vmem>>) target(%dma_start3A_46 : memref<10240x64xf32, #tpu.memory_space<vmem_shared>>) offsets(%dma_start3A_43 : memref<128xi32, #tpu.memory_space<vmem>>) semaphore(%run_scoped3A_40 : memref<!tpu.dma_semaphore, #tpu.memory_space<semaphore_mem>>) {add = true}
        %dma_wait3A_47 = arith.constant 0 : i32
        %dma_wait3A_48 = tpu.memref_slice %arg9[%run_scoped3A_39, %dma_wait3A_47] : memref<114x128xi32, #tpu.memory_space<vmem>> -> memref<1x128xi32, #tpu.memory_space<vmem>>
        %dma_wait3A_49 = tpu.memref_squeeze %dma_wait3A_48 : memref<1x128xi32, #tpu.memory_space<vmem>> -> memref<128xi32, #tpu.memory_space<vmem>>
        %dma_wait3A_50 = arith.constant 0 : i32
        %dma_wait3A_51 = arith.constant 0 : i32
        %dma_wait3A_52 = tpu.memref_slice %arg7[%dma_wait3A_50, %dma_wait3A_51] : memref<10240x64xf32, #tpu.memory_space<vmem_shared>> -> memref<10240x64xf32, #tpu.memory_space<vmem_shared>>
        tpu.wait_indirect_dma semaphore(%run_scoped3A_40 : memref<!tpu.dma_semaphore, #tpu.memory_space<semaphore_mem>>) src(%arg11 : memref<128x64xf32, #tpu.memory_space<vmem>>) dst(%dma_wait3A_52 : memref<10240x64xf32, #tpu.memory_space<vmem_shared>>)
        tpu.yield
      }) : () -> ()
    } else {
    }
    %ne3A = arith.constant 0 : i32
    %ne3A_3 = arith.cmpi ne, %arg0, %ne3A : i32
    %convert_element_type3A_4 = arith.extui %ne3A_3 : i1 to i32
    %cond3A_5 = arith.constant 0 : i32
    %cond3A_6 = arith.cmpi ne, %convert_element_type3A_4, %cond3A_5 : i32
    scf.if %cond3A_6 {
      %dma_start3A = arith.constant 0 : i32
      %dma_start3A_8 = arith.constant 0 : i32
      %dma_start3A_9 = tpu.memref_slice %arg8[%dma_start3A, %dma_start3A_8] : memref<114x128xi32, #tpu.memory_space<vmem>> -> memref<1x128xi32, #tpu.memory_space<vmem>>
      %dma_start3A_10 = tpu.memref_squeeze %dma_start3A_9 : memref<1x128xi32, #tpu.memory_space<vmem>> -> memref<128xi32, #tpu.memory_space<vmem>>
      %dma_start3A_11 = arith.constant 0 : i32
      %dma_start3A_12 = arith.constant 0 : i32
      %dma_start3A_13 = tpu.memref_slice %arg2[%dma_start3A_11, %dma_start3A_12] : memref<10000x64xf32, #tpu.memory_space<hbm>> -> memref<10000x64xf32, #tpu.memory_space<hbm>>
      tpu.enqueue_indirect_dma source(%dma_start3A_13 : memref<10000x64xf32, #tpu.memory_space<hbm>>) target(%arg10 : memref<128x64xf32, #tpu.memory_space<vmem>>) offsets(%dma_start3A_10 : memref<128xi32, #tpu.memory_space<vmem>>) semaphore(%arg12 : memref<!tpu.dma_semaphore, #tpu.memory_space<semaphore_mem>>)
      %dma_start3A_14 = arith.constant 1 : i32
      %dma_start3A_15 = arith.constant 0 : i32
      %dma_start3A_16 = tpu.memref_slice %arg8[%dma_start3A_14, %dma_start3A_15] : memref<114x128xi32, #tpu.memory_space<vmem>> -> memref<1x128xi32, #tpu.memory_space<vmem>>
      %dma_start3A_17 = tpu.memref_squeeze %dma_start3A_16 : memref<1x128xi32, #tpu.memory_space<vmem>> -> memref<128xi32, #tpu.memory_space<vmem>>
      %dma_start3A_18 = arith.constant 0 : i32
      %dma_start3A_19 = arith.constant 0 : i32
      %dma_start3A_20 = tpu.memref_slice %arg2[%dma_start3A_18, %dma_start3A_19] : memref<10000x64xf32, #tpu.memory_space<hbm>> -> memref<10000x64xf32, #tpu.memory_space<hbm>>
      tpu.enqueue_indirect_dma source(%dma_start3A_20 : memref<10000x64xf32, #tpu.memory_space<hbm>>) target(%arg11 : memref<128x64xf32, #tpu.memory_space<vmem>>) offsets(%dma_start3A_17 : memref<128xi32, #tpu.memory_space<vmem>>) semaphore(%arg13 : memref<!tpu.dma_semaphore, #tpu.memory_space<semaphore_mem>>)
      %scan3A = arith.constant 0 : i32
      %scan3A_21 = arith.constant 0 : i32
      %scan3A_22 = arith.constant 21 : i32
      %scan3A_23 = arith.addi %scan3A_21, %scan3A_22 : i32
      %scan3A_24 = arith.constant 1 : i32
      scf.for %scan3A_40 = %scan3A_21 to %scan3A_23 step %scan3A_24  : i32 {
        %mul3A_41 = arith.constant 2 : i32
        %mul3A_42 = arith.muli %mul3A_41, %scan3A_40 : i32
        %dma_wait3A_43 = arith.constant 0 : i32
        %dma_wait3A_44 = arith.constant 0 : i32
        %dma_wait3A_45 = tpu.memref_slice %arg8[%dma_wait3A_43, %dma_wait3A_44] : memref<114x128xi32, #tpu.memory_space<vmem>> -> memref<1x128xi32, #tpu.memory_space<vmem>>
        %dma_wait3A_46 = tpu.memref_squeeze %dma_wait3A_45 : memref<1x128xi32, #tpu.memory_space<vmem>> -> memref<128xi32, #tpu.memory_space<vmem>>
        %dma_wait3A_47 = arith.constant 0 : i32
        %dma_wait3A_48 = arith.constant 0 : i32
        %dma_wait3A_49 = tpu.memref_slice %arg2[%dma_wait3A_47, %dma_wait3A_48] : memref<10000x64xf32, #tpu.memory_space<hbm>> -> memref<10000x64xf32, #tpu.memory_space<hbm>>
        tpu.wait_indirect_dma semaphore(%arg12 : memref<!tpu.dma_semaphore, #tpu.memory_space<semaphore_mem>>) src(%dma_wait3A_49 : memref<10000x64xf32, #tpu.memory_space<hbm>>) dst(%arg10 : memref<128x64xf32, #tpu.memory_space<vmem>>)
        "tpu.region"() ({
          %run_scoped3A_74 = tpu.sem_alloc : memref<!tpu.dma_semaphore, #tpu.memory_space<semaphore_mem>>
          %dma_start3A_75 = arith.constant 0 : i32
          %dma_start3A_76 = tpu.memref_slice %arg9[%mul3A_42, %dma_start3A_75] : memref<114x128xi32, #tpu.memory_space<vmem>> -> memref<1x128xi32, #tpu.memory_space<vmem>>
          %dma_start3A_77 = tpu.memref_squeeze %dma_start3A_76 : memref<1x128xi32, #tpu.memory_space<vmem>> -> memref<128xi32, #tpu.memory_space<vmem>>
          %dma_start3A_78 = arith.constant 0 : i32
          %dma_start3A_79 = arith.constant 0 : i32
          %dma_start3A_80 = tpu.memref_slice %arg7[%dma_start3A_78, %dma_start3A_79] : memref<10240x64xf32, #tpu.memory_space<vmem_shared>> -> memref<10240x64xf32, #tpu.memory_space<vmem_shared>>
          tpu.enqueue_indirect_dma source(%arg10 : memref<128x64xf32, #tpu.memory_space<vmem>>) target(%dma_start3A_80 : memref<10240x64xf32, #tpu.memory_space<vmem_shared>>) offsets(%dma_start3A_77 : memref<128xi32, #tpu.memory_space<vmem>>) semaphore(%run_scoped3A_74 : memref<!tpu.dma_semaphore, #tpu.memory_space<semaphore_mem>>) {add = true}
          %dma_wait3A_81 = arith.constant 0 : i32
          %dma_wait3A_82 = tpu.memref_slice %arg9[%mul3A_42, %dma_wait3A_81] : memref<114x128xi32, #tpu.memory_space<vmem>> -> memref<1x128xi32, #tpu.memory_space<vmem>>
          %dma_wait3A_83 = tpu.memref_squeeze %dma_wait3A_82 : memref<1x128xi32, #tpu.memory_space<vmem>> -> memref<128xi32, #tpu.memory_space<vmem>>
          %dma_wait3A_84 = arith.constant 0 : i32
          %dma_wait3A_85 = arith.constant 0 : i32
          %dma_wait3A_86 = tpu.memref_slice %arg7[%dma_wait3A_84, %dma_wait3A_85] : memref<10240x64xf32, #tpu.memory_space<vmem_shared>> -> memref<10240x64xf32, #tpu.memory_space<vmem_shared>>
          tpu.wait_indirect_dma semaphore(%run_scoped3A_74 : memref<!tpu.dma_semaphore, #tpu.memory_space<semaphore_mem>>) src(%arg10 : memref<128x64xf32, #tpu.memory_space<vmem>>) dst(%dma_wait3A_86 : memref<10240x64xf32, #tpu.memory_space<vmem_shared>>)
          tpu.yield
        }) : () -> ()
        %add3A = arith.constant 2 : i32
        %add3A_50 = arith.addi %mul3A_42, %add3A : i32
        %dma_start3A_51 = arith.constant 0 : i32
        %dma_start3A_52 = tpu.memref_slice %arg8[%add3A_50, %dma_start3A_51] : memref<114x128xi32, #tpu.memory_space<vmem>> -> memref<1x128xi32, #tpu.memory_space<vmem>>
        %dma_start3A_53 = tpu.memref_squeeze %dma_start3A_52 : memref<1x128xi32, #tpu.memory_space<vmem>> -> memref<128xi32, #tpu.memory_space<vmem>>
        %dma_start3A_54 = arith.constant 0 : i32
        %dma_start3A_55 = arith.constant 0 : i32
        %dma_start3A_56 = tpu.memref_slice %arg2[%dma_start3A_54, %dma_start3A_55] : memref<10000x64xf32, #tpu.memory_space<hbm>> -> memref<10000x64xf32, #tpu.memory_space<hbm>>
        tpu.enqueue_indirect_dma source(%dma_start3A_56 : memref<10000x64xf32, #tpu.memory_space<hbm>>) target(%arg10 : memref<128x64xf32, #tpu.memory_space<vmem>>) offsets(%dma_start3A_53 : memref<128xi32, #tpu.memory_space<vmem>>) semaphore(%arg12 : memref<!tpu.dma_semaphore, #tpu.memory_space<semaphore_mem>>)
        %dma_wait3A_57 = arith.constant 0 : i32
        %dma_wait3A_58 = arith.constant 0 : i32
        %dma_wait3A_59 = tpu.memref_slice %arg8[%dma_wait3A_57, %dma_wait3A_58] : memref<114x128xi32, #tpu.memory_space<vmem>> -> memref<1x128xi32, #tpu.memory_space<vmem>>
        %dma_wait3A_60 = tpu.memref_squeeze %dma_wait3A_59 : memref<1x128xi32, #tpu.memory_space<vmem>> -> memref<128xi32, #tpu.memory_space<vmem>>
        %dma_wait3A_61 = arith.constant 0 : i32
        %dma_wait3A_62 = arith.constant 0 : i32
        %dma_wait3A_63 = tpu.memref_slice %arg2[%dma_wait3A_61, %dma_wait3A_62] : memref<10000x64xf32, #tpu.memory_space<hbm>> -> memref<10000x64xf32, #tpu.memory_space<hbm>>
        tpu.wait_indirect_dma semaphore(%arg13 : memref<!tpu.dma_semaphore, #tpu.memory_space<semaphore_mem>>) src(%dma_wait3A_63 : memref<10000x64xf32, #tpu.memory_space<hbm>>) dst(%arg11 : memref<128x64xf32, #tpu.memory_space<vmem>>)
        %add3A_64 = arith.constant 1 : i32
        %add3A_65 = arith.addi %mul3A_42, %add3A_64 : i32
        "tpu.region"() ({
          %run_scoped3A_74 = tpu.sem_alloc : memref<!tpu.dma_semaphore, #tpu.memory_space<semaphore_mem>>
          %dma_start3A_75 = arith.constant 0 : i32
          %dma_start3A_76 = tpu.memref_slice %arg9[%add3A_65, %dma_start3A_75] : memref<114x128xi32, #tpu.memory_space<vmem>> -> memref<1x128xi32, #tpu.memory_space<vmem>>
          %dma_start3A_77 = tpu.memref_squeeze %dma_start3A_76 : memref<1x128xi32, #tpu.memory_space<vmem>> -> memref<128xi32, #tpu.memory_space<vmem>>
          %dma_start3A_78 = arith.constant 0 : i32
          %dma_start3A_79 = arith.constant 0 : i32
          %dma_start3A_80 = tpu.memref_slice %arg7[%dma_start3A_78, %dma_start3A_79] : memref<10240x64xf32, #tpu.memory_space<vmem_shared>> -> memref<10240x64xf32, #tpu.memory_space<vmem_shared>>
          tpu.enqueue_indirect_dma source(%arg11 : memref<128x64xf32, #tpu.memory_space<vmem>>) target(%dma_start3A_80 : memref<10240x64xf32, #tpu.memory_space<vmem_shared>>) offsets(%dma_start3A_77 : memref<128xi32, #tpu.memory_space<vmem>>) semaphore(%run_scoped3A_74 : memref<!tpu.dma_semaphore, #tpu.memory_space<semaphore_mem>>) {add = true}
          %dma_wait3A_81 = arith.constant 0 : i32
          %dma_wait3A_82 = tpu.memref_slice %arg9[%add3A_65, %dma_wait3A_81] : memref<114x128xi32, #tpu.memory_space<vmem>> -> memref<1x128xi32, #tpu.memory_space<vmem>>
          %dma_wait3A_83 = tpu.memref_squeeze %dma_wait3A_82 : memref<1x128xi32, #tpu.memory_space<vmem>> -> memref<128xi32, #tpu.memory_space<vmem>>
          %dma_wait3A_84 = arith.constant 0 : i32
          %dma_wait3A_85 = arith.constant 0 : i32
          %dma_wait3A_86 = tpu.memref_slice %arg7[%dma_wait3A_84, %dma_wait3A_85] : memref<10240x64xf32, #tpu.memory_space<vmem_shared>> -> memref<10240x64xf32, #tpu.memory_space<vmem_shared>>
          tpu.wait_indirect_dma semaphore(%run_scoped3A_74 : memref<!tpu.dma_semaphore, #tpu.memory_space<semaphore_mem>>) src(%arg11 : memref<128x64xf32, #tpu.memory_space<vmem>>) dst(%dma_wait3A_86 : memref<10240x64xf32, #tpu.memory_space<vmem_shared>>)
          tpu.yield
        }) : () -> ()
        %add3A_66 = arith.constant 3 : i32
        %add3A_67 = arith.addi %mul3A_42, %add3A_66 : i32
        %dma_start3A_68 = arith.constant 0 : i32
        %dma_start3A_69 = tpu.memref_slice %arg8[%add3A_67, %dma_start3A_68] : memref<114x128xi32, #tpu.memory_space<vmem>> -> memref<1x128xi32, #tpu.memory_space<vmem>>
        %dma_start3A_70 = tpu.memref_squeeze %dma_start3A_69 : memref<1x128xi32, #tpu.memory_space<vmem>> -> memref<128xi32, #tpu.memory_space<vmem>>
        %dma_start3A_71 = arith.constant 0 : i32
        %dma_start3A_72 = arith.constant 0 : i32
        %dma_start3A_73 = tpu.memref_slice %arg2[%dma_start3A_71, %dma_start3A_72] : memref<10000x64xf32, #tpu.memory_space<hbm>> -> memref<10000x64xf32, #tpu.memory_space<hbm>>
        tpu.enqueue_indirect_dma source(%dma_start3A_73 : memref<10000x64xf32, #tpu.memory_space<hbm>>) target(%arg11 : memref<128x64xf32, #tpu.memory_space<vmem>>) offsets(%dma_start3A_70 : memref<128xi32, #tpu.memory_space<vmem>>) semaphore(%arg13 : memref<!tpu.dma_semaphore, #tpu.memory_space<semaphore_mem>>)
      }
      %scan3A_25 = arith.constant 21 : i32
      %dma_wait3A = arith.constant 0 : i32
      %dma_wait3A_26 = arith.constant 0 : i32
      %dma_wait3A_27 = tpu.memref_slice %arg8[%dma_wait3A, %dma_wait3A_26] : memref<114x128xi32, #tpu.memory_space<vmem>> -> memref<1x128xi32, #tpu.memory_space<vmem>>
      %dma_wait3A_28 = tpu.memref_squeeze %dma_wait3A_27 : memref<1x128xi32, #tpu.memory_space<vmem>> -> memref<128xi32, #tpu.memory_space<vmem>>
      %dma_wait3A_29 = arith.constant 0 : i32
      %dma_wait3A_30 = arith.constant 0 : i32
      %dma_wait3A_31 = tpu.memref_slice %arg2[%dma_wait3A_29, %dma_wait3A_30] : memref<10000x64xf32, #tpu.memory_space<hbm>> -> memref<10000x64xf32, #tpu.memory_space<hbm>>
      tpu.wait_indirect_dma semaphore(%arg12 : memref<!tpu.dma_semaphore, #tpu.memory_space<semaphore_mem>>) src(%dma_wait3A_31 : memref<10000x64xf32, #tpu.memory_space<hbm>>) dst(%arg10 : memref<128x64xf32, #tpu.memory_space<vmem>>)
      %run_scoped3A = arith.constant 42 : i32
      "tpu.region"() ({
        %run_scoped3A_40 = tpu.sem_alloc : memref<!tpu.dma_semaphore, #tpu.memory_space<semaphore_mem>>
        %dma_start3A_41 = arith.constant 0 : i32
        %dma_start3A_42 = tpu.memref_slice %arg9[%run_scoped3A, %dma_start3A_41] : memref<114x128xi32, #tpu.memory_space<vmem>> -> memref<1x128xi32, #tpu.memory_space<vmem>>
        %dma_start3A_43 = tpu.memref_squeeze %dma_start3A_42 : memref<1x128xi32, #tpu.memory_space<vmem>> -> memref<128xi32, #tpu.memory_space<vmem>>
        %dma_start3A_44 = arith.constant 0 : i32
        %dma_start3A_45 = arith.constant 0 : i32
        %dma_start3A_46 = tpu.memref_slice %arg7[%dma_start3A_44, %dma_start3A_45] : memref<10240x64xf32, #tpu.memory_space<vmem_shared>> -> memref<10240x64xf32, #tpu.memory_space<vmem_shared>>
        tpu.enqueue_indirect_dma source(%arg10 : memref<128x64xf32, #tpu.memory_space<vmem>>) target(%dma_start3A_46 : memref<10240x64xf32, #tpu.memory_space<vmem_shared>>) offsets(%dma_start3A_43 : memref<128xi32, #tpu.memory_space<vmem>>) semaphore(%run_scoped3A_40 : memref<!tpu.dma_semaphore, #tpu.memory_space<semaphore_mem>>) {add = true}
        %dma_wait3A_47 = arith.constant 0 : i32
        %dma_wait3A_48 = tpu.memref_slice %arg9[%run_scoped3A, %dma_wait3A_47] : memref<114x128xi32, #tpu.memory_space<vmem>> -> memref<1x128xi32, #tpu.memory_space<vmem>>
        %dma_wait3A_49 = tpu.memref_squeeze %dma_wait3A_48 : memref<1x128xi32, #tpu.memory_space<vmem>> -> memref<128xi32, #tpu.memory_space<vmem>>
        %dma_wait3A_50 = arith.constant 0 : i32
        %dma_wait3A_51 = arith.constant 0 : i32
        %dma_wait3A_52 = tpu.memref_slice %arg7[%dma_wait3A_50, %dma_wait3A_51] : memref<10240x64xf32, #tpu.memory_space<vmem_shared>> -> memref<10240x64xf32, #tpu.memory_space<vmem_shared>>
        tpu.wait_indirect_dma semaphore(%run_scoped3A_40 : memref<!tpu.dma_semaphore, #tpu.memory_space<semaphore_mem>>) src(%arg10 : memref<128x64xf32, #tpu.memory_space<vmem>>) dst(%dma_wait3A_52 : memref<10240x64xf32, #tpu.memory_space<vmem_shared>>)
        tpu.yield
      }) : () -> ()
      %dma_wait3A_32 = arith.constant 0 : i32
      %dma_wait3A_33 = arith.constant 0 : i32
      %dma_wait3A_34 = tpu.memref_slice %arg8[%dma_wait3A_32, %dma_wait3A_33] : memref<114x128xi32, #tpu.memory_space<vmem>> -> memref<1x128xi32, #tpu.memory_space<vmem>>
      %dma_wait3A_35 = tpu.memref_squeeze %dma_wait3A_34 : memref<1x128xi32, #tpu.memory_space<vmem>> -> memref<128xi32, #tpu.memory_space<vmem>>
      %dma_wait3A_36 = arith.constant 0 : i32
      %dma_wait3A_37 = arith.constant 0 : i32
      %dma_wait3A_38 = tpu.memref_slice %arg2[%dma_wait3A_36, %dma_wait3A_37] : memref<10000x64xf32, #tpu.memory_space<hbm>> -> memref<10000x64xf32, #tpu.memory_space<hbm>>
      tpu.wait_indirect_dma semaphore(%arg13 : memref<!tpu.dma_semaphore, #tpu.memory_space<semaphore_mem>>) src(%dma_wait3A_38 : memref<10000x64xf32, #tpu.memory_space<hbm>>) dst(%arg11 : memref<128x64xf32, #tpu.memory_space<vmem>>)
      %run_scoped3A_39 = arith.constant 43 : i32
      "tpu.region"() ({
        %run_scoped3A_40 = tpu.sem_alloc : memref<!tpu.dma_semaphore, #tpu.memory_space<semaphore_mem>>
        %dma_start3A_41 = arith.constant 0 : i32
        %dma_start3A_42 = tpu.memref_slice %arg9[%run_scoped3A_39, %dma_start3A_41] : memref<114x128xi32, #tpu.memory_space<vmem>> -> memref<1x128xi32, #tpu.memory_space<vmem>>
        %dma_start3A_43 = tpu.memref_squeeze %dma_start3A_42 : memref<1x128xi32, #tpu.memory_space<vmem>> -> memref<128xi32, #tpu.memory_space<vmem>>
        %dma_start3A_44 = arith.constant 0 : i32
        %dma_start3A_45 = arith.constant 0 : i32
        %dma_start3A_46 = tpu.memref_slice %arg7[%dma_start3A_44, %dma_start3A_45] : memref<10240x64xf32, #tpu.memory_space<vmem_shared>> -> memref<10240x64xf32, #tpu.memory_space<vmem_shared>>
        tpu.enqueue_indirect_dma source(%arg11 : memref<128x64xf32, #tpu.memory_space<vmem>>) target(%dma_start3A_46 : memref<10240x64xf32, #tpu.memory_space<vmem_shared>>) offsets(%dma_start3A_43 : memref<128xi32, #tpu.memory_space<vmem>>) semaphore(%run_scoped3A_40 : memref<!tpu.dma_semaphore, #tpu.memory_space<semaphore_mem>>) {add = true}
        %dma_wait3A_47 = arith.constant 0 : i32
        %dma_wait3A_48 = tpu.memref_slice %arg9[%run_scoped3A_39, %dma_wait3A_47] : memref<114x128xi32, #tpu.memory_space<vmem>> -> memref<1x128xi32, #tpu.memory_space<vmem>>
        %dma_wait3A_49 = tpu.memref_squeeze %dma_wait3A_48 : memref<1x128xi32, #tpu.memory_space<vmem>> -> memref<128xi32, #tpu.memory_space<vmem>>
        %dma_wait3A_50 = arith.constant 0 : i32
        %dma_wait3A_51 = arith.constant 0 : i32
        %dma_wait3A_52 = tpu.memref_slice %arg7[%dma_wait3A_50, %dma_wait3A_51] : memref<10240x64xf32, #tpu.memory_space<vmem_shared>> -> memref<10240x64xf32, #tpu.memory_space<vmem_shared>>
        tpu.wait_indirect_dma semaphore(%run_scoped3A_40 : memref<!tpu.dma_semaphore, #tpu.memory_space<semaphore_mem>>) src(%arg11 : memref<128x64xf32, #tpu.memory_space<vmem>>) dst(%dma_wait3A_52 : memref<10240x64xf32, #tpu.memory_space<vmem_shared>>)
        tpu.yield
      }) : () -> ()
    } else {
    }
    %barrier3A_7 = arith.constant 0 : index
    tpu.barrier barrier_id(%barrier3A_7)
    "tpu.region"() ({
      %run_scoped3A = tpu.sem_alloc : memref<!tpu.dma_semaphore, #tpu.memory_space<semaphore_mem>>
      %dma_start3A = arith.constant 0 : i32
      %dma_start3A_8 = tpu.memref_slice %arg6[%arg0, %mul3A_0, %dma_start3A] : memref<2x10240x64xf32, #tpu.memory_space<hbm>> -> memref<1x640x64xf32, #tpu.memory_space<hbm>>
      %dma_start3A_9 = tpu.memref_squeeze %dma_start3A_8 : memref<1x640x64xf32, #tpu.memory_space<hbm>> -> memref<640x64xf32, #tpu.memory_space<hbm>>
      %dma_start3A_10 = arith.constant 0 : i32
      %dma_start3A_11 = tpu.memref_slice %arg7[%mul3A_0, %dma_start3A_10] : memref<10240x64xf32, #tpu.memory_space<vmem_shared>> -> memref<640x64xf32, #tpu.memory_space<vmem_shared>>
      tpu.enqueue_dma source(%dma_start3A_11 : memref<640x64xf32, #tpu.memory_space<vmem_shared>>) target(%dma_start3A_9 : memref<640x64xf32, #tpu.memory_space<hbm>>) target_semaphore(%run_scoped3A : memref<!tpu.dma_semaphore, #tpu.memory_space<semaphore_mem>>)
      %dma_wait3A = arith.constant 0 : i32
      %dma_wait3A_12 = tpu.memref_slice %arg6[%arg0, %mul3A_0, %dma_wait3A] : memref<2x10240x64xf32, #tpu.memory_space<hbm>> -> memref<1x640x64xf32, #tpu.memory_space<hbm>>
      %dma_wait3A_13 = tpu.memref_squeeze %dma_wait3A_12 : memref<1x640x64xf32, #tpu.memory_space<hbm>> -> memref<640x64xf32, #tpu.memory_space<hbm>>
      %dma_wait3A_14 = arith.constant 0 : i32
      %dma_wait3A_15 = tpu.memref_slice %arg7[%mul3A_0, %dma_wait3A_14] : memref<10240x64xf32, #tpu.memory_space<vmem_shared>> -> memref<640x64xf32, #tpu.memory_space<vmem_shared>>
      tpu.wait_dma2 semaphore(%run_scoped3A : memref<!tpu.dma_semaphore, #tpu.memory_space<semaphore_mem>>) src(%dma_wait3A_15 : memref<640x64xf32, #tpu.memory_space<vmem_shared>>) dst(%dma_wait3A_13 : memref<640x64xf32, #tpu.memory_space<hbm>>)
      tpu.yield
    }) : () -> ()
    return
  }
}

#map = affine_map<(d0, d1) -> (0, 0, 0, 0)>
#map1 = affine_map<(d0, d1) -> (0, 0)>
#map2 = affine_map<(d0, d1) -> (0, 0, 0)>
module attributes {stable_mosaic.version = 14 : i64} {
  func.func @_deg(%arg0: i32, %arg1: i32, %arg2: memref<2x16x114x128xi32, #tpu.memory_space<hbm>>, %arg3: memref<2x16x114x128xi32, #tpu.memory_space<hbm>>, %arg4: memref<10240x16xf32, #tpu.memory_space<hbm>>, %arg5: memref<128x16xf32, #tpu.memory_space<hbm>>, %arg6: memref<2x10240x16xf32, #tpu.memory_space<hbm>>, %arg7: memref<2x10240x16xf32, #tpu.memory_space<hbm>>, %arg8: memref<10240x16xf32, #tpu.memory_space<vmem_shared>>, %arg9: memref<10240x16xf32, #tpu.memory_space<vmem_shared>>, %arg10: memref<114x128xi32, #tpu.memory_space<vmem>>, %arg11: memref<128x16xf32, #tpu.memory_space<vmem>>) attributes {dimension_semantics = [#tpu.dimension_semantics<core_parallel>, #tpu.dimension_semantics<subcore_parallel>], iteration_bounds = array<i64: 2, 16>, scalar_prefetch = 0 : i64, scratch_operands = 4 : i64, tpu.core_type = #tpu.core_type<sc_vector_subcore>, window_params = [{transform_indices = #map}, {transform_indices = #map}, {transform_indices = #map1}, {transform_indices = #map1}, {transform_indices = #map2}, {transform_indices = #map2}]} {
    %mul3A = arith.constant 640 : i32
    %mul3A_0 = arith.muli %arg1, %mul3A : i32
    "tpu.region"() ({
      %run_scoped3A = tpu.sem_alloc : memref<!tpu.dma_semaphore, #tpu.memory_space<semaphore_mem>>
      %dma_start3A = arith.constant 0 : i32
      %dma_start3A_18 = tpu.memref_slice %arg8[%mul3A_0, %dma_start3A] : memref<10240x16xf32, #tpu.memory_space<vmem_shared>> -> memref<640x16xf32, #tpu.memory_space<vmem_shared>>
      %dma_start3A_19 = arith.constant 0 : i32
      %dma_start3A_20 = tpu.memref_slice %arg4[%mul3A_0, %dma_start3A_19] : memref<10240x16xf32, #tpu.memory_space<hbm>> -> memref<640x16xf32, #tpu.memory_space<hbm>>
      tpu.enqueue_dma source(%dma_start3A_20 : memref<640x16xf32, #tpu.memory_space<hbm>>) target(%dma_start3A_18 : memref<640x16xf32, #tpu.memory_space<vmem_shared>>) target_semaphore(%run_scoped3A : memref<!tpu.dma_semaphore, #tpu.memory_space<semaphore_mem>>)
      %dma_wait3A = arith.constant 0 : i32
      %dma_wait3A_21 = tpu.memref_slice %arg8[%mul3A_0, %dma_wait3A] : memref<10240x16xf32, #tpu.memory_space<vmem_shared>> -> memref<640x16xf32, #tpu.memory_space<vmem_shared>>
      %dma_wait3A_22 = arith.constant 0 : i32
      %dma_wait3A_23 = tpu.memref_slice %arg4[%mul3A_0, %dma_wait3A_22] : memref<10240x16xf32, #tpu.memory_space<hbm>> -> memref<640x16xf32, #tpu.memory_space<hbm>>
      tpu.wait_dma2 semaphore(%run_scoped3A : memref<!tpu.dma_semaphore, #tpu.memory_space<semaphore_mem>>) src(%dma_wait3A_23 : memref<640x16xf32, #tpu.memory_space<hbm>>) dst(%dma_wait3A_21 : memref<640x16xf32, #tpu.memory_space<vmem_shared>>)
      tpu.yield
    }) : () -> ()
    "tpu.region"() ({
      %run_scoped3A = tpu.sem_alloc : memref<!tpu.dma_semaphore, #tpu.memory_space<semaphore_mem>>
      %dma_start3A = arith.constant 0 : i32
      %dma_start3A_18 = tpu.memref_slice %arg9[%mul3A_0, %dma_start3A] : memref<10240x16xf32, #tpu.memory_space<vmem_shared>> -> memref<640x16xf32, #tpu.memory_space<vmem_shared>>
      %dma_start3A_19 = arith.constant 0 : i32
      %dma_start3A_20 = tpu.memref_slice %arg4[%mul3A_0, %dma_start3A_19] : memref<10240x16xf32, #tpu.memory_space<hbm>> -> memref<640x16xf32, #tpu.memory_space<hbm>>
      tpu.enqueue_dma source(%dma_start3A_20 : memref<640x16xf32, #tpu.memory_space<hbm>>) target(%dma_start3A_18 : memref<640x16xf32, #tpu.memory_space<vmem_shared>>) target_semaphore(%run_scoped3A : memref<!tpu.dma_semaphore, #tpu.memory_space<semaphore_mem>>)
      %dma_wait3A = arith.constant 0 : i32
      %dma_wait3A_21 = tpu.memref_slice %arg9[%mul3A_0, %dma_wait3A] : memref<10240x16xf32, #tpu.memory_space<vmem_shared>> -> memref<640x16xf32, #tpu.memory_space<vmem_shared>>
      %dma_wait3A_22 = arith.constant 0 : i32
      %dma_wait3A_23 = tpu.memref_slice %arg4[%mul3A_0, %dma_wait3A_22] : memref<10240x16xf32, #tpu.memory_space<hbm>> -> memref<640x16xf32, #tpu.memory_space<hbm>>
      tpu.wait_dma2 semaphore(%run_scoped3A : memref<!tpu.dma_semaphore, #tpu.memory_space<semaphore_mem>>) src(%dma_wait3A_23 : memref<640x16xf32, #tpu.memory_space<hbm>>) dst(%dma_wait3A_21 : memref<640x16xf32, #tpu.memory_space<vmem_shared>>)
      tpu.yield
    }) : () -> ()
    "tpu.region"() ({
      %run_scoped3A = tpu.sem_alloc : memref<!tpu.dma_semaphore, #tpu.memory_space<semaphore_mem>>
      tpu.enqueue_dma source(%arg5 : memref<128x16xf32, #tpu.memory_space<hbm>>) target(%arg11 : memref<128x16xf32, #tpu.memory_space<vmem>>) target_semaphore(%run_scoped3A : memref<!tpu.dma_semaphore, #tpu.memory_space<semaphore_mem>>)
      tpu.wait_dma2 semaphore(%run_scoped3A : memref<!tpu.dma_semaphore, #tpu.memory_space<semaphore_mem>>) src(%arg5 : memref<128x16xf32, #tpu.memory_space<hbm>>) dst(%arg11 : memref<128x16xf32, #tpu.memory_space<vmem>>)
      tpu.yield
    }) : () -> ()
    "tpu.region"() ({
      %run_scoped3A = tpu.sem_alloc : memref<!tpu.dma_semaphore, #tpu.memory_space<semaphore_mem>>
      %dma_start3A = arith.constant 0 : i32
      %dma_start3A_18 = arith.constant 0 : i32
      %dma_start3A_19 = tpu.memref_slice %arg2[%arg0, %arg1, %dma_start3A, %dma_start3A_18] : memref<2x16x114x128xi32, #tpu.memory_space<hbm>> -> memref<1x1x114x128xi32, #tpu.memory_space<hbm>>
      %dma_start3A_20 = tpu.memref_squeeze %dma_start3A_19 : memref<1x1x114x128xi32, #tpu.memory_space<hbm>> -> memref<114x128xi32, #tpu.memory_space<hbm>>
      %dma_start3A_21 = arith.constant 0 : i32
      %dma_start3A_22 = arith.constant 0 : i32
      %dma_start3A_23 = tpu.memref_slice %arg2[%arg0, %arg1, %dma_start3A_21, %dma_start3A_22] : memref<2x16x114x128xi32, #tpu.memory_space<hbm>> -> memref<1x1x114x128xi32, #tpu.memory_space<hbm>>
      %dma_start3A_24 = tpu.memref_squeeze %dma_start3A_23 : memref<1x1x114x128xi32, #tpu.memory_space<hbm>> -> memref<114x128xi32, #tpu.memory_space<hbm>>
      tpu.enqueue_dma source(%dma_start3A_24 : memref<114x128xi32, #tpu.memory_space<hbm>>) target(%arg10 : memref<114x128xi32, #tpu.memory_space<vmem>>) target_semaphore(%run_scoped3A : memref<!tpu.dma_semaphore, #tpu.memory_space<semaphore_mem>>)
      %dma_wait3A = arith.constant 0 : i32
      %dma_wait3A_25 = arith.constant 0 : i32
      %dma_wait3A_26 = tpu.memref_slice %arg2[%arg0, %arg1, %dma_wait3A, %dma_wait3A_25] : memref<2x16x114x128xi32, #tpu.memory_space<hbm>> -> memref<1x1x114x128xi32, #tpu.memory_space<hbm>>
      %dma_wait3A_27 = tpu.memref_squeeze %dma_wait3A_26 : memref<1x1x114x128xi32, #tpu.memory_space<hbm>> -> memref<114x128xi32, #tpu.memory_space<hbm>>
      %dma_wait3A_28 = arith.constant 0 : i32
      %dma_wait3A_29 = arith.constant 0 : i32
      %dma_wait3A_30 = tpu.memref_slice %arg2[%arg0, %arg1, %dma_wait3A_28, %dma_wait3A_29] : memref<2x16x114x128xi32, #tpu.memory_space<hbm>> -> memref<1x1x114x128xi32, #tpu.memory_space<hbm>>
      %dma_wait3A_31 = tpu.memref_squeeze %dma_wait3A_30 : memref<1x1x114x128xi32, #tpu.memory_space<hbm>> -> memref<114x128xi32, #tpu.memory_space<hbm>>
      tpu.wait_dma2 semaphore(%run_scoped3A : memref<!tpu.dma_semaphore, #tpu.memory_space<semaphore_mem>>) src(%dma_wait3A_31 : memref<114x128xi32, #tpu.memory_space<hbm>>) dst(%arg10 : memref<114x128xi32, #tpu.memory_space<vmem>>)
      tpu.yield
    }) : () -> ()
    %barrier3A = arith.constant 0 : index
    tpu.barrier barrier_id(%barrier3A)
    %eq3A = arith.constant 0 : i32
    %eq3A_1 = arith.cmpi eq, %arg0, %eq3A : i32
    %convert_element_type3A = arith.extui %eq3A_1 : i1 to i32
    %cond3A = arith.constant 0 : i32
    %cond3A_2 = arith.cmpi ne, %convert_element_type3A, %cond3A : i32
    scf.if %cond3A_2 {
      %scan3A = arith.constant 0 : i32
      %scan3A_18 = arith.constant 0 : i32
      %scan3A_19 = arith.constant 114 : i32
      %scan3A_20 = arith.addi %scan3A_18, %scan3A_19 : i32
      %scan3A_21 = arith.constant 1 : i32
      scf.for %scan3A_23 = %scan3A_18 to %scan3A_20 step %scan3A_21  : i32 {
        "tpu.region"() ({
          %run_scoped3A = tpu.sem_alloc : memref<!tpu.dma_semaphore, #tpu.memory_space<semaphore_mem>>
          %dma_start3A = arith.constant 0 : i32
          %dma_start3A_24 = tpu.memref_slice %arg10[%scan3A_23, %dma_start3A] : memref<114x128xi32, #tpu.memory_space<vmem>> -> memref<1x128xi32, #tpu.memory_space<vmem>>
          %dma_start3A_25 = tpu.memref_squeeze %dma_start3A_24 : memref<1x128xi32, #tpu.memory_space<vmem>> -> memref<128xi32, #tpu.memory_space<vmem>>
          %dma_start3A_26 = arith.constant 0 : i32
          %dma_start3A_27 = arith.constant 0 : i32
          %dma_start3A_28 = tpu.memref_slice %arg8[%dma_start3A_26, %dma_start3A_27] : memref<10240x16xf32, #tpu.memory_space<vmem_shared>> -> memref<10240x16xf32, #tpu.memory_space<vmem_shared>>
          tpu.enqueue_indirect_dma source(%arg11 : memref<128x16xf32, #tpu.memory_space<vmem>>) target(%dma_start3A_28 : memref<10240x16xf32, #tpu.memory_space<vmem_shared>>) offsets(%dma_start3A_25 : memref<128xi32, #tpu.memory_space<vmem>>) semaphore(%run_scoped3A : memref<!tpu.dma_semaphore, #tpu.memory_space<semaphore_mem>>) {add = true}
          %dma_wait3A = arith.constant 0 : i32
          %dma_wait3A_29 = tpu.memref_slice %arg10[%scan3A_23, %dma_wait3A] : memref<114x128xi32, #tpu.memory_space<vmem>> -> memref<1x128xi32, #tpu.memory_space<vmem>>
          %dma_wait3A_30 = tpu.memref_squeeze %dma_wait3A_29 : memref<1x128xi32, #tpu.memory_space<vmem>> -> memref<128xi32, #tpu.memory_space<vmem>>
          %dma_wait3A_31 = arith.constant 0 : i32
          %dma_wait3A_32 = arith.constant 0 : i32
          %dma_wait3A_33 = tpu.memref_slice %arg8[%dma_wait3A_31, %dma_wait3A_32] : memref<10240x16xf32, #tpu.memory_space<vmem_shared>> -> memref<10240x16xf32, #tpu.memory_space<vmem_shared>>
          tpu.wait_indirect_dma semaphore(%run_scoped3A : memref<!tpu.dma_semaphore, #tpu.memory_space<semaphore_mem>>) src(%arg11 : memref<128x16xf32, #tpu.memory_space<vmem>>) dst(%dma_wait3A_33 : memref<10240x16xf32, #tpu.memory_space<vmem_shared>>)
          tpu.yield
        }) : () -> ()
      }
      %scan3A_22 = arith.constant 114 : i32
    } else {
    }
    %ne3A = arith.constant 0 : i32
    %ne3A_3 = arith.cmpi ne, %arg0, %ne3A : i32
    %convert_element_type3A_4 = arith.extui %ne3A_3 : i1 to i32
    %cond3A_5 = arith.constant 0 : i32
    %cond3A_6 = arith.cmpi ne, %convert_element_type3A_4, %cond3A_5 : i32
    scf.if %cond3A_6 {
      %scan3A = arith.constant 0 : i32
      %scan3A_18 = arith.constant 0 : i32
      %scan3A_19 = arith.constant 44 : i32
      %scan3A_20 = arith.addi %scan3A_18, %scan3A_19 : i32
      %scan3A_21 = arith.constant 1 : i32
      scf.for %scan3A_23 = %scan3A_18 to %scan3A_20 step %scan3A_21  : i32 {
        "tpu.region"() ({
          %run_scoped3A = tpu.sem_alloc : memref<!tpu.dma_semaphore, #tpu.memory_space<semaphore_mem>>
          %dma_start3A = arith.constant 0 : i32
          %dma_start3A_24 = tpu.memref_slice %arg10[%scan3A_23, %dma_start3A] : memref<114x128xi32, #tpu.memory_space<vmem>> -> memref<1x128xi32, #tpu.memory_space<vmem>>
          %dma_start3A_25 = tpu.memref_squeeze %dma_start3A_24 : memref<1x128xi32, #tpu.memory_space<vmem>> -> memref<128xi32, #tpu.memory_space<vmem>>
          %dma_start3A_26 = arith.constant 0 : i32
          %dma_start3A_27 = arith.constant 0 : i32
          %dma_start3A_28 = tpu.memref_slice %arg8[%dma_start3A_26, %dma_start3A_27] : memref<10240x16xf32, #tpu.memory_space<vmem_shared>> -> memref<10240x16xf32, #tpu.memory_space<vmem_shared>>
          tpu.enqueue_indirect_dma source(%arg11 : memref<128x16xf32, #tpu.memory_space<vmem>>) target(%dma_start3A_28 : memref<10240x16xf32, #tpu.memory_space<vmem_shared>>) offsets(%dma_start3A_25 : memref<128xi32, #tpu.memory_space<vmem>>) semaphore(%run_scoped3A : memref<!tpu.dma_semaphore, #tpu.memory_space<semaphore_mem>>) {add = true}
          %dma_wait3A = arith.constant 0 : i32
          %dma_wait3A_29 = tpu.memref_slice %arg10[%scan3A_23, %dma_wait3A] : memref<114x128xi32, #tpu.memory_space<vmem>> -> memref<1x128xi32, #tpu.memory_space<vmem>>
          %dma_wait3A_30 = tpu.memref_squeeze %dma_wait3A_29 : memref<1x128xi32, #tpu.memory_space<vmem>> -> memref<128xi32, #tpu.memory_space<vmem>>
          %dma_wait3A_31 = arith.constant 0 : i32
          %dma_wait3A_32 = arith.constant 0 : i32
          %dma_wait3A_33 = tpu.memref_slice %arg8[%dma_wait3A_31, %dma_wait3A_32] : memref<10240x16xf32, #tpu.memory_space<vmem_shared>> -> memref<10240x16xf32, #tpu.memory_space<vmem_shared>>
          tpu.wait_indirect_dma semaphore(%run_scoped3A : memref<!tpu.dma_semaphore, #tpu.memory_space<semaphore_mem>>) src(%arg11 : memref<128x16xf32, #tpu.memory_space<vmem>>) dst(%dma_wait3A_33 : memref<10240x16xf32, #tpu.memory_space<vmem_shared>>)
          tpu.yield
        }) : () -> ()
      }
      %scan3A_22 = arith.constant 44 : i32
    } else {
    }
    "tpu.region"() ({
      %run_scoped3A = tpu.sem_alloc : memref<!tpu.dma_semaphore, #tpu.memory_space<semaphore_mem>>
      %dma_start3A = arith.constant 0 : i32
      %dma_start3A_18 = arith.constant 0 : i32
      %dma_start3A_19 = tpu.memref_slice %arg3[%arg0, %arg1, %dma_start3A, %dma_start3A_18] : memref<2x16x114x128xi32, #tpu.memory_space<hbm>> -> memref<1x1x114x128xi32, #tpu.memory_space<hbm>>
      %dma_start3A_20 = tpu.memref_squeeze %dma_start3A_19 : memref<1x1x114x128xi32, #tpu.memory_space<hbm>> -> memref<114x128xi32, #tpu.memory_space<hbm>>
      %dma_start3A_21 = arith.constant 0 : i32
      %dma_start3A_22 = arith.constant 0 : i32
      %dma_start3A_23 = tpu.memref_slice %arg3[%arg0, %arg1, %dma_start3A_21, %dma_start3A_22] : memref<2x16x114x128xi32, #tpu.memory_space<hbm>> -> memref<1x1x114x128xi32, #tpu.memory_space<hbm>>
      %dma_start3A_24 = tpu.memref_squeeze %dma_start3A_23 : memref<1x1x114x128xi32, #tpu.memory_space<hbm>> -> memref<114x128xi32, #tpu.memory_space<hbm>>
      tpu.enqueue_dma source(%dma_start3A_24 : memref<114x128xi32, #tpu.memory_space<hbm>>) target(%arg10 : memref<114x128xi32, #tpu.memory_space<vmem>>) target_semaphore(%run_scoped3A : memref<!tpu.dma_semaphore, #tpu.memory_space<semaphore_mem>>)
      %dma_wait3A = arith.constant 0 : i32
      %dma_wait3A_25 = arith.constant 0 : i32
      %dma_wait3A_26 = tpu.memref_slice %arg3[%arg0, %arg1, %dma_wait3A, %dma_wait3A_25] : memref<2x16x114x128xi32, #tpu.memory_space<hbm>> -> memref<1x1x114x128xi32, #tpu.memory_space<hbm>>
      %dma_wait3A_27 = tpu.memref_squeeze %dma_wait3A_26 : memref<1x1x114x128xi32, #tpu.memory_space<hbm>> -> memref<114x128xi32, #tpu.memory_space<hbm>>
      %dma_wait3A_28 = arith.constant 0 : i32
      %dma_wait3A_29 = arith.constant 0 : i32
      %dma_wait3A_30 = tpu.memref_slice %arg3[%arg0, %arg1, %dma_wait3A_28, %dma_wait3A_29] : memref<2x16x114x128xi32, #tpu.memory_space<hbm>> -> memref<1x1x114x128xi32, #tpu.memory_space<hbm>>
      %dma_wait3A_31 = tpu.memref_squeeze %dma_wait3A_30 : memref<1x1x114x128xi32, #tpu.memory_space<hbm>> -> memref<114x128xi32, #tpu.memory_space<hbm>>
      tpu.wait_dma2 semaphore(%run_scoped3A : memref<!tpu.dma_semaphore, #tpu.memory_space<semaphore_mem>>) src(%dma_wait3A_31 : memref<114x128xi32, #tpu.memory_space<hbm>>) dst(%arg10 : memref<114x128xi32, #tpu.memory_space<vmem>>)
      tpu.yield
    }) : () -> ()
    %eq3A_7 = arith.constant 0 : i32
    %eq3A_8 = arith.cmpi eq, %arg0, %eq3A_7 : i32
    %convert_element_type3A_9 = arith.extui %eq3A_8 : i1 to i32
    %cond3A_10 = arith.constant 0 : i32
    %cond3A_11 = arith.cmpi ne, %convert_element_type3A_9, %cond3A_10 : i32
    scf.if %cond3A_11 {
      %scan3A = arith.constant 0 : i32
      %scan3A_18 = arith.constant 0 : i32
      %scan3A_19 = arith.constant 114 : i32
      %scan3A_20 = arith.addi %scan3A_18, %scan3A_19 : i32
      %scan3A_21 = arith.constant 1 : i32
      scf.for %scan3A_23 = %scan3A_18 to %scan3A_20 step %scan3A_21  : i32 {
        "tpu.region"() ({
          %run_scoped3A = tpu.sem_alloc : memref<!tpu.dma_semaphore, #tpu.memory_space<semaphore_mem>>
          %dma_start3A = arith.constant 0 : i32
          %dma_start3A_24 = tpu.memref_slice %arg10[%scan3A_23, %dma_start3A] : memref<114x128xi32, #tpu.memory_space<vmem>> -> memref<1x128xi32, #tpu.memory_space<vmem>>
          %dma_start3A_25 = tpu.memref_squeeze %dma_start3A_24 : memref<1x128xi32, #tpu.memory_space<vmem>> -> memref<128xi32, #tpu.memory_space<vmem>>
          %dma_start3A_26 = arith.constant 0 : i32
          %dma_start3A_27 = arith.constant 0 : i32
          %dma_start3A_28 = tpu.memref_slice %arg9[%dma_start3A_26, %dma_start3A_27] : memref<10240x16xf32, #tpu.memory_space<vmem_shared>> -> memref<10240x16xf32, #tpu.memory_space<vmem_shared>>
          tpu.enqueue_indirect_dma source(%arg11 : memref<128x16xf32, #tpu.memory_space<vmem>>) target(%dma_start3A_28 : memref<10240x16xf32, #tpu.memory_space<vmem_shared>>) offsets(%dma_start3A_25 : memref<128xi32, #tpu.memory_space<vmem>>) semaphore(%run_scoped3A : memref<!tpu.dma_semaphore, #tpu.memory_space<semaphore_mem>>) {add = true}
          %dma_wait3A = arith.constant 0 : i32
          %dma_wait3A_29 = tpu.memref_slice %arg10[%scan3A_23, %dma_wait3A] : memref<114x128xi32, #tpu.memory_space<vmem>> -> memref<1x128xi32, #tpu.memory_space<vmem>>
          %dma_wait3A_30 = tpu.memref_squeeze %dma_wait3A_29 : memref<1x128xi32, #tpu.memory_space<vmem>> -> memref<128xi32, #tpu.memory_space<vmem>>
          %dma_wait3A_31 = arith.constant 0 : i32
          %dma_wait3A_32 = arith.constant 0 : i32
          %dma_wait3A_33 = tpu.memref_slice %arg9[%dma_wait3A_31, %dma_wait3A_32] : memref<10240x16xf32, #tpu.memory_space<vmem_shared>> -> memref<10240x16xf32, #tpu.memory_space<vmem_shared>>
          tpu.wait_indirect_dma semaphore(%run_scoped3A : memref<!tpu.dma_semaphore, #tpu.memory_space<semaphore_mem>>) src(%arg11 : memref<128x16xf32, #tpu.memory_space<vmem>>) dst(%dma_wait3A_33 : memref<10240x16xf32, #tpu.memory_space<vmem_shared>>)
          tpu.yield
        }) : () -> ()
      }
      %scan3A_22 = arith.constant 114 : i32
    } else {
    }
    %ne3A_12 = arith.constant 0 : i32
    %ne3A_13 = arith.cmpi ne, %arg0, %ne3A_12 : i32
    %convert_element_type3A_14 = arith.extui %ne3A_13 : i1 to i32
    %cond3A_15 = arith.constant 0 : i32
    %cond3A_16 = arith.cmpi ne, %convert_element_type3A_14, %cond3A_15 : i32
    scf.if %cond3A_16 {
      %scan3A = arith.constant 0 : i32
      %scan3A_18 = arith.constant 0 : i32
      %scan3A_19 = arith.constant 44 : i32
      %scan3A_20 = arith.addi %scan3A_18, %scan3A_19 : i32
      %scan3A_21 = arith.constant 1 : i32
      scf.for %scan3A_23 = %scan3A_18 to %scan3A_20 step %scan3A_21  : i32 {
        "tpu.region"() ({
          %run_scoped3A = tpu.sem_alloc : memref<!tpu.dma_semaphore, #tpu.memory_space<semaphore_mem>>
          %dma_start3A = arith.constant 0 : i32
          %dma_start3A_24 = tpu.memref_slice %arg10[%scan3A_23, %dma_start3A] : memref<114x128xi32, #tpu.memory_space<vmem>> -> memref<1x128xi32, #tpu.memory_space<vmem>>
          %dma_start3A_25 = tpu.memref_squeeze %dma_start3A_24 : memref<1x128xi32, #tpu.memory_space<vmem>> -> memref<128xi32, #tpu.memory_space<vmem>>
          %dma_start3A_26 = arith.constant 0 : i32
          %dma_start3A_27 = arith.constant 0 : i32
          %dma_start3A_28 = tpu.memref_slice %arg9[%dma_start3A_26, %dma_start3A_27] : memref<10240x16xf32, #tpu.memory_space<vmem_shared>> -> memref<10240x16xf32, #tpu.memory_space<vmem_shared>>
          tpu.enqueue_indirect_dma source(%arg11 : memref<128x16xf32, #tpu.memory_space<vmem>>) target(%dma_start3A_28 : memref<10240x16xf32, #tpu.memory_space<vmem_shared>>) offsets(%dma_start3A_25 : memref<128xi32, #tpu.memory_space<vmem>>) semaphore(%run_scoped3A : memref<!tpu.dma_semaphore, #tpu.memory_space<semaphore_mem>>) {add = true}
          %dma_wait3A = arith.constant 0 : i32
          %dma_wait3A_29 = tpu.memref_slice %arg10[%scan3A_23, %dma_wait3A] : memref<114x128xi32, #tpu.memory_space<vmem>> -> memref<1x128xi32, #tpu.memory_space<vmem>>
          %dma_wait3A_30 = tpu.memref_squeeze %dma_wait3A_29 : memref<1x128xi32, #tpu.memory_space<vmem>> -> memref<128xi32, #tpu.memory_space<vmem>>
          %dma_wait3A_31 = arith.constant 0 : i32
          %dma_wait3A_32 = arith.constant 0 : i32
          %dma_wait3A_33 = tpu.memref_slice %arg9[%dma_wait3A_31, %dma_wait3A_32] : memref<10240x16xf32, #tpu.memory_space<vmem_shared>> -> memref<10240x16xf32, #tpu.memory_space<vmem_shared>>
          tpu.wait_indirect_dma semaphore(%run_scoped3A : memref<!tpu.dma_semaphore, #tpu.memory_space<semaphore_mem>>) src(%arg11 : memref<128x16xf32, #tpu.memory_space<vmem>>) dst(%dma_wait3A_33 : memref<10240x16xf32, #tpu.memory_space<vmem_shared>>)
          tpu.yield
        }) : () -> ()
      }
      %scan3A_22 = arith.constant 44 : i32
    } else {
    }
    %barrier3A_17 = arith.constant 0 : index
    tpu.barrier barrier_id(%barrier3A_17)
    "tpu.region"() ({
      %run_scoped3A = tpu.sem_alloc : memref<!tpu.dma_semaphore, #tpu.memory_space<semaphore_mem>>
      %dma_start3A = arith.constant 0 : i32
      %dma_start3A_18 = tpu.memref_slice %arg6[%arg0, %mul3A_0, %dma_start3A] : memref<2x10240x16xf32, #tpu.memory_space<hbm>> -> memref<1x640x16xf32, #tpu.memory_space<hbm>>
      %dma_start3A_19 = tpu.memref_squeeze %dma_start3A_18 : memref<1x640x16xf32, #tpu.memory_space<hbm>> -> memref<640x16xf32, #tpu.memory_space<hbm>>
      %dma_start3A_20 = arith.constant 0 : i32
      %dma_start3A_21 = tpu.memref_slice %arg8[%mul3A_0, %dma_start3A_20] : memref<10240x16xf32, #tpu.memory_space<vmem_shared>> -> memref<640x16xf32, #tpu.memory_space<vmem_shared>>
      tpu.enqueue_dma source(%dma_start3A_21 : memref<640x16xf32, #tpu.memory_space<vmem_shared>>) target(%dma_start3A_19 : memref<640x16xf32, #tpu.memory_space<hbm>>) target_semaphore(%run_scoped3A : memref<!tpu.dma_semaphore, #tpu.memory_space<semaphore_mem>>)
      %dma_wait3A = arith.constant 0 : i32
      %dma_wait3A_22 = tpu.memref_slice %arg6[%arg0, %mul3A_0, %dma_wait3A] : memref<2x10240x16xf32, #tpu.memory_space<hbm>> -> memref<1x640x16xf32, #tpu.memory_space<hbm>>
      %dma_wait3A_23 = tpu.memref_squeeze %dma_wait3A_22 : memref<1x640x16xf32, #tpu.memory_space<hbm>> -> memref<640x16xf32, #tpu.memory_space<hbm>>
      %dma_wait3A_24 = arith.constant 0 : i32
      %dma_wait3A_25 = tpu.memref_slice %arg8[%mul3A_0, %dma_wait3A_24] : memref<10240x16xf32, #tpu.memory_space<vmem_shared>> -> memref<640x16xf32, #tpu.memory_space<vmem_shared>>
      tpu.wait_dma2 semaphore(%run_scoped3A : memref<!tpu.dma_semaphore, #tpu.memory_space<semaphore_mem>>) src(%dma_wait3A_25 : memref<640x16xf32, #tpu.memory_space<vmem_shared>>) dst(%dma_wait3A_23 : memref<640x16xf32, #tpu.memory_space<hbm>>)
      tpu.yield
    }) : () -> ()
    "tpu.region"() ({
      %run_scoped3A = tpu.sem_alloc : memref<!tpu.dma_semaphore, #tpu.memory_space<semaphore_mem>>
      %dma_start3A = arith.constant 0 : i32
      %dma_start3A_18 = tpu.memref_slice %arg7[%arg0, %mul3A_0, %dma_start3A] : memref<2x10240x16xf32, #tpu.memory_space<hbm>> -> memref<1x640x16xf32, #tpu.memory_space<hbm>>
      %dma_start3A_19 = tpu.memref_squeeze %dma_start3A_18 : memref<1x640x16xf32, #tpu.memory_space<hbm>> -> memref<640x16xf32, #tpu.memory_space<hbm>>
      %dma_start3A_20 = arith.constant 0 : i32
      %dma_start3A_21 = tpu.memref_slice %arg9[%mul3A_0, %dma_start3A_20] : memref<10240x16xf32, #tpu.memory_space<vmem_shared>> -> memref<640x16xf32, #tpu.memory_space<vmem_shared>>
      tpu.enqueue_dma source(%dma_start3A_21 : memref<640x16xf32, #tpu.memory_space<vmem_shared>>) target(%dma_start3A_19 : memref<640x16xf32, #tpu.memory_space<hbm>>) target_semaphore(%run_scoped3A : memref<!tpu.dma_semaphore, #tpu.memory_space<semaphore_mem>>)
      %dma_wait3A = arith.constant 0 : i32
      %dma_wait3A_22 = tpu.memref_slice %arg7[%arg0, %mul3A_0, %dma_wait3A] : memref<2x10240x16xf32, #tpu.memory_space<hbm>> -> memref<1x640x16xf32, #tpu.memory_space<hbm>>
      %dma_wait3A_23 = tpu.memref_squeeze %dma_wait3A_22 : memref<1x640x16xf32, #tpu.memory_space<hbm>> -> memref<640x16xf32, #tpu.memory_space<hbm>>
      %dma_wait3A_24 = arith.constant 0 : i32
      %dma_wait3A_25 = tpu.memref_slice %arg9[%mul3A_0, %dma_wait3A_24] : memref<10240x16xf32, #tpu.memory_space<vmem_shared>> -> memref<640x16xf32, #tpu.memory_space<vmem_shared>>
      tpu.wait_dma2 semaphore(%run_scoped3A : memref<!tpu.dma_semaphore, #tpu.memory_space<semaphore_mem>>) src(%dma_wait3A_25 : memref<640x16xf32, #tpu.memory_space<vmem_shared>>) dst(%dma_wait3A_23 : memref<640x16xf32, #tpu.memory_space<hbm>>)
      tpu.yield
    }) : () -> ()
    return
  }
}

#map = affine_map<(d0, d1) -> (0, 0)>
#map1 = affine_map<(d0, d1) -> (0, 0, 0, 0)>
#map2 = affine_map<(d0, d1) -> (0, 0, 0)>
module attributes {stable_mosaic.version = 14 : i64} {
  func.func @seg(%arg0: i32, %arg1: i32, %arg2: memref<10000x64xf32, #tpu.memory_space<hbm>>, %arg3: memref<2x16x114x128xi32, #tpu.memory_space<hbm>>, %arg4: memref<2x16x114x128xi32, #tpu.memory_space<hbm>>, %arg5: memref<10240x64xf32, #tpu.memory_space<hbm>>, %arg6: memref<2x10240x64xf32, #tpu.memory_space<hbm>>, %arg7: memref<10240x64xf32, #tpu.memory_space<vmem_shared>>, %arg8: memref<114x128xi32, #tpu.memory_space<vmem>>, %arg9: memref<114x128xi32, #tpu.memory_space<vmem>>, %arg10: memref<128x64xf32, #tpu.memory_space<vmem>>, %arg11: memref<128x64xf32, #tpu.memory_space<vmem>>, %arg12: memref<!tpu.dma_semaphore, #tpu.memory_space<semaphore_mem>>, %arg13: memref<!tpu.dma_semaphore, #tpu.memory_space<semaphore_mem>>) attributes {dimension_semantics = [#tpu.dimension_semantics<core_parallel>, #tpu.dimension_semantics<subcore_parallel>], iteration_bounds = array<i64: 2, 16>, scalar_prefetch = 0 : i64, scratch_operands = 7 : i64, tpu.core_type = #tpu.core_type<sc_vector_subcore>, window_params = [{transform_indices = #map}, {transform_indices = #map1}, {transform_indices = #map1}, {transform_indices = #map}, {transform_indices = #map2}]} {
    %mul3A = arith.constant 640 : i32
    %mul3A_0 = arith.muli %arg1, %mul3A : i32
    "tpu.region"() ({
      %run_scoped3A = tpu.sem_alloc : memref<!tpu.dma_semaphore, #tpu.memory_space<semaphore_mem>>
      %dma_start3A = arith.constant 0 : i32
      %dma_start3A_8 = tpu.memref_slice %arg7[%mul3A_0, %dma_start3A] : memref<10240x64xf32, #tpu.memory_space<vmem_shared>> -> memref<640x64xf32, #tpu.memory_space<vmem_shared>>
      %dma_start3A_9 = arith.constant 0 : i32
      %dma_start3A_10 = tpu.memref_slice %arg5[%mul3A_0, %dma_start3A_9] : memref<10240x64xf32, #tpu.memory_space<hbm>> -> memref<640x64xf32, #tpu.memory_space<hbm>>
      tpu.enqueue_dma source(%dma_start3A_10 : memref<640x64xf32, #tpu.memory_space<hbm>>) target(%dma_start3A_8 : memref<640x64xf32, #tpu.memory_space<vmem_shared>>) target_semaphore(%run_scoped3A : memref<!tpu.dma_semaphore, #tpu.memory_space<semaphore_mem>>)
      %dma_wait3A = arith.constant 0 : i32
      %dma_wait3A_11 = tpu.memref_slice %arg7[%mul3A_0, %dma_wait3A] : memref<10240x64xf32, #tpu.memory_space<vmem_shared>> -> memref<640x64xf32, #tpu.memory_space<vmem_shared>>
      %dma_wait3A_12 = arith.constant 0 : i32
      %dma_wait3A_13 = tpu.memref_slice %arg5[%mul3A_0, %dma_wait3A_12] : memref<10240x64xf32, #tpu.memory_space<hbm>> -> memref<640x64xf32, #tpu.memory_space<hbm>>
      tpu.wait_dma2 semaphore(%run_scoped3A : memref<!tpu.dma_semaphore, #tpu.memory_space<semaphore_mem>>) src(%dma_wait3A_13 : memref<640x64xf32, #tpu.memory_space<hbm>>) dst(%dma_wait3A_11 : memref<640x64xf32, #tpu.memory_space<vmem_shared>>)
      tpu.yield
    }) : () -> ()
    "tpu.region"() ({
      %run_scoped3A = tpu.sem_alloc : memref<!tpu.dma_semaphore, #tpu.memory_space<semaphore_mem>>
      %dma_start3A = arith.constant 0 : i32
      %dma_start3A_8 = arith.constant 0 : i32
      %dma_start3A_9 = tpu.memref_slice %arg3[%arg0, %arg1, %dma_start3A, %dma_start3A_8] : memref<2x16x114x128xi32, #tpu.memory_space<hbm>> -> memref<1x1x114x128xi32, #tpu.memory_space<hbm>>
      %dma_start3A_10 = tpu.memref_squeeze %dma_start3A_9 : memref<1x1x114x128xi32, #tpu.memory_space<hbm>> -> memref<114x128xi32, #tpu.memory_space<hbm>>
      %dma_start3A_11 = arith.constant 0 : i32
      %dma_start3A_12 = arith.constant 0 : i32
      %dma_start3A_13 = tpu.memref_slice %arg3[%arg0, %arg1, %dma_start3A_11, %dma_start3A_12] : memref<2x16x114x128xi32, #tpu.memory_space<hbm>> -> memref<1x1x114x128xi32, #tpu.memory_space<hbm>>
      %dma_start3A_14 = tpu.memref_squeeze %dma_start3A_13 : memref<1x1x114x128xi32, #tpu.memory_space<hbm>> -> memref<114x128xi32, #tpu.memory_space<hbm>>
      tpu.enqueue_dma source(%dma_start3A_14 : memref<114x128xi32, #tpu.memory_space<hbm>>) target(%arg8 : memref<114x128xi32, #tpu.memory_space<vmem>>) target_semaphore(%run_scoped3A : memref<!tpu.dma_semaphore, #tpu.memory_space<semaphore_mem>>)
      %dma_wait3A = arith.constant 0 : i32
      %dma_wait3A_15 = arith.constant 0 : i32
      %dma_wait3A_16 = tpu.memref_slice %arg3[%arg0, %arg1, %dma_wait3A, %dma_wait3A_15] : memref<2x16x114x128xi32, #tpu.memory_space<hbm>> -> memref<1x1x114x128xi32, #tpu.memory_space<hbm>>
      %dma_wait3A_17 = tpu.memref_squeeze %dma_wait3A_16 : memref<1x1x114x128xi32, #tpu.memory_space<hbm>> -> memref<114x128xi32, #tpu.memory_space<hbm>>
      %dma_wait3A_18 = arith.constant 0 : i32
      %dma_wait3A_19 = arith.constant 0 : i32
      %dma_wait3A_20 = tpu.memref_slice %arg3[%arg0, %arg1, %dma_wait3A_18, %dma_wait3A_19] : memref<2x16x114x128xi32, #tpu.memory_space<hbm>> -> memref<1x1x114x128xi32, #tpu.memory_space<hbm>>
      %dma_wait3A_21 = tpu.memref_squeeze %dma_wait3A_20 : memref<1x1x114x128xi32, #tpu.memory_space<hbm>> -> memref<114x128xi32, #tpu.memory_space<hbm>>
      tpu.wait_dma2 semaphore(%run_scoped3A : memref<!tpu.dma_semaphore, #tpu.memory_space<semaphore_mem>>) src(%dma_wait3A_21 : memref<114x128xi32, #tpu.memory_space<hbm>>) dst(%arg8 : memref<114x128xi32, #tpu.memory_space<vmem>>)
      tpu.yield
    }) : () -> ()
    "tpu.region"() ({
      %run_scoped3A = tpu.sem_alloc : memref<!tpu.dma_semaphore, #tpu.memory_space<semaphore_mem>>
      %dma_start3A = arith.constant 0 : i32
      %dma_start3A_8 = arith.constant 0 : i32
      %dma_start3A_9 = tpu.memref_slice %arg4[%arg0, %arg1, %dma_start3A, %dma_start3A_8] : memref<2x16x114x128xi32, #tpu.memory_space<hbm>> -> memref<1x1x114x128xi32, #tpu.memory_space<hbm>>
      %dma_start3A_10 = tpu.memref_squeeze %dma_start3A_9 : memref<1x1x114x128xi32, #tpu.memory_space<hbm>> -> memref<114x128xi32, #tpu.memory_space<hbm>>
      %dma_start3A_11 = arith.constant 0 : i32
      %dma_start3A_12 = arith.constant 0 : i32
      %dma_start3A_13 = tpu.memref_slice %arg4[%arg0, %arg1, %dma_start3A_11, %dma_start3A_12] : memref<2x16x114x128xi32, #tpu.memory_space<hbm>> -> memref<1x1x114x128xi32, #tpu.memory_space<hbm>>
      %dma_start3A_14 = tpu.memref_squeeze %dma_start3A_13 : memref<1x1x114x128xi32, #tpu.memory_space<hbm>> -> memref<114x128xi32, #tpu.memory_space<hbm>>
      tpu.enqueue_dma source(%dma_start3A_14 : memref<114x128xi32, #tpu.memory_space<hbm>>) target(%arg9 : memref<114x128xi32, #tpu.memory_space<vmem>>) target_semaphore(%run_scoped3A : memref<!tpu.dma_semaphore, #tpu.memory_space<semaphore_mem>>)
      %dma_wait3A = arith.constant 0 : i32
      %dma_wait3A_15 = arith.constant 0 : i32
      %dma_wait3A_16 = tpu.memref_slice %arg4[%arg0, %arg1, %dma_wait3A, %dma_wait3A_15] : memref<2x16x114x128xi32, #tpu.memory_space<hbm>> -> memref<1x1x114x128xi32, #tpu.memory_space<hbm>>
      %dma_wait3A_17 = tpu.memref_squeeze %dma_wait3A_16 : memref<1x1x114x128xi32, #tpu.memory_space<hbm>> -> memref<114x128xi32, #tpu.memory_space<hbm>>
      %dma_wait3A_18 = arith.constant 0 : i32
      %dma_wait3A_19 = arith.constant 0 : i32
      %dma_wait3A_20 = tpu.memref_slice %arg4[%arg0, %arg1, %dma_wait3A_18, %dma_wait3A_19] : memref<2x16x114x128xi32, #tpu.memory_space<hbm>> -> memref<1x1x114x128xi32, #tpu.memory_space<hbm>>
      %dma_wait3A_21 = tpu.memref_squeeze %dma_wait3A_20 : memref<1x1x114x128xi32, #tpu.memory_space<hbm>> -> memref<114x128xi32, #tpu.memory_space<hbm>>
      tpu.wait_dma2 semaphore(%run_scoped3A : memref<!tpu.dma_semaphore, #tpu.memory_space<semaphore_mem>>) src(%dma_wait3A_21 : memref<114x128xi32, #tpu.memory_space<hbm>>) dst(%arg9 : memref<114x128xi32, #tpu.memory_space<vmem>>)
      tpu.yield
    }) : () -> ()
    %barrier3A = arith.constant 0 : index
    tpu.barrier barrier_id(%barrier3A)
    %eq3A = arith.constant 0 : i32
    %eq3A_1 = arith.cmpi eq, %arg0, %eq3A : i32
    %convert_element_type3A = arith.extui %eq3A_1 : i1 to i32
    %cond3A = arith.constant 0 : i32
    %cond3A_2 = arith.cmpi ne, %convert_element_type3A, %cond3A : i32
    scf.if %cond3A_2 {
      %dma_start3A = arith.constant 0 : i32
      %dma_start3A_8 = arith.constant 0 : i32
      %dma_start3A_9 = tpu.memref_slice %arg8[%dma_start3A, %dma_start3A_8] : memref<114x128xi32, #tpu.memory_space<vmem>> -> memref<1x128xi32, #tpu.memory_space<vmem>>
      %dma_start3A_10 = tpu.memref_squeeze %dma_start3A_9 : memref<1x128xi32, #tpu.memory_space<vmem>> -> memref<128xi32, #tpu.memory_space<vmem>>
      %dma_start3A_11 = arith.constant 0 : i32
      %dma_start3A_12 = arith.constant 0 : i32
      %dma_start3A_13 = tpu.memref_slice %arg2[%dma_start3A_11, %dma_start3A_12] : memref<10000x64xf32, #tpu.memory_space<hbm>> -> memref<10000x64xf32, #tpu.memory_space<hbm>>
      tpu.enqueue_indirect_dma source(%dma_start3A_13 : memref<10000x64xf32, #tpu.memory_space<hbm>>) target(%arg10 : memref<128x64xf32, #tpu.memory_space<vmem>>) offsets(%dma_start3A_10 : memref<128xi32, #tpu.memory_space<vmem>>) semaphore(%arg12 : memref<!tpu.dma_semaphore, #tpu.memory_space<semaphore_mem>>)
      %dma_start3A_14 = arith.constant 1 : i32
      %dma_start3A_15 = arith.constant 0 : i32
      %dma_start3A_16 = tpu.memref_slice %arg8[%dma_start3A_14, %dma_start3A_15] : memref<114x128xi32, #tpu.memory_space<vmem>> -> memref<1x128xi32, #tpu.memory_space<vmem>>
      %dma_start3A_17 = tpu.memref_squeeze %dma_start3A_16 : memref<1x128xi32, #tpu.memory_space<vmem>> -> memref<128xi32, #tpu.memory_space<vmem>>
      %dma_start3A_18 = arith.constant 0 : i32
      %dma_start3A_19 = arith.constant 0 : i32
      %dma_start3A_20 = tpu.memref_slice %arg2[%dma_start3A_18, %dma_start3A_19] : memref<10000x64xf32, #tpu.memory_space<hbm>> -> memref<10000x64xf32, #tpu.memory_space<hbm>>
      tpu.enqueue_indirect_dma source(%dma_start3A_20 : memref<10000x64xf32, #tpu.memory_space<hbm>>) target(%arg11 : memref<128x64xf32, #tpu.memory_space<vmem>>) offsets(%dma_start3A_17 : memref<128xi32, #tpu.memory_space<vmem>>) semaphore(%arg13 : memref<!tpu.dma_semaphore, #tpu.memory_space<semaphore_mem>>)
      %scan3A = arith.constant 0 : i32
      %scan3A_21 = arith.constant 0 : i32
      %scan3A_22 = arith.constant 56 : i32
      %scan3A_23 = arith.addi %scan3A_21, %scan3A_22 : i32
      %scan3A_24 = arith.constant 1 : i32
      scf.for %scan3A_40 = %scan3A_21 to %scan3A_23 step %scan3A_24  : i32 {
        %mul3A_41 = arith.constant 2 : i32
        %mul3A_42 = arith.muli %mul3A_41, %scan3A_40 : i32
        %dma_wait3A_43 = arith.constant 0 : i32
        %dma_wait3A_44 = arith.constant 0 : i32
        %dma_wait3A_45 = tpu.memref_slice %arg8[%dma_wait3A_43, %dma_wait3A_44] : memref<114x128xi32, #tpu.memory_space<vmem>> -> memref<1x128xi32, #tpu.memory_space<vmem>>
        %dma_wait3A_46 = tpu.memref_squeeze %dma_wait3A_45 : memref<1x128xi32, #tpu.memory_space<vmem>> -> memref<128xi32, #tpu.memory_space<vmem>>
        %dma_wait3A_47 = arith.constant 0 : i32
        %dma_wait3A_48 = arith.constant 0 : i32
        %dma_wait3A_49 = tpu.memref_slice %arg2[%dma_wait3A_47, %dma_wait3A_48] : memref<10000x64xf32, #tpu.memory_space<hbm>> -> memref<10000x64xf32, #tpu.memory_space<hbm>>
        tpu.wait_indirect_dma semaphore(%arg12 : memref<!tpu.dma_semaphore, #tpu.memory_space<semaphore_mem>>) src(%dma_wait3A_49 : memref<10000x64xf32, #tpu.memory_space<hbm>>) dst(%arg10 : memref<128x64xf32, #tpu.memory_space<vmem>>)
        "tpu.region"() ({
          %run_scoped3A_74 = tpu.sem_alloc : memref<!tpu.dma_semaphore, #tpu.memory_space<semaphore_mem>>
          %dma_start3A_75 = arith.constant 0 : i32
          %dma_start3A_76 = tpu.memref_slice %arg9[%mul3A_42, %dma_start3A_75] : memref<114x128xi32, #tpu.memory_space<vmem>> -> memref<1x128xi32, #tpu.memory_space<vmem>>
          %dma_start3A_77 = tpu.memref_squeeze %dma_start3A_76 : memref<1x128xi32, #tpu.memory_space<vmem>> -> memref<128xi32, #tpu.memory_space<vmem>>
          %dma_start3A_78 = arith.constant 0 : i32
          %dma_start3A_79 = arith.constant 0 : i32
          %dma_start3A_80 = tpu.memref_slice %arg7[%dma_start3A_78, %dma_start3A_79] : memref<10240x64xf32, #tpu.memory_space<vmem_shared>> -> memref<10240x64xf32, #tpu.memory_space<vmem_shared>>
          tpu.enqueue_indirect_dma source(%arg10 : memref<128x64xf32, #tpu.memory_space<vmem>>) target(%dma_start3A_80 : memref<10240x64xf32, #tpu.memory_space<vmem_shared>>) offsets(%dma_start3A_77 : memref<128xi32, #tpu.memory_space<vmem>>) semaphore(%run_scoped3A_74 : memref<!tpu.dma_semaphore, #tpu.memory_space<semaphore_mem>>) {add = true}
          %dma_wait3A_81 = arith.constant 0 : i32
          %dma_wait3A_82 = tpu.memref_slice %arg9[%mul3A_42, %dma_wait3A_81] : memref<114x128xi32, #tpu.memory_space<vmem>> -> memref<1x128xi32, #tpu.memory_space<vmem>>
          %dma_wait3A_83 = tpu.memref_squeeze %dma_wait3A_82 : memref<1x128xi32, #tpu.memory_space<vmem>> -> memref<128xi32, #tpu.memory_space<vmem>>
          %dma_wait3A_84 = arith.constant 0 : i32
          %dma_wait3A_85 = arith.constant 0 : i32
          %dma_wait3A_86 = tpu.memref_slice %arg7[%dma_wait3A_84, %dma_wait3A_85] : memref<10240x64xf32, #tpu.memory_space<vmem_shared>> -> memref<10240x64xf32, #tpu.memory_space<vmem_shared>>
          tpu.wait_indirect_dma semaphore(%run_scoped3A_74 : memref<!tpu.dma_semaphore, #tpu.memory_space<semaphore_mem>>) src(%arg10 : memref<128x64xf32, #tpu.memory_space<vmem>>) dst(%dma_wait3A_86 : memref<10240x64xf32, #tpu.memory_space<vmem_shared>>)
          tpu.yield
        }) : () -> ()
        %add3A = arith.constant 2 : i32
        %add3A_50 = arith.addi %mul3A_42, %add3A : i32
        %dma_start3A_51 = arith.constant 0 : i32
        %dma_start3A_52 = tpu.memref_slice %arg8[%add3A_50, %dma_start3A_51] : memref<114x128xi32, #tpu.memory_space<vmem>> -> memref<1x128xi32, #tpu.memory_space<vmem>>
        %dma_start3A_53 = tpu.memref_squeeze %dma_start3A_52 : memref<1x128xi32, #tpu.memory_space<vmem>> -> memref<128xi32, #tpu.memory_space<vmem>>
        %dma_start3A_54 = arith.constant 0 : i32
        %dma_start3A_55 = arith.constant 0 : i32
        %dma_start3A_56 = tpu.memref_slice %arg2[%dma_start3A_54, %dma_start3A_55] : memref<10000x64xf32, #tpu.memory_space<hbm>> -> memref<10000x64xf32, #tpu.memory_space<hbm>>
        tpu.enqueue_indirect_dma source(%dma_start3A_56 : memref<10000x64xf32, #tpu.memory_space<hbm>>) target(%arg10 : memref<128x64xf32, #tpu.memory_space<vmem>>) offsets(%dma_start3A_53 : memref<128xi32, #tpu.memory_space<vmem>>) semaphore(%arg12 : memref<!tpu.dma_semaphore, #tpu.memory_space<semaphore_mem>>)
        %dma_wait3A_57 = arith.constant 0 : i32
        %dma_wait3A_58 = arith.constant 0 : i32
        %dma_wait3A_59 = tpu.memref_slice %arg8[%dma_wait3A_57, %dma_wait3A_58] : memref<114x128xi32, #tpu.memory_space<vmem>> -> memref<1x128xi32, #tpu.memory_space<vmem>>
        %dma_wait3A_60 = tpu.memref_squeeze %dma_wait3A_59 : memref<1x128xi32, #tpu.memory_space<vmem>> -> memref<128xi32, #tpu.memory_space<vmem>>
        %dma_wait3A_61 = arith.constant 0 : i32
        %dma_wait3A_62 = arith.constant 0 : i32
        %dma_wait3A_63 = tpu.memref_slice %arg2[%dma_wait3A_61, %dma_wait3A_62] : memref<10000x64xf32, #tpu.memory_space<hbm>> -> memref<10000x64xf32, #tpu.memory_space<hbm>>
        tpu.wait_indirect_dma semaphore(%arg13 : memref<!tpu.dma_semaphore, #tpu.memory_space<semaphore_mem>>) src(%dma_wait3A_63 : memref<10000x64xf32, #tpu.memory_space<hbm>>) dst(%arg11 : memref<128x64xf32, #tpu.memory_space<vmem>>)
        %add3A_64 = arith.constant 1 : i32
        %add3A_65 = arith.addi %mul3A_42, %add3A_64 : i32
        "tpu.region"() ({
          %run_scoped3A_74 = tpu.sem_alloc : memref<!tpu.dma_semaphore, #tpu.memory_space<semaphore_mem>>
          %dma_start3A_75 = arith.constant 0 : i32
          %dma_start3A_76 = tpu.memref_slice %arg9[%add3A_65, %dma_start3A_75] : memref<114x128xi32, #tpu.memory_space<vmem>> -> memref<1x128xi32, #tpu.memory_space<vmem>>
          %dma_start3A_77 = tpu.memref_squeeze %dma_start3A_76 : memref<1x128xi32, #tpu.memory_space<vmem>> -> memref<128xi32, #tpu.memory_space<vmem>>
          %dma_start3A_78 = arith.constant 0 : i32
          %dma_start3A_79 = arith.constant 0 : i32
          %dma_start3A_80 = tpu.memref_slice %arg7[%dma_start3A_78, %dma_start3A_79] : memref<10240x64xf32, #tpu.memory_space<vmem_shared>> -> memref<10240x64xf32, #tpu.memory_space<vmem_shared>>
          tpu.enqueue_indirect_dma source(%arg11 : memref<128x64xf32, #tpu.memory_space<vmem>>) target(%dma_start3A_80 : memref<10240x64xf32, #tpu.memory_space<vmem_shared>>) offsets(%dma_start3A_77 : memref<128xi32, #tpu.memory_space<vmem>>) semaphore(%run_scoped3A_74 : memref<!tpu.dma_semaphore, #tpu.memory_space<semaphore_mem>>) {add = true}
          %dma_wait3A_81 = arith.constant 0 : i32
          %dma_wait3A_82 = tpu.memref_slice %arg9[%add3A_65, %dma_wait3A_81] : memref<114x128xi32, #tpu.memory_space<vmem>> -> memref<1x128xi32, #tpu.memory_space<vmem>>
          %dma_wait3A_83 = tpu.memref_squeeze %dma_wait3A_82 : memref<1x128xi32, #tpu.memory_space<vmem>> -> memref<128xi32, #tpu.memory_space<vmem>>
          %dma_wait3A_84 = arith.constant 0 : i32
          %dma_wait3A_85 = arith.constant 0 : i32
          %dma_wait3A_86 = tpu.memref_slice %arg7[%dma_wait3A_84, %dma_wait3A_85] : memref<10240x64xf32, #tpu.memory_space<vmem_shared>> -> memref<10240x64xf32, #tpu.memory_space<vmem_shared>>
          tpu.wait_indirect_dma semaphore(%run_scoped3A_74 : memref<!tpu.dma_semaphore, #tpu.memory_space<semaphore_mem>>) src(%arg11 : memref<128x64xf32, #tpu.memory_space<vmem>>) dst(%dma_wait3A_86 : memref<10240x64xf32, #tpu.memory_space<vmem_shared>>)
          tpu.yield
        }) : () -> ()
        %add3A_66 = arith.constant 3 : i32
        %add3A_67 = arith.addi %mul3A_42, %add3A_66 : i32
        %dma_start3A_68 = arith.constant 0 : i32
        %dma_start3A_69 = tpu.memref_slice %arg8[%add3A_67, %dma_start3A_68] : memref<114x128xi32, #tpu.memory_space<vmem>> -> memref<1x128xi32, #tpu.memory_space<vmem>>
        %dma_start3A_70 = tpu.memref_squeeze %dma_start3A_69 : memref<1x128xi32, #tpu.memory_space<vmem>> -> memref<128xi32, #tpu.memory_space<vmem>>
        %dma_start3A_71 = arith.constant 0 : i32
        %dma_start3A_72 = arith.constant 0 : i32
        %dma_start3A_73 = tpu.memref_slice %arg2[%dma_start3A_71, %dma_start3A_72] : memref<10000x64xf32, #tpu.memory_space<hbm>> -> memref<10000x64xf32, #tpu.memory_space<hbm>>
        tpu.enqueue_indirect_dma source(%dma_start3A_73 : memref<10000x64xf32, #tpu.memory_space<hbm>>) target(%arg11 : memref<128x64xf32, #tpu.memory_space<vmem>>) offsets(%dma_start3A_70 : memref<128xi32, #tpu.memory_space<vmem>>) semaphore(%arg13 : memref<!tpu.dma_semaphore, #tpu.memory_space<semaphore_mem>>)
      }
      %scan3A_25 = arith.constant 56 : i32
      %dma_wait3A = arith.constant 0 : i32
      %dma_wait3A_26 = arith.constant 0 : i32
      %dma_wait3A_27 = tpu.memref_slice %arg8[%dma_wait3A, %dma_wait3A_26] : memref<114x128xi32, #tpu.memory_space<vmem>> -> memref<1x128xi32, #tpu.memory_space<vmem>>
      %dma_wait3A_28 = tpu.memref_squeeze %dma_wait3A_27 : memref<1x128xi32, #tpu.memory_space<vmem>> -> memref<128xi32, #tpu.memory_space<vmem>>
      %dma_wait3A_29 = arith.constant 0 : i32
      %dma_wait3A_30 = arith.constant 0 : i32
      %dma_wait3A_31 = tpu.memref_slice %arg2[%dma_wait3A_29, %dma_wait3A_30] : memref<10000x64xf32, #tpu.memory_space<hbm>> -> memref<10000x64xf32, #tpu.memory_space<hbm>>
      tpu.wait_indirect_dma semaphore(%arg12 : memref<!tpu.dma_semaphore, #tpu.memory_space<semaphore_mem>>) src(%dma_wait3A_31 : memref<10000x64xf32, #tpu.memory_space<hbm>>) dst(%arg10 : memref<128x64xf32, #tpu.memory_space<vmem>>)
      %run_scoped3A = arith.constant 112 : i32
      "tpu.region"() ({
        %run_scoped3A_40 = tpu.sem_alloc : memref<!tpu.dma_semaphore, #tpu.memory_space<semaphore_mem>>
        %dma_start3A_41 = arith.constant 0 : i32
        %dma_start3A_42 = tpu.memref_slice %arg9[%run_scoped3A, %dma_start3A_41] : memref<114x128xi32, #tpu.memory_space<vmem>> -> memref<1x128xi32, #tpu.memory_space<vmem>>
        %dma_start3A_43 = tpu.memref_squeeze %dma_start3A_42 : memref<1x128xi32, #tpu.memory_space<vmem>> -> memref<128xi32, #tpu.memory_space<vmem>>
        %dma_start3A_44 = arith.constant 0 : i32
        %dma_start3A_45 = arith.constant 0 : i32
        %dma_start3A_46 = tpu.memref_slice %arg7[%dma_start3A_44, %dma_start3A_45] : memref<10240x64xf32, #tpu.memory_space<vmem_shared>> -> memref<10240x64xf32, #tpu.memory_space<vmem_shared>>
        tpu.enqueue_indirect_dma source(%arg10 : memref<128x64xf32, #tpu.memory_space<vmem>>) target(%dma_start3A_46 : memref<10240x64xf32, #tpu.memory_space<vmem_shared>>) offsets(%dma_start3A_43 : memref<128xi32, #tpu.memory_space<vmem>>) semaphore(%run_scoped3A_40 : memref<!tpu.dma_semaphore, #tpu.memory_space<semaphore_mem>>) {add = true}
        %dma_wait3A_47 = arith.constant 0 : i32
        %dma_wait3A_48 = tpu.memref_slice %arg9[%run_scoped3A, %dma_wait3A_47] : memref<114x128xi32, #tpu.memory_space<vmem>> -> memref<1x128xi32, #tpu.memory_space<vmem>>
        %dma_wait3A_49 = tpu.memref_squeeze %dma_wait3A_48 : memref<1x128xi32, #tpu.memory_space<vmem>> -> memref<128xi32, #tpu.memory_space<vmem>>
        %dma_wait3A_50 = arith.constant 0 : i32
        %dma_wait3A_51 = arith.constant 0 : i32
        %dma_wait3A_52 = tpu.memref_slice %arg7[%dma_wait3A_50, %dma_wait3A_51] : memref<10240x64xf32, #tpu.memory_space<vmem_shared>> -> memref<10240x64xf32, #tpu.memory_space<vmem_shared>>
        tpu.wait_indirect_dma semaphore(%run_scoped3A_40 : memref<!tpu.dma_semaphore, #tpu.memory_space<semaphore_mem>>) src(%arg10 : memref<128x64xf32, #tpu.memory_space<vmem>>) dst(%dma_wait3A_52 : memref<10240x64xf32, #tpu.memory_space<vmem_shared>>)
        tpu.yield
      }) : () -> ()
      %dma_wait3A_32 = arith.constant 0 : i32
      %dma_wait3A_33 = arith.constant 0 : i32
      %dma_wait3A_34 = tpu.memref_slice %arg8[%dma_wait3A_32, %dma_wait3A_33] : memref<114x128xi32, #tpu.memory_space<vmem>> -> memref<1x128xi32, #tpu.memory_space<vmem>>
      %dma_wait3A_35 = tpu.memref_squeeze %dma_wait3A_34 : memref<1x128xi32, #tpu.memory_space<vmem>> -> memref<128xi32, #tpu.memory_space<vmem>>
      %dma_wait3A_36 = arith.constant 0 : i32
      %dma_wait3A_37 = arith.constant 0 : i32
      %dma_wait3A_38 = tpu.memref_slice %arg2[%dma_wait3A_36, %dma_wait3A_37] : memref<10000x64xf32, #tpu.memory_space<hbm>> -> memref<10000x64xf32, #tpu.memory_space<hbm>>
      tpu.wait_indirect_dma semaphore(%arg13 : memref<!tpu.dma_semaphore, #tpu.memory_space<semaphore_mem>>) src(%dma_wait3A_38 : memref<10000x64xf32, #tpu.memory_space<hbm>>) dst(%arg11 : memref<128x64xf32, #tpu.memory_space<vmem>>)
      %run_scoped3A_39 = arith.constant 113 : i32
      "tpu.region"() ({
        %run_scoped3A_40 = tpu.sem_alloc : memref<!tpu.dma_semaphore, #tpu.memory_space<semaphore_mem>>
        %dma_start3A_41 = arith.constant 0 : i32
        %dma_start3A_42 = tpu.memref_slice %arg9[%run_scoped3A_39, %dma_start3A_41] : memref<114x128xi32, #tpu.memory_space<vmem>> -> memref<1x128xi32, #tpu.memory_space<vmem>>
        %dma_start3A_43 = tpu.memref_squeeze %dma_start3A_42 : memref<1x128xi32, #tpu.memory_space<vmem>> -> memref<128xi32, #tpu.memory_space<vmem>>
        %dma_start3A_44 = arith.constant 0 : i32
        %dma_start3A_45 = arith.constant 0 : i32
        %dma_start3A_46 = tpu.memref_slice %arg7[%dma_start3A_44, %dma_start3A_45] : memref<10240x64xf32, #tpu.memory_space<vmem_shared>> -> memref<10240x64xf32, #tpu.memory_space<vmem_shared>>
        tpu.enqueue_indirect_dma source(%arg11 : memref<128x64xf32, #tpu.memory_space<vmem>>) target(%dma_start3A_46 : memref<10240x64xf32, #tpu.memory_space<vmem_shared>>) offsets(%dma_start3A_43 : memref<128xi32, #tpu.memory_space<vmem>>) semaphore(%run_scoped3A_40 : memref<!tpu.dma_semaphore, #tpu.memory_space<semaphore_mem>>) {add = true}
        %dma_wait3A_47 = arith.constant 0 : i32
        %dma_wait3A_48 = tpu.memref_slice %arg9[%run_scoped3A_39, %dma_wait3A_47] : memref<114x128xi32, #tpu.memory_space<vmem>> -> memref<1x128xi32, #tpu.memory_space<vmem>>
        %dma_wait3A_49 = tpu.memref_squeeze %dma_wait3A_48 : memref<1x128xi32, #tpu.memory_space<vmem>> -> memref<128xi32, #tpu.memory_space<vmem>>
        %dma_wait3A_50 = arith.constant 0 : i32
        %dma_wait3A_51 = arith.constant 0 : i32
        %dma_wait3A_52 = tpu.memref_slice %arg7[%dma_wait3A_50, %dma_wait3A_51] : memref<10240x64xf32, #tpu.memory_space<vmem_shared>> -> memref<10240x64xf32, #tpu.memory_space<vmem_shared>>
        tpu.wait_indirect_dma semaphore(%run_scoped3A_40 : memref<!tpu.dma_semaphore, #tpu.memory_space<semaphore_mem>>) src(%arg11 : memref<128x64xf32, #tpu.memory_space<vmem>>) dst(%dma_wait3A_52 : memref<10240x64xf32, #tpu.memory_space<vmem_shared>>)
        tpu.yield
      }) : () -> ()
    } else {
    }
    %ne3A = arith.constant 0 : i32
    %ne3A_3 = arith.cmpi ne, %arg0, %ne3A : i32
    %convert_element_type3A_4 = arith.extui %ne3A_3 : i1 to i32
    %cond3A_5 = arith.constant 0 : i32
    %cond3A_6 = arith.cmpi ne, %convert_element_type3A_4, %cond3A_5 : i32
    scf.if %cond3A_6 {
      %dma_start3A = arith.constant 0 : i32
      %dma_start3A_8 = arith.constant 0 : i32
      %dma_start3A_9 = tpu.memref_slice %arg8[%dma_start3A, %dma_start3A_8] : memref<114x128xi32, #tpu.memory_space<vmem>> -> memref<1x128xi32, #tpu.memory_space<vmem>>
      %dma_start3A_10 = tpu.memref_squeeze %dma_start3A_9 : memref<1x128xi32, #tpu.memory_space<vmem>> -> memref<128xi32, #tpu.memory_space<vmem>>
      %dma_start3A_11 = arith.constant 0 : i32
      %dma_start3A_12 = arith.constant 0 : i32
      %dma_start3A_13 = tpu.memref_slice %arg2[%dma_start3A_11, %dma_start3A_12] : memref<10000x64xf32, #tpu.memory_space<hbm>> -> memref<10000x64xf32, #tpu.memory_space<hbm>>
      tpu.enqueue_indirect_dma source(%dma_start3A_13 : memref<10000x64xf32, #tpu.memory_space<hbm>>) target(%arg10 : memref<128x64xf32, #tpu.memory_space<vmem>>) offsets(%dma_start3A_10 : memref<128xi32, #tpu.memory_space<vmem>>) semaphore(%arg12 : memref<!tpu.dma_semaphore, #tpu.memory_space<semaphore_mem>>)
      %dma_start3A_14 = arith.constant 1 : i32
      %dma_start3A_15 = arith.constant 0 : i32
      %dma_start3A_16 = tpu.memref_slice %arg8[%dma_start3A_14, %dma_start3A_15] : memref<114x128xi32, #tpu.memory_space<vmem>> -> memref<1x128xi32, #tpu.memory_space<vmem>>
      %dma_start3A_17 = tpu.memref_squeeze %dma_start3A_16 : memref<1x128xi32, #tpu.memory_space<vmem>> -> memref<128xi32, #tpu.memory_space<vmem>>
      %dma_start3A_18 = arith.constant 0 : i32
      %dma_start3A_19 = arith.constant 0 : i32
      %dma_start3A_20 = tpu.memref_slice %arg2[%dma_start3A_18, %dma_start3A_19] : memref<10000x64xf32, #tpu.memory_space<hbm>> -> memref<10000x64xf32, #tpu.memory_space<hbm>>
      tpu.enqueue_indirect_dma source(%dma_start3A_20 : memref<10000x64xf32, #tpu.memory_space<hbm>>) target(%arg11 : memref<128x64xf32, #tpu.memory_space<vmem>>) offsets(%dma_start3A_17 : memref<128xi32, #tpu.memory_space<vmem>>) semaphore(%arg13 : memref<!tpu.dma_semaphore, #tpu.memory_space<semaphore_mem>>)
      %scan3A = arith.constant 0 : i32
      %scan3A_21 = arith.constant 0 : i32
      %scan3A_22 = arith.constant 21 : i32
      %scan3A_23 = arith.addi %scan3A_21, %scan3A_22 : i32
      %scan3A_24 = arith.constant 1 : i32
      scf.for %scan3A_40 = %scan3A_21 to %scan3A_23 step %scan3A_24  : i32 {
        %mul3A_41 = arith.constant 2 : i32
        %mul3A_42 = arith.muli %mul3A_41, %scan3A_40 : i32
        %dma_wait3A_43 = arith.constant 0 : i32
        %dma_wait3A_44 = arith.constant 0 : i32
        %dma_wait3A_45 = tpu.memref_slice %arg8[%dma_wait3A_43, %dma_wait3A_44] : memref<114x128xi32, #tpu.memory_space<vmem>> -> memref<1x128xi32, #tpu.memory_space<vmem>>
        %dma_wait3A_46 = tpu.memref_squeeze %dma_wait3A_45 : memref<1x128xi32, #tpu.memory_space<vmem>> -> memref<128xi32, #tpu.memory_space<vmem>>
        %dma_wait3A_47 = arith.constant 0 : i32
        %dma_wait3A_48 = arith.constant 0 : i32
        %dma_wait3A_49 = tpu.memref_slice %arg2[%dma_wait3A_47, %dma_wait3A_48] : memref<10000x64xf32, #tpu.memory_space<hbm>> -> memref<10000x64xf32, #tpu.memory_space<hbm>>
        tpu.wait_indirect_dma semaphore(%arg12 : memref<!tpu.dma_semaphore, #tpu.memory_space<semaphore_mem>>) src(%dma_wait3A_49 : memref<10000x64xf32, #tpu.memory_space<hbm>>) dst(%arg10 : memref<128x64xf32, #tpu.memory_space<vmem>>)
        "tpu.region"() ({
          %run_scoped3A_74 = tpu.sem_alloc : memref<!tpu.dma_semaphore, #tpu.memory_space<semaphore_mem>>
          %dma_start3A_75 = arith.constant 0 : i32
          %dma_start3A_76 = tpu.memref_slice %arg9[%mul3A_42, %dma_start3A_75] : memref<114x128xi32, #tpu.memory_space<vmem>> -> memref<1x128xi32, #tpu.memory_space<vmem>>
          %dma_start3A_77 = tpu.memref_squeeze %dma_start3A_76 : memref<1x128xi32, #tpu.memory_space<vmem>> -> memref<128xi32, #tpu.memory_space<vmem>>
          %dma_start3A_78 = arith.constant 0 : i32
          %dma_start3A_79 = arith.constant 0 : i32
          %dma_start3A_80 = tpu.memref_slice %arg7[%dma_start3A_78, %dma_start3A_79] : memref<10240x64xf32, #tpu.memory_space<vmem_shared>> -> memref<10240x64xf32, #tpu.memory_space<vmem_shared>>
          tpu.enqueue_indirect_dma source(%arg10 : memref<128x64xf32, #tpu.memory_space<vmem>>) target(%dma_start3A_80 : memref<10240x64xf32, #tpu.memory_space<vmem_shared>>) offsets(%dma_start3A_77 : memref<128xi32, #tpu.memory_space<vmem>>) semaphore(%run_scoped3A_74 : memref<!tpu.dma_semaphore, #tpu.memory_space<semaphore_mem>>) {add = true}
          %dma_wait3A_81 = arith.constant 0 : i32
          %dma_wait3A_82 = tpu.memref_slice %arg9[%mul3A_42, %dma_wait3A_81] : memref<114x128xi32, #tpu.memory_space<vmem>> -> memref<1x128xi32, #tpu.memory_space<vmem>>
          %dma_wait3A_83 = tpu.memref_squeeze %dma_wait3A_82 : memref<1x128xi32, #tpu.memory_space<vmem>> -> memref<128xi32, #tpu.memory_space<vmem>>
          %dma_wait3A_84 = arith.constant 0 : i32
          %dma_wait3A_85 = arith.constant 0 : i32
          %dma_wait3A_86 = tpu.memref_slice %arg7[%dma_wait3A_84, %dma_wait3A_85] : memref<10240x64xf32, #tpu.memory_space<vmem_shared>> -> memref<10240x64xf32, #tpu.memory_space<vmem_shared>>
          tpu.wait_indirect_dma semaphore(%run_scoped3A_74 : memref<!tpu.dma_semaphore, #tpu.memory_space<semaphore_mem>>) src(%arg10 : memref<128x64xf32, #tpu.memory_space<vmem>>) dst(%dma_wait3A_86 : memref<10240x64xf32, #tpu.memory_space<vmem_shared>>)
          tpu.yield
        }) : () -> ()
        %add3A = arith.constant 2 : i32
        %add3A_50 = arith.addi %mul3A_42, %add3A : i32
        %dma_start3A_51 = arith.constant 0 : i32
        %dma_start3A_52 = tpu.memref_slice %arg8[%add3A_50, %dma_start3A_51] : memref<114x128xi32, #tpu.memory_space<vmem>> -> memref<1x128xi32, #tpu.memory_space<vmem>>
        %dma_start3A_53 = tpu.memref_squeeze %dma_start3A_52 : memref<1x128xi32, #tpu.memory_space<vmem>> -> memref<128xi32, #tpu.memory_space<vmem>>
        %dma_start3A_54 = arith.constant 0 : i32
        %dma_start3A_55 = arith.constant 0 : i32
        %dma_start3A_56 = tpu.memref_slice %arg2[%dma_start3A_54, %dma_start3A_55] : memref<10000x64xf32, #tpu.memory_space<hbm>> -> memref<10000x64xf32, #tpu.memory_space<hbm>>
        tpu.enqueue_indirect_dma source(%dma_start3A_56 : memref<10000x64xf32, #tpu.memory_space<hbm>>) target(%arg10 : memref<128x64xf32, #tpu.memory_space<vmem>>) offsets(%dma_start3A_53 : memref<128xi32, #tpu.memory_space<vmem>>) semaphore(%arg12 : memref<!tpu.dma_semaphore, #tpu.memory_space<semaphore_mem>>)
        %dma_wait3A_57 = arith.constant 0 : i32
        %dma_wait3A_58 = arith.constant 0 : i32
        %dma_wait3A_59 = tpu.memref_slice %arg8[%dma_wait3A_57, %dma_wait3A_58] : memref<114x128xi32, #tpu.memory_space<vmem>> -> memref<1x128xi32, #tpu.memory_space<vmem>>
        %dma_wait3A_60 = tpu.memref_squeeze %dma_wait3A_59 : memref<1x128xi32, #tpu.memory_space<vmem>> -> memref<128xi32, #tpu.memory_space<vmem>>
        %dma_wait3A_61 = arith.constant 0 : i32
        %dma_wait3A_62 = arith.constant 0 : i32
        %dma_wait3A_63 = tpu.memref_slice %arg2[%dma_wait3A_61, %dma_wait3A_62] : memref<10000x64xf32, #tpu.memory_space<hbm>> -> memref<10000x64xf32, #tpu.memory_space<hbm>>
        tpu.wait_indirect_dma semaphore(%arg13 : memref<!tpu.dma_semaphore, #tpu.memory_space<semaphore_mem>>) src(%dma_wait3A_63 : memref<10000x64xf32, #tpu.memory_space<hbm>>) dst(%arg11 : memref<128x64xf32, #tpu.memory_space<vmem>>)
        %add3A_64 = arith.constant 1 : i32
        %add3A_65 = arith.addi %mul3A_42, %add3A_64 : i32
        "tpu.region"() ({
          %run_scoped3A_74 = tpu.sem_alloc : memref<!tpu.dma_semaphore, #tpu.memory_space<semaphore_mem>>
          %dma_start3A_75 = arith.constant 0 : i32
          %dma_start3A_76 = tpu.memref_slice %arg9[%add3A_65, %dma_start3A_75] : memref<114x128xi32, #tpu.memory_space<vmem>> -> memref<1x128xi32, #tpu.memory_space<vmem>>
          %dma_start3A_77 = tpu.memref_squeeze %dma_start3A_76 : memref<1x128xi32, #tpu.memory_space<vmem>> -> memref<128xi32, #tpu.memory_space<vmem>>
          %dma_start3A_78 = arith.constant 0 : i32
          %dma_start3A_79 = arith.constant 0 : i32
          %dma_start3A_80 = tpu.memref_slice %arg7[%dma_start3A_78, %dma_start3A_79] : memref<10240x64xf32, #tpu.memory_space<vmem_shared>> -> memref<10240x64xf32, #tpu.memory_space<vmem_shared>>
          tpu.enqueue_indirect_dma source(%arg11 : memref<128x64xf32, #tpu.memory_space<vmem>>) target(%dma_start3A_80 : memref<10240x64xf32, #tpu.memory_space<vmem_shared>>) offsets(%dma_start3A_77 : memref<128xi32, #tpu.memory_space<vmem>>) semaphore(%run_scoped3A_74 : memref<!tpu.dma_semaphore, #tpu.memory_space<semaphore_mem>>) {add = true}
          %dma_wait3A_81 = arith.constant 0 : i32
          %dma_wait3A_82 = tpu.memref_slice %arg9[%add3A_65, %dma_wait3A_81] : memref<114x128xi32, #tpu.memory_space<vmem>> -> memref<1x128xi32, #tpu.memory_space<vmem>>
          %dma_wait3A_83 = tpu.memref_squeeze %dma_wait3A_82 : memref<1x128xi32, #tpu.memory_space<vmem>> -> memref<128xi32, #tpu.memory_space<vmem>>
          %dma_wait3A_84 = arith.constant 0 : i32
          %dma_wait3A_85 = arith.constant 0 : i32
          %dma_wait3A_86 = tpu.memref_slice %arg7[%dma_wait3A_84, %dma_wait3A_85] : memref<10240x64xf32, #tpu.memory_space<vmem_shared>> -> memref<10240x64xf32, #tpu.memory_space<vmem_shared>>
          tpu.wait_indirect_dma semaphore(%run_scoped3A_74 : memref<!tpu.dma_semaphore, #tpu.memory_space<semaphore_mem>>) src(%arg11 : memref<128x64xf32, #tpu.memory_space<vmem>>) dst(%dma_wait3A_86 : memref<10240x64xf32, #tpu.memory_space<vmem_shared>>)
          tpu.yield
        }) : () -> ()
        %add3A_66 = arith.constant 3 : i32
        %add3A_67 = arith.addi %mul3A_42, %add3A_66 : i32
        %dma_start3A_68 = arith.constant 0 : i32
        %dma_start3A_69 = tpu.memref_slice %arg8[%add3A_67, %dma_start3A_68] : memref<114x128xi32, #tpu.memory_space<vmem>> -> memref<1x128xi32, #tpu.memory_space<vmem>>
        %dma_start3A_70 = tpu.memref_squeeze %dma_start3A_69 : memref<1x128xi32, #tpu.memory_space<vmem>> -> memref<128xi32, #tpu.memory_space<vmem>>
        %dma_start3A_71 = arith.constant 0 : i32
        %dma_start3A_72 = arith.constant 0 : i32
        %dma_start3A_73 = tpu.memref_slice %arg2[%dma_start3A_71, %dma_start3A_72] : memref<10000x64xf32, #tpu.memory_space<hbm>> -> memref<10000x64xf32, #tpu.memory_space<hbm>>
        tpu.enqueue_indirect_dma source(%dma_start3A_73 : memref<10000x64xf32, #tpu.memory_space<hbm>>) target(%arg11 : memref<128x64xf32, #tpu.memory_space<vmem>>) offsets(%dma_start3A_70 : memref<128xi32, #tpu.memory_space<vmem>>) semaphore(%arg13 : memref<!tpu.dma_semaphore, #tpu.memory_space<semaphore_mem>>)
      }
      %scan3A_25 = arith.constant 21 : i32
      %dma_wait3A = arith.constant 0 : i32
      %dma_wait3A_26 = arith.constant 0 : i32
      %dma_wait3A_27 = tpu.memref_slice %arg8[%dma_wait3A, %dma_wait3A_26] : memref<114x128xi32, #tpu.memory_space<vmem>> -> memref<1x128xi32, #tpu.memory_space<vmem>>
      %dma_wait3A_28 = tpu.memref_squeeze %dma_wait3A_27 : memref<1x128xi32, #tpu.memory_space<vmem>> -> memref<128xi32, #tpu.memory_space<vmem>>
      %dma_wait3A_29 = arith.constant 0 : i32
      %dma_wait3A_30 = arith.constant 0 : i32
      %dma_wait3A_31 = tpu.memref_slice %arg2[%dma_wait3A_29, %dma_wait3A_30] : memref<10000x64xf32, #tpu.memory_space<hbm>> -> memref<10000x64xf32, #tpu.memory_space<hbm>>
      tpu.wait_indirect_dma semaphore(%arg12 : memref<!tpu.dma_semaphore, #tpu.memory_space<semaphore_mem>>) src(%dma_wait3A_31 : memref<10000x64xf32, #tpu.memory_space<hbm>>) dst(%arg10 : memref<128x64xf32, #tpu.memory_space<vmem>>)
      %run_scoped3A = arith.constant 42 : i32
      "tpu.region"() ({
        %run_scoped3A_40 = tpu.sem_alloc : memref<!tpu.dma_semaphore, #tpu.memory_space<semaphore_mem>>
        %dma_start3A_41 = arith.constant 0 : i32
        %dma_start3A_42 = tpu.memref_slice %arg9[%run_scoped3A, %dma_start3A_41] : memref<114x128xi32, #tpu.memory_space<vmem>> -> memref<1x128xi32, #tpu.memory_space<vmem>>
        %dma_start3A_43 = tpu.memref_squeeze %dma_start3A_42 : memref<1x128xi32, #tpu.memory_space<vmem>> -> memref<128xi32, #tpu.memory_space<vmem>>
        %dma_start3A_44 = arith.constant 0 : i32
        %dma_start3A_45 = arith.constant 0 : i32
        %dma_start3A_46 = tpu.memref_slice %arg7[%dma_start3A_44, %dma_start3A_45] : memref<10240x64xf32, #tpu.memory_space<vmem_shared>> -> memref<10240x64xf32, #tpu.memory_space<vmem_shared>>
        tpu.enqueue_indirect_dma source(%arg10 : memref<128x64xf32, #tpu.memory_space<vmem>>) target(%dma_start3A_46 : memref<10240x64xf32, #tpu.memory_space<vmem_shared>>) offsets(%dma_start3A_43 : memref<128xi32, #tpu.memory_space<vmem>>) semaphore(%run_scoped3A_40 : memref<!tpu.dma_semaphore, #tpu.memory_space<semaphore_mem>>) {add = true}
        %dma_wait3A_47 = arith.constant 0 : i32
        %dma_wait3A_48 = tpu.memref_slice %arg9[%run_scoped3A, %dma_wait3A_47] : memref<114x128xi32, #tpu.memory_space<vmem>> -> memref<1x128xi32, #tpu.memory_space<vmem>>
        %dma_wait3A_49 = tpu.memref_squeeze %dma_wait3A_48 : memref<1x128xi32, #tpu.memory_space<vmem>> -> memref<128xi32, #tpu.memory_space<vmem>>
        %dma_wait3A_50 = arith.constant 0 : i32
        %dma_wait3A_51 = arith.constant 0 : i32
        %dma_wait3A_52 = tpu.memref_slice %arg7[%dma_wait3A_50, %dma_wait3A_51] : memref<10240x64xf32, #tpu.memory_space<vmem_shared>> -> memref<10240x64xf32, #tpu.memory_space<vmem_shared>>
        tpu.wait_indirect_dma semaphore(%run_scoped3A_40 : memref<!tpu.dma_semaphore, #tpu.memory_space<semaphore_mem>>) src(%arg10 : memref<128x64xf32, #tpu.memory_space<vmem>>) dst(%dma_wait3A_52 : memref<10240x64xf32, #tpu.memory_space<vmem_shared>>)
        tpu.yield
      }) : () -> ()
      %dma_wait3A_32 = arith.constant 0 : i32
      %dma_wait3A_33 = arith.constant 0 : i32
      %dma_wait3A_34 = tpu.memref_slice %arg8[%dma_wait3A_32, %dma_wait3A_33] : memref<114x128xi32, #tpu.memory_space<vmem>> -> memref<1x128xi32, #tpu.memory_space<vmem>>
      %dma_wait3A_35 = tpu.memref_squeeze %dma_wait3A_34 : memref<1x128xi32, #tpu.memory_space<vmem>> -> memref<128xi32, #tpu.memory_space<vmem>>
      %dma_wait3A_36 = arith.constant 0 : i32
      %dma_wait3A_37 = arith.constant 0 : i32
      %dma_wait3A_38 = tpu.memref_slice %arg2[%dma_wait3A_36, %dma_wait3A_37] : memref<10000x64xf32, #tpu.memory_space<hbm>> -> memref<10000x64xf32, #tpu.memory_space<hbm>>
      tpu.wait_indirect_dma semaphore(%arg13 : memref<!tpu.dma_semaphore, #tpu.memory_space<semaphore_mem>>) src(%dma_wait3A_38 : memref<10000x64xf32, #tpu.memory_space<hbm>>) dst(%arg11 : memref<128x64xf32, #tpu.memory_space<vmem>>)
      %run_scoped3A_39 = arith.constant 43 : i32
      "tpu.region"() ({
        %run_scoped3A_40 = tpu.sem_alloc : memref<!tpu.dma_semaphore, #tpu.memory_space<semaphore_mem>>
        %dma_start3A_41 = arith.constant 0 : i32
        %dma_start3A_42 = tpu.memref_slice %arg9[%run_scoped3A_39, %dma_start3A_41] : memref<114x128xi32, #tpu.memory_space<vmem>> -> memref<1x128xi32, #tpu.memory_space<vmem>>
        %dma_start3A_43 = tpu.memref_squeeze %dma_start3A_42 : memref<1x128xi32, #tpu.memory_space<vmem>> -> memref<128xi32, #tpu.memory_space<vmem>>
        %dma_start3A_44 = arith.constant 0 : i32
        %dma_start3A_45 = arith.constant 0 : i32
        %dma_start3A_46 = tpu.memref_slice %arg7[%dma_start3A_44, %dma_start3A_45] : memref<10240x64xf32, #tpu.memory_space<vmem_shared>> -> memref<10240x64xf32, #tpu.memory_space<vmem_shared>>
        tpu.enqueue_indirect_dma source(%arg11 : memref<128x64xf32, #tpu.memory_space<vmem>>) target(%dma_start3A_46 : memref<10240x64xf32, #tpu.memory_space<vmem_shared>>) offsets(%dma_start3A_43 : memref<128xi32, #tpu.memory_space<vmem>>) semaphore(%run_scoped3A_40 : memref<!tpu.dma_semaphore, #tpu.memory_space<semaphore_mem>>) {add = true}
        %dma_wait3A_47 = arith.constant 0 : i32
        %dma_wait3A_48 = tpu.memref_slice %arg9[%run_scoped3A_39, %dma_wait3A_47] : memref<114x128xi32, #tpu.memory_space<vmem>> -> memref<1x128xi32, #tpu.memory_space<vmem>>
        %dma_wait3A_49 = tpu.memref_squeeze %dma_wait3A_48 : memref<1x128xi32, #tpu.memory_space<vmem>> -> memref<128xi32, #tpu.memory_space<vmem>>
        %dma_wait3A_50 = arith.constant 0 : i32
        %dma_wait3A_51 = arith.constant 0 : i32
        %dma_wait3A_52 = tpu.memref_slice %arg7[%dma_wait3A_50, %dma_wait3A_51] : memref<10240x64xf32, #tpu.memory_space<vmem_shared>> -> memref<10240x64xf32, #tpu.memory_space<vmem_shared>>
        tpu.wait_indirect_dma semaphore(%run_scoped3A_40 : memref<!tpu.dma_semaphore, #tpu.memory_space<semaphore_mem>>) src(%arg11 : memref<128x64xf32, #tpu.memory_space<vmem>>) dst(%dma_wait3A_52 : memref<10240x64xf32, #tpu.memory_space<vmem_shared>>)
        tpu.yield
      }) : () -> ()
    } else {
    }
    %barrier3A_7 = arith.constant 0 : index
    tpu.barrier barrier_id(%barrier3A_7)
    "tpu.region"() ({
      %run_scoped3A = tpu.sem_alloc : memref<!tpu.dma_semaphore, #tpu.memory_space<semaphore_mem>>
      %dma_start3A = arith.constant 0 : i32
      %dma_start3A_8 = tpu.memref_slice %arg6[%arg0, %mul3A_0, %dma_start3A] : memref<2x10240x64xf32, #tpu.memory_space<hbm>> -> memref<1x640x64xf32, #tpu.memory_space<hbm>>
      %dma_start3A_9 = tpu.memref_squeeze %dma_start3A_8 : memref<1x640x64xf32, #tpu.memory_space<hbm>> -> memref<640x64xf32, #tpu.memory_space<hbm>>
      %dma_start3A_10 = arith.constant 0 : i32
      %dma_start3A_11 = tpu.memref_slice %arg7[%mul3A_0, %dma_start3A_10] : memref<10240x64xf32, #tpu.memory_space<vmem_shared>> -> memref<640x64xf32, #tpu.memory_space<vmem_shared>>
      tpu.enqueue_dma source(%dma_start3A_11 : memref<640x64xf32, #tpu.memory_space<vmem_shared>>) target(%dma_start3A_9 : memref<640x64xf32, #tpu.memory_space<hbm>>) target_semaphore(%run_scoped3A : memref<!tpu.dma_semaphore, #tpu.memory_space<semaphore_mem>>)
      %dma_wait3A = arith.constant 0 : i32
      %dma_wait3A_12 = tpu.memref_slice %arg6[%arg0, %mul3A_0, %dma_wait3A] : memref<2x10240x64xf32, #tpu.memory_space<hbm>> -> memref<1x640x64xf32, #tpu.memory_space<hbm>>
      %dma_wait3A_13 = tpu.memref_squeeze %dma_wait3A_12 : memref<1x640x64xf32, #tpu.memory_space<hbm>> -> memref<640x64xf32, #tpu.memory_space<hbm>>
      %dma_wait3A_14 = arith.constant 0 : i32
      %dma_wait3A_15 = tpu.memref_slice %arg7[%mul3A_0, %dma_wait3A_14] : memref<10240x64xf32, #tpu.memory_space<vmem_shared>> -> memref<640x64xf32, #tpu.memory_space<vmem_shared>>
      tpu.wait_dma2 semaphore(%run_scoped3A : memref<!tpu.dma_semaphore, #tpu.memory_space<semaphore_mem>>) src(%dma_wait3A_15 : memref<640x64xf32, #tpu.memory_space<vmem_shared>>) dst(%dma_wait3A_13 : memref<640x64xf32, #tpu.memory_space<hbm>>)
      tpu.yield
    }) : () -> ()
    return
  }
}

#map = affine_map<(d0, d1) -> (0, 0)>
#map1 = affine_map<(d0, d1) -> (0, 0, 0, 0)>
#map2 = affine_map<(d0, d1) -> (0, 0, 0)>
module attributes {stable_mosaic.version = 14 : i64} {
  func.func @seg(%arg0: i32, %arg1: i32, %arg2: memref<10000x128xf32, #tpu.memory_space<hbm>>, %arg3: memref<2x16x228x64xi32, #tpu.memory_space<hbm>>, %arg4: memref<2x16x228x64xi32, #tpu.memory_space<hbm>>, %arg5: memref<10240x128xf32, #tpu.memory_space<hbm>>, %arg6: memref<2x10240x128xf32, #tpu.memory_space<hbm>>, %arg7: memref<10240x128xf32, #tpu.memory_space<vmem_shared>>, %arg8: memref<228x64xi32, #tpu.memory_space<vmem>>, %arg9: memref<228x64xi32, #tpu.memory_space<vmem>>, %arg10: memref<64x128xf32, #tpu.memory_space<vmem>>, %arg11: memref<64x128xf32, #tpu.memory_space<vmem>>, %arg12: memref<!tpu.dma_semaphore, #tpu.memory_space<semaphore_mem>>, %arg13: memref<!tpu.dma_semaphore, #tpu.memory_space<semaphore_mem>>) attributes {dimension_semantics = [#tpu.dimension_semantics<core_parallel>, #tpu.dimension_semantics<subcore_parallel>], iteration_bounds = array<i64: 2, 16>, scalar_prefetch = 0 : i64, scratch_operands = 7 : i64, tpu.core_type = #tpu.core_type<sc_vector_subcore>, window_params = [{transform_indices = #map}, {transform_indices = #map1}, {transform_indices = #map1}, {transform_indices = #map}, {transform_indices = #map2}]} {
    %mul3A = arith.constant 640 : i32
    %mul3A_0 = arith.muli %arg1, %mul3A : i32
    "tpu.region"() ({
      %run_scoped3A = tpu.sem_alloc : memref<!tpu.dma_semaphore, #tpu.memory_space<semaphore_mem>>
      %dma_start3A = arith.constant 0 : i32
      %dma_start3A_8 = tpu.memref_slice %arg7[%mul3A_0, %dma_start3A] : memref<10240x128xf32, #tpu.memory_space<vmem_shared>> -> memref<640x128xf32, #tpu.memory_space<vmem_shared>>
      %dma_start3A_9 = arith.constant 0 : i32
      %dma_start3A_10 = tpu.memref_slice %arg5[%mul3A_0, %dma_start3A_9] : memref<10240x128xf32, #tpu.memory_space<hbm>> -> memref<640x128xf32, #tpu.memory_space<hbm>>
      tpu.enqueue_dma source(%dma_start3A_10 : memref<640x128xf32, #tpu.memory_space<hbm>>) target(%dma_start3A_8 : memref<640x128xf32, #tpu.memory_space<vmem_shared>>) target_semaphore(%run_scoped3A : memref<!tpu.dma_semaphore, #tpu.memory_space<semaphore_mem>>)
      %dma_wait3A = arith.constant 0 : i32
      %dma_wait3A_11 = tpu.memref_slice %arg7[%mul3A_0, %dma_wait3A] : memref<10240x128xf32, #tpu.memory_space<vmem_shared>> -> memref<640x128xf32, #tpu.memory_space<vmem_shared>>
      %dma_wait3A_12 = arith.constant 0 : i32
      %dma_wait3A_13 = tpu.memref_slice %arg5[%mul3A_0, %dma_wait3A_12] : memref<10240x128xf32, #tpu.memory_space<hbm>> -> memref<640x128xf32, #tpu.memory_space<hbm>>
      tpu.wait_dma2 semaphore(%run_scoped3A : memref<!tpu.dma_semaphore, #tpu.memory_space<semaphore_mem>>) src(%dma_wait3A_13 : memref<640x128xf32, #tpu.memory_space<hbm>>) dst(%dma_wait3A_11 : memref<640x128xf32, #tpu.memory_space<vmem_shared>>)
      tpu.yield
    }) : () -> ()
    "tpu.region"() ({
      %run_scoped3A = tpu.sem_alloc : memref<!tpu.dma_semaphore, #tpu.memory_space<semaphore_mem>>
      %dma_start3A = arith.constant 0 : i32
      %dma_start3A_8 = arith.constant 0 : i32
      %dma_start3A_9 = tpu.memref_slice %arg3[%arg0, %arg1, %dma_start3A, %dma_start3A_8] : memref<2x16x228x64xi32, #tpu.memory_space<hbm>> -> memref<1x1x228x64xi32, #tpu.memory_space<hbm>>
      %dma_start3A_10 = tpu.memref_squeeze %dma_start3A_9 : memref<1x1x228x64xi32, #tpu.memory_space<hbm>> -> memref<228x64xi32, #tpu.memory_space<hbm>>
      %dma_start3A_11 = arith.constant 0 : i32
      %dma_start3A_12 = arith.constant 0 : i32
      %dma_start3A_13 = tpu.memref_slice %arg3[%arg0, %arg1, %dma_start3A_11, %dma_start3A_12] : memref<2x16x228x64xi32, #tpu.memory_space<hbm>> -> memref<1x1x228x64xi32, #tpu.memory_space<hbm>>
      %dma_start3A_14 = tpu.memref_squeeze %dma_start3A_13 : memref<1x1x228x64xi32, #tpu.memory_space<hbm>> -> memref<228x64xi32, #tpu.memory_space<hbm>>
      tpu.enqueue_dma source(%dma_start3A_14 : memref<228x64xi32, #tpu.memory_space<hbm>>) target(%arg8 : memref<228x64xi32, #tpu.memory_space<vmem>>) target_semaphore(%run_scoped3A : memref<!tpu.dma_semaphore, #tpu.memory_space<semaphore_mem>>)
      %dma_wait3A = arith.constant 0 : i32
      %dma_wait3A_15 = arith.constant 0 : i32
      %dma_wait3A_16 = tpu.memref_slice %arg3[%arg0, %arg1, %dma_wait3A, %dma_wait3A_15] : memref<2x16x228x64xi32, #tpu.memory_space<hbm>> -> memref<1x1x228x64xi32, #tpu.memory_space<hbm>>
      %dma_wait3A_17 = tpu.memref_squeeze %dma_wait3A_16 : memref<1x1x228x64xi32, #tpu.memory_space<hbm>> -> memref<228x64xi32, #tpu.memory_space<hbm>>
      %dma_wait3A_18 = arith.constant 0 : i32
      %dma_wait3A_19 = arith.constant 0 : i32
      %dma_wait3A_20 = tpu.memref_slice %arg3[%arg0, %arg1, %dma_wait3A_18, %dma_wait3A_19] : memref<2x16x228x64xi32, #tpu.memory_space<hbm>> -> memref<1x1x228x64xi32, #tpu.memory_space<hbm>>
      %dma_wait3A_21 = tpu.memref_squeeze %dma_wait3A_20 : memref<1x1x228x64xi32, #tpu.memory_space<hbm>> -> memref<228x64xi32, #tpu.memory_space<hbm>>
      tpu.wait_dma2 semaphore(%run_scoped3A : memref<!tpu.dma_semaphore, #tpu.memory_space<semaphore_mem>>) src(%dma_wait3A_21 : memref<228x64xi32, #tpu.memory_space<hbm>>) dst(%arg8 : memref<228x64xi32, #tpu.memory_space<vmem>>)
      tpu.yield
    }) : () -> ()
    "tpu.region"() ({
      %run_scoped3A = tpu.sem_alloc : memref<!tpu.dma_semaphore, #tpu.memory_space<semaphore_mem>>
      %dma_start3A = arith.constant 0 : i32
      %dma_start3A_8 = arith.constant 0 : i32
      %dma_start3A_9 = tpu.memref_slice %arg4[%arg0, %arg1, %dma_start3A, %dma_start3A_8] : memref<2x16x228x64xi32, #tpu.memory_space<hbm>> -> memref<1x1x228x64xi32, #tpu.memory_space<hbm>>
      %dma_start3A_10 = tpu.memref_squeeze %dma_start3A_9 : memref<1x1x228x64xi32, #tpu.memory_space<hbm>> -> memref<228x64xi32, #tpu.memory_space<hbm>>
      %dma_start3A_11 = arith.constant 0 : i32
      %dma_start3A_12 = arith.constant 0 : i32
      %dma_start3A_13 = tpu.memref_slice %arg4[%arg0, %arg1, %dma_start3A_11, %dma_start3A_12] : memref<2x16x228x64xi32, #tpu.memory_space<hbm>> -> memref<1x1x228x64xi32, #tpu.memory_space<hbm>>
      %dma_start3A_14 = tpu.memref_squeeze %dma_start3A_13 : memref<1x1x228x64xi32, #tpu.memory_space<hbm>> -> memref<228x64xi32, #tpu.memory_space<hbm>>
      tpu.enqueue_dma source(%dma_start3A_14 : memref<228x64xi32, #tpu.memory_space<hbm>>) target(%arg9 : memref<228x64xi32, #tpu.memory_space<vmem>>) target_semaphore(%run_scoped3A : memref<!tpu.dma_semaphore, #tpu.memory_space<semaphore_mem>>)
      %dma_wait3A = arith.constant 0 : i32
      %dma_wait3A_15 = arith.constant 0 : i32
      %dma_wait3A_16 = tpu.memref_slice %arg4[%arg0, %arg1, %dma_wait3A, %dma_wait3A_15] : memref<2x16x228x64xi32, #tpu.memory_space<hbm>> -> memref<1x1x228x64xi32, #tpu.memory_space<hbm>>
      %dma_wait3A_17 = tpu.memref_squeeze %dma_wait3A_16 : memref<1x1x228x64xi32, #tpu.memory_space<hbm>> -> memref<228x64xi32, #tpu.memory_space<hbm>>
      %dma_wait3A_18 = arith.constant 0 : i32
      %dma_wait3A_19 = arith.constant 0 : i32
      %dma_wait3A_20 = tpu.memref_slice %arg4[%arg0, %arg1, %dma_wait3A_18, %dma_wait3A_19] : memref<2x16x228x64xi32, #tpu.memory_space<hbm>> -> memref<1x1x228x64xi32, #tpu.memory_space<hbm>>
      %dma_wait3A_21 = tpu.memref_squeeze %dma_wait3A_20 : memref<1x1x228x64xi32, #tpu.memory_space<hbm>> -> memref<228x64xi32, #tpu.memory_space<hbm>>
      tpu.wait_dma2 semaphore(%run_scoped3A : memref<!tpu.dma_semaphore, #tpu.memory_space<semaphore_mem>>) src(%dma_wait3A_21 : memref<228x64xi32, #tpu.memory_space<hbm>>) dst(%arg9 : memref<228x64xi32, #tpu.memory_space<vmem>>)
      tpu.yield
    }) : () -> ()
    %barrier3A = arith.constant 0 : index
    tpu.barrier barrier_id(%barrier3A)
    %eq3A = arith.constant 0 : i32
    %eq3A_1 = arith.cmpi eq, %arg0, %eq3A : i32
    %convert_element_type3A = arith.extui %eq3A_1 : i1 to i32
    %cond3A = arith.constant 0 : i32
    %cond3A_2 = arith.cmpi ne, %convert_element_type3A, %cond3A : i32
    scf.if %cond3A_2 {
      %dma_start3A = arith.constant 0 : i32
      %dma_start3A_8 = arith.constant 0 : i32
      %dma_start3A_9 = tpu.memref_slice %arg8[%dma_start3A, %dma_start3A_8] : memref<228x64xi32, #tpu.memory_space<vmem>> -> memref<1x64xi32, #tpu.memory_space<vmem>>
      %dma_start3A_10 = tpu.memref_squeeze %dma_start3A_9 : memref<1x64xi32, #tpu.memory_space<vmem>> -> memref<64xi32, #tpu.memory_space<vmem>>
      %dma_start3A_11 = arith.constant 0 : i32
      %dma_start3A_12 = arith.constant 0 : i32
      %dma_start3A_13 = tpu.memref_slice %arg2[%dma_start3A_11, %dma_start3A_12] : memref<10000x128xf32, #tpu.memory_space<hbm>> -> memref<10000x128xf32, #tpu.memory_space<hbm>>
      tpu.enqueue_indirect_dma source(%dma_start3A_13 : memref<10000x128xf32, #tpu.memory_space<hbm>>) target(%arg10 : memref<64x128xf32, #tpu.memory_space<vmem>>) offsets(%dma_start3A_10 : memref<64xi32, #tpu.memory_space<vmem>>) semaphore(%arg12 : memref<!tpu.dma_semaphore, #tpu.memory_space<semaphore_mem>>)
      %dma_start3A_14 = arith.constant 1 : i32
      %dma_start3A_15 = arith.constant 0 : i32
      %dma_start3A_16 = tpu.memref_slice %arg8[%dma_start3A_14, %dma_start3A_15] : memref<228x64xi32, #tpu.memory_space<vmem>> -> memref<1x64xi32, #tpu.memory_space<vmem>>
      %dma_start3A_17 = tpu.memref_squeeze %dma_start3A_16 : memref<1x64xi32, #tpu.memory_space<vmem>> -> memref<64xi32, #tpu.memory_space<vmem>>
      %dma_start3A_18 = arith.constant 0 : i32
      %dma_start3A_19 = arith.constant 0 : i32
      %dma_start3A_20 = tpu.memref_slice %arg2[%dma_start3A_18, %dma_start3A_19] : memref<10000x128xf32, #tpu.memory_space<hbm>> -> memref<10000x128xf32, #tpu.memory_space<hbm>>
      tpu.enqueue_indirect_dma source(%dma_start3A_20 : memref<10000x128xf32, #tpu.memory_space<hbm>>) target(%arg11 : memref<64x128xf32, #tpu.memory_space<vmem>>) offsets(%dma_start3A_17 : memref<64xi32, #tpu.memory_space<vmem>>) semaphore(%arg13 : memref<!tpu.dma_semaphore, #tpu.memory_space<semaphore_mem>>)
      %scan3A = arith.constant 0 : i32
      %scan3A_21 = arith.constant 0 : i32
      %scan3A_22 = arith.constant 113 : i32
      %scan3A_23 = arith.addi %scan3A_21, %scan3A_22 : i32
      %scan3A_24 = arith.constant 1 : i32
      scf.for %scan3A_40 = %scan3A_21 to %scan3A_23 step %scan3A_24  : i32 {
        %mul3A_41 = arith.constant 2 : i32
        %mul3A_42 = arith.muli %mul3A_41, %scan3A_40 : i32
        %dma_wait3A_43 = arith.constant 0 : i32
        %dma_wait3A_44 = arith.constant 0 : i32
        %dma_wait3A_45 = tpu.memref_slice %arg8[%dma_wait3A_43, %dma_wait3A_44] : memref<228x64xi32, #tpu.memory_space<vmem>> -> memref<1x64xi32, #tpu.memory_space<vmem>>
        %dma_wait3A_46 = tpu.memref_squeeze %dma_wait3A_45 : memref<1x64xi32, #tpu.memory_space<vmem>> -> memref<64xi32, #tpu.memory_space<vmem>>
        %dma_wait3A_47 = arith.constant 0 : i32
        %dma_wait3A_48 = arith.constant 0 : i32
        %dma_wait3A_49 = tpu.memref_slice %arg2[%dma_wait3A_47, %dma_wait3A_48] : memref<10000x128xf32, #tpu.memory_space<hbm>> -> memref<10000x128xf32, #tpu.memory_space<hbm>>
        tpu.wait_indirect_dma semaphore(%arg12 : memref<!tpu.dma_semaphore, #tpu.memory_space<semaphore_mem>>) src(%dma_wait3A_49 : memref<10000x128xf32, #tpu.memory_space<hbm>>) dst(%arg10 : memref<64x128xf32, #tpu.memory_space<vmem>>)
        "tpu.region"() ({
          %run_scoped3A_74 = tpu.sem_alloc : memref<!tpu.dma_semaphore, #tpu.memory_space<semaphore_mem>>
          %dma_start3A_75 = arith.constant 0 : i32
          %dma_start3A_76 = tpu.memref_slice %arg9[%mul3A_42, %dma_start3A_75] : memref<228x64xi32, #tpu.memory_space<vmem>> -> memref<1x64xi32, #tpu.memory_space<vmem>>
          %dma_start3A_77 = tpu.memref_squeeze %dma_start3A_76 : memref<1x64xi32, #tpu.memory_space<vmem>> -> memref<64xi32, #tpu.memory_space<vmem>>
          %dma_start3A_78 = arith.constant 0 : i32
          %dma_start3A_79 = arith.constant 0 : i32
          %dma_start3A_80 = tpu.memref_slice %arg7[%dma_start3A_78, %dma_start3A_79] : memref<10240x128xf32, #tpu.memory_space<vmem_shared>> -> memref<10240x128xf32, #tpu.memory_space<vmem_shared>>
          tpu.enqueue_indirect_dma source(%arg10 : memref<64x128xf32, #tpu.memory_space<vmem>>) target(%dma_start3A_80 : memref<10240x128xf32, #tpu.memory_space<vmem_shared>>) offsets(%dma_start3A_77 : memref<64xi32, #tpu.memory_space<vmem>>) semaphore(%run_scoped3A_74 : memref<!tpu.dma_semaphore, #tpu.memory_space<semaphore_mem>>) {add = true}
          %dma_wait3A_81 = arith.constant 0 : i32
          %dma_wait3A_82 = tpu.memref_slice %arg9[%mul3A_42, %dma_wait3A_81] : memref<228x64xi32, #tpu.memory_space<vmem>> -> memref<1x64xi32, #tpu.memory_space<vmem>>
          %dma_wait3A_83 = tpu.memref_squeeze %dma_wait3A_82 : memref<1x64xi32, #tpu.memory_space<vmem>> -> memref<64xi32, #tpu.memory_space<vmem>>
          %dma_wait3A_84 = arith.constant 0 : i32
          %dma_wait3A_85 = arith.constant 0 : i32
          %dma_wait3A_86 = tpu.memref_slice %arg7[%dma_wait3A_84, %dma_wait3A_85] : memref<10240x128xf32, #tpu.memory_space<vmem_shared>> -> memref<10240x128xf32, #tpu.memory_space<vmem_shared>>
          tpu.wait_indirect_dma semaphore(%run_scoped3A_74 : memref<!tpu.dma_semaphore, #tpu.memory_space<semaphore_mem>>) src(%arg10 : memref<64x128xf32, #tpu.memory_space<vmem>>) dst(%dma_wait3A_86 : memref<10240x128xf32, #tpu.memory_space<vmem_shared>>)
          tpu.yield
        }) : () -> ()
        %add3A = arith.constant 2 : i32
        %add3A_50 = arith.addi %mul3A_42, %add3A : i32
        %dma_start3A_51 = arith.constant 0 : i32
        %dma_start3A_52 = tpu.memref_slice %arg8[%add3A_50, %dma_start3A_51] : memref<228x64xi32, #tpu.memory_space<vmem>> -> memref<1x64xi32, #tpu.memory_space<vmem>>
        %dma_start3A_53 = tpu.memref_squeeze %dma_start3A_52 : memref<1x64xi32, #tpu.memory_space<vmem>> -> memref<64xi32, #tpu.memory_space<vmem>>
        %dma_start3A_54 = arith.constant 0 : i32
        %dma_start3A_55 = arith.constant 0 : i32
        %dma_start3A_56 = tpu.memref_slice %arg2[%dma_start3A_54, %dma_start3A_55] : memref<10000x128xf32, #tpu.memory_space<hbm>> -> memref<10000x128xf32, #tpu.memory_space<hbm>>
        tpu.enqueue_indirect_dma source(%dma_start3A_56 : memref<10000x128xf32, #tpu.memory_space<hbm>>) target(%arg10 : memref<64x128xf32, #tpu.memory_space<vmem>>) offsets(%dma_start3A_53 : memref<64xi32, #tpu.memory_space<vmem>>) semaphore(%arg12 : memref<!tpu.dma_semaphore, #tpu.memory_space<semaphore_mem>>)
        %dma_wait3A_57 = arith.constant 0 : i32
        %dma_wait3A_58 = arith.constant 0 : i32
        %dma_wait3A_59 = tpu.memref_slice %arg8[%dma_wait3A_57, %dma_wait3A_58] : memref<228x64xi32, #tpu.memory_space<vmem>> -> memref<1x64xi32, #tpu.memory_space<vmem>>
        %dma_wait3A_60 = tpu.memref_squeeze %dma_wait3A_59 : memref<1x64xi32, #tpu.memory_space<vmem>> -> memref<64xi32, #tpu.memory_space<vmem>>
        %dma_wait3A_61 = arith.constant 0 : i32
        %dma_wait3A_62 = arith.constant 0 : i32
        %dma_wait3A_63 = tpu.memref_slice %arg2[%dma_wait3A_61, %dma_wait3A_62] : memref<10000x128xf32, #tpu.memory_space<hbm>> -> memref<10000x128xf32, #tpu.memory_space<hbm>>
        tpu.wait_indirect_dma semaphore(%arg13 : memref<!tpu.dma_semaphore, #tpu.memory_space<semaphore_mem>>) src(%dma_wait3A_63 : memref<10000x128xf32, #tpu.memory_space<hbm>>) dst(%arg11 : memref<64x128xf32, #tpu.memory_space<vmem>>)
        %add3A_64 = arith.constant 1 : i32
        %add3A_65 = arith.addi %mul3A_42, %add3A_64 : i32
        "tpu.region"() ({
          %run_scoped3A_74 = tpu.sem_alloc : memref<!tpu.dma_semaphore, #tpu.memory_space<semaphore_mem>>
          %dma_start3A_75 = arith.constant 0 : i32
          %dma_start3A_76 = tpu.memref_slice %arg9[%add3A_65, %dma_start3A_75] : memref<228x64xi32, #tpu.memory_space<vmem>> -> memref<1x64xi32, #tpu.memory_space<vmem>>
          %dma_start3A_77 = tpu.memref_squeeze %dma_start3A_76 : memref<1x64xi32, #tpu.memory_space<vmem>> -> memref<64xi32, #tpu.memory_space<vmem>>
          %dma_start3A_78 = arith.constant 0 : i32
          %dma_start3A_79 = arith.constant 0 : i32
          %dma_start3A_80 = tpu.memref_slice %arg7[%dma_start3A_78, %dma_start3A_79] : memref<10240x128xf32, #tpu.memory_space<vmem_shared>> -> memref<10240x128xf32, #tpu.memory_space<vmem_shared>>
          tpu.enqueue_indirect_dma source(%arg11 : memref<64x128xf32, #tpu.memory_space<vmem>>) target(%dma_start3A_80 : memref<10240x128xf32, #tpu.memory_space<vmem_shared>>) offsets(%dma_start3A_77 : memref<64xi32, #tpu.memory_space<vmem>>) semaphore(%run_scoped3A_74 : memref<!tpu.dma_semaphore, #tpu.memory_space<semaphore_mem>>) {add = true}
          %dma_wait3A_81 = arith.constant 0 : i32
          %dma_wait3A_82 = tpu.memref_slice %arg9[%add3A_65, %dma_wait3A_81] : memref<228x64xi32, #tpu.memory_space<vmem>> -> memref<1x64xi32, #tpu.memory_space<vmem>>
          %dma_wait3A_83 = tpu.memref_squeeze %dma_wait3A_82 : memref<1x64xi32, #tpu.memory_space<vmem>> -> memref<64xi32, #tpu.memory_space<vmem>>
          %dma_wait3A_84 = arith.constant 0 : i32
          %dma_wait3A_85 = arith.constant 0 : i32
          %dma_wait3A_86 = tpu.memref_slice %arg7[%dma_wait3A_84, %dma_wait3A_85] : memref<10240x128xf32, #tpu.memory_space<vmem_shared>> -> memref<10240x128xf32, #tpu.memory_space<vmem_shared>>
          tpu.wait_indirect_dma semaphore(%run_scoped3A_74 : memref<!tpu.dma_semaphore, #tpu.memory_space<semaphore_mem>>) src(%arg11 : memref<64x128xf32, #tpu.memory_space<vmem>>) dst(%dma_wait3A_86 : memref<10240x128xf32, #tpu.memory_space<vmem_shared>>)
          tpu.yield
        }) : () -> ()
        %add3A_66 = arith.constant 3 : i32
        %add3A_67 = arith.addi %mul3A_42, %add3A_66 : i32
        %dma_start3A_68 = arith.constant 0 : i32
        %dma_start3A_69 = tpu.memref_slice %arg8[%add3A_67, %dma_start3A_68] : memref<228x64xi32, #tpu.memory_space<vmem>> -> memref<1x64xi32, #tpu.memory_space<vmem>>
        %dma_start3A_70 = tpu.memref_squeeze %dma_start3A_69 : memref<1x64xi32, #tpu.memory_space<vmem>> -> memref<64xi32, #tpu.memory_space<vmem>>
        %dma_start3A_71 = arith.constant 0 : i32
        %dma_start3A_72 = arith.constant 0 : i32
        %dma_start3A_73 = tpu.memref_slice %arg2[%dma_start3A_71, %dma_start3A_72] : memref<10000x128xf32, #tpu.memory_space<hbm>> -> memref<10000x128xf32, #tpu.memory_space<hbm>>
        tpu.enqueue_indirect_dma source(%dma_start3A_73 : memref<10000x128xf32, #tpu.memory_space<hbm>>) target(%arg11 : memref<64x128xf32, #tpu.memory_space<vmem>>) offsets(%dma_start3A_70 : memref<64xi32, #tpu.memory_space<vmem>>) semaphore(%arg13 : memref<!tpu.dma_semaphore, #tpu.memory_space<semaphore_mem>>)
      }
      %scan3A_25 = arith.constant 113 : i32
      %dma_wait3A = arith.constant 0 : i32
      %dma_wait3A_26 = arith.constant 0 : i32
      %dma_wait3A_27 = tpu.memref_slice %arg8[%dma_wait3A, %dma_wait3A_26] : memref<228x64xi32, #tpu.memory_space<vmem>> -> memref<1x64xi32, #tpu.memory_space<vmem>>
      %dma_wait3A_28 = tpu.memref_squeeze %dma_wait3A_27 : memref<1x64xi32, #tpu.memory_space<vmem>> -> memref<64xi32, #tpu.memory_space<vmem>>
      %dma_wait3A_29 = arith.constant 0 : i32
      %dma_wait3A_30 = arith.constant 0 : i32
      %dma_wait3A_31 = tpu.memref_slice %arg2[%dma_wait3A_29, %dma_wait3A_30] : memref<10000x128xf32, #tpu.memory_space<hbm>> -> memref<10000x128xf32, #tpu.memory_space<hbm>>
      tpu.wait_indirect_dma semaphore(%arg12 : memref<!tpu.dma_semaphore, #tpu.memory_space<semaphore_mem>>) src(%dma_wait3A_31 : memref<10000x128xf32, #tpu.memory_space<hbm>>) dst(%arg10 : memref<64x128xf32, #tpu.memory_space<vmem>>)
      %run_scoped3A = arith.constant 226 : i32
      "tpu.region"() ({
        %run_scoped3A_40 = tpu.sem_alloc : memref<!tpu.dma_semaphore, #tpu.memory_space<semaphore_mem>>
        %dma_start3A_41 = arith.constant 0 : i32
        %dma_start3A_42 = tpu.memref_slice %arg9[%run_scoped3A, %dma_start3A_41] : memref<228x64xi32, #tpu.memory_space<vmem>> -> memref<1x64xi32, #tpu.memory_space<vmem>>
        %dma_start3A_43 = tpu.memref_squeeze %dma_start3A_42 : memref<1x64xi32, #tpu.memory_space<vmem>> -> memref<64xi32, #tpu.memory_space<vmem>>
        %dma_start3A_44 = arith.constant 0 : i32
        %dma_start3A_45 = arith.constant 0 : i32
        %dma_start3A_46 = tpu.memref_slice %arg7[%dma_start3A_44, %dma_start3A_45] : memref<10240x128xf32, #tpu.memory_space<vmem_shared>> -> memref<10240x128xf32, #tpu.memory_space<vmem_shared>>
        tpu.enqueue_indirect_dma source(%arg10 : memref<64x128xf32, #tpu.memory_space<vmem>>) target(%dma_start3A_46 : memref<10240x128xf32, #tpu.memory_space<vmem_shared>>) offsets(%dma_start3A_43 : memref<64xi32, #tpu.memory_space<vmem>>) semaphore(%run_scoped3A_40 : memref<!tpu.dma_semaphore, #tpu.memory_space<semaphore_mem>>) {add = true}
        %dma_wait3A_47 = arith.constant 0 : i32
        %dma_wait3A_48 = tpu.memref_slice %arg9[%run_scoped3A, %dma_wait3A_47] : memref<228x64xi32, #tpu.memory_space<vmem>> -> memref<1x64xi32, #tpu.memory_space<vmem>>
        %dma_wait3A_49 = tpu.memref_squeeze %dma_wait3A_48 : memref<1x64xi32, #tpu.memory_space<vmem>> -> memref<64xi32, #tpu.memory_space<vmem>>
        %dma_wait3A_50 = arith.constant 0 : i32
        %dma_wait3A_51 = arith.constant 0 : i32
        %dma_wait3A_52 = tpu.memref_slice %arg7[%dma_wait3A_50, %dma_wait3A_51] : memref<10240x128xf32, #tpu.memory_space<vmem_shared>> -> memref<10240x128xf32, #tpu.memory_space<vmem_shared>>
        tpu.wait_indirect_dma semaphore(%run_scoped3A_40 : memref<!tpu.dma_semaphore, #tpu.memory_space<semaphore_mem>>) src(%arg10 : memref<64x128xf32, #tpu.memory_space<vmem>>) dst(%dma_wait3A_52 : memref<10240x128xf32, #tpu.memory_space<vmem_shared>>)
        tpu.yield
      }) : () -> ()
      %dma_wait3A_32 = arith.constant 0 : i32
      %dma_wait3A_33 = arith.constant 0 : i32
      %dma_wait3A_34 = tpu.memref_slice %arg8[%dma_wait3A_32, %dma_wait3A_33] : memref<228x64xi32, #tpu.memory_space<vmem>> -> memref<1x64xi32, #tpu.memory_space<vmem>>
      %dma_wait3A_35 = tpu.memref_squeeze %dma_wait3A_34 : memref<1x64xi32, #tpu.memory_space<vmem>> -> memref<64xi32, #tpu.memory_space<vmem>>
      %dma_wait3A_36 = arith.constant 0 : i32
      %dma_wait3A_37 = arith.constant 0 : i32
      %dma_wait3A_38 = tpu.memref_slice %arg2[%dma_wait3A_36, %dma_wait3A_37] : memref<10000x128xf32, #tpu.memory_space<hbm>> -> memref<10000x128xf32, #tpu.memory_space<hbm>>
      tpu.wait_indirect_dma semaphore(%arg13 : memref<!tpu.dma_semaphore, #tpu.memory_space<semaphore_mem>>) src(%dma_wait3A_38 : memref<10000x128xf32, #tpu.memory_space<hbm>>) dst(%arg11 : memref<64x128xf32, #tpu.memory_space<vmem>>)
      %run_scoped3A_39 = arith.constant 227 : i32
      "tpu.region"() ({
        %run_scoped3A_40 = tpu.sem_alloc : memref<!tpu.dma_semaphore, #tpu.memory_space<semaphore_mem>>
        %dma_start3A_41 = arith.constant 0 : i32
        %dma_start3A_42 = tpu.memref_slice %arg9[%run_scoped3A_39, %dma_start3A_41] : memref<228x64xi32, #tpu.memory_space<vmem>> -> memref<1x64xi32, #tpu.memory_space<vmem>>
        %dma_start3A_43 = tpu.memref_squeeze %dma_start3A_42 : memref<1x64xi32, #tpu.memory_space<vmem>> -> memref<64xi32, #tpu.memory_space<vmem>>
        %dma_start3A_44 = arith.constant 0 : i32
        %dma_start3A_45 = arith.constant 0 : i32
        %dma_start3A_46 = tpu.memref_slice %arg7[%dma_start3A_44, %dma_start3A_45] : memref<10240x128xf32, #tpu.memory_space<vmem_shared>> -> memref<10240x128xf32, #tpu.memory_space<vmem_shared>>
        tpu.enqueue_indirect_dma source(%arg11 : memref<64x128xf32, #tpu.memory_space<vmem>>) target(%dma_start3A_46 : memref<10240x128xf32, #tpu.memory_space<vmem_shared>>) offsets(%dma_start3A_43 : memref<64xi32, #tpu.memory_space<vmem>>) semaphore(%run_scoped3A_40 : memref<!tpu.dma_semaphore, #tpu.memory_space<semaphore_mem>>) {add = true}
        %dma_wait3A_47 = arith.constant 0 : i32
        %dma_wait3A_48 = tpu.memref_slice %arg9[%run_scoped3A_39, %dma_wait3A_47] : memref<228x64xi32, #tpu.memory_space<vmem>> -> memref<1x64xi32, #tpu.memory_space<vmem>>
        %dma_wait3A_49 = tpu.memref_squeeze %dma_wait3A_48 : memref<1x64xi32, #tpu.memory_space<vmem>> -> memref<64xi32, #tpu.memory_space<vmem>>
        %dma_wait3A_50 = arith.constant 0 : i32
        %dma_wait3A_51 = arith.constant 0 : i32
        %dma_wait3A_52 = tpu.memref_slice %arg7[%dma_wait3A_50, %dma_wait3A_51] : memref<10240x128xf32, #tpu.memory_space<vmem_shared>> -> memref<10240x128xf32, #tpu.memory_space<vmem_shared>>
        tpu.wait_indirect_dma semaphore(%run_scoped3A_40 : memref<!tpu.dma_semaphore, #tpu.memory_space<semaphore_mem>>) src(%arg11 : memref<64x128xf32, #tpu.memory_space<vmem>>) dst(%dma_wait3A_52 : memref<10240x128xf32, #tpu.memory_space<vmem_shared>>)
        tpu.yield
      }) : () -> ()
    } else {
    }
    %ne3A = arith.constant 0 : i32
    %ne3A_3 = arith.cmpi ne, %arg0, %ne3A : i32
    %convert_element_type3A_4 = arith.extui %ne3A_3 : i1 to i32
    %cond3A_5 = arith.constant 0 : i32
    %cond3A_6 = arith.cmpi ne, %convert_element_type3A_4, %cond3A_5 : i32
    scf.if %cond3A_6 {
      %dma_start3A = arith.constant 0 : i32
      %dma_start3A_8 = arith.constant 0 : i32
      %dma_start3A_9 = tpu.memref_slice %arg8[%dma_start3A, %dma_start3A_8] : memref<228x64xi32, #tpu.memory_space<vmem>> -> memref<1x64xi32, #tpu.memory_space<vmem>>
      %dma_start3A_10 = tpu.memref_squeeze %dma_start3A_9 : memref<1x64xi32, #tpu.memory_space<vmem>> -> memref<64xi32, #tpu.memory_space<vmem>>
      %dma_start3A_11 = arith.constant 0 : i32
      %dma_start3A_12 = arith.constant 0 : i32
      %dma_start3A_13 = tpu.memref_slice %arg2[%dma_start3A_11, %dma_start3A_12] : memref<10000x128xf32, #tpu.memory_space<hbm>> -> memref<10000x128xf32, #tpu.memory_space<hbm>>
      tpu.enqueue_indirect_dma source(%dma_start3A_13 : memref<10000x128xf32, #tpu.memory_space<hbm>>) target(%arg10 : memref<64x128xf32, #tpu.memory_space<vmem>>) offsets(%dma_start3A_10 : memref<64xi32, #tpu.memory_space<vmem>>) semaphore(%arg12 : memref<!tpu.dma_semaphore, #tpu.memory_space<semaphore_mem>>)
      %dma_start3A_14 = arith.constant 1 : i32
      %dma_start3A_15 = arith.constant 0 : i32
      %dma_start3A_16 = tpu.memref_slice %arg8[%dma_start3A_14, %dma_start3A_15] : memref<228x64xi32, #tpu.memory_space<vmem>> -> memref<1x64xi32, #tpu.memory_space<vmem>>
      %dma_start3A_17 = tpu.memref_squeeze %dma_start3A_16 : memref<1x64xi32, #tpu.memory_space<vmem>> -> memref<64xi32, #tpu.memory_space<vmem>>
      %dma_start3A_18 = arith.constant 0 : i32
      %dma_start3A_19 = arith.constant 0 : i32
      %dma_start3A_20 = tpu.memref_slice %arg2[%dma_start3A_18, %dma_start3A_19] : memref<10000x128xf32, #tpu.memory_space<hbm>> -> memref<10000x128xf32, #tpu.memory_space<hbm>>
      tpu.enqueue_indirect_dma source(%dma_start3A_20 : memref<10000x128xf32, #tpu.memory_space<hbm>>) target(%arg11 : memref<64x128xf32, #tpu.memory_space<vmem>>) offsets(%dma_start3A_17 : memref<64xi32, #tpu.memory_space<vmem>>) semaphore(%arg13 : memref<!tpu.dma_semaphore, #tpu.memory_space<semaphore_mem>>)
      %scan3A = arith.constant 0 : i32
      %scan3A_21 = arith.constant 0 : i32
      %scan3A_22 = arith.constant 43 : i32
      %scan3A_23 = arith.addi %scan3A_21, %scan3A_22 : i32
      %scan3A_24 = arith.constant 1 : i32
      scf.for %scan3A_40 = %scan3A_21 to %scan3A_23 step %scan3A_24  : i32 {
        %mul3A_41 = arith.constant 2 : i32
        %mul3A_42 = arith.muli %mul3A_41, %scan3A_40 : i32
        %dma_wait3A_43 = arith.constant 0 : i32
        %dma_wait3A_44 = arith.constant 0 : i32
        %dma_wait3A_45 = tpu.memref_slice %arg8[%dma_wait3A_43, %dma_wait3A_44] : memref<228x64xi32, #tpu.memory_space<vmem>> -> memref<1x64xi32, #tpu.memory_space<vmem>>
        %dma_wait3A_46 = tpu.memref_squeeze %dma_wait3A_45 : memref<1x64xi32, #tpu.memory_space<vmem>> -> memref<64xi32, #tpu.memory_space<vmem>>
        %dma_wait3A_47 = arith.constant 0 : i32
        %dma_wait3A_48 = arith.constant 0 : i32
        %dma_wait3A_49 = tpu.memref_slice %arg2[%dma_wait3A_47, %dma_wait3A_48] : memref<10000x128xf32, #tpu.memory_space<hbm>> -> memref<10000x128xf32, #tpu.memory_space<hbm>>
        tpu.wait_indirect_dma semaphore(%arg12 : memref<!tpu.dma_semaphore, #tpu.memory_space<semaphore_mem>>) src(%dma_wait3A_49 : memref<10000x128xf32, #tpu.memory_space<hbm>>) dst(%arg10 : memref<64x128xf32, #tpu.memory_space<vmem>>)
        "tpu.region"() ({
          %run_scoped3A_74 = tpu.sem_alloc : memref<!tpu.dma_semaphore, #tpu.memory_space<semaphore_mem>>
          %dma_start3A_75 = arith.constant 0 : i32
          %dma_start3A_76 = tpu.memref_slice %arg9[%mul3A_42, %dma_start3A_75] : memref<228x64xi32, #tpu.memory_space<vmem>> -> memref<1x64xi32, #tpu.memory_space<vmem>>
          %dma_start3A_77 = tpu.memref_squeeze %dma_start3A_76 : memref<1x64xi32, #tpu.memory_space<vmem>> -> memref<64xi32, #tpu.memory_space<vmem>>
          %dma_start3A_78 = arith.constant 0 : i32
          %dma_start3A_79 = arith.constant 0 : i32
          %dma_start3A_80 = tpu.memref_slice %arg7[%dma_start3A_78, %dma_start3A_79] : memref<10240x128xf32, #tpu.memory_space<vmem_shared>> -> memref<10240x128xf32, #tpu.memory_space<vmem_shared>>
          tpu.enqueue_indirect_dma source(%arg10 : memref<64x128xf32, #tpu.memory_space<vmem>>) target(%dma_start3A_80 : memref<10240x128xf32, #tpu.memory_space<vmem_shared>>) offsets(%dma_start3A_77 : memref<64xi32, #tpu.memory_space<vmem>>) semaphore(%run_scoped3A_74 : memref<!tpu.dma_semaphore, #tpu.memory_space<semaphore_mem>>) {add = true}
          %dma_wait3A_81 = arith.constant 0 : i32
          %dma_wait3A_82 = tpu.memref_slice %arg9[%mul3A_42, %dma_wait3A_81] : memref<228x64xi32, #tpu.memory_space<vmem>> -> memref<1x64xi32, #tpu.memory_space<vmem>>
          %dma_wait3A_83 = tpu.memref_squeeze %dma_wait3A_82 : memref<1x64xi32, #tpu.memory_space<vmem>> -> memref<64xi32, #tpu.memory_space<vmem>>
          %dma_wait3A_84 = arith.constant 0 : i32
          %dma_wait3A_85 = arith.constant 0 : i32
          %dma_wait3A_86 = tpu.memref_slice %arg7[%dma_wait3A_84, %dma_wait3A_85] : memref<10240x128xf32, #tpu.memory_space<vmem_shared>> -> memref<10240x128xf32, #tpu.memory_space<vmem_shared>>
          tpu.wait_indirect_dma semaphore(%run_scoped3A_74 : memref<!tpu.dma_semaphore, #tpu.memory_space<semaphore_mem>>) src(%arg10 : memref<64x128xf32, #tpu.memory_space<vmem>>) dst(%dma_wait3A_86 : memref<10240x128xf32, #tpu.memory_space<vmem_shared>>)
          tpu.yield
        }) : () -> ()
        %add3A = arith.constant 2 : i32
        %add3A_50 = arith.addi %mul3A_42, %add3A : i32
        %dma_start3A_51 = arith.constant 0 : i32
        %dma_start3A_52 = tpu.memref_slice %arg8[%add3A_50, %dma_start3A_51] : memref<228x64xi32, #tpu.memory_space<vmem>> -> memref<1x64xi32, #tpu.memory_space<vmem>>
        %dma_start3A_53 = tpu.memref_squeeze %dma_start3A_52 : memref<1x64xi32, #tpu.memory_space<vmem>> -> memref<64xi32, #tpu.memory_space<vmem>>
        %dma_start3A_54 = arith.constant 0 : i32
        %dma_start3A_55 = arith.constant 0 : i32
        %dma_start3A_56 = tpu.memref_slice %arg2[%dma_start3A_54, %dma_start3A_55] : memref<10000x128xf32, #tpu.memory_space<hbm>> -> memref<10000x128xf32, #tpu.memory_space<hbm>>
        tpu.enqueue_indirect_dma source(%dma_start3A_56 : memref<10000x128xf32, #tpu.memory_space<hbm>>) target(%arg10 : memref<64x128xf32, #tpu.memory_space<vmem>>) offsets(%dma_start3A_53 : memref<64xi32, #tpu.memory_space<vmem>>) semaphore(%arg12 : memref<!tpu.dma_semaphore, #tpu.memory_space<semaphore_mem>>)
        %dma_wait3A_57 = arith.constant 0 : i32
        %dma_wait3A_58 = arith.constant 0 : i32
        %dma_wait3A_59 = tpu.memref_slice %arg8[%dma_wait3A_57, %dma_wait3A_58] : memref<228x64xi32, #tpu.memory_space<vmem>> -> memref<1x64xi32, #tpu.memory_space<vmem>>
        %dma_wait3A_60 = tpu.memref_squeeze %dma_wait3A_59 : memref<1x64xi32, #tpu.memory_space<vmem>> -> memref<64xi32, #tpu.memory_space<vmem>>
        %dma_wait3A_61 = arith.constant 0 : i32
        %dma_wait3A_62 = arith.constant 0 : i32
        %dma_wait3A_63 = tpu.memref_slice %arg2[%dma_wait3A_61, %dma_wait3A_62] : memref<10000x128xf32, #tpu.memory_space<hbm>> -> memref<10000x128xf32, #tpu.memory_space<hbm>>
        tpu.wait_indirect_dma semaphore(%arg13 : memref<!tpu.dma_semaphore, #tpu.memory_space<semaphore_mem>>) src(%dma_wait3A_63 : memref<10000x128xf32, #tpu.memory_space<hbm>>) dst(%arg11 : memref<64x128xf32, #tpu.memory_space<vmem>>)
        %add3A_64 = arith.constant 1 : i32
        %add3A_65 = arith.addi %mul3A_42, %add3A_64 : i32
        "tpu.region"() ({
          %run_scoped3A_74 = tpu.sem_alloc : memref<!tpu.dma_semaphore, #tpu.memory_space<semaphore_mem>>
          %dma_start3A_75 = arith.constant 0 : i32
          %dma_start3A_76 = tpu.memref_slice %arg9[%add3A_65, %dma_start3A_75] : memref<228x64xi32, #tpu.memory_space<vmem>> -> memref<1x64xi32, #tpu.memory_space<vmem>>
          %dma_start3A_77 = tpu.memref_squeeze %dma_start3A_76 : memref<1x64xi32, #tpu.memory_space<vmem>> -> memref<64xi32, #tpu.memory_space<vmem>>
          %dma_start3A_78 = arith.constant 0 : i32
          %dma_start3A_79 = arith.constant 0 : i32
          %dma_start3A_80 = tpu.memref_slice %arg7[%dma_start3A_78, %dma_start3A_79] : memref<10240x128xf32, #tpu.memory_space<vmem_shared>> -> memref<10240x128xf32, #tpu.memory_space<vmem_shared>>
          tpu.enqueue_indirect_dma source(%arg11 : memref<64x128xf32, #tpu.memory_space<vmem>>) target(%dma_start3A_80 : memref<10240x128xf32, #tpu.memory_space<vmem_shared>>) offsets(%dma_start3A_77 : memref<64xi32, #tpu.memory_space<vmem>>) semaphore(%run_scoped3A_74 : memref<!tpu.dma_semaphore, #tpu.memory_space<semaphore_mem>>) {add = true}
          %dma_wait3A_81 = arith.constant 0 : i32
          %dma_wait3A_82 = tpu.memref_slice %arg9[%add3A_65, %dma_wait3A_81] : memref<228x64xi32, #tpu.memory_space<vmem>> -> memref<1x64xi32, #tpu.memory_space<vmem>>
          %dma_wait3A_83 = tpu.memref_squeeze %dma_wait3A_82 : memref<1x64xi32, #tpu.memory_space<vmem>> -> memref<64xi32, #tpu.memory_space<vmem>>
          %dma_wait3A_84 = arith.constant 0 : i32
          %dma_wait3A_85 = arith.constant 0 : i32
          %dma_wait3A_86 = tpu.memref_slice %arg7[%dma_wait3A_84, %dma_wait3A_85] : memref<10240x128xf32, #tpu.memory_space<vmem_shared>> -> memref<10240x128xf32, #tpu.memory_space<vmem_shared>>
          tpu.wait_indirect_dma semaphore(%run_scoped3A_74 : memref<!tpu.dma_semaphore, #tpu.memory_space<semaphore_mem>>) src(%arg11 : memref<64x128xf32, #tpu.memory_space<vmem>>) dst(%dma_wait3A_86 : memref<10240x128xf32, #tpu.memory_space<vmem_shared>>)
          tpu.yield
        }) : () -> ()
        %add3A_66 = arith.constant 3 : i32
        %add3A_67 = arith.addi %mul3A_42, %add3A_66 : i32
        %dma_start3A_68 = arith.constant 0 : i32
        %dma_start3A_69 = tpu.memref_slice %arg8[%add3A_67, %dma_start3A_68] : memref<228x64xi32, #tpu.memory_space<vmem>> -> memref<1x64xi32, #tpu.memory_space<vmem>>
        %dma_start3A_70 = tpu.memref_squeeze %dma_start3A_69 : memref<1x64xi32, #tpu.memory_space<vmem>> -> memref<64xi32, #tpu.memory_space<vmem>>
        %dma_start3A_71 = arith.constant 0 : i32
        %dma_start3A_72 = arith.constant 0 : i32
        %dma_start3A_73 = tpu.memref_slice %arg2[%dma_start3A_71, %dma_start3A_72] : memref<10000x128xf32, #tpu.memory_space<hbm>> -> memref<10000x128xf32, #tpu.memory_space<hbm>>
        tpu.enqueue_indirect_dma source(%dma_start3A_73 : memref<10000x128xf32, #tpu.memory_space<hbm>>) target(%arg11 : memref<64x128xf32, #tpu.memory_space<vmem>>) offsets(%dma_start3A_70 : memref<64xi32, #tpu.memory_space<vmem>>) semaphore(%arg13 : memref<!tpu.dma_semaphore, #tpu.memory_space<semaphore_mem>>)
      }
      %scan3A_25 = arith.constant 43 : i32
      %dma_wait3A = arith.constant 0 : i32
      %dma_wait3A_26 = arith.constant 0 : i32
      %dma_wait3A_27 = tpu.memref_slice %arg8[%dma_wait3A, %dma_wait3A_26] : memref<228x64xi32, #tpu.memory_space<vmem>> -> memref<1x64xi32, #tpu.memory_space<vmem>>
      %dma_wait3A_28 = tpu.memref_squeeze %dma_wait3A_27 : memref<1x64xi32, #tpu.memory_space<vmem>> -> memref<64xi32, #tpu.memory_space<vmem>>
      %dma_wait3A_29 = arith.constant 0 : i32
      %dma_wait3A_30 = arith.constant 0 : i32
      %dma_wait3A_31 = tpu.memref_slice %arg2[%dma_wait3A_29, %dma_wait3A_30] : memref<10000x128xf32, #tpu.memory_space<hbm>> -> memref<10000x128xf32, #tpu.memory_space<hbm>>
      tpu.wait_indirect_dma semaphore(%arg12 : memref<!tpu.dma_semaphore, #tpu.memory_space<semaphore_mem>>) src(%dma_wait3A_31 : memref<10000x128xf32, #tpu.memory_space<hbm>>) dst(%arg10 : memref<64x128xf32, #tpu.memory_space<vmem>>)
      %run_scoped3A = arith.constant 86 : i32
      "tpu.region"() ({
        %run_scoped3A_40 = tpu.sem_alloc : memref<!tpu.dma_semaphore, #tpu.memory_space<semaphore_mem>>
        %dma_start3A_41 = arith.constant 0 : i32
        %dma_start3A_42 = tpu.memref_slice %arg9[%run_scoped3A, %dma_start3A_41] : memref<228x64xi32, #tpu.memory_space<vmem>> -> memref<1x64xi32, #tpu.memory_space<vmem>>
        %dma_start3A_43 = tpu.memref_squeeze %dma_start3A_42 : memref<1x64xi32, #tpu.memory_space<vmem>> -> memref<64xi32, #tpu.memory_space<vmem>>
        %dma_start3A_44 = arith.constant 0 : i32
        %dma_start3A_45 = arith.constant 0 : i32
        %dma_start3A_46 = tpu.memref_slice %arg7[%dma_start3A_44, %dma_start3A_45] : memref<10240x128xf32, #tpu.memory_space<vmem_shared>> -> memref<10240x128xf32, #tpu.memory_space<vmem_shared>>
        tpu.enqueue_indirect_dma source(%arg10 : memref<64x128xf32, #tpu.memory_space<vmem>>) target(%dma_start3A_46 : memref<10240x128xf32, #tpu.memory_space<vmem_shared>>) offsets(%dma_start3A_43 : memref<64xi32, #tpu.memory_space<vmem>>) semaphore(%run_scoped3A_40 : memref<!tpu.dma_semaphore, #tpu.memory_space<semaphore_mem>>) {add = true}
        %dma_wait3A_47 = arith.constant 0 : i32
        %dma_wait3A_48 = tpu.memref_slice %arg9[%run_scoped3A, %dma_wait3A_47] : memref<228x64xi32, #tpu.memory_space<vmem>> -> memref<1x64xi32, #tpu.memory_space<vmem>>
        %dma_wait3A_49 = tpu.memref_squeeze %dma_wait3A_48 : memref<1x64xi32, #tpu.memory_space<vmem>> -> memref<64xi32, #tpu.memory_space<vmem>>
        %dma_wait3A_50 = arith.constant 0 : i32
        %dma_wait3A_51 = arith.constant 0 : i32
        %dma_wait3A_52 = tpu.memref_slice %arg7[%dma_wait3A_50, %dma_wait3A_51] : memref<10240x128xf32, #tpu.memory_space<vmem_shared>> -> memref<10240x128xf32, #tpu.memory_space<vmem_shared>>
        tpu.wait_indirect_dma semaphore(%run_scoped3A_40 : memref<!tpu.dma_semaphore, #tpu.memory_space<semaphore_mem>>) src(%arg10 : memref<64x128xf32, #tpu.memory_space<vmem>>) dst(%dma_wait3A_52 : memref<10240x128xf32, #tpu.memory_space<vmem_shared>>)
        tpu.yield
      }) : () -> ()
      %dma_wait3A_32 = arith.constant 0 : i32
      %dma_wait3A_33 = arith.constant 0 : i32
      %dma_wait3A_34 = tpu.memref_slice %arg8[%dma_wait3A_32, %dma_wait3A_33] : memref<228x64xi32, #tpu.memory_space<vmem>> -> memref<1x64xi32, #tpu.memory_space<vmem>>
      %dma_wait3A_35 = tpu.memref_squeeze %dma_wait3A_34 : memref<1x64xi32, #tpu.memory_space<vmem>> -> memref<64xi32, #tpu.memory_space<vmem>>
      %dma_wait3A_36 = arith.constant 0 : i32
      %dma_wait3A_37 = arith.constant 0 : i32
      %dma_wait3A_38 = tpu.memref_slice %arg2[%dma_wait3A_36, %dma_wait3A_37] : memref<10000x128xf32, #tpu.memory_space<hbm>> -> memref<10000x128xf32, #tpu.memory_space<hbm>>
      tpu.wait_indirect_dma semaphore(%arg13 : memref<!tpu.dma_semaphore, #tpu.memory_space<semaphore_mem>>) src(%dma_wait3A_38 : memref<10000x128xf32, #tpu.memory_space<hbm>>) dst(%arg11 : memref<64x128xf32, #tpu.memory_space<vmem>>)
      %run_scoped3A_39 = arith.constant 87 : i32
      "tpu.region"() ({
        %run_scoped3A_40 = tpu.sem_alloc : memref<!tpu.dma_semaphore, #tpu.memory_space<semaphore_mem>>
        %dma_start3A_41 = arith.constant 0 : i32
        %dma_start3A_42 = tpu.memref_slice %arg9[%run_scoped3A_39, %dma_start3A_41] : memref<228x64xi32, #tpu.memory_space<vmem>> -> memref<1x64xi32, #tpu.memory_space<vmem>>
        %dma_start3A_43 = tpu.memref_squeeze %dma_start3A_42 : memref<1x64xi32, #tpu.memory_space<vmem>> -> memref<64xi32, #tpu.memory_space<vmem>>
        %dma_start3A_44 = arith.constant 0 : i32
        %dma_start3A_45 = arith.constant 0 : i32
        %dma_start3A_46 = tpu.memref_slice %arg7[%dma_start3A_44, %dma_start3A_45] : memref<10240x128xf32, #tpu.memory_space<vmem_shared>> -> memref<10240x128xf32, #tpu.memory_space<vmem_shared>>
        tpu.enqueue_indirect_dma source(%arg11 : memref<64x128xf32, #tpu.memory_space<vmem>>) target(%dma_start3A_46 : memref<10240x128xf32, #tpu.memory_space<vmem_shared>>) offsets(%dma_start3A_43 : memref<64xi32, #tpu.memory_space<vmem>>) semaphore(%run_scoped3A_40 : memref<!tpu.dma_semaphore, #tpu.memory_space<semaphore_mem>>) {add = true}
        %dma_wait3A_47 = arith.constant 0 : i32
        %dma_wait3A_48 = tpu.memref_slice %arg9[%run_scoped3A_39, %dma_wait3A_47] : memref<228x64xi32, #tpu.memory_space<vmem>> -> memref<1x64xi32, #tpu.memory_space<vmem>>
        %dma_wait3A_49 = tpu.memref_squeeze %dma_wait3A_48 : memref<1x64xi32, #tpu.memory_space<vmem>> -> memref<64xi32, #tpu.memory_space<vmem>>
        %dma_wait3A_50 = arith.constant 0 : i32
        %dma_wait3A_51 = arith.constant 0 : i32
        %dma_wait3A_52 = tpu.memref_slice %arg7[%dma_wait3A_50, %dma_wait3A_51] : memref<10240x128xf32, #tpu.memory_space<vmem_shared>> -> memref<10240x128xf32, #tpu.memory_space<vmem_shared>>
        tpu.wait_indirect_dma semaphore(%run_scoped3A_40 : memref<!tpu.dma_semaphore, #tpu.memory_space<semaphore_mem>>) src(%arg11 : memref<64x128xf32, #tpu.memory_space<vmem>>) dst(%dma_wait3A_52 : memref<10240x128xf32, #tpu.memory_space<vmem_shared>>)
        tpu.yield
      }) : () -> ()
    } else {
    }
    %barrier3A_7 = arith.constant 0 : index
    tpu.barrier barrier_id(%barrier3A_7)
    "tpu.region"() ({
      %run_scoped3A = tpu.sem_alloc : memref<!tpu.dma_semaphore, #tpu.memory_space<semaphore_mem>>
      %dma_start3A = arith.constant 0 : i32
      %dma_start3A_8 = tpu.memref_slice %arg6[%arg0, %mul3A_0, %dma_start3A] : memref<2x10240x128xf32, #tpu.memory_space<hbm>> -> memref<1x640x128xf32, #tpu.memory_space<hbm>>
      %dma_start3A_9 = tpu.memref_squeeze %dma_start3A_8 : memref<1x640x128xf32, #tpu.memory_space<hbm>> -> memref<640x128xf32, #tpu.memory_space<hbm>>
      %dma_start3A_10 = arith.constant 0 : i32
      %dma_start3A_11 = tpu.memref_slice %arg7[%mul3A_0, %dma_start3A_10] : memref<10240x128xf32, #tpu.memory_space<vmem_shared>> -> memref<640x128xf32, #tpu.memory_space<vmem_shared>>
      tpu.enqueue_dma source(%dma_start3A_11 : memref<640x128xf32, #tpu.memory_space<vmem_shared>>) target(%dma_start3A_9 : memref<640x128xf32, #tpu.memory_space<hbm>>) target_semaphore(%run_scoped3A : memref<!tpu.dma_semaphore, #tpu.memory_space<semaphore_mem>>)
      %dma_wait3A = arith.constant 0 : i32
      %dma_wait3A_12 = tpu.memref_slice %arg6[%arg0, %mul3A_0, %dma_wait3A] : memref<2x10240x128xf32, #tpu.memory_space<hbm>> -> memref<1x640x128xf32, #tpu.memory_space<hbm>>
      %dma_wait3A_13 = tpu.memref_squeeze %dma_wait3A_12 : memref<1x640x128xf32, #tpu.memory_space<hbm>> -> memref<640x128xf32, #tpu.memory_space<hbm>>
      %dma_wait3A_14 = arith.constant 0 : i32
      %dma_wait3A_15 = tpu.memref_slice %arg7[%mul3A_0, %dma_wait3A_14] : memref<10240x128xf32, #tpu.memory_space<vmem_shared>> -> memref<640x128xf32, #tpu.memory_space<vmem_shared>>
      tpu.wait_dma2 semaphore(%run_scoped3A : memref<!tpu.dma_semaphore, #tpu.memory_space<semaphore_mem>>) src(%dma_wait3A_15 : memref<640x128xf32, #tpu.memory_space<vmem_shared>>) dst(%dma_wait3A_13 : memref<640x128xf32, #tpu.memory_space<hbm>>)
      tpu.yield
    }) : () -> ()
    return
  }
}

#map = affine_map<(d0, d1) -> (0, 0)>
#map1 = affine_map<(d0, d1) -> (0, 0, 0, 0)>
#map2 = affine_map<(d0, d1) -> (0, 0, 0)>
module attributes {stable_mosaic.version = 14 : i64} {
  func.func @seg(%arg0: i32, %arg1: i32, %arg2: memref<10000x128xf32, #tpu.memory_space<hbm>>, %arg3: memref<2x16x228x64xi32, #tpu.memory_space<hbm>>, %arg4: memref<2x16x228x64xi32, #tpu.memory_space<hbm>>, %arg5: memref<10240x128xf32, #tpu.memory_space<hbm>>, %arg6: memref<2x10240x128xf32, #tpu.memory_space<hbm>>, %arg7: memref<10240x128xf32, #tpu.memory_space<vmem_shared>>, %arg8: memref<228x64xi32, #tpu.memory_space<vmem>>, %arg9: memref<228x64xi32, #tpu.memory_space<vmem>>, %arg10: memref<64x128xf32, #tpu.memory_space<vmem>>, %arg11: memref<64x128xf32, #tpu.memory_space<vmem>>, %arg12: memref<!tpu.dma_semaphore, #tpu.memory_space<semaphore_mem>>, %arg13: memref<!tpu.dma_semaphore, #tpu.memory_space<semaphore_mem>>) attributes {dimension_semantics = [#tpu.dimension_semantics<core_parallel>, #tpu.dimension_semantics<subcore_parallel>], iteration_bounds = array<i64: 2, 16>, scalar_prefetch = 0 : i64, scratch_operands = 7 : i64, tpu.core_type = #tpu.core_type<sc_vector_subcore>, window_params = [{transform_indices = #map}, {transform_indices = #map1}, {transform_indices = #map1}, {transform_indices = #map}, {transform_indices = #map2}]} {
    %mul3A = arith.constant 640 : i32
    %mul3A_0 = arith.muli %arg1, %mul3A : i32
    "tpu.region"() ({
      %run_scoped3A = tpu.sem_alloc : memref<!tpu.dma_semaphore, #tpu.memory_space<semaphore_mem>>
      %dma_start3A = arith.constant 0 : i32
      %dma_start3A_8 = tpu.memref_slice %arg7[%mul3A_0, %dma_start3A] : memref<10240x128xf32, #tpu.memory_space<vmem_shared>> -> memref<640x128xf32, #tpu.memory_space<vmem_shared>>
      %dma_start3A_9 = arith.constant 0 : i32
      %dma_start3A_10 = tpu.memref_slice %arg5[%mul3A_0, %dma_start3A_9] : memref<10240x128xf32, #tpu.memory_space<hbm>> -> memref<640x128xf32, #tpu.memory_space<hbm>>
      tpu.enqueue_dma source(%dma_start3A_10 : memref<640x128xf32, #tpu.memory_space<hbm>>) target(%dma_start3A_8 : memref<640x128xf32, #tpu.memory_space<vmem_shared>>) target_semaphore(%run_scoped3A : memref<!tpu.dma_semaphore, #tpu.memory_space<semaphore_mem>>)
      %dma_wait3A = arith.constant 0 : i32
      %dma_wait3A_11 = tpu.memref_slice %arg7[%mul3A_0, %dma_wait3A] : memref<10240x128xf32, #tpu.memory_space<vmem_shared>> -> memref<640x128xf32, #tpu.memory_space<vmem_shared>>
      %dma_wait3A_12 = arith.constant 0 : i32
      %dma_wait3A_13 = tpu.memref_slice %arg5[%mul3A_0, %dma_wait3A_12] : memref<10240x128xf32, #tpu.memory_space<hbm>> -> memref<640x128xf32, #tpu.memory_space<hbm>>
      tpu.wait_dma2 semaphore(%run_scoped3A : memref<!tpu.dma_semaphore, #tpu.memory_space<semaphore_mem>>) src(%dma_wait3A_13 : memref<640x128xf32, #tpu.memory_space<hbm>>) dst(%dma_wait3A_11 : memref<640x128xf32, #tpu.memory_space<vmem_shared>>)
      tpu.yield
    }) : () -> ()
    "tpu.region"() ({
      %run_scoped3A = tpu.sem_alloc : memref<!tpu.dma_semaphore, #tpu.memory_space<semaphore_mem>>
      %dma_start3A = arith.constant 0 : i32
      %dma_start3A_8 = arith.constant 0 : i32
      %dma_start3A_9 = tpu.memref_slice %arg3[%arg0, %arg1, %dma_start3A, %dma_start3A_8] : memref<2x16x228x64xi32, #tpu.memory_space<hbm>> -> memref<1x1x228x64xi32, #tpu.memory_space<hbm>>
      %dma_start3A_10 = tpu.memref_squeeze %dma_start3A_9 : memref<1x1x228x64xi32, #tpu.memory_space<hbm>> -> memref<228x64xi32, #tpu.memory_space<hbm>>
      %dma_start3A_11 = arith.constant 0 : i32
      %dma_start3A_12 = arith.constant 0 : i32
      %dma_start3A_13 = tpu.memref_slice %arg3[%arg0, %arg1, %dma_start3A_11, %dma_start3A_12] : memref<2x16x228x64xi32, #tpu.memory_space<hbm>> -> memref<1x1x228x64xi32, #tpu.memory_space<hbm>>
      %dma_start3A_14 = tpu.memref_squeeze %dma_start3A_13 : memref<1x1x228x64xi32, #tpu.memory_space<hbm>> -> memref<228x64xi32, #tpu.memory_space<hbm>>
      tpu.enqueue_dma source(%dma_start3A_14 : memref<228x64xi32, #tpu.memory_space<hbm>>) target(%arg8 : memref<228x64xi32, #tpu.memory_space<vmem>>) target_semaphore(%run_scoped3A : memref<!tpu.dma_semaphore, #tpu.memory_space<semaphore_mem>>)
      %dma_wait3A = arith.constant 0 : i32
      %dma_wait3A_15 = arith.constant 0 : i32
      %dma_wait3A_16 = tpu.memref_slice %arg3[%arg0, %arg1, %dma_wait3A, %dma_wait3A_15] : memref<2x16x228x64xi32, #tpu.memory_space<hbm>> -> memref<1x1x228x64xi32, #tpu.memory_space<hbm>>
      %dma_wait3A_17 = tpu.memref_squeeze %dma_wait3A_16 : memref<1x1x228x64xi32, #tpu.memory_space<hbm>> -> memref<228x64xi32, #tpu.memory_space<hbm>>
      %dma_wait3A_18 = arith.constant 0 : i32
      %dma_wait3A_19 = arith.constant 0 : i32
      %dma_wait3A_20 = tpu.memref_slice %arg3[%arg0, %arg1, %dma_wait3A_18, %dma_wait3A_19] : memref<2x16x228x64xi32, #tpu.memory_space<hbm>> -> memref<1x1x228x64xi32, #tpu.memory_space<hbm>>
      %dma_wait3A_21 = tpu.memref_squeeze %dma_wait3A_20 : memref<1x1x228x64xi32, #tpu.memory_space<hbm>> -> memref<228x64xi32, #tpu.memory_space<hbm>>
      tpu.wait_dma2 semaphore(%run_scoped3A : memref<!tpu.dma_semaphore, #tpu.memory_space<semaphore_mem>>) src(%dma_wait3A_21 : memref<228x64xi32, #tpu.memory_space<hbm>>) dst(%arg8 : memref<228x64xi32, #tpu.memory_space<vmem>>)
      tpu.yield
    }) : () -> ()
    "tpu.region"() ({
      %run_scoped3A = tpu.sem_alloc : memref<!tpu.dma_semaphore, #tpu.memory_space<semaphore_mem>>
      %dma_start3A = arith.constant 0 : i32
      %dma_start3A_8 = arith.constant 0 : i32
      %dma_start3A_9 = tpu.memref_slice %arg4[%arg0, %arg1, %dma_start3A, %dma_start3A_8] : memref<2x16x228x64xi32, #tpu.memory_space<hbm>> -> memref<1x1x228x64xi32, #tpu.memory_space<hbm>>
      %dma_start3A_10 = tpu.memref_squeeze %dma_start3A_9 : memref<1x1x228x64xi32, #tpu.memory_space<hbm>> -> memref<228x64xi32, #tpu.memory_space<hbm>>
      %dma_start3A_11 = arith.constant 0 : i32
      %dma_start3A_12 = arith.constant 0 : i32
      %dma_start3A_13 = tpu.memref_slice %arg4[%arg0, %arg1, %dma_start3A_11, %dma_start3A_12] : memref<2x16x228x64xi32, #tpu.memory_space<hbm>> -> memref<1x1x228x64xi32, #tpu.memory_space<hbm>>
      %dma_start3A_14 = tpu.memref_squeeze %dma_start3A_13 : memref<1x1x228x64xi32, #tpu.memory_space<hbm>> -> memref<228x64xi32, #tpu.memory_space<hbm>>
      tpu.enqueue_dma source(%dma_start3A_14 : memref<228x64xi32, #tpu.memory_space<hbm>>) target(%arg9 : memref<228x64xi32, #tpu.memory_space<vmem>>) target_semaphore(%run_scoped3A : memref<!tpu.dma_semaphore, #tpu.memory_space<semaphore_mem>>)
      %dma_wait3A = arith.constant 0 : i32
      %dma_wait3A_15 = arith.constant 0 : i32
      %dma_wait3A_16 = tpu.memref_slice %arg4[%arg0, %arg1, %dma_wait3A, %dma_wait3A_15] : memref<2x16x228x64xi32, #tpu.memory_space<hbm>> -> memref<1x1x228x64xi32, #tpu.memory_space<hbm>>
      %dma_wait3A_17 = tpu.memref_squeeze %dma_wait3A_16 : memref<1x1x228x64xi32, #tpu.memory_space<hbm>> -> memref<228x64xi32, #tpu.memory_space<hbm>>
      %dma_wait3A_18 = arith.constant 0 : i32
      %dma_wait3A_19 = arith.constant 0 : i32
      %dma_wait3A_20 = tpu.memref_slice %arg4[%arg0, %arg1, %dma_wait3A_18, %dma_wait3A_19] : memref<2x16x228x64xi32, #tpu.memory_space<hbm>> -> memref<1x1x228x64xi32, #tpu.memory_space<hbm>>
      %dma_wait3A_21 = tpu.memref_squeeze %dma_wait3A_20 : memref<1x1x228x64xi32, #tpu.memory_space<hbm>> -> memref<228x64xi32, #tpu.memory_space<hbm>>
      tpu.wait_dma2 semaphore(%run_scoped3A : memref<!tpu.dma_semaphore, #tpu.memory_space<semaphore_mem>>) src(%dma_wait3A_21 : memref<228x64xi32, #tpu.memory_space<hbm>>) dst(%arg9 : memref<228x64xi32, #tpu.memory_space<vmem>>)
      tpu.yield
    }) : () -> ()
    %barrier3A = arith.constant 0 : index
    tpu.barrier barrier_id(%barrier3A)
    %eq3A = arith.constant 0 : i32
    %eq3A_1 = arith.cmpi eq, %arg0, %eq3A : i32
    %convert_element_type3A = arith.extui %eq3A_1 : i1 to i32
    %cond3A = arith.constant 0 : i32
    %cond3A_2 = arith.cmpi ne, %convert_element_type3A, %cond3A : i32
    scf.if %cond3A_2 {
      %dma_start3A = arith.constant 0 : i32
      %dma_start3A_8 = arith.constant 0 : i32
      %dma_start3A_9 = tpu.memref_slice %arg8[%dma_start3A, %dma_start3A_8] : memref<228x64xi32, #tpu.memory_space<vmem>> -> memref<1x64xi32, #tpu.memory_space<vmem>>
      %dma_start3A_10 = tpu.memref_squeeze %dma_start3A_9 : memref<1x64xi32, #tpu.memory_space<vmem>> -> memref<64xi32, #tpu.memory_space<vmem>>
      %dma_start3A_11 = arith.constant 0 : i32
      %dma_start3A_12 = arith.constant 0 : i32
      %dma_start3A_13 = tpu.memref_slice %arg2[%dma_start3A_11, %dma_start3A_12] : memref<10000x128xf32, #tpu.memory_space<hbm>> -> memref<10000x128xf32, #tpu.memory_space<hbm>>
      tpu.enqueue_indirect_dma source(%dma_start3A_13 : memref<10000x128xf32, #tpu.memory_space<hbm>>) target(%arg10 : memref<64x128xf32, #tpu.memory_space<vmem>>) offsets(%dma_start3A_10 : memref<64xi32, #tpu.memory_space<vmem>>) semaphore(%arg12 : memref<!tpu.dma_semaphore, #tpu.memory_space<semaphore_mem>>)
      %dma_start3A_14 = arith.constant 1 : i32
      %dma_start3A_15 = arith.constant 0 : i32
      %dma_start3A_16 = tpu.memref_slice %arg8[%dma_start3A_14, %dma_start3A_15] : memref<228x64xi32, #tpu.memory_space<vmem>> -> memref<1x64xi32, #tpu.memory_space<vmem>>
      %dma_start3A_17 = tpu.memref_squeeze %dma_start3A_16 : memref<1x64xi32, #tpu.memory_space<vmem>> -> memref<64xi32, #tpu.memory_space<vmem>>
      %dma_start3A_18 = arith.constant 0 : i32
      %dma_start3A_19 = arith.constant 0 : i32
      %dma_start3A_20 = tpu.memref_slice %arg2[%dma_start3A_18, %dma_start3A_19] : memref<10000x128xf32, #tpu.memory_space<hbm>> -> memref<10000x128xf32, #tpu.memory_space<hbm>>
      tpu.enqueue_indirect_dma source(%dma_start3A_20 : memref<10000x128xf32, #tpu.memory_space<hbm>>) target(%arg11 : memref<64x128xf32, #tpu.memory_space<vmem>>) offsets(%dma_start3A_17 : memref<64xi32, #tpu.memory_space<vmem>>) semaphore(%arg13 : memref<!tpu.dma_semaphore, #tpu.memory_space<semaphore_mem>>)
      %scan3A = arith.constant 0 : i32
      %scan3A_21 = arith.constant 0 : i32
      %scan3A_22 = arith.constant 113 : i32
      %scan3A_23 = arith.addi %scan3A_21, %scan3A_22 : i32
      %scan3A_24 = arith.constant 1 : i32
      scf.for %scan3A_40 = %scan3A_21 to %scan3A_23 step %scan3A_24  : i32 {
        %mul3A_41 = arith.constant 2 : i32
        %mul3A_42 = arith.muli %mul3A_41, %scan3A_40 : i32
        %dma_wait3A_43 = arith.constant 0 : i32
        %dma_wait3A_44 = arith.constant 0 : i32
        %dma_wait3A_45 = tpu.memref_slice %arg8[%dma_wait3A_43, %dma_wait3A_44] : memref<228x64xi32, #tpu.memory_space<vmem>> -> memref<1x64xi32, #tpu.memory_space<vmem>>
        %dma_wait3A_46 = tpu.memref_squeeze %dma_wait3A_45 : memref<1x64xi32, #tpu.memory_space<vmem>> -> memref<64xi32, #tpu.memory_space<vmem>>
        %dma_wait3A_47 = arith.constant 0 : i32
        %dma_wait3A_48 = arith.constant 0 : i32
        %dma_wait3A_49 = tpu.memref_slice %arg2[%dma_wait3A_47, %dma_wait3A_48] : memref<10000x128xf32, #tpu.memory_space<hbm>> -> memref<10000x128xf32, #tpu.memory_space<hbm>>
        tpu.wait_indirect_dma semaphore(%arg12 : memref<!tpu.dma_semaphore, #tpu.memory_space<semaphore_mem>>) src(%dma_wait3A_49 : memref<10000x128xf32, #tpu.memory_space<hbm>>) dst(%arg10 : memref<64x128xf32, #tpu.memory_space<vmem>>)
        "tpu.region"() ({
          %run_scoped3A_74 = tpu.sem_alloc : memref<!tpu.dma_semaphore, #tpu.memory_space<semaphore_mem>>
          %dma_start3A_75 = arith.constant 0 : i32
          %dma_start3A_76 = tpu.memref_slice %arg9[%mul3A_42, %dma_start3A_75] : memref<228x64xi32, #tpu.memory_space<vmem>> -> memref<1x64xi32, #tpu.memory_space<vmem>>
          %dma_start3A_77 = tpu.memref_squeeze %dma_start3A_76 : memref<1x64xi32, #tpu.memory_space<vmem>> -> memref<64xi32, #tpu.memory_space<vmem>>
          %dma_start3A_78 = arith.constant 0 : i32
          %dma_start3A_79 = arith.constant 0 : i32
          %dma_start3A_80 = tpu.memref_slice %arg7[%dma_start3A_78, %dma_start3A_79] : memref<10240x128xf32, #tpu.memory_space<vmem_shared>> -> memref<10240x128xf32, #tpu.memory_space<vmem_shared>>
          tpu.enqueue_indirect_dma source(%arg10 : memref<64x128xf32, #tpu.memory_space<vmem>>) target(%dma_start3A_80 : memref<10240x128xf32, #tpu.memory_space<vmem_shared>>) offsets(%dma_start3A_77 : memref<64xi32, #tpu.memory_space<vmem>>) semaphore(%run_scoped3A_74 : memref<!tpu.dma_semaphore, #tpu.memory_space<semaphore_mem>>) {add = true}
          %dma_wait3A_81 = arith.constant 0 : i32
          %dma_wait3A_82 = tpu.memref_slice %arg9[%mul3A_42, %dma_wait3A_81] : memref<228x64xi32, #tpu.memory_space<vmem>> -> memref<1x64xi32, #tpu.memory_space<vmem>>
          %dma_wait3A_83 = tpu.memref_squeeze %dma_wait3A_82 : memref<1x64xi32, #tpu.memory_space<vmem>> -> memref<64xi32, #tpu.memory_space<vmem>>
          %dma_wait3A_84 = arith.constant 0 : i32
          %dma_wait3A_85 = arith.constant 0 : i32
          %dma_wait3A_86 = tpu.memref_slice %arg7[%dma_wait3A_84, %dma_wait3A_85] : memref<10240x128xf32, #tpu.memory_space<vmem_shared>> -> memref<10240x128xf32, #tpu.memory_space<vmem_shared>>
          tpu.wait_indirect_dma semaphore(%run_scoped3A_74 : memref<!tpu.dma_semaphore, #tpu.memory_space<semaphore_mem>>) src(%arg10 : memref<64x128xf32, #tpu.memory_space<vmem>>) dst(%dma_wait3A_86 : memref<10240x128xf32, #tpu.memory_space<vmem_shared>>)
          tpu.yield
        }) : () -> ()
        %add3A = arith.constant 2 : i32
        %add3A_50 = arith.addi %mul3A_42, %add3A : i32
        %dma_start3A_51 = arith.constant 0 : i32
        %dma_start3A_52 = tpu.memref_slice %arg8[%add3A_50, %dma_start3A_51] : memref<228x64xi32, #tpu.memory_space<vmem>> -> memref<1x64xi32, #tpu.memory_space<vmem>>
        %dma_start3A_53 = tpu.memref_squeeze %dma_start3A_52 : memref<1x64xi32, #tpu.memory_space<vmem>> -> memref<64xi32, #tpu.memory_space<vmem>>
        %dma_start3A_54 = arith.constant 0 : i32
        %dma_start3A_55 = arith.constant 0 : i32
        %dma_start3A_56 = tpu.memref_slice %arg2[%dma_start3A_54, %dma_start3A_55] : memref<10000x128xf32, #tpu.memory_space<hbm>> -> memref<10000x128xf32, #tpu.memory_space<hbm>>
        tpu.enqueue_indirect_dma source(%dma_start3A_56 : memref<10000x128xf32, #tpu.memory_space<hbm>>) target(%arg10 : memref<64x128xf32, #tpu.memory_space<vmem>>) offsets(%dma_start3A_53 : memref<64xi32, #tpu.memory_space<vmem>>) semaphore(%arg12 : memref<!tpu.dma_semaphore, #tpu.memory_space<semaphore_mem>>)
        %dma_wait3A_57 = arith.constant 0 : i32
        %dma_wait3A_58 = arith.constant 0 : i32
        %dma_wait3A_59 = tpu.memref_slice %arg8[%dma_wait3A_57, %dma_wait3A_58] : memref<228x64xi32, #tpu.memory_space<vmem>> -> memref<1x64xi32, #tpu.memory_space<vmem>>
        %dma_wait3A_60 = tpu.memref_squeeze %dma_wait3A_59 : memref<1x64xi32, #tpu.memory_space<vmem>> -> memref<64xi32, #tpu.memory_space<vmem>>
        %dma_wait3A_61 = arith.constant 0 : i32
        %dma_wait3A_62 = arith.constant 0 : i32
        %dma_wait3A_63 = tpu.memref_slice %arg2[%dma_wait3A_61, %dma_wait3A_62] : memref<10000x128xf32, #tpu.memory_space<hbm>> -> memref<10000x128xf32, #tpu.memory_space<hbm>>
        tpu.wait_indirect_dma semaphore(%arg13 : memref<!tpu.dma_semaphore, #tpu.memory_space<semaphore_mem>>) src(%dma_wait3A_63 : memref<10000x128xf32, #tpu.memory_space<hbm>>) dst(%arg11 : memref<64x128xf32, #tpu.memory_space<vmem>>)
        %add3A_64 = arith.constant 1 : i32
        %add3A_65 = arith.addi %mul3A_42, %add3A_64 : i32
        "tpu.region"() ({
          %run_scoped3A_74 = tpu.sem_alloc : memref<!tpu.dma_semaphore, #tpu.memory_space<semaphore_mem>>
          %dma_start3A_75 = arith.constant 0 : i32
          %dma_start3A_76 = tpu.memref_slice %arg9[%add3A_65, %dma_start3A_75] : memref<228x64xi32, #tpu.memory_space<vmem>> -> memref<1x64xi32, #tpu.memory_space<vmem>>
          %dma_start3A_77 = tpu.memref_squeeze %dma_start3A_76 : memref<1x64xi32, #tpu.memory_space<vmem>> -> memref<64xi32, #tpu.memory_space<vmem>>
          %dma_start3A_78 = arith.constant 0 : i32
          %dma_start3A_79 = arith.constant 0 : i32
          %dma_start3A_80 = tpu.memref_slice %arg7[%dma_start3A_78, %dma_start3A_79] : memref<10240x128xf32, #tpu.memory_space<vmem_shared>> -> memref<10240x128xf32, #tpu.memory_space<vmem_shared>>
          tpu.enqueue_indirect_dma source(%arg11 : memref<64x128xf32, #tpu.memory_space<vmem>>) target(%dma_start3A_80 : memref<10240x128xf32, #tpu.memory_space<vmem_shared>>) offsets(%dma_start3A_77 : memref<64xi32, #tpu.memory_space<vmem>>) semaphore(%run_scoped3A_74 : memref<!tpu.dma_semaphore, #tpu.memory_space<semaphore_mem>>) {add = true}
          %dma_wait3A_81 = arith.constant 0 : i32
          %dma_wait3A_82 = tpu.memref_slice %arg9[%add3A_65, %dma_wait3A_81] : memref<228x64xi32, #tpu.memory_space<vmem>> -> memref<1x64xi32, #tpu.memory_space<vmem>>
          %dma_wait3A_83 = tpu.memref_squeeze %dma_wait3A_82 : memref<1x64xi32, #tpu.memory_space<vmem>> -> memref<64xi32, #tpu.memory_space<vmem>>
          %dma_wait3A_84 = arith.constant 0 : i32
          %dma_wait3A_85 = arith.constant 0 : i32
          %dma_wait3A_86 = tpu.memref_slice %arg7[%dma_wait3A_84, %dma_wait3A_85] : memref<10240x128xf32, #tpu.memory_space<vmem_shared>> -> memref<10240x128xf32, #tpu.memory_space<vmem_shared>>
          tpu.wait_indirect_dma semaphore(%run_scoped3A_74 : memref<!tpu.dma_semaphore, #tpu.memory_space<semaphore_mem>>) src(%arg11 : memref<64x128xf32, #tpu.memory_space<vmem>>) dst(%dma_wait3A_86 : memref<10240x128xf32, #tpu.memory_space<vmem_shared>>)
          tpu.yield
        }) : () -> ()
        %add3A_66 = arith.constant 3 : i32
        %add3A_67 = arith.addi %mul3A_42, %add3A_66 : i32
        %dma_start3A_68 = arith.constant 0 : i32
        %dma_start3A_69 = tpu.memref_slice %arg8[%add3A_67, %dma_start3A_68] : memref<228x64xi32, #tpu.memory_space<vmem>> -> memref<1x64xi32, #tpu.memory_space<vmem>>
        %dma_start3A_70 = tpu.memref_squeeze %dma_start3A_69 : memref<1x64xi32, #tpu.memory_space<vmem>> -> memref<64xi32, #tpu.memory_space<vmem>>
        %dma_start3A_71 = arith.constant 0 : i32
        %dma_start3A_72 = arith.constant 0 : i32
        %dma_start3A_73 = tpu.memref_slice %arg2[%dma_start3A_71, %dma_start3A_72] : memref<10000x128xf32, #tpu.memory_space<hbm>> -> memref<10000x128xf32, #tpu.memory_space<hbm>>
        tpu.enqueue_indirect_dma source(%dma_start3A_73 : memref<10000x128xf32, #tpu.memory_space<hbm>>) target(%arg11 : memref<64x128xf32, #tpu.memory_space<vmem>>) offsets(%dma_start3A_70 : memref<64xi32, #tpu.memory_space<vmem>>) semaphore(%arg13 : memref<!tpu.dma_semaphore, #tpu.memory_space<semaphore_mem>>)
      }
      %scan3A_25 = arith.constant 113 : i32
      %dma_wait3A = arith.constant 0 : i32
      %dma_wait3A_26 = arith.constant 0 : i32
      %dma_wait3A_27 = tpu.memref_slice %arg8[%dma_wait3A, %dma_wait3A_26] : memref<228x64xi32, #tpu.memory_space<vmem>> -> memref<1x64xi32, #tpu.memory_space<vmem>>
      %dma_wait3A_28 = tpu.memref_squeeze %dma_wait3A_27 : memref<1x64xi32, #tpu.memory_space<vmem>> -> memref<64xi32, #tpu.memory_space<vmem>>
      %dma_wait3A_29 = arith.constant 0 : i32
      %dma_wait3A_30 = arith.constant 0 : i32
      %dma_wait3A_31 = tpu.memref_slice %arg2[%dma_wait3A_29, %dma_wait3A_30] : memref<10000x128xf32, #tpu.memory_space<hbm>> -> memref<10000x128xf32, #tpu.memory_space<hbm>>
      tpu.wait_indirect_dma semaphore(%arg12 : memref<!tpu.dma_semaphore, #tpu.memory_space<semaphore_mem>>) src(%dma_wait3A_31 : memref<10000x128xf32, #tpu.memory_space<hbm>>) dst(%arg10 : memref<64x128xf32, #tpu.memory_space<vmem>>)
      %run_scoped3A = arith.constant 226 : i32
      "tpu.region"() ({
        %run_scoped3A_40 = tpu.sem_alloc : memref<!tpu.dma_semaphore, #tpu.memory_space<semaphore_mem>>
        %dma_start3A_41 = arith.constant 0 : i32
        %dma_start3A_42 = tpu.memref_slice %arg9[%run_scoped3A, %dma_start3A_41] : memref<228x64xi32, #tpu.memory_space<vmem>> -> memref<1x64xi32, #tpu.memory_space<vmem>>
        %dma_start3A_43 = tpu.memref_squeeze %dma_start3A_42 : memref<1x64xi32, #tpu.memory_space<vmem>> -> memref<64xi32, #tpu.memory_space<vmem>>
        %dma_start3A_44 = arith.constant 0 : i32
        %dma_start3A_45 = arith.constant 0 : i32
        %dma_start3A_46 = tpu.memref_slice %arg7[%dma_start3A_44, %dma_start3A_45] : memref<10240x128xf32, #tpu.memory_space<vmem_shared>> -> memref<10240x128xf32, #tpu.memory_space<vmem_shared>>
        tpu.enqueue_indirect_dma source(%arg10 : memref<64x128xf32, #tpu.memory_space<vmem>>) target(%dma_start3A_46 : memref<10240x128xf32, #tpu.memory_space<vmem_shared>>) offsets(%dma_start3A_43 : memref<64xi32, #tpu.memory_space<vmem>>) semaphore(%run_scoped3A_40 : memref<!tpu.dma_semaphore, #tpu.memory_space<semaphore_mem>>) {add = true}
        %dma_wait3A_47 = arith.constant 0 : i32
        %dma_wait3A_48 = tpu.memref_slice %arg9[%run_scoped3A, %dma_wait3A_47] : memref<228x64xi32, #tpu.memory_space<vmem>> -> memref<1x64xi32, #tpu.memory_space<vmem>>
        %dma_wait3A_49 = tpu.memref_squeeze %dma_wait3A_48 : memref<1x64xi32, #tpu.memory_space<vmem>> -> memref<64xi32, #tpu.memory_space<vmem>>
        %dma_wait3A_50 = arith.constant 0 : i32
        %dma_wait3A_51 = arith.constant 0 : i32
        %dma_wait3A_52 = tpu.memref_slice %arg7[%dma_wait3A_50, %dma_wait3A_51] : memref<10240x128xf32, #tpu.memory_space<vmem_shared>> -> memref<10240x128xf32, #tpu.memory_space<vmem_shared>>
        tpu.wait_indirect_dma semaphore(%run_scoped3A_40 : memref<!tpu.dma_semaphore, #tpu.memory_space<semaphore_mem>>) src(%arg10 : memref<64x128xf32, #tpu.memory_space<vmem>>) dst(%dma_wait3A_52 : memref<10240x128xf32, #tpu.memory_space<vmem_shared>>)
        tpu.yield
      }) : () -> ()
      %dma_wait3A_32 = arith.constant 0 : i32
      %dma_wait3A_33 = arith.constant 0 : i32
      %dma_wait3A_34 = tpu.memref_slice %arg8[%dma_wait3A_32, %dma_wait3A_33] : memref<228x64xi32, #tpu.memory_space<vmem>> -> memref<1x64xi32, #tpu.memory_space<vmem>>
      %dma_wait3A_35 = tpu.memref_squeeze %dma_wait3A_34 : memref<1x64xi32, #tpu.memory_space<vmem>> -> memref<64xi32, #tpu.memory_space<vmem>>
      %dma_wait3A_36 = arith.constant 0 : i32
      %dma_wait3A_37 = arith.constant 0 : i32
      %dma_wait3A_38 = tpu.memref_slice %arg2[%dma_wait3A_36, %dma_wait3A_37] : memref<10000x128xf32, #tpu.memory_space<hbm>> -> memref<10000x128xf32, #tpu.memory_space<hbm>>
      tpu.wait_indirect_dma semaphore(%arg13 : memref<!tpu.dma_semaphore, #tpu.memory_space<semaphore_mem>>) src(%dma_wait3A_38 : memref<10000x128xf32, #tpu.memory_space<hbm>>) dst(%arg11 : memref<64x128xf32, #tpu.memory_space<vmem>>)
      %run_scoped3A_39 = arith.constant 227 : i32
      "tpu.region"() ({
        %run_scoped3A_40 = tpu.sem_alloc : memref<!tpu.dma_semaphore, #tpu.memory_space<semaphore_mem>>
        %dma_start3A_41 = arith.constant 0 : i32
        %dma_start3A_42 = tpu.memref_slice %arg9[%run_scoped3A_39, %dma_start3A_41] : memref<228x64xi32, #tpu.memory_space<vmem>> -> memref<1x64xi32, #tpu.memory_space<vmem>>
        %dma_start3A_43 = tpu.memref_squeeze %dma_start3A_42 : memref<1x64xi32, #tpu.memory_space<vmem>> -> memref<64xi32, #tpu.memory_space<vmem>>
        %dma_start3A_44 = arith.constant 0 : i32
        %dma_start3A_45 = arith.constant 0 : i32
        %dma_start3A_46 = tpu.memref_slice %arg7[%dma_start3A_44, %dma_start3A_45] : memref<10240x128xf32, #tpu.memory_space<vmem_shared>> -> memref<10240x128xf32, #tpu.memory_space<vmem_shared>>
        tpu.enqueue_indirect_dma source(%arg11 : memref<64x128xf32, #tpu.memory_space<vmem>>) target(%dma_start3A_46 : memref<10240x128xf32, #tpu.memory_space<vmem_shared>>) offsets(%dma_start3A_43 : memref<64xi32, #tpu.memory_space<vmem>>) semaphore(%run_scoped3A_40 : memref<!tpu.dma_semaphore, #tpu.memory_space<semaphore_mem>>) {add = true}
        %dma_wait3A_47 = arith.constant 0 : i32
        %dma_wait3A_48 = tpu.memref_slice %arg9[%run_scoped3A_39, %dma_wait3A_47] : memref<228x64xi32, #tpu.memory_space<vmem>> -> memref<1x64xi32, #tpu.memory_space<vmem>>
        %dma_wait3A_49 = tpu.memref_squeeze %dma_wait3A_48 : memref<1x64xi32, #tpu.memory_space<vmem>> -> memref<64xi32, #tpu.memory_space<vmem>>
        %dma_wait3A_50 = arith.constant 0 : i32
        %dma_wait3A_51 = arith.constant 0 : i32
        %dma_wait3A_52 = tpu.memref_slice %arg7[%dma_wait3A_50, %dma_wait3A_51] : memref<10240x128xf32, #tpu.memory_space<vmem_shared>> -> memref<10240x128xf32, #tpu.memory_space<vmem_shared>>
        tpu.wait_indirect_dma semaphore(%run_scoped3A_40 : memref<!tpu.dma_semaphore, #tpu.memory_space<semaphore_mem>>) src(%arg11 : memref<64x128xf32, #tpu.memory_space<vmem>>) dst(%dma_wait3A_52 : memref<10240x128xf32, #tpu.memory_space<vmem_shared>>)
        tpu.yield
      }) : () -> ()
    } else {
    }
    %ne3A = arith.constant 0 : i32
    %ne3A_3 = arith.cmpi ne, %arg0, %ne3A : i32
    %convert_element_type3A_4 = arith.extui %ne3A_3 : i1 to i32
    %cond3A_5 = arith.constant 0 : i32
    %cond3A_6 = arith.cmpi ne, %convert_element_type3A_4, %cond3A_5 : i32
    scf.if %cond3A_6 {
      %dma_start3A = arith.constant 0 : i32
      %dma_start3A_8 = arith.constant 0 : i32
      %dma_start3A_9 = tpu.memref_slice %arg8[%dma_start3A, %dma_start3A_8] : memref<228x64xi32, #tpu.memory_space<vmem>> -> memref<1x64xi32, #tpu.memory_space<vmem>>
      %dma_start3A_10 = tpu.memref_squeeze %dma_start3A_9 : memref<1x64xi32, #tpu.memory_space<vmem>> -> memref<64xi32, #tpu.memory_space<vmem>>
      %dma_start3A_11 = arith.constant 0 : i32
      %dma_start3A_12 = arith.constant 0 : i32
      %dma_start3A_13 = tpu.memref_slice %arg2[%dma_start3A_11, %dma_start3A_12] : memref<10000x128xf32, #tpu.memory_space<hbm>> -> memref<10000x128xf32, #tpu.memory_space<hbm>>
      tpu.enqueue_indirect_dma source(%dma_start3A_13 : memref<10000x128xf32, #tpu.memory_space<hbm>>) target(%arg10 : memref<64x128xf32, #tpu.memory_space<vmem>>) offsets(%dma_start3A_10 : memref<64xi32, #tpu.memory_space<vmem>>) semaphore(%arg12 : memref<!tpu.dma_semaphore, #tpu.memory_space<semaphore_mem>>)
      %dma_start3A_14 = arith.constant 1 : i32
      %dma_start3A_15 = arith.constant 0 : i32
      %dma_start3A_16 = tpu.memref_slice %arg8[%dma_start3A_14, %dma_start3A_15] : memref<228x64xi32, #tpu.memory_space<vmem>> -> memref<1x64xi32, #tpu.memory_space<vmem>>
      %dma_start3A_17 = tpu.memref_squeeze %dma_start3A_16 : memref<1x64xi32, #tpu.memory_space<vmem>> -> memref<64xi32, #tpu.memory_space<vmem>>
      %dma_start3A_18 = arith.constant 0 : i32
      %dma_start3A_19 = arith.constant 0 : i32
      %dma_start3A_20 = tpu.memref_slice %arg2[%dma_start3A_18, %dma_start3A_19] : memref<10000x128xf32, #tpu.memory_space<hbm>> -> memref<10000x128xf32, #tpu.memory_space<hbm>>
      tpu.enqueue_indirect_dma source(%dma_start3A_20 : memref<10000x128xf32, #tpu.memory_space<hbm>>) target(%arg11 : memref<64x128xf32, #tpu.memory_space<vmem>>) offsets(%dma_start3A_17 : memref<64xi32, #tpu.memory_space<vmem>>) semaphore(%arg13 : memref<!tpu.dma_semaphore, #tpu.memory_space<semaphore_mem>>)
      %scan3A = arith.constant 0 : i32
      %scan3A_21 = arith.constant 0 : i32
      %scan3A_22 = arith.constant 43 : i32
      %scan3A_23 = arith.addi %scan3A_21, %scan3A_22 : i32
      %scan3A_24 = arith.constant 1 : i32
      scf.for %scan3A_40 = %scan3A_21 to %scan3A_23 step %scan3A_24  : i32 {
        %mul3A_41 = arith.constant 2 : i32
        %mul3A_42 = arith.muli %mul3A_41, %scan3A_40 : i32
        %dma_wait3A_43 = arith.constant 0 : i32
        %dma_wait3A_44 = arith.constant 0 : i32
        %dma_wait3A_45 = tpu.memref_slice %arg8[%dma_wait3A_43, %dma_wait3A_44] : memref<228x64xi32, #tpu.memory_space<vmem>> -> memref<1x64xi32, #tpu.memory_space<vmem>>
        %dma_wait3A_46 = tpu.memref_squeeze %dma_wait3A_45 : memref<1x64xi32, #tpu.memory_space<vmem>> -> memref<64xi32, #tpu.memory_space<vmem>>
        %dma_wait3A_47 = arith.constant 0 : i32
        %dma_wait3A_48 = arith.constant 0 : i32
        %dma_wait3A_49 = tpu.memref_slice %arg2[%dma_wait3A_47, %dma_wait3A_48] : memref<10000x128xf32, #tpu.memory_space<hbm>> -> memref<10000x128xf32, #tpu.memory_space<hbm>>
        tpu.wait_indirect_dma semaphore(%arg12 : memref<!tpu.dma_semaphore, #tpu.memory_space<semaphore_mem>>) src(%dma_wait3A_49 : memref<10000x128xf32, #tpu.memory_space<hbm>>) dst(%arg10 : memref<64x128xf32, #tpu.memory_space<vmem>>)
        "tpu.region"() ({
          %run_scoped3A_74 = tpu.sem_alloc : memref<!tpu.dma_semaphore, #tpu.memory_space<semaphore_mem>>
          %dma_start3A_75 = arith.constant 0 : i32
          %dma_start3A_76 = tpu.memref_slice %arg9[%mul3A_42, %dma_start3A_75] : memref<228x64xi32, #tpu.memory_space<vmem>> -> memref<1x64xi32, #tpu.memory_space<vmem>>
          %dma_start3A_77 = tpu.memref_squeeze %dma_start3A_76 : memref<1x64xi32, #tpu.memory_space<vmem>> -> memref<64xi32, #tpu.memory_space<vmem>>
          %dma_start3A_78 = arith.constant 0 : i32
          %dma_start3A_79 = arith.constant 0 : i32
          %dma_start3A_80 = tpu.memref_slice %arg7[%dma_start3A_78, %dma_start3A_79] : memref<10240x128xf32, #tpu.memory_space<vmem_shared>> -> memref<10240x128xf32, #tpu.memory_space<vmem_shared>>
          tpu.enqueue_indirect_dma source(%arg10 : memref<64x128xf32, #tpu.memory_space<vmem>>) target(%dma_start3A_80 : memref<10240x128xf32, #tpu.memory_space<vmem_shared>>) offsets(%dma_start3A_77 : memref<64xi32, #tpu.memory_space<vmem>>) semaphore(%run_scoped3A_74 : memref<!tpu.dma_semaphore, #tpu.memory_space<semaphore_mem>>) {add = true}
          %dma_wait3A_81 = arith.constant 0 : i32
          %dma_wait3A_82 = tpu.memref_slice %arg9[%mul3A_42, %dma_wait3A_81] : memref<228x64xi32, #tpu.memory_space<vmem>> -> memref<1x64xi32, #tpu.memory_space<vmem>>
          %dma_wait3A_83 = tpu.memref_squeeze %dma_wait3A_82 : memref<1x64xi32, #tpu.memory_space<vmem>> -> memref<64xi32, #tpu.memory_space<vmem>>
          %dma_wait3A_84 = arith.constant 0 : i32
          %dma_wait3A_85 = arith.constant 0 : i32
          %dma_wait3A_86 = tpu.memref_slice %arg7[%dma_wait3A_84, %dma_wait3A_85] : memref<10240x128xf32, #tpu.memory_space<vmem_shared>> -> memref<10240x128xf32, #tpu.memory_space<vmem_shared>>
          tpu.wait_indirect_dma semaphore(%run_scoped3A_74 : memref<!tpu.dma_semaphore, #tpu.memory_space<semaphore_mem>>) src(%arg10 : memref<64x128xf32, #tpu.memory_space<vmem>>) dst(%dma_wait3A_86 : memref<10240x128xf32, #tpu.memory_space<vmem_shared>>)
          tpu.yield
        }) : () -> ()
        %add3A = arith.constant 2 : i32
        %add3A_50 = arith.addi %mul3A_42, %add3A : i32
        %dma_start3A_51 = arith.constant 0 : i32
        %dma_start3A_52 = tpu.memref_slice %arg8[%add3A_50, %dma_start3A_51] : memref<228x64xi32, #tpu.memory_space<vmem>> -> memref<1x64xi32, #tpu.memory_space<vmem>>
        %dma_start3A_53 = tpu.memref_squeeze %dma_start3A_52 : memref<1x64xi32, #tpu.memory_space<vmem>> -> memref<64xi32, #tpu.memory_space<vmem>>
        %dma_start3A_54 = arith.constant 0 : i32
        %dma_start3A_55 = arith.constant 0 : i32
        %dma_start3A_56 = tpu.memref_slice %arg2[%dma_start3A_54, %dma_start3A_55] : memref<10000x128xf32, #tpu.memory_space<hbm>> -> memref<10000x128xf32, #tpu.memory_space<hbm>>
        tpu.enqueue_indirect_dma source(%dma_start3A_56 : memref<10000x128xf32, #tpu.memory_space<hbm>>) target(%arg10 : memref<64x128xf32, #tpu.memory_space<vmem>>) offsets(%dma_start3A_53 : memref<64xi32, #tpu.memory_space<vmem>>) semaphore(%arg12 : memref<!tpu.dma_semaphore, #tpu.memory_space<semaphore_mem>>)
        %dma_wait3A_57 = arith.constant 0 : i32
        %dma_wait3A_58 = arith.constant 0 : i32
        %dma_wait3A_59 = tpu.memref_slice %arg8[%dma_wait3A_57, %dma_wait3A_58] : memref<228x64xi32, #tpu.memory_space<vmem>> -> memref<1x64xi32, #tpu.memory_space<vmem>>
        %dma_wait3A_60 = tpu.memref_squeeze %dma_wait3A_59 : memref<1x64xi32, #tpu.memory_space<vmem>> -> memref<64xi32, #tpu.memory_space<vmem>>
        %dma_wait3A_61 = arith.constant 0 : i32
        %dma_wait3A_62 = arith.constant 0 : i32
        %dma_wait3A_63 = tpu.memref_slice %arg2[%dma_wait3A_61, %dma_wait3A_62] : memref<10000x128xf32, #tpu.memory_space<hbm>> -> memref<10000x128xf32, #tpu.memory_space<hbm>>
        tpu.wait_indirect_dma semaphore(%arg13 : memref<!tpu.dma_semaphore, #tpu.memory_space<semaphore_mem>>) src(%dma_wait3A_63 : memref<10000x128xf32, #tpu.memory_space<hbm>>) dst(%arg11 : memref<64x128xf32, #tpu.memory_space<vmem>>)
        %add3A_64 = arith.constant 1 : i32
        %add3A_65 = arith.addi %mul3A_42, %add3A_64 : i32
        "tpu.region"() ({
          %run_scoped3A_74 = tpu.sem_alloc : memref<!tpu.dma_semaphore, #tpu.memory_space<semaphore_mem>>
          %dma_start3A_75 = arith.constant 0 : i32
          %dma_start3A_76 = tpu.memref_slice %arg9[%add3A_65, %dma_start3A_75] : memref<228x64xi32, #tpu.memory_space<vmem>> -> memref<1x64xi32, #tpu.memory_space<vmem>>
          %dma_start3A_77 = tpu.memref_squeeze %dma_start3A_76 : memref<1x64xi32, #tpu.memory_space<vmem>> -> memref<64xi32, #tpu.memory_space<vmem>>
          %dma_start3A_78 = arith.constant 0 : i32
          %dma_start3A_79 = arith.constant 0 : i32
          %dma_start3A_80 = tpu.memref_slice %arg7[%dma_start3A_78, %dma_start3A_79] : memref<10240x128xf32, #tpu.memory_space<vmem_shared>> -> memref<10240x128xf32, #tpu.memory_space<vmem_shared>>
          tpu.enqueue_indirect_dma source(%arg11 : memref<64x128xf32, #tpu.memory_space<vmem>>) target(%dma_start3A_80 : memref<10240x128xf32, #tpu.memory_space<vmem_shared>>) offsets(%dma_start3A_77 : memref<64xi32, #tpu.memory_space<vmem>>) semaphore(%run_scoped3A_74 : memref<!tpu.dma_semaphore, #tpu.memory_space<semaphore_mem>>) {add = true}
          %dma_wait3A_81 = arith.constant 0 : i32
          %dma_wait3A_82 = tpu.memref_slice %arg9[%add3A_65, %dma_wait3A_81] : memref<228x64xi32, #tpu.memory_space<vmem>> -> memref<1x64xi32, #tpu.memory_space<vmem>>
          %dma_wait3A_83 = tpu.memref_squeeze %dma_wait3A_82 : memref<1x64xi32, #tpu.memory_space<vmem>> -> memref<64xi32, #tpu.memory_space<vmem>>
          %dma_wait3A_84 = arith.constant 0 : i32
          %dma_wait3A_85 = arith.constant 0 : i32
          %dma_wait3A_86 = tpu.memref_slice %arg7[%dma_wait3A_84, %dma_wait3A_85] : memref<10240x128xf32, #tpu.memory_space<vmem_shared>> -> memref<10240x128xf32, #tpu.memory_space<vmem_shared>>
          tpu.wait_indirect_dma semaphore(%run_scoped3A_74 : memref<!tpu.dma_semaphore, #tpu.memory_space<semaphore_mem>>) src(%arg11 : memref<64x128xf32, #tpu.memory_space<vmem>>) dst(%dma_wait3A_86 : memref<10240x128xf32, #tpu.memory_space<vmem_shared>>)
          tpu.yield
        }) : () -> ()
        %add3A_66 = arith.constant 3 : i32
        %add3A_67 = arith.addi %mul3A_42, %add3A_66 : i32
        %dma_start3A_68 = arith.constant 0 : i32
        %dma_start3A_69 = tpu.memref_slice %arg8[%add3A_67, %dma_start3A_68] : memref<228x64xi32, #tpu.memory_space<vmem>> -> memref<1x64xi32, #tpu.memory_space<vmem>>
        %dma_start3A_70 = tpu.memref_squeeze %dma_start3A_69 : memref<1x64xi32, #tpu.memory_space<vmem>> -> memref<64xi32, #tpu.memory_space<vmem>>
        %dma_start3A_71 = arith.constant 0 : i32
        %dma_start3A_72 = arith.constant 0 : i32
        %dma_start3A_73 = tpu.memref_slice %arg2[%dma_start3A_71, %dma_start3A_72] : memref<10000x128xf32, #tpu.memory_space<hbm>> -> memref<10000x128xf32, #tpu.memory_space<hbm>>
        tpu.enqueue_indirect_dma source(%dma_start3A_73 : memref<10000x128xf32, #tpu.memory_space<hbm>>) target(%arg11 : memref<64x128xf32, #tpu.memory_space<vmem>>) offsets(%dma_start3A_70 : memref<64xi32, #tpu.memory_space<vmem>>) semaphore(%arg13 : memref<!tpu.dma_semaphore, #tpu.memory_space<semaphore_mem>>)
      }
      %scan3A_25 = arith.constant 43 : i32
      %dma_wait3A = arith.constant 0 : i32
      %dma_wait3A_26 = arith.constant 0 : i32
      %dma_wait3A_27 = tpu.memref_slice %arg8[%dma_wait3A, %dma_wait3A_26] : memref<228x64xi32, #tpu.memory_space<vmem>> -> memref<1x64xi32, #tpu.memory_space<vmem>>
      %dma_wait3A_28 = tpu.memref_squeeze %dma_wait3A_27 : memref<1x64xi32, #tpu.memory_space<vmem>> -> memref<64xi32, #tpu.memory_space<vmem>>
      %dma_wait3A_29 = arith.constant 0 : i32
      %dma_wait3A_30 = arith.constant 0 : i32
      %dma_wait3A_31 = tpu.memref_slice %arg2[%dma_wait3A_29, %dma_wait3A_30] : memref<10000x128xf32, #tpu.memory_space<hbm>> -> memref<10000x128xf32, #tpu.memory_space<hbm>>
      tpu.wait_indirect_dma semaphore(%arg12 : memref<!tpu.dma_semaphore, #tpu.memory_space<semaphore_mem>>) src(%dma_wait3A_31 : memref<10000x128xf32, #tpu.memory_space<hbm>>) dst(%arg10 : memref<64x128xf32, #tpu.memory_space<vmem>>)
      %run_scoped3A = arith.constant 86 : i32
      "tpu.region"() ({
        %run_scoped3A_40 = tpu.sem_alloc : memref<!tpu.dma_semaphore, #tpu.memory_space<semaphore_mem>>
        %dma_start3A_41 = arith.constant 0 : i32
        %dma_start3A_42 = tpu.memref_slice %arg9[%run_scoped3A, %dma_start3A_41] : memref<228x64xi32, #tpu.memory_space<vmem>> -> memref<1x64xi32, #tpu.memory_space<vmem>>
        %dma_start3A_43 = tpu.memref_squeeze %dma_start3A_42 : memref<1x64xi32, #tpu.memory_space<vmem>> -> memref<64xi32, #tpu.memory_space<vmem>>
        %dma_start3A_44 = arith.constant 0 : i32
        %dma_start3A_45 = arith.constant 0 : i32
        %dma_start3A_46 = tpu.memref_slice %arg7[%dma_start3A_44, %dma_start3A_45] : memref<10240x128xf32, #tpu.memory_space<vmem_shared>> -> memref<10240x128xf32, #tpu.memory_space<vmem_shared>>
        tpu.enqueue_indirect_dma source(%arg10 : memref<64x128xf32, #tpu.memory_space<vmem>>) target(%dma_start3A_46 : memref<10240x128xf32, #tpu.memory_space<vmem_shared>>) offsets(%dma_start3A_43 : memref<64xi32, #tpu.memory_space<vmem>>) semaphore(%run_scoped3A_40 : memref<!tpu.dma_semaphore, #tpu.memory_space<semaphore_mem>>) {add = true}
        %dma_wait3A_47 = arith.constant 0 : i32
        %dma_wait3A_48 = tpu.memref_slice %arg9[%run_scoped3A, %dma_wait3A_47] : memref<228x64xi32, #tpu.memory_space<vmem>> -> memref<1x64xi32, #tpu.memory_space<vmem>>
        %dma_wait3A_49 = tpu.memref_squeeze %dma_wait3A_48 : memref<1x64xi32, #tpu.memory_space<vmem>> -> memref<64xi32, #tpu.memory_space<vmem>>
        %dma_wait3A_50 = arith.constant 0 : i32
        %dma_wait3A_51 = arith.constant 0 : i32
        %dma_wait3A_52 = tpu.memref_slice %arg7[%dma_wait3A_50, %dma_wait3A_51] : memref<10240x128xf32, #tpu.memory_space<vmem_shared>> -> memref<10240x128xf32, #tpu.memory_space<vmem_shared>>
        tpu.wait_indirect_dma semaphore(%run_scoped3A_40 : memref<!tpu.dma_semaphore, #tpu.memory_space<semaphore_mem>>) src(%arg10 : memref<64x128xf32, #tpu.memory_space<vmem>>) dst(%dma_wait3A_52 : memref<10240x128xf32, #tpu.memory_space<vmem_shared>>)
        tpu.yield
      }) : () -> ()
      %dma_wait3A_32 = arith.constant 0 : i32
      %dma_wait3A_33 = arith.constant 0 : i32
      %dma_wait3A_34 = tpu.memref_slice %arg8[%dma_wait3A_32, %dma_wait3A_33] : memref<228x64xi32, #tpu.memory_space<vmem>> -> memref<1x64xi32, #tpu.memory_space<vmem>>
      %dma_wait3A_35 = tpu.memref_squeeze %dma_wait3A_34 : memref<1x64xi32, #tpu.memory_space<vmem>> -> memref<64xi32, #tpu.memory_space<vmem>>
      %dma_wait3A_36 = arith.constant 0 : i32
      %dma_wait3A_37 = arith.constant 0 : i32
      %dma_wait3A_38 = tpu.memref_slice %arg2[%dma_wait3A_36, %dma_wait3A_37] : memref<10000x128xf32, #tpu.memory_space<hbm>> -> memref<10000x128xf32, #tpu.memory_space<hbm>>
      tpu.wait_indirect_dma semaphore(%arg13 : memref<!tpu.dma_semaphore, #tpu.memory_space<semaphore_mem>>) src(%dma_wait3A_38 : memref<10000x128xf32, #tpu.memory_space<hbm>>) dst(%arg11 : memref<64x128xf32, #tpu.memory_space<vmem>>)
      %run_scoped3A_39 = arith.constant 87 : i32
      "tpu.region"() ({
        %run_scoped3A_40 = tpu.sem_alloc : memref<!tpu.dma_semaphore, #tpu.memory_space<semaphore_mem>>
        %dma_start3A_41 = arith.constant 0 : i32
        %dma_start3A_42 = tpu.memref_slice %arg9[%run_scoped3A_39, %dma_start3A_41] : memref<228x64xi32, #tpu.memory_space<vmem>> -> memref<1x64xi32, #tpu.memory_space<vmem>>
        %dma_start3A_43 = tpu.memref_squeeze %dma_start3A_42 : memref<1x64xi32, #tpu.memory_space<vmem>> -> memref<64xi32, #tpu.memory_space<vmem>>
        %dma_start3A_44 = arith.constant 0 : i32
        %dma_start3A_45 = arith.constant 0 : i32
        %dma_start3A_46 = tpu.memref_slice %arg7[%dma_start3A_44, %dma_start3A_45] : memref<10240x128xf32, #tpu.memory_space<vmem_shared>> -> memref<10240x128xf32, #tpu.memory_space<vmem_shared>>
        tpu.enqueue_indirect_dma source(%arg11 : memref<64x128xf32, #tpu.memory_space<vmem>>) target(%dma_start3A_46 : memref<10240x128xf32, #tpu.memory_space<vmem_shared>>) offsets(%dma_start3A_43 : memref<64xi32, #tpu.memory_space<vmem>>) semaphore(%run_scoped3A_40 : memref<!tpu.dma_semaphore, #tpu.memory_space<semaphore_mem>>) {add = true}
        %dma_wait3A_47 = arith.constant 0 : i32
        %dma_wait3A_48 = tpu.memref_slice %arg9[%run_scoped3A_39, %dma_wait3A_47] : memref<228x64xi32, #tpu.memory_space<vmem>> -> memref<1x64xi32, #tpu.memory_space<vmem>>
        %dma_wait3A_49 = tpu.memref_squeeze %dma_wait3A_48 : memref<1x64xi32, #tpu.memory_space<vmem>> -> memref<64xi32, #tpu.memory_space<vmem>>
        %dma_wait3A_50 = arith.constant 0 : i32
        %dma_wait3A_51 = arith.constant 0 : i32
        %dma_wait3A_52 = tpu.memref_slice %arg7[%dma_wait3A_50, %dma_wait3A_51] : memref<10240x128xf32, #tpu.memory_space<vmem_shared>> -> memref<10240x128xf32, #tpu.memory_space<vmem_shared>>
        tpu.wait_indirect_dma semaphore(%run_scoped3A_40 : memref<!tpu.dma_semaphore, #tpu.memory_space<semaphore_mem>>) src(%arg11 : memref<64x128xf32, #tpu.memory_space<vmem>>) dst(%dma_wait3A_52 : memref<10240x128xf32, #tpu.memory_space<vmem_shared>>)
        tpu.yield
      }) : () -> ()
    } else {
    }
    %barrier3A_7 = arith.constant 0 : index
    tpu.barrier barrier_id(%barrier3A_7)
    "tpu.region"() ({
      %run_scoped3A = tpu.sem_alloc : memref<!tpu.dma_semaphore, #tpu.memory_space<semaphore_mem>>
      %dma_start3A = arith.constant 0 : i32
      %dma_start3A_8 = tpu.memref_slice %arg6[%arg0, %mul3A_0, %dma_start3A] : memref<2x10240x128xf32, #tpu.memory_space<hbm>> -> memref<1x640x128xf32, #tpu.memory_space<hbm>>
      %dma_start3A_9 = tpu.memref_squeeze %dma_start3A_8 : memref<1x640x128xf32, #tpu.memory_space<hbm>> -> memref<640x128xf32, #tpu.memory_space<hbm>>
      %dma_start3A_10 = arith.constant 0 : i32
      %dma_start3A_11 = tpu.memref_slice %arg7[%mul3A_0, %dma_start3A_10] : memref<10240x128xf32, #tpu.memory_space<vmem_shared>> -> memref<640x128xf32, #tpu.memory_space<vmem_shared>>
      tpu.enqueue_dma source(%dma_start3A_11 : memref<640x128xf32, #tpu.memory_space<vmem_shared>>) target(%dma_start3A_9 : memref<640x128xf32, #tpu.memory_space<hbm>>) target_semaphore(%run_scoped3A : memref<!tpu.dma_semaphore, #tpu.memory_space<semaphore_mem>>)
      %dma_wait3A = arith.constant 0 : i32
      %dma_wait3A_12 = tpu.memref_slice %arg6[%arg0, %mul3A_0, %dma_wait3A] : memref<2x10240x128xf32, #tpu.memory_space<hbm>> -> memref<1x640x128xf32, #tpu.memory_space<hbm>>
      %dma_wait3A_13 = tpu.memref_squeeze %dma_wait3A_12 : memref<1x640x128xf32, #tpu.memory_space<hbm>> -> memref<640x128xf32, #tpu.memory_space<hbm>>
      %dma_wait3A_14 = arith.constant 0 : i32
      %dma_wait3A_15 = tpu.memref_slice %arg7[%mul3A_0, %dma_wait3A_14] : memref<10240x128xf32, #tpu.memory_space<vmem_shared>> -> memref<640x128xf32, #tpu.memory_space<vmem_shared>>
      tpu.wait_dma2 semaphore(%run_scoped3A : memref<!tpu.dma_semaphore, #tpu.memory_space<semaphore_mem>>) src(%dma_wait3A_15 : memref<640x128xf32, #tpu.memory_space<vmem_shared>>) dst(%dma_wait3A_13 : memref<640x128xf32, #tpu.memory_space<hbm>>)
      tpu.yield
    }) : () -> ()
    return
  }
}

module attributes {stable_mosaic.version = 14 : i64} {
  func.func @_tc1_body(%arg0: i32, %arg1: memref<1000x64xf32, #tpu.memory_space<vmem>>, %arg2: memref<1000x128xf32, #tpu.memory_space<vmem>>, %arg3: memref<64x128xf32, #tpu.memory_space<vmem>>, %arg4: memref<1x128xf32, #tpu.memory_space<vmem>>, %arg5: memref<192x256xf32, #tpu.memory_space<vmem>>, %arg6: memref<1x256xf32, #tpu.memory_space<vmem>>, %arg7: memref<1000x64xf32, #tpu.memory_space<vmem>>, %arg8: memref<1000x64xf32, #tpu.memory_space<vmem>>, %arg9: memref<1000x128xf32, #tpu.memory_space<vmem>>, %arg10: memref<1000x128xf32, #tpu.memory_space<vmem>>) attributes {dimension_semantics = [#tpu.dimension_semantics<arbitrary>], iteration_bounds = array<i64: 10>, scalar_prefetch = 0 : i64, scratch_operands = 0 : i64, tpu.core_type = #tpu.core_type<tc>, window_params = [{transform_indices = @transform_0, window_bounds = array<i64: 1000, 64>}, {transform_indices = @transform_1, window_bounds = array<i64: 1000, 128>}, {pipeline_mode = #tpu.pipeline_mode<synchronous>, transform_indices = @transform_2, window_bounds = array<i64: 64, 128>}, {pipeline_mode = #tpu.pipeline_mode<synchronous>, transform_indices = @transform_3, window_bounds = array<i64: 1, 128>}, {pipeline_mode = #tpu.pipeline_mode<synchronous>, transform_indices = @transform_4, window_bounds = array<i64: 192, 256>}, {pipeline_mode = #tpu.pipeline_mode<synchronous>, transform_indices = @transform_5, window_bounds = array<i64: 1, 256>}, {transform_indices = @transform_6, window_bounds = array<i64: 1000, 64>}, {transform_indices = @transform_7, window_bounds = array<i64: 1000, 64>}, {transform_indices = @transform_8, window_bounds = array<i64: 1000, 128>}, {transform_indices = @transform_9, window_bounds = array<i64: 1000, 128>}]} {
    %get3A = arith.constant 0 : index
    %get3A_0 = arith.constant 0 : index
    %get3A_1 = vector.load %arg1[%get3A, %get3A_0] : memref<1000x64xf32, #tpu.memory_space<vmem>>, vector<1000x64xf32>
    %get3A_2 = arith.constant 0 : index
    %get3A_3 = arith.constant 0 : index
    %get3A_4 = vector.load %arg3[%get3A_2, %get3A_3] : memref<64x128xf32, #tpu.memory_space<vmem>>, vector<64x128xf32>
    %dot_general3A = arith.constant dense<0.000000e+00> : vector<1000x128xf32>
    %dot_general3A_5 = tpu.matmul %get3A_1, %get3A_4, %dot_general3A {dimension_numbers = #tpu.dot_dimension_numbers<[1], [0], [0], [1], [0, 0, 1, 1], [], []>, transpose_lhs_hint = false} : vector<1000x64xf32>, vector<64x128xf32>, vector<1000x128xf32> -> vector<1000x128xf32>
    %get3A_6 = arith.constant 0 : index
    %get3A_7 = arith.constant 0 : index
    %get3A_8 = vector.load %arg4[%get3A_6, %get3A_7] : memref<1x128xf32, #tpu.memory_space<vmem>>, vector<1x128xf32>
    %add3A = vector.broadcast %get3A_8 : vector<1x128xf32> to vector<1000x128xf32>
    %add3A_9 = arith.addf %dot_general3A_5, %add3A : vector<1000x128xf32>
    %slice3A = vector.extract_strided_slice %add3A_9 {offsets = [0, 0], sizes = [1000, 64], strides = [1, 1]} : vector<1000x128xf32> to vector<1000x64xf32>
    %swap3A = arith.constant 0 : index
    %swap3A_10 = arith.constant 0 : index
    %swap3A_11 = vector.load %arg7[%swap3A, %swap3A_10] : memref<1000x64xf32, #tpu.memory_space<vmem>>, vector<1000x64xf32>
    tpu.vector_store %arg7[%swap3A, %swap3A_10], %slice3A {strides = array<i32>} : memref<1000x64xf32, #tpu.memory_space<vmem>>, vector<1000x64xf32>,
    %slice3A_12 = vector.extract_strided_slice %add3A_9 {offsets = [0, 64], sizes = [1000, 64], strides = [1, 1]} : vector<1000x128xf32> to vector<1000x64xf32>
    %swap3A_13 = arith.constant 0 : index
    %swap3A_14 = arith.constant 0 : index
    %swap3A_15 = vector.load %arg8[%swap3A_13, %swap3A_14] : memref<1000x64xf32, #tpu.memory_space<vmem>>, vector<1000x64xf32>
    tpu.vector_store %arg8[%swap3A_13, %swap3A_14], %slice3A_12 {strides = array<i32>} : memref<1000x64xf32, #tpu.memory_space<vmem>>, vector<1000x64xf32>,
    %get3A_16 = arith.constant 0 : index
    %get3A_17 = arith.constant 0 : index
    %get3A_18 = vector.load %arg2[%get3A_16, %get3A_17] : memref<1000x128xf32, #tpu.memory_space<vmem>>, vector<1000x128xf32>
    %concatenate3A = tpu.concatenate %get3A_18, %get3A_1 in 1 : vector<1000x128xf32>, vector<1000x64xf32> -> vector<1000x192xf32>
    %get3A_19 = arith.constant 0 : index
    %get3A_20 = arith.constant 0 : index
    %get3A_21 = vector.load %arg5[%get3A_19, %get3A_20] : memref<192x256xf32, #tpu.memory_space<vmem>>, vector<192x256xf32>
    %dot_general3A_22 = arith.constant dense<0.000000e+00> : vector<1000x256xf32>
    %dot_general3A_23 = tpu.matmul %concatenate3A, %get3A_21, %dot_general3A_22 {dimension_numbers = #tpu.dot_dimension_numbers<[1], [0], [0], [1], [0, 0, 1, 1], [], []>, transpose_lhs_hint = false} : vector<1000x192xf32>, vector<192x256xf32>, vector<1000x256xf32> -> vector<1000x256xf32>
    %get3A_24 = arith.constant 0 : index
    %get3A_25 = arith.constant 0 : index
    %get3A_26 = vector.load %arg6[%get3A_24, %get3A_25] : memref<1x256xf32, #tpu.memory_space<vmem>>, vector<1x256xf32>
    %add3A_27 = vector.broadcast %get3A_26 : vector<1x256xf32> to vector<1000x256xf32>
    %add3A_28 = arith.addf %dot_general3A_23, %add3A_27 : vector<1000x256xf32>
    %slice3A_29 = vector.extract_strided_slice %add3A_28 {offsets = [0, 0], sizes = [1000, 128], strides = [1, 1]} : vector<1000x256xf32> to vector<1000x128xf32>
    %swap3A_30 = arith.constant 0 : index
    %swap3A_31 = arith.constant 0 : index
    %swap3A_32 = vector.load %arg9[%swap3A_30, %swap3A_31] : memref<1000x128xf32, #tpu.memory_space<vmem>>, vector<1000x128xf32>
    tpu.vector_store %arg9[%swap3A_30, %swap3A_31], %slice3A_29 {strides = array<i32>} : memref<1000x128xf32, #tpu.memory_space<vmem>>, vector<1000x128xf32>,
    %slice3A_33 = vector.extract_strided_slice %add3A_28 {offsets = [0, 128], sizes = [1000, 128], strides = [1, 1]} : vector<1000x256xf32> to vector<1000x128xf32>
    %swap3A_34 = arith.constant 0 : index
    %swap3A_35 = arith.constant 0 : index
    %swap3A_36 = vector.load %arg10[%swap3A_34, %swap3A_35] : memref<1000x128xf32, #tpu.memory_space<vmem>>, vector<1000x128xf32>
    tpu.vector_store %arg10[%swap3A_34, %swap3A_35], %slice3A_33 {strides = array<i32>} : memref<1000x128xf32, #tpu.memory_space<vmem>>, vector<1000x128xf32>,
    return
  }
  func.func @transform_0(%arg0: i32) -> (i32, i32) {
    %c0_i32 = arith.constant 0 : i32
    %c0_i32_0 = arith.constant 0 : i32
    return %arg0, %c0_i32 : i32, i32
  }
  func.func @transform_1(%arg0: i32) -> (i32, i32) {
    %c0_i32 = arith.constant 0 : i32
    %c0_i32_0 = arith.constant 0 : i32
    return %arg0, %c0_i32 : i32, i32
  }
  func.func @transform_2(%arg0: i32) -> (i32, i32) {
    %c0_i32 = arith.constant 0 : i32
    %c0_i32_0 = arith.constant 0 : i32
    %c0_i32_1 = arith.constant 0 : i32
    return %c0_i32, %c0_i32_0 : i32, i32
  }
  func.func @transform_3(%arg0: i32) -> (i32, i32) {
    %c0_i32 = arith.constant 0 : i32
    %c0_i32_0 = arith.constant 0 : i32
    %c0_i32_1 = arith.constant 0 : i32
    return %c0_i32, %c0_i32_0 : i32, i32
  }
  func.func @transform_4(%arg0: i32) -> (i32, i32) {
    %c0_i32 = arith.constant 0 : i32
    %c0_i32_0 = arith.constant 0 : i32
    %c0_i32_1 = arith.constant 0 : i32
    return %c0_i32, %c0_i32_0 : i32, i32
  }
  func.func @transform_5(%arg0: i32) -> (i32, i32) {
    %c0_i32 = arith.constant 0 : i32
    %c0_i32_0 = arith.constant 0 : i32
    %c0_i32_1 = arith.constant 0 : i32
    return %c0_i32, %c0_i32_0 : i32, i32
  }
  func.func @transform_6(%arg0: i32) -> (i32, i32) {
    %c0_i32 = arith.constant 0 : i32
    %c0_i32_0 = arith.constant 0 : i32
    return %arg0, %c0_i32 : i32, i32
  }
  func.func @transform_7(%arg0: i32) -> (i32, i32) {
    %c0_i32 = arith.constant 0 : i32
    %c0_i32_0 = arith.constant 0 : i32
    return %arg0, %c0_i32 : i32, i32
  }
  func.func @transform_8(%arg0: i32) -> (i32, i32) {
    %c0_i32 = arith.constant 0 : i32
    %c0_i32_0 = arith.constant 0 : i32
    return %arg0, %c0_i32 : i32, i32
  }
  func.func @transform_9(%arg0: i32) -> (i32, i32) {
    %c0_i32 = arith.constant 0 : i32
    %c0_i32_0 = arith.constant 0 : i32
    return %arg0, %c0_i32 : i32, i32
  }
}

module attributes {stable_mosaic.version = 14 : i64} {
  func.func @_tc2_body(%arg0: i32, %arg1: memref<2x1000x64xf32, #tpu.memory_space<vmem>>, %arg2: memref<2x1000x128xf32, #tpu.memory_space<vmem>>, %arg3: memref<2x1000x16xf32, #tpu.memory_space<vmem>>, %arg4: memref<2x1000x16xf32, #tpu.memory_space<vmem>>, %arg5: memref<1000x64xf32, #tpu.memory_space<vmem>>, %arg6: memref<1000x128xf32, #tpu.memory_space<vmem>>, %arg7: memref<64x128xf32, #tpu.memory_space<vmem>>, %arg8: memref<1x128xf32, #tpu.memory_space<vmem>>, %arg9: memref<192x256xf32, #tpu.memory_space<vmem>>, %arg10: memref<1x256xf32, #tpu.memory_space<vmem>>, %arg11: memref<1000x64xf32, #tpu.memory_space<vmem>>, %arg12: memref<1000x64xf32, #tpu.memory_space<vmem>>, %arg13: memref<1000x128xf32, #tpu.memory_space<vmem>>, %arg14: memref<1000x128xf32, #tpu.memory_space<vmem>>) attributes {dimension_semantics = [#tpu.dimension_semantics<arbitrary>], iteration_bounds = array<i64: 10>, scalar_prefetch = 0 : i64, scratch_operands = 0 : i64, tpu.core_type = #tpu.core_type<tc>, window_params = [{transform_indices = @transform_0, window_bounds = array<i64: 2, 1000, 64>}, {transform_indices = @transform_1, window_bounds = array<i64: 2, 1000, 128>}, {transform_indices = @transform_2, window_bounds = array<i64: 2, 1000, 16>}, {transform_indices = @transform_3, window_bounds = array<i64: 2, 1000, 16>}, {transform_indices = @transform_4, window_bounds = array<i64: 1000, 64>}, {transform_indices = @transform_5, window_bounds = array<i64: 1000, 128>}, {pipeline_mode = #tpu.pipeline_mode<synchronous>, transform_indices = @transform_6, window_bounds = array<i64: 64, 128>}, {pipeline_mode = #tpu.pipeline_mode<synchronous>, transform_indices = @transform_7, window_bounds = array<i64: 1, 128>}, {pipeline_mode = #tpu.pipeline_mode<synchronous>, transform_indices = @transform_8, window_bounds = array<i64: 192, 256>}, {pipeline_mode = #tpu.pipeline_mode<synchronous>, transform_indices = @transform_9, window_bounds = array<i64: 1, 256>}, {transform_indices = @transform_10, window_bounds = array<i64: 1000, 64>}, {transform_indices = @transform_11, window_bounds = array<i64: 1000, 64>}, {transform_indices = @transform_12, window_bounds = array<i64: 1000, 128>}, {transform_indices = @transform_13, window_bounds = array<i64: 1000, 128>}]} {
    %get3A = arith.constant 0 : index
    %get3A_0 = arith.constant 0 : index
    %get3A_1 = arith.constant 0 : index
    %get3A_2 = vector.load %arg3[%get3A, %get3A_0, %get3A_1] : memref<2x1000x16xf32, #tpu.memory_space<vmem>>, vector<1x1000x1xf32>
    %get3A_3 = vector.shape_cast %get3A_2 : vector<1x1000x1xf32> to vector<1000x1xf32>
    %get3A_4 = arith.constant 1 : index
    %get3A_5 = arith.constant 0 : index
    %get3A_6 = arith.constant 0 : index
    %get3A_7 = vector.load %arg3[%get3A_4, %get3A_5, %get3A_6] : memref<2x1000x16xf32, #tpu.memory_space<vmem>>, vector<1x1000x1xf32>
    %get3A_8 = vector.shape_cast %get3A_7 : vector<1x1000x1xf32> to vector<1000x1xf32>
    %add3A = arith.addf %get3A_3, %get3A_8 : vector<1000x1xf32>
    %max3A = arith.constant 1.000000e+00 : f32
    %max3A_9 = vector.broadcast %max3A : f32 to vector<1000x1xf32>
    %max3A_10 = arith.maximumf %add3A, %max3A_9 : vector<1000x1xf32>
    %div3A = arith.constant 1.000000e+00 : f32
    %div3A_11 = vector.broadcast %div3A : f32 to vector<1000x1xf32>
    %div3A_12 = arith.divf %div3A_11, %max3A_10 : vector<1000x1xf32>
    %get3A_13 = arith.constant 0 : index
    %get3A_14 = arith.constant 0 : index
    %get3A_15 = arith.constant 0 : index
    %get3A_16 = vector.load %arg4[%get3A_13, %get3A_14, %get3A_15] : memref<2x1000x16xf32, #tpu.memory_space<vmem>>, vector<1x1000x1xf32>
    %get3A_17 = vector.shape_cast %get3A_16 : vector<1x1000x1xf32> to vector<1000x1xf32>
    %get3A_18 = arith.constant 1 : index
    %get3A_19 = arith.constant 0 : index
    %get3A_20 = arith.constant 0 : index
    %get3A_21 = vector.load %arg4[%get3A_18, %get3A_19, %get3A_20] : memref<2x1000x16xf32, #tpu.memory_space<vmem>>, vector<1x1000x1xf32>
    %get3A_22 = vector.shape_cast %get3A_21 : vector<1x1000x1xf32> to vector<1000x1xf32>
    %add3A_23 = arith.addf %get3A_17, %get3A_22 : vector<1000x1xf32>
    %max3A_24 = arith.constant 1.000000e+00 : f32
    %max3A_25 = vector.broadcast %max3A_24 : f32 to vector<1000x1xf32>
    %max3A_26 = arith.maximumf %add3A_23, %max3A_25 : vector<1000x1xf32>
    %div3A_27 = arith.constant 1.000000e+00 : f32
    %div3A_28 = vector.broadcast %div3A_27 : f32 to vector<1000x1xf32>
    %div3A_29 = arith.divf %div3A_28, %max3A_26 : vector<1000x1xf32>
    %get3A_30 = arith.constant 0 : index
    %get3A_31 = arith.constant 0 : index
    %get3A_32 = arith.constant 0 : index
    %get3A_33 = vector.load %arg1[%get3A_30, %get3A_31, %get3A_32] : memref<2x1000x64xf32, #tpu.memory_space<vmem>>, vector<1x1000x64xf32>
    %get3A_34 = vector.shape_cast %get3A_33 : vector<1x1000x64xf32> to vector<1000x64xf32>
    %get3A_35 = arith.constant 1 : index
    %get3A_36 = arith.constant 0 : index
    %get3A_37 = arith.constant 0 : index
    %get3A_38 = vector.load %arg1[%get3A_35, %get3A_36, %get3A_37] : memref<2x1000x64xf32, #tpu.memory_space<vmem>>, vector<1x1000x64xf32>
    %get3A_39 = vector.shape_cast %get3A_38 : vector<1x1000x64xf32> to vector<1000x64xf32>
    %add3A_40 = arith.addf %get3A_34, %get3A_39 : vector<1000x64xf32>
    %mul3A = vector.broadcast %div3A_12 : vector<1000x1xf32> to vector<1000x64xf32>
    %mul3A_41 = arith.mulf %add3A_40, %mul3A : vector<1000x64xf32>
    %get3A_42 = arith.constant 0 : index
    %get3A_43 = arith.constant 0 : index
    %get3A_44 = vector.load %arg5[%get3A_42, %get3A_43] : memref<1000x64xf32, #tpu.memory_space<vmem>>, vector<1000x64xf32>
    %add3A_45 = arith.addf %mul3A_41, %get3A_44 : vector<1000x64xf32>
    %max3A_46 = arith.constant 0.000000e+00 : f32
    %max3A_47 = vector.broadcast %max3A_46 : f32 to vector<1000x64xf32>
    %max3A_48 = arith.maximumf %add3A_45, %max3A_47 : vector<1000x64xf32>
    %get3A_49 = arith.constant 0 : index
    %get3A_50 = arith.constant 0 : index
    %get3A_51 = arith.constant 0 : index
    %get3A_52 = vector.load %arg2[%get3A_49, %get3A_50, %get3A_51] : memref<2x1000x128xf32, #tpu.memory_space<vmem>>, vector<1x1000x128xf32>
    %get3A_53 = vector.shape_cast %get3A_52 : vector<1x1000x128xf32> to vector<1000x128xf32>
    %get3A_54 = arith.constant 1 : index
    %get3A_55 = arith.constant 0 : index
    %get3A_56 = arith.constant 0 : index
    %get3A_57 = vector.load %arg2[%get3A_54, %get3A_55, %get3A_56] : memref<2x1000x128xf32, #tpu.memory_space<vmem>>, vector<1x1000x128xf32>
    %get3A_58 = vector.shape_cast %get3A_57 : vector<1x1000x128xf32> to vector<1000x128xf32>
    %add3A_59 = arith.addf %get3A_53, %get3A_58 : vector<1000x128xf32>
    %mul3A_60 = vector.broadcast %div3A_29 : vector<1000x1xf32> to vector<1000x128xf32>
    %mul3A_61 = arith.mulf %add3A_59, %mul3A_60 : vector<1000x128xf32>
    %get3A_62 = arith.constant 0 : index
    %get3A_63 = arith.constant 0 : index
    %get3A_64 = vector.load %arg6[%get3A_62, %get3A_63] : memref<1000x128xf32, #tpu.memory_space<vmem>>, vector<1000x128xf32>
    %add3A_65 = arith.addf %mul3A_61, %get3A_64 : vector<1000x128xf32>
    %max3A_66 = arith.constant 0.000000e+00 : f32
    %max3A_67 = vector.broadcast %max3A_66 : f32 to vector<1000x128xf32>
    %max3A_68 = arith.maximumf %add3A_65, %max3A_67 : vector<1000x128xf32>
    %get3A_69 = arith.constant 0 : index
    %get3A_70 = arith.constant 0 : index
    %get3A_71 = vector.load %arg7[%get3A_69, %get3A_70] : memref<64x128xf32, #tpu.memory_space<vmem>>, vector<64x128xf32>
    %dot_general3A = arith.constant dense<0.000000e+00> : vector<1000x128xf32>
    %dot_general3A_72 = tpu.matmul %max3A_48, %get3A_71, %dot_general3A {dimension_numbers = #tpu.dot_dimension_numbers<[1], [0], [0], [1], [0, 0, 1, 1], [], []>, transpose_lhs_hint = false} : vector<1000x64xf32>, vector<64x128xf32>, vector<1000x128xf32> -> vector<1000x128xf32>
    %get3A_73 = arith.constant 0 : index
    %get3A_74 = arith.constant 0 : index
    %get3A_75 = vector.load %arg8[%get3A_73, %get3A_74] : memref<1x128xf32, #tpu.memory_space<vmem>>, vector<1x128xf32>
    %add3A_76 = vector.broadcast %get3A_75 : vector<1x128xf32> to vector<1000x128xf32>
    %add3A_77 = arith.addf %dot_general3A_72, %add3A_76 : vector<1000x128xf32>
    %slice3A = vector.extract_strided_slice %add3A_77 {offsets = [0, 0], sizes = [1000, 64], strides = [1, 1]} : vector<1000x128xf32> to vector<1000x64xf32>
    %swap3A = arith.constant 0 : index
    %swap3A_78 = arith.constant 0 : index
    %swap3A_79 = vector.load %arg11[%swap3A, %swap3A_78] : memref<1000x64xf32, #tpu.memory_space<vmem>>, vector<1000x64xf32>
    tpu.vector_store %arg11[%swap3A, %swap3A_78], %slice3A {strides = array<i32>} : memref<1000x64xf32, #tpu.memory_space<vmem>>, vector<1000x64xf32>,
    %slice3A_80 = vector.extract_strided_slice %add3A_77 {offsets = [0, 64], sizes = [1000, 64], strides = [1, 1]} : vector<1000x128xf32> to vector<1000x64xf32>
    %swap3A_81 = arith.constant 0 : index
    %swap3A_82 = arith.constant 0 : index
    %swap3A_83 = vector.load %arg12[%swap3A_81, %swap3A_82] : memref<1000x64xf32, #tpu.memory_space<vmem>>, vector<1000x64xf32>
    tpu.vector_store %arg12[%swap3A_81, %swap3A_82], %slice3A_80 {strides = array<i32>} : memref<1000x64xf32, #tpu.memory_space<vmem>>, vector<1000x64xf32>,
    %concatenate3A = tpu.concatenate %max3A_68, %max3A_48 in 1 : vector<1000x128xf32>, vector<1000x64xf32> -> vector<1000x192xf32>
    %get3A_84 = arith.constant 0 : index
    %get3A_85 = arith.constant 0 : index
    %get3A_86 = vector.load %arg9[%get3A_84, %get3A_85] : memref<192x256xf32, #tpu.memory_space<vmem>>, vector<192x256xf32>
    %dot_general3A_87 = arith.constant dense<0.000000e+00> : vector<1000x256xf32>
    %dot_general3A_88 = tpu.matmul %concatenate3A, %get3A_86, %dot_general3A_87 {dimension_numbers = #tpu.dot_dimension_numbers<[1], [0], [0], [1], [0, 0, 1, 1], [], []>, transpose_lhs_hint = false} : vector<1000x192xf32>, vector<192x256xf32>, vector<1000x256xf32> -> vector<1000x256xf32>
    %get3A_89 = arith.constant 0 : index
    %get3A_90 = arith.constant 0 : index
    %get3A_91 = vector.load %arg10[%get3A_89, %get3A_90] : memref<1x256xf32, #tpu.memory_space<vmem>>, vector<1x256xf32>
    %add3A_92 = vector.broadcast %get3A_91 : vector<1x256xf32> to vector<1000x256xf32>
    %add3A_93 = arith.addf %dot_general3A_88, %add3A_92 : vector<1000x256xf32>
    %slice3A_94 = vector.extract_strided_slice %add3A_93 {offsets = [0, 0], sizes = [1000, 128], strides = [1, 1]} : vector<1000x256xf32> to vector<1000x128xf32>
    %swap3A_95 = arith.constant 0 : index
    %swap3A_96 = arith.constant 0 : index
    %swap3A_97 = vector.load %arg13[%swap3A_95, %swap3A_96] : memref<1000x128xf32, #tpu.memory_space<vmem>>, vector<1000x128xf32>
    tpu.vector_store %arg13[%swap3A_95, %swap3A_96], %slice3A_94 {strides = array<i32>} : memref<1000x128xf32, #tpu.memory_space<vmem>>, vector<1000x128xf32>,
    %slice3A_98 = vector.extract_strided_slice %add3A_93 {offsets = [0, 128], sizes = [1000, 128], strides = [1, 1]} : vector<1000x256xf32> to vector<1000x128xf32>
    %swap3A_99 = arith.constant 0 : index
    %swap3A_100 = arith.constant 0 : index
    %swap3A_101 = vector.load %arg14[%swap3A_99, %swap3A_100] : memref<1000x128xf32, #tpu.memory_space<vmem>>, vector<1000x128xf32>
    tpu.vector_store %arg14[%swap3A_99, %swap3A_100], %slice3A_98 {strides = array<i32>} : memref<1000x128xf32, #tpu.memory_space<vmem>>, vector<1000x128xf32>,
    return
  }
  func.func @transform_0(%arg0: i32) -> (i32, i32, i32) {
    %c0_i32 = arith.constant 0 : i32
    %c0_i32_0 = arith.constant 0 : i32
    %c0_i32_1 = arith.constant 0 : i32
    return %c0_i32, %arg0, %c0_i32_0 : i32, i32, i32
  }
  func.func @transform_1(%arg0: i32) -> (i32, i32, i32) {
    %c0_i32 = arith.constant 0 : i32
    %c0_i32_0 = arith.constant 0 : i32
    %c0_i32_1 = arith.constant 0 : i32
    return %c0_i32, %arg0, %c0_i32_0 : i32, i32, i32
  }
  func.func @transform_2(%arg0: i32) -> (i32, i32, i32) {
    %c0_i32 = arith.constant 0 : i32
    %c0_i32_0 = arith.constant 0 : i32
    %c0_i32_1 = arith.constant 0 : i32
    return %c0_i32, %arg0, %c0_i32_0 : i32, i32, i32
  }
  func.func @transform_3(%arg0: i32) -> (i32, i32, i32) {
    %c0_i32 = arith.constant 0 : i32
    %c0_i32_0 = arith.constant 0 : i32
    %c0_i32_1 = arith.constant 0 : i32
    return %c0_i32, %arg0, %c0_i32_0 : i32, i32, i32
  }
  func.func @transform_4(%arg0: i32) -> (i32, i32) {
    %c0_i32 = arith.constant 0 : i32
    %c0_i32_0 = arith.constant 0 : i32
    return %arg0, %c0_i32 : i32, i32
  }
  func.func @transform_5(%arg0: i32) -> (i32, i32) {
    %c0_i32 = arith.constant 0 : i32
    %c0_i32_0 = arith.constant 0 : i32
    return %arg0, %c0_i32 : i32, i32
  }
  func.func @transform_6(%arg0: i32) -> (i32, i32) {
    %c0_i32 = arith.constant 0 : i32
    %c0_i32_0 = arith.constant 0 : i32
    %c0_i32_1 = arith.constant 0 : i32
    return %c0_i32, %c0_i32_0 : i32, i32
  }
  func.func @transform_7(%arg0: i32) -> (i32, i32) {
    %c0_i32 = arith.constant 0 : i32
    %c0_i32_0 = arith.constant 0 : i32
    %c0_i32_1 = arith.constant 0 : i32
    return %c0_i32, %c0_i32_0 : i32, i32
  }
  func.func @transform_8(%arg0: i32) -> (i32, i32) {
    %c0_i32 = arith.constant 0 : i32
    %c0_i32_0 = arith.constant 0 : i32
    %c0_i32_1 = arith.constant 0 : i32
    return %c0_i32, %c0_i32_0 : i32, i32
  }
  func.func @transform_9(%arg0: i32) -> (i32, i32) {
    %c0_i32 = arith.constant 0 : i32
    %c0_i32_0 = arith.constant 0 : i32
    %c0_i32_1 = arith.constant 0 : i32
    return %c0_i32, %c0_i32_0 : i32, i32
  }
  func.func @transform_10(%arg0: i32) -> (i32, i32) {
    %c0_i32 = arith.constant 0 : i32
    %c0_i32_0 = arith.constant 0 : i32
    return %arg0, %c0_i32 : i32, i32
  }
  func.func @transform_11(%arg0: i32) -> (i32, i32) {
    %c0_i32 = arith.constant 0 : i32
    %c0_i32_0 = arith.constant 0 : i32
    return %arg0, %c0_i32 : i32, i32
  }
  func.func @transform_12(%arg0: i32) -> (i32, i32) {
    %c0_i32 = arith.constant 0 : i32
    %c0_i32_0 = arith.constant 0 : i32
    return %arg0, %c0_i32 : i32, i32
  }
  func.func @transform_13(%arg0: i32) -> (i32, i32) {
    %c0_i32 = arith.constant 0 : i32
    %c0_i32_0 = arith.constant 0 : i32
    return %arg0, %c0_i32 : i32, i32
  }
}

module attributes {stable_mosaic.version = 14 : i64} {
  func.func @_tc3_body(%arg0: i32, %arg1: memref<2x1000x64xf32, #tpu.memory_space<vmem>>, %arg2: memref<2x1000x128xf32, #tpu.memory_space<vmem>>, %arg3: memref<2x1000x16xf32, #tpu.memory_space<vmem>>, %arg4: memref<2x1000x16xf32, #tpu.memory_space<vmem>>, %arg5: memref<1000x64xf32, #tpu.memory_space<vmem>>, %arg6: memref<1000x128xf32, #tpu.memory_space<vmem>>, %arg7: memref<192x128xf32, #tpu.memory_space<vmem>>, %arg8: memref<1x128xf32, #tpu.memory_space<vmem>>, %arg9: memref<1000x64xf32, #tpu.memory_space<vmem>>, %arg10: memref<1000x128xf32, #tpu.memory_space<vmem>>) attributes {dimension_semantics = [#tpu.dimension_semantics<arbitrary>], iteration_bounds = array<i64: 10>, scalar_prefetch = 0 : i64, scratch_operands = 0 : i64, tpu.core_type = #tpu.core_type<tc>, window_params = [{transform_indices = @transform_0, window_bounds = array<i64: 2, 1000, 64>}, {transform_indices = @transform_1, window_bounds = array<i64: 2, 1000, 128>}, {transform_indices = @transform_2, window_bounds = array<i64: 2, 1000, 16>}, {transform_indices = @transform_3, window_bounds = array<i64: 2, 1000, 16>}, {transform_indices = @transform_4, window_bounds = array<i64: 1000, 64>}, {transform_indices = @transform_5, window_bounds = array<i64: 1000, 128>}, {pipeline_mode = #tpu.pipeline_mode<synchronous>, transform_indices = @transform_6, window_bounds = array<i64: 192, 128>}, {pipeline_mode = #tpu.pipeline_mode<synchronous>, transform_indices = @transform_7, window_bounds = array<i64: 1, 128>}, {transform_indices = @transform_8, window_bounds = array<i64: 1000, 64>}, {transform_indices = @transform_9, window_bounds = array<i64: 1000, 128>}]} {
    %get3A = arith.constant 0 : index
    %get3A_0 = arith.constant 0 : index
    %get3A_1 = arith.constant 0 : index
    %get3A_2 = vector.load %arg3[%get3A, %get3A_0, %get3A_1] : memref<2x1000x16xf32, #tpu.memory_space<vmem>>, vector<1x1000x1xf32>
    %get3A_3 = vector.shape_cast %get3A_2 : vector<1x1000x1xf32> to vector<1000x1xf32>
    %get3A_4 = arith.constant 1 : index
    %get3A_5 = arith.constant 0 : index
    %get3A_6 = arith.constant 0 : index
    %get3A_7 = vector.load %arg3[%get3A_4, %get3A_5, %get3A_6] : memref<2x1000x16xf32, #tpu.memory_space<vmem>>, vector<1x1000x1xf32>
    %get3A_8 = vector.shape_cast %get3A_7 : vector<1x1000x1xf32> to vector<1000x1xf32>
    %add3A = arith.addf %get3A_3, %get3A_8 : vector<1000x1xf32>
    %max3A = arith.constant 1.000000e+00 : f32
    %max3A_9 = vector.broadcast %max3A : f32 to vector<1000x1xf32>
    %max3A_10 = arith.maximumf %add3A, %max3A_9 : vector<1000x1xf32>
    %div3A = arith.constant 1.000000e+00 : f32
    %div3A_11 = vector.broadcast %div3A : f32 to vector<1000x1xf32>
    %div3A_12 = arith.divf %div3A_11, %max3A_10 : vector<1000x1xf32>
    %get3A_13 = arith.constant 0 : index
    %get3A_14 = arith.constant 0 : index
    %get3A_15 = arith.constant 0 : index
    %get3A_16 = vector.load %arg4[%get3A_13, %get3A_14, %get3A_15] : memref<2x1000x16xf32, #tpu.memory_space<vmem>>, vector<1x1000x1xf32>
    %get3A_17 = vector.shape_cast %get3A_16 : vector<1x1000x1xf32> to vector<1000x1xf32>
    %get3A_18 = arith.constant 1 : index
    %get3A_19 = arith.constant 0 : index
    %get3A_20 = arith.constant 0 : index
    %get3A_21 = vector.load %arg4[%get3A_18, %get3A_19, %get3A_20] : memref<2x1000x16xf32, #tpu.memory_space<vmem>>, vector<1x1000x1xf32>
    %get3A_22 = vector.shape_cast %get3A_21 : vector<1x1000x1xf32> to vector<1000x1xf32>
    %add3A_23 = arith.addf %get3A_17, %get3A_22 : vector<1000x1xf32>
    %max3A_24 = arith.constant 1.000000e+00 : f32
    %max3A_25 = vector.broadcast %max3A_24 : f32 to vector<1000x1xf32>
    %max3A_26 = arith.maximumf %add3A_23, %max3A_25 : vector<1000x1xf32>
    %div3A_27 = arith.constant 1.000000e+00 : f32
    %div3A_28 = vector.broadcast %div3A_27 : f32 to vector<1000x1xf32>
    %div3A_29 = arith.divf %div3A_28, %max3A_26 : vector<1000x1xf32>
    %get3A_30 = arith.constant 0 : index
    %get3A_31 = arith.constant 0 : index
    %get3A_32 = arith.constant 0 : index
    %get3A_33 = vector.load %arg1[%get3A_30, %get3A_31, %get3A_32] : memref<2x1000x64xf32, #tpu.memory_space<vmem>>, vector<1x1000x64xf32>
    %get3A_34 = vector.shape_cast %get3A_33 : vector<1x1000x64xf32> to vector<1000x64xf32>
    %get3A_35 = arith.constant 1 : index
    %get3A_36 = arith.constant 0 : index
    %get3A_37 = arith.constant 0 : index
    %get3A_38 = vector.load %arg1[%get3A_35, %get3A_36, %get3A_37] : memref<2x1000x64xf32, #tpu.memory_space<vmem>>, vector<1x1000x64xf32>
    %get3A_39 = vector.shape_cast %get3A_38 : vector<1x1000x64xf32> to vector<1000x64xf32>
    %add3A_40 = arith.addf %get3A_34, %get3A_39 : vector<1000x64xf32>
    %mul3A = vector.broadcast %div3A_12 : vector<1000x1xf32> to vector<1000x64xf32>
    %mul3A_41 = arith.mulf %add3A_40, %mul3A : vector<1000x64xf32>
    %get3A_42 = arith.constant 0 : index
    %get3A_43 = arith.constant 0 : index
    %get3A_44 = vector.load %arg5[%get3A_42, %get3A_43] : memref<1000x64xf32, #tpu.memory_space<vmem>>, vector<1000x64xf32>
    %add3A_45 = arith.addf %mul3A_41, %get3A_44 : vector<1000x64xf32>
    %get3A_46 = arith.constant 0 : index
    %get3A_47 = arith.constant 0 : index
    %get3A_48 = arith.constant 0 : index
    %get3A_49 = vector.load %arg2[%get3A_46, %get3A_47, %get3A_48] : memref<2x1000x128xf32, #tpu.memory_space<vmem>>, vector<1x1000x128xf32>
    %get3A_50 = vector.shape_cast %get3A_49 : vector<1x1000x128xf32> to vector<1000x128xf32>
    %get3A_51 = arith.constant 1 : index
    %get3A_52 = arith.constant 0 : index
    %get3A_53 = arith.constant 0 : index
    %get3A_54 = vector.load %arg2[%get3A_51, %get3A_52, %get3A_53] : memref<2x1000x128xf32, #tpu.memory_space<vmem>>, vector<1x1000x128xf32>
    %get3A_55 = vector.shape_cast %get3A_54 : vector<1x1000x128xf32> to vector<1000x128xf32>
    %add3A_56 = arith.addf %get3A_50, %get3A_55 : vector<1000x128xf32>
    %mul3A_57 = vector.broadcast %div3A_29 : vector<1000x1xf32> to vector<1000x128xf32>
    %mul3A_58 = arith.mulf %add3A_56, %mul3A_57 : vector<1000x128xf32>
    %get3A_59 = arith.constant 0 : index
    %get3A_60 = arith.constant 0 : index
    %get3A_61 = vector.load %arg6[%get3A_59, %get3A_60] : memref<1000x128xf32, #tpu.memory_space<vmem>>, vector<1000x128xf32>
    %add3A_62 = arith.addf %mul3A_58, %get3A_61 : vector<1000x128xf32>
    %max3A_63 = arith.constant 0.000000e+00 : f32
    %max3A_64 = vector.broadcast %max3A_63 : f32 to vector<1000x128xf32>
    %max3A_65 = arith.maximumf %add3A_62, %max3A_64 : vector<1000x128xf32>
    %concatenate3A = tpu.concatenate %max3A_65, %add3A_45 in 1 : vector<1000x128xf32>, vector<1000x64xf32> -> vector<1000x192xf32>
    %get3A_66 = arith.constant 0 : index
    %get3A_67 = arith.constant 0 : index
    %get3A_68 = vector.load %arg7[%get3A_66, %get3A_67] : memref<192x128xf32, #tpu.memory_space<vmem>>, vector<192x128xf32>
    %dot_general3A = arith.constant dense<0.000000e+00> : vector<1000x128xf32>
    %dot_general3A_69 = tpu.matmul %concatenate3A, %get3A_68, %dot_general3A {dimension_numbers = #tpu.dot_dimension_numbers<[1], [0], [0], [1], [0, 0, 1, 1], [], []>, transpose_lhs_hint = false} : vector<1000x192xf32>, vector<192x128xf32>, vector<1000x128xf32> -> vector<1000x128xf32>
    %get3A_70 = arith.constant 0 : index
    %get3A_71 = arith.constant 0 : index
    %get3A_72 = vector.load %arg8[%get3A_70, %get3A_71] : memref<1x128xf32, #tpu.memory_space<vmem>>, vector<1x128xf32>
    %add3A_73 = vector.broadcast %get3A_72 : vector<1x128xf32> to vector<1000x128xf32>
    %add3A_74 = arith.addf %dot_general3A_69, %add3A_73 : vector<1000x128xf32>
    %reduce_max3A = arith.constant dense<0xFF800000> : vector<1000xf32>
    %reduce_max3A_75 = vector.multi_reduction <maximumf>, %add3A_74, %reduce_max3A [1] : vector<1000x128xf32> to vector<1000xf32>
    %broadcast_in_dim3A = vector.shape_cast %reduce_max3A_75 : vector<1000xf32> to vector<1000x1xf32>
    %sub3A = vector.broadcast %broadcast_in_dim3A : vector<1000x1xf32> to vector<1000x128xf32>
    %sub3A_76 = arith.subf %add3A_74, %sub3A : vector<1000x128xf32>
    %exp3A = math.exp %sub3A_76 : vector<1000x128xf32>
    %swap3A = arith.constant 0 : index
    %swap3A_77 = arith.constant 0 : index
    %swap3A_78 = vector.load %arg9[%swap3A, %swap3A_77] : memref<1000x64xf32, #tpu.memory_space<vmem>>, vector<1000x64xf32>
    tpu.vector_store %arg9[%swap3A, %swap3A_77], %add3A_45 {strides = array<i32>} : memref<1000x64xf32, #tpu.memory_space<vmem>>, vector<1000x64xf32>,
    %reduce_sum3A = arith.constant dense<0.000000e+00> : vector<1000xf32>
    %reduce_sum3A_79 = vector.multi_reduction <add>, %exp3A, %reduce_sum3A [1] : vector<1000x128xf32> to vector<1000xf32>
    %broadcast_in_dim3A_80 = vector.shape_cast %reduce_sum3A_79 : vector<1000xf32> to vector<1000x1xf32>
    %div3A_81 = vector.broadcast %broadcast_in_dim3A_80 : vector<1000x1xf32> to vector<1000x128xf32>
    %div3A_82 = arith.divf %exp3A, %div3A_81 : vector<1000x128xf32>
    %swap3A_83 = arith.constant 0 : index
    %swap3A_84 = arith.constant 0 : index
    %swap3A_85 = vector.load %arg10[%swap3A_83, %swap3A_84] : memref<1000x128xf32, #tpu.memory_space<vmem>>, vector<1000x128xf32>
    tpu.vector_store %arg10[%swap3A_83, %swap3A_84], %div3A_82 {strides = array<i32>} : memref<1000x128xf32, #tpu.memory_space<vmem>>, vector<1000x128xf32>,
    return
  }
  func.func @transform_0(%arg0: i32) -> (i32, i32, i32) {
    %c0_i32 = arith.constant 0 : i32
    %c0_i32_0 = arith.constant 0 : i32
    %c0_i32_1 = arith.constant 0 : i32
    return %c0_i32, %arg0, %c0_i32_0 : i32, i32, i32
  }
  func.func @transform_1(%arg0: i32) -> (i32, i32, i32) {
    %c0_i32 = arith.constant 0 : i32
    %c0_i32_0 = arith.constant 0 : i32
    %c0_i32_1 = arith.constant 0 : i32
    return %c0_i32, %arg0, %c0_i32_0 : i32, i32, i32
  }
  func.func @transform_2(%arg0: i32) -> (i32, i32, i32) {
    %c0_i32 = arith.constant 0 : i32
    %c0_i32_0 = arith.constant 0 : i32
    %c0_i32_1 = arith.constant 0 : i32
    return %c0_i32, %arg0, %c0_i32_0 : i32, i32, i32
  }
  func.func @transform_3(%arg0: i32) -> (i32, i32, i32) {
    %c0_i32 = arith.constant 0 : i32
    %c0_i32_0 = arith.constant 0 : i32
    %c0_i32_1 = arith.constant 0 : i32
    return %c0_i32, %arg0, %c0_i32_0 : i32, i32, i32
  }
  func.func @transform_4(%arg0: i32) -> (i32, i32) {
    %c0_i32 = arith.constant 0 : i32
    %c0_i32_0 = arith.constant 0 : i32
    return %arg0, %c0_i32 : i32, i32
  }
  func.func @transform_5(%arg0: i32) -> (i32, i32) {
    %c0_i32 = arith.constant 0 : i32
    %c0_i32_0 = arith.constant 0 : i32
    return %arg0, %c0_i32 : i32, i32
  }
  func.func @transform_6(%arg0: i32) -> (i32, i32) {
    %c0_i32 = arith.constant 0 : i32
    %c0_i32_0 = arith.constant 0 : i32
    %c0_i32_1 = arith.constant 0 : i32
    return %c0_i32, %c0_i32_0 : i32, i32
  }
  func.func @transform_7(%arg0: i32) -> (i32, i32) {
    %c0_i32 = arith.constant 0 : i32
    %c0_i32_0 = arith.constant 0 : i32
    %c0_i32_1 = arith.constant 0 : i32
    return %c0_i32, %c0_i32_0 : i32, i32
  }
  func.func @transform_8(%arg0: i32) -> (i32, i32) {
    %c0_i32 = arith.constant 0 : i32
    %c0_i32_0 = arith.constant 0 : i32
    return %arg0, %c0_i32 : i32, i32
  }
  func.func @transform_9(%arg0: i32) -> (i32, i32) {
    %c0_i32 = arith.constant 0 : i32
    %c0_i32_0 = arith.constant 0 : i32
    return %arg0, %c0_i32 : i32, i32
  }
}

</mosaic_0001>

<sc_bundles>
// kernel: kernel.10.cloned.1.call-start
scs
__scs_entry_jumppad:
0x0: {  	(pc) =	sbr.rel $0x88, $3  }
0x1: {  	(tag) =	ssettag $0x0;
	lr =	simm.s32 $0x1  }
0x2: {  	[smem:$0x3F8F] =	sst lr;
	_ =	strace $0xD0000000  }
0x3: {  	_ = 	snop  }
0x4: {  	_ = 	snop  }
0x5: {  	_ = 	snop  }
0x6: {  	_ = 	snop  }
0x7: {  	_ = 	snop  }
__scs_overlays_trampoline_lowered:
0x8: {  	[smem:$0x3F9E] =	sst s0  }
0x9: {  	[smem:$0x3F9F] =	sst s1  }
0xa: {  	[smem:$0x3FA0] =	sst s2  }
0xb: {  	[smem:$0x3FA1] =	sst s3  }
0xc: {  	[smem:$0x3FA2] =	sst s4  }
0xd: {  	[smem:$0x3FA3] =	sst s5  }
0xe: {  	[smem:$0x3FA4] =	sst s6  }
0xf: {  	[smem:$0x3FA5] =	sst s7  }
0x10: {  	[smem:$0x3FA6] =	sst s8  }
0x11: {  	[smem:$0x3FA7] =	sst s9;
	s0 =	simm.s32 @!p0 $0x0  }
0x12: {  	s1 =	sld [smem:$0x3F8D];
	s0 =	simm.s32 @p0 $0x1  }
0x13: {  	[smem:$0x3FA8] =	sst s0;
	s0 =	simm.s32 @!p1 $0x0  }
0x14: {  	s2 =	sld [smem:$0x3F8C];
	s0 =	simm.s32 @p1 $0x1  }
0x15: {  	[smem:$0x3FA9] =	sst s0;
	s0 =	simm.s32 @!p2 $0x0  }
0x16: {  	s3 =	sld [smem:$0x3FDB];
	s0 =	simm.s32 @p2 $0x1  }
0x17: {  	s4 =	simm.s32 $0x1BF5;
	[smem:$0x3FAB] =	sst s0  }
0x18: {  	s0 =	sld [smem:$0x3F8E];
	_ =	swait.ge [sflag:s4], $0x0  }
0x19: {  	s7 =	sld [smem:$0x3F8F]  }
0x1a: {  	s8 =	sadd.s32 $0xFFFFE003, lr  }
0x1b: {  	s9 =	sadd.s32 $0xFFFFFEF7, lr;
	s5 =	simm.s32 $0xFFFFFFFF;
	p2 =	slt.u32 s8, $0xFFFFF086  }
0x1c: {  	p1 =	slt.u32 s9, $0xF7A;
	s5 =	simm.s32 @!p2 $0x0  }
0x1d: {  	s5 =	simm.s32 @p1 $0x1;
	p0 =	seq.s32 s7, s2  }
0x1e: {  	s7 =	smul.u32 @!p0 $0xF7A, s2;
	p2 =	seq.s32 @!p0 s5, $0x0  }
0x1f: {  	s9 =	smul.u32 $0xF7A, s1;
	s8 =	simm.s32 @!p0 $0x1BF5;
	p2 =	por !p2, p0  }
0x20: {  	[sflag:s8] =	ssyncset.s32 @!p0 $0xFFFFF086;
	s6 =	sadd.s32 @!p0 s3, s7;
	s7 =	simm.s32 @!p0 $0x108  }
0x21: {  	s3 =	sadd.s32 s3, s9;
	s6 =	sadd.s32 @!p0 $0x88, s6;
	s7 =	simm.s32 @p2 $0x1082  }
0x22: {  	[simem:s7], [sflag:s8] =	dma.local @!p0 [hbm:s6], $0xF7A  }
0x23: {  	s9 =	sor.u32 $0xD0000000, s2;
	s6 =	simm.s32 $0x108;
	_ =	swait.ge @!p0 [sflag:s8], $0x0  }
0x24: {  	s3 =	sadd.s32 $0x88, s3;
	s6 =	simm.s32 @!p1 $0x1082;
	[sflag:s4] =	ssyncset.s32 $0xFFFFF086  }
0x25: {  	[simem:s6], [sflag:s4] =	dma.local [hbm:s3], $0xF7A  }
0x26: {  	[smem:$0x3F8F] =	sst s1;
	(tag) =	ssettag s2;
	_ =	strace s9  }
0x27: {  	s1 =	sld [smem:$0x3F9F]  }
0x28: {  	s2 =	sld [smem:$0x3FA0]  }
0x29: {  	s4 =	sld [smem:$0x3FA2]  }
0x2a: {  	p0 =	seq.s32 s5, $0x0;
	s5 =	sld [smem:$0x3FA3]  }
0x2b: {  	s6 =	sld [smem:$0x3FA4]  }
0x2c: {  	s7 =	sld [smem:$0x3FA5]  }
0x2d: {  	s3 =	simm.s32 $0x108;
	s8 =	sld [smem:$0x3FA6]  }
0x2e: {  	s3 =	simm.s32 @!p0 $0x1082;
	s9 =	sld [smem:$0x3FA7]  }
0x2f: {  	lr =	sadd.s32 s0, s3;
	s0 =	sld [smem:$0x3F9E]  }
0x30: {  	s3 =	sld [smem:$0x3FA1]  }
0x31: {  	[smem:$0x3FAA] =	sst s10  }
0x32: {  	s10 =	sld [smem:$0x3FA8];
	_ =	sdelay $0x3  }
0x33: {  	p0 =	seq.s32 s10, $0x1;
	s10 =	sld [smem:$0x3FAA];
	_ =	sdelay $0x3  }
0x34: {  	[smem:$0x3FAA] =	sst s10  }
0x35: {  	s10 =	sld [smem:$0x3FA9];
	_ =	sdelay $0x3  }
0x36: {  	p1 =	seq.s32 s10, $0x1;
	s10 =	sld [smem:$0x3FAA];
	_ =	sdelay $0x3  }
0x37: {  	[smem:$0x3FAA] =	sst s10  }
0x38: {  	s10 =	sld [smem:$0x3FAB]  }
0x39: {  	_ = 	snop;
	(pc) =	sbr.ind lr, $3  }
0x3a: {  	_ = 	snop  }
0x3b: {  	_ = 	snop  }
0x3c: {  	p2 =	seq.s32 s10, $0x1;
	s10 =	sld [smem:$0x3FAA]  }
0x3d: {  	_ =	shalt  }
0x3e: {  	_ =	shalt  }
0x3f: {  	_ =	shalt  }
0x40: {  	_ =	shalt  }
0x41: {  	_ =	shalt  }
0x42: {  	_ =	shalt  }
0x43: {  	_ =	shalt  }
0x44: {  	_ =	shalt  }
0x45: {  	_ =	shalt  }
0x46: {  	_ =	shalt  }
0x47: {  	_ =	shalt  }
0x48: {  	_ =	shalt  }
0x49: {  	_ =	shalt  }
0x4a: {  	_ =	shalt  }
0x4b: {  	_ =	shalt  }
0x4c: {  	_ =	shalt  }
0x4d: {  	_ =	shalt  }
0x4e: {  	_ =	shalt  }
0x4f: {  	_ =	shalt  }
0x50: {  	_ =	shalt  }
0x51: {  	_ =	shalt  }
0x52: {  	_ =	shalt  }
0x53: {  	_ =	shalt  }
0x54: {  	_ =	shalt  }
0x55: {  	_ =	shalt  }
0x56: {  	_ =	shalt  }
0x57: {  	_ =	shalt  }
0x58: {  	_ =	shalt  }
0x59: {  	_ =	shalt  }
0x5a: {  	_ =	shalt  }
0x5b: {  	_ =	shalt  }
0x5c: {  	_ =	shalt  }
0x5d: {  	_ =	shalt  }
0x5e: {  	_ =	shalt  }
0x5f: {  	_ =	shalt  }
0x60: {  	_ =	shalt  }
0x61: {  	_ =	shalt  }
0x62: {  	_ =	shalt  }
0x63: {  	_ =	shalt  }
0x64: {  	_ =	shalt  }
0x65: {  	_ =	shalt  }
0x66: {  	_ =	shalt  }
0x67: {  	_ =	shalt  }
0x68: {  	_ =	shalt  }
0x69: {  	_ =	shalt  }
0x6a: {  	_ =	shalt  }
0x6b: {  	_ =	shalt  }
0x6c: {  	_ =	shalt  }
0x6d: {  	_ =	shalt  }
0x6e: {  	_ =	shalt  }
0x6f: {  	_ =	shalt  }
0x70: {  	_ =	shalt  }
0x71: {  	_ =	shalt  }
0x72: {  	_ =	shalt  }
0x73: {  	_ =	shalt  }
0x74: {  	_ =	shalt  }
0x75: {  	_ =	shalt  }
0x76: {  	_ =	shalt  }
0x77: {  	_ =	shalt  }
0x78: {  	_ =	shalt  }
0x79: {  	_ =	shalt  }
0x7a: {  	_ =	shalt  }
0x7b: {  	_ =	shalt  }
0x7c: {  	_ =	shalt  }
0x7d: {  	_ =	shalt  }
0x7e: {  	_ =	shalt  }
0x7f: {  	_ =	shalt  }
0x80: {  	_ =	shalt  }
0x81: {  	_ =	shalt  }
0x82: {  	_ =	shalt  }
0x83: {  	_ =	shalt  }
0x84: {  	_ =	shalt  }
0x85: {  	_ =	shalt  }
0x86: {  	_ =	shalt  }
0x87: {  	_ =	shalt  }
.Lfunc_end0:
.L_simem_size_0:
called_computation_lowered:
.L_overlay_start_0:
0x88: {  	s2 =	sld [smem:$0x3FD9]  }
0x89: {  	s3 =	sld [smem:$0x3FFE];
	_ =	sdelay $0x1  }
0x8a: {  	s1 =	srdreg.scid  }
0x8b: {  	s0 =	sand.u32 $0x1, s1  }
0x8c: {  	s14 =	sshll.u32 s0, $0xA;
	s2 =	sadd.s32 s3, s2  }
0x8d: {  	s2 =	sadd.s32 s2, s14  }
0x8e: {  	[smem:$0x3FB6] =	sst s2  }
0x8f: {  	_ = 	snop  }
0x90: {  	s2 =	sld [smem:$0x3FD0];
	_ =	sdelay $0x2  }
0x91: {  	s15 =	simm.s32 $0xC;
	s4 =	simm.s32 $0x10  }
0x92: {  	[smem:s4], [sflag:s15] =	dma.local [hbm:s2], $0x1  }
0x93: {  	_ =	swait.eq [sflag:s15], $0x1  }
0x94: {  	[sflag:s15] =	ssyncset.done $0x0  }
0x95: {  	[sflag:s15] =	ssyncadd.s32 $0xFFFFFFFF  }
0x96: {  	s16 =	sld [smem:$0x11];
	(tm) =	ssettm $0x1  }
0x97: {  	s17 =	sld [smem:$0x3FFB];
	_ =	sdelay $0x3  }
0x98: {  	_ =	strace s17  }
0x99: {  	s3 =	sld [smem:$0x3FFC];
	_ =	sdelay $0x3  }
0x9a: {  	_ =	strace s3  }
0x9b: {  	s3 =	sld [smem:$0x3FFD];
	_ =	sdelay $0x3  }
0x9c: {  	_ =	strace s3  }
0x9d: {  	_ =	strace $0x8FFFFFFF  }
0x9e: {  	s18 =	sld [smem:$0x3FDB];
	_ =	sdelay $0x1  }
0x9f: {  	s19 =	simm.s32 $_scs_section_size  }
0xa0: {  	s5 =	simm.s32 $_size__tile_overlayer_lowered;
	s6 =	simm.s32 $_tile_overlayer_lowered  }
0xa1: {  	s22 =	simm.s32 $0x1BFF;
	s21 =	sshll.u32 s6, $0x1;
	s3 =	sadd.s32 s19, s18  }
0xa2: {  	s7 =	simm.s32 $0x0;
	s20 =	sshll.u32 s5, $0x1;
	s5 =	sadd.s32 s21, s3  }
0xa3: {  	[timem:s7], [sflag:s22] =	dma.local [hbm:s5], s20  }
0xa4: {  	_ =	swait.ge [sflag:s22], s20  }
0xa5: {  	s4 =	ssub.s32 $0x0, s20;
	[sflag:s22] =	ssyncset.done $0x0  }
0xa6: {  	[sflag:s22] =	ssyncadd.s32 s4;
	_ =	sdelay $0x1  }
0xa7: {  	s23 =	simm.s32 $0x1B8B  }
0xa8: {  	_ =	swait.ge [sflag:s23], $0x1  }
0xa9: {  	[sflag:s23] =	ssyncset.done $0x0  }
0xaa: {  	s25 =	simm.s32 $0x1B8E;
	s24 =	sld [smem:$0x3FFE];
	[sflag:s23] =	ssyncadd.s32 $0xFFFFFFFF  }
0xab: {  	s26 =	simm.s32 $execute0_lowered;
	[smem:$0x3FD2] =	sst s25  }
0xac: {  	s5 =	sshll.u32 s26, $0x1;
	_ =	strace $0x80000046;
	[dreg:$0x1] =	wrdreg $0xFFFFFFFF  }
0xad: {  	s28 =	simm.s32 $_size_execute0_lowered;
	s3 =	sadd.s32 s3, s5;
	[dreg:$0x0] =	wrdreg $0x0  }
0xae: {  	s5 =	sshll.u32 s28, $0x1;
	[dreg:$0x2] =	wrdreg s3  }
0xaf: {  	[dreg:$0x3] =	wrdreg s5  }
0xb0: {  	[dreg:$0x4] =	wrdreg $0xC0  }
0xb1: {  	_ =	task [dreg:s7], $0x5FFFF  }
0xb2: {  	[dreg:$0x1] =	wrdreg $0xFFFFFFFF  }
0xb3: {  	[dreg:$0x0] =	wrdreg $0x60  }
0xb4: {  	[dreg:$0x2] =	wrdreg s24  }
0xb5: {  	[dreg:$0x3] =	wrdreg s16  }
0xb6: {  	[dreg:$0x4] =	wrdreg $0x0  }
0xb7: {  	[dreg:$0x5] =	wrdreg $0x28000  }
0xb8: {  	[dreg:$0x6] =	wrdreg $0x9  }
0xb9: {  	_ =	task.clear_ibuf [dreg:s7], $0x7FFFF;
	_ =	strace $0x90000046  }
0xba: {  	s29 =	simm.s32 $0x9;
	_ =	strace $0x80000048  }
0xbb: {  	_ =	swait.ge [sflag:s29], $0x1  }
0xbc: {  	[sflag:s29] =	ssyncadd.s32 $0xFFFFFFFF  }
0xbd: {  	_ =	strace $0x90000048  }
0xbe: {  	_ =	sfence  }
0xbf: {  	s30 =	sld [smem:$0x0];
	_ =	sdelay $0x2  }
0xc0: {  	s31 =	sshll.u32 s1, $0xD;
	s1 =	sshrl.u32 s1, $0x2  }
0xc1: {  	s3 =	sand.u32 $0x4000, s31;
	s1 =	sadd.s32 s1, s30  }
0xc2: {  	s0 =	sor.u32 s3, s0;
	s1 =	sshll.u32 s1, $0x11  }
0xc3: {  	s0 =	sor.u32 s1, s0  }
0xc4: {  	s0 =	sadd.s32 $0x8F2B, s0  }
0xc5: {  	[sflag:s0] =	ssyncadd.remote.s32 $0x1  }
0xc6: {  	_ =	sfence.sel $0xFFFF  }
0xc7: {  	[dreg:$0x0] =	wrdreg $0xFFFFFFFF;
	(pc) =	sbr.abs _section_cstart, $3  }
0xc8: {  	[dreg:$0x1] =	wrdreg $0xFFFFFFFF  }
0xc9: {  	_ =	task.clear_ibuf [dreg:s7], $0x2FFFF;
	_ =	strace $0x9FFFFFFF  }
0xca: {  	(tm) =	ssettm $0x7FFFFFFF  }
0xcb: {  	_ =	shalt  }
tec
execute0_lowered:
.L_overlay_start_1:
0x0: {  	(tag) =	ssettag $0x1  }
0x1: {  	s6 =	rddreg [dreg:$0x0]  }
0x2: {  	s10 =	rddreg [dreg:$0x1]  }
0x3: {  	s0 =	srdreg.scid;
	s2 =	rddreg [dreg:$0x2]  }
0x4: {  	s3 =	rddreg [dreg:$0x3];
	s13 =	sand.u32 $0x1, s0  }
0x5: {  	s0 =	stileid.u32;
	s5 =	smul.u32 $0x39000, s13  }
0x6: {  	s1 =	rddreg [dreg:$0x4];
	s4 =	simm.s32 $0x0;
	s7 =	smul.u32 $0x3900, s0  }
0x7: {  	[smem:$0x7FF] =	sst s4;
	s8 =	smul.u32 $0x2800, s0  }
0x8: {  	s19 =	simm.s32 $0x0;
	s28 =	smul.u32 $0x28000, s13;
	_ =	strace $0x80000047  }
0x9: {  	s11 =	ssub.s32 $0x2, s13;
	s31 =	sshll.u32 s0, $0x6;
	p0 =	sne.s32 s13, $0x0  }
0xa: {  	s30 =	sshrl.u32 s11, $0x1;
	s5 =	sadd.s32 s7, s5;
	s29 =	sshrl.u32 s8, $0x3  }
0xb: {  	s7 =	sadd.s32 s8, s28;
	s16 =	ssub.s32 s11, s30;
	s17 =	sadd.s32 s8, s2  }
0xc: {  	s18 =	sadd.s32 s8, s3;
	s5 =	sshrl.u32 s5, $0x3;
	s12 =	sadd.s32 s29, s6  }
0xd: {  	s14 =	sshrl.u32 s7, $0x3;
	s7 =	sor.u32 $0x1C01, s31;
	s13 =	sshrl.u32 s17, $0x3  }
.Ltmp0:
0xe: {  	s17 =	simm.s32 $0x5000;
	s9 =	sadd.s32 s5, s6;
	(pc) =	sbr.rel .LBB2_1-.Ltmp0, $4  }
0xf: {  	s5 =	sadd.s32 $0x23E00, s6;
	s15 =	sadd.s32 s14, s6;
	s6 =	sadd.s32 $0x1EE00, s12  }
0x10: {  	s10 =	sadd.s32 s10, s14;
	s12 =	smax.u32 s16, $0x1;
	s14 =	simm.s32 $0x1  }
0x11: {  	s16 =	simm.s32 $0x8900;
	s8 =	sadd.s32 $0x2600, s9;
	s9 =	sadd.s32 $0x10A00, s9  }
0x12: {  	s11 =	sadd.s32 $0x24000, s15;
	s15 =	sshrl.u32 s18, $0x3;
	s18 =	simm.s32 $0x80  }
.LBB2_11:
0x13: {  	[sflag:s14] =	ssyncset.done $0x0  }
0x14: {  	[sflag:s14] =	ssyncadd.s32 $0xFFFFF800  }
.LBB2_12:
0x15: {  	[bflag:$0x0] =	sbarrier.arrive $0xFFFF  }
0x16: {  	[hbm:s10], [sflag:s7] =	dma.local [spmem:s13], $0x500  }
0x17: {  	s19 =	sadd.s32 $0x1, s19;
	_ =	swait.ge [sflag:s14], $0x500  }
0x18: {  	p1 =	sne.s32 s19, s12;
	[sflag:s14] =	ssyncset.done $0x0  }
.Ltmp1:
0x19: {  	[sflag:s14] =	ssyncadd.s32 $0xFFFFFB00;
	(pc) =	sbr.rel @!p1 .LBB2_13-.Ltmp1, $4  }
0x1a: {  	[hbm:s11], [sflag:s7] =	dma.local [spmem:s15], $0x500  }
0x1b: {  	_ =	swait.ge [sflag:s14], $0x500  }
0x1c: {  	[sflag:s14] =	ssyncset.done $0x0  }
0x1d: {  	[sflag:s14] =	ssyncadd.s32 $0xFFFFFB00  }
.LBB2_1:
0x1e: {  	[spmem:s13], [sflag:s7] =	dma.local [hbm:s6], $0x500  }
0x1f: {  	_ =	swait.ge [sflag:s14], $0x500  }
0x20: {  	[sflag:s14] =	ssyncset.done $0x0  }
0x21: {  	[sflag:s14] =	ssyncadd.s32 $0xFFFFFB00  }
0x22: {  	[spmem:s15], [sflag:s7] =	dma.local [hbm:s6], $0x500  }
0x23: {  	_ =	swait.ge [sflag:s14], $0x500  }
0x24: {  	[sflag:s14] =	ssyncset.done $0x0  }
0x25: {  	[sflag:s14] =	ssyncadd.s32 $0xFFFFFB00  }
0x26: {  	[tilespmem:s16], [sflag:$0x1] =	stream.linear.gather [hbm4b:s5+s4], $0x800, $0x38;
	[tilespmem:$0x9100] =	vst v63  }
0x27: {  	_ =	swait.ge [sflag:s14], $0x800  }
0x28: {  	[sflag:s14] =	ssyncset.done $0x0  }
0x29: {  	[sflag:s14] =	ssyncadd.s32 $0xFFFFF800  }
0x2a: {  	[tilespmem:s17], [sflag:$0x1] =	stream.linear.gather [hbm4b:s8+s4], $0x3900, $0x38;
	[tilespmem:$0x9100] =	vst v63  }
.Ltmp2:
0x2b: {  	_ =	swait.ge [sflag:s14], $0x3900;
	(pc) =	sbr.rel @p0 .LBB2_7-.Ltmp2, $4  }
0x2c: {  	[sflag:s14] =	ssyncset.done $0x0  }
0x2d: {  	[sflag:s14] =	ssyncadd.s32 $0xFFFFC700  }
0x2e: {  	s20 =	sshra.s32 s4, $0x2;
	[bflag:$0x0] =	sbarrier.arrive $0xFFFF  }
0x2f: {  	s20 =	sadd.s32 $0x5000, s20  }
0x30: {  	[spmem:s2] =	stream.indirect.scatter.add.f32 [tilespmem:s16], [sflag:$0x1], $0x10, s20, s18, $0xb8;
	[tilespmem:$0x9100] =	vst v63  }
0x31: {  	s20 =	sadd.s32 $0x200, s4;
	_ =	swait.ge [sflag:s14], $0x800  }
.LBB2_3:
0x32: {  	s21 =	sshra.s32 s20, $0x2;
	[sflag:s14] =	ssyncset.done $0x0;
	p1 =	seq.s32 s20, $0xE200  }
.Ltmp3:
0x33: {  	s21 =	sadd.s32 $0x5000, s21;
	[sflag:s14] =	ssyncadd.s32 $0xFFFFF800;
	(pc) =	sbr.rel @!p1 .LBB2_3-.Ltmp3, $3  }
0x34: {  	[spmem:s2] =	stream.indirect.scatter.add.f32 [tilespmem:s16], [sflag:$0x1], $0x10, s21, s18, $0xb8;
	[tilespmem:$0x9100] =	vst v63  }
0x35: {  	s20 =	sadd.s32 $0x200, s20;
	_ =	sdelay $0x1  }
0x36: {  	_ =	swait.ge [sflag:s14], $0x800  }
0x37: {  	[sflag:s14] =	ssyncset.done $0x0  }
0x38: {  	s20 =	simm.s32 $0x0;
	[sflag:s14] =	ssyncadd.s32 $0xFFFFF800  }
0x39: {  	[tilespmem:s17], [sflag:$0x1] =	stream.linear.gather [hbm4b:s9+s20], $0x3900, $0x38;
	[tilespmem:$0x9100] =	vst v63  }
0x3a: {  	_ =	swait.ge [sflag:s14], $0x3900  }
0x3b: {  	[sflag:s14] =	ssyncset.done $0x0  }
0x3c: {  	s31 =	simm.s32 $0x5000;
	[sflag:s14] =	ssyncadd.s32 $0xFFFFC700  }
0x3d: {  	[spmem:s3] =	stream.indirect.scatter.add.f32 [tilespmem:s16], [sflag:$0x1], $0x10, s31, s18, $0xb8;
	[tilespmem:$0x9100] =	vst v63  }
0x3e: {  	s20 =	simm.s32 $0x200;
	_ =	swait.ge [sflag:s14], $0x800  }
.LBB2_5:
0x3f: {  	s21 =	sshra.s32 s20, $0x2;
	[sflag:s14] =	ssyncset.done $0x0;
	p1 =	seq.s32 s20, $0xE200  }
.Ltmp4:
0x40: {  	s21 =	sadd.s32 $0x5000, s21;
	[sflag:s14] =	ssyncadd.s32 $0xFFFFF800;
	(pc) =	sbr.rel @!p1 .LBB2_5-.Ltmp4, $3  }
0x41: {  	[spmem:s3] =	stream.indirect.scatter.add.f32 [tilespmem:s16], [sflag:$0x1], $0x10, s21, s18, $0xb8;
	[tilespmem:$0x9100] =	vst v63  }
0x42: {  	s20 =	sadd.s32 $0x200, s20;
	_ =	sdelay $0x1  }
0x43: {  	_ =	swait.ge [sflag:s14], $0x800  }
.Ltmp5:
0x44: {  	(pc) =	sbr.rel .LBB2_12-.Ltmp5, $3  }
0x45: {  	_ =	sdelay $0x1  }
0x46: {  	[sflag:s14] =	ssyncset.done $0x0  }
0x47: {  	[sflag:s14] =	ssyncadd.s32 $0xFFFFF800  }
.LBB2_7:
0x48: {  	[spmem:s2] =	stream.indirect.scatter.add.f32 [tilespmem:s16], [sflag:$0x1], $0x10, s20, s18, $0xb8;
	[tilespmem:$0x9100] =	vst v63  }
0x49: {  	s20 =	sadd.s32 $0x200, s4;
	_ =	swait.ge [sflag:s14], $0x800  }
.LBB2_8:
0x4a: {  	s21 =	sshra.s32 s20, $0x2;
	[sflag:s14] =	ssyncset.done $0x0;
	p1 =	seq.s32 s20, $0x5600  }
.Ltmp6:
0x4b: {  	s21 =	sadd.s32 $0x5000, s21;
	[sflag:s14] =	ssyncadd.s32 $0xFFFFF800;
	(pc) =	sbr.rel @!p1 .LBB2_8-.Ltmp6, $3  }
0x4c: {  	[spmem:s2] =	stream.indirect.scatter.add.f32 [tilespmem:s16], [sflag:$0x1], $0x10, s21, s18, $0xb8;
	[tilespmem:$0x9100] =	vst v63  }
0x4d: {  	s20 =	sadd.s32 $0x200, s20;
	_ =	sdelay $0x1  }
0x4e: {  	_ =	swait.ge [sflag:s14], $0x800  }
0x4f: {  	[sflag:s14] =	ssyncset.done $0x0  }
0x50: {  	s20 =	simm.s32 $0x0;
	[sflag:s14] =	ssyncadd.s32 $0xFFFFF800  }
0x51: {  	[tilespmem:s17], [sflag:$0x1] =	stream.linear.gather [hbm4b:s9+s20], $0x3900, $0x38;
	[tilespmem:$0x9100] =	vst v63  }
0x52: {  	_ =	swait.ge [sflag:s14], $0x3900  }
0x53: {  	[sflag:s14] =	ssyncset.done $0x0  }
0x54: {  	s31 =	simm.s32 $0x5000;
	[sflag:s14] =	ssyncadd.s32 $0xFFFFC700  }
0x55: {  	[spmem:s3] =	stream.indirect.scatter.add.f32 [tilespmem:s16], [sflag:$0x1], $0x10, s31, s18, $0xb8;
	[tilespmem:$0x9100] =	vst v63  }
0x56: {  	s20 =	simm.s32 $0x200;
	_ =	swait.ge [sflag:s14], $0x800  }
.LBB2_10:
0x57: {  	s21 =	sshra.s32 s20, $0x2;
	[sflag:s14] =	ssyncset.done $0x0;
	p1 =	sne.s32 s20, $0x5600  }
.Ltmp7:
0x58: {  	s21 =	sadd.s32 $0x5000, s21;
	[sflag:s14] =	ssyncadd.s32 $0xFFFFF800;
	(pc) =	sbr.rel @p1 .LBB2_10-.Ltmp7, $3  }
0x59: {  	[spmem:s3] =	stream.indirect.scatter.add.f32 [tilespmem:s16], [sflag:$0x1], $0x10, s21, s18, $0xb8;
	[tilespmem:$0x9100] =	vst v63  }
0x5a: {  	s20 =	sadd.s32 $0x200, s20;
	_ =	sdelay $0x1  }
0x5b: {  	_ =	swait.ge [sflag:s14], $0x800  }
.Ltmp8:
0x5c: {  	_ = 	snop;
	(pc) =	sbr.rel .LBB2_11-.Ltmp8, $1  }
0x5d: {  	_ =	sdelay $0x3  }
.LBB2_13:
0x5e: {  	_ =	sfence.sel $0x180000  }
0x5f: {  	[bflag:$0x0] =	sbarrier.arrive $0xFFFF  }
0x60: {  	p0 =	sne.s32 s0, $0x0;
	_ =	strace $0x90000047  }
0x61: {  	s0 =	sadd.s32 @!p0 $0x100000, s1;
	[bflag:$0x2] =	sbarrier.arrive $0xFFFF  }
0x62: {  	[sflag:s0] =	ssyncadd.tile.s32 @!p0 $0x1;
	_ =	shalt  }
.Lfunc_end2:
_tile_overlayer_lowered:
.L_overlay_start_2:
0x63: {  	(tag) =	ssettag $0x2  }
0x64: {  	s0 =	rddreg [dreg:$0x0];
	s2 =	stileid.u32  }
0x65: {  	s1 =	rddreg [dreg:$0x1];
	p0 =	sne.s32 s2, $0x0  }
0x66: {  	s3 =	rddreg [dreg:$0x2];
	[bflag:$0x3] =	sbarrier.arrive $0xFFFF;
	s2 =	simm.s32 @!p0 $0x1C01  }
0x67: {  	[timem:s3], [sflag:s2] =	dma.local @!p0 [hbm:s0], s1  }
0x68: {  	s0 =	simm.s32 @!p0 $0x1  }
0x69: {  	_ =	swait.ge @!p0 [sflag:s0], s1  }
0x6a: {  	s1 =	ssub.s32 @!p0 $0x0, s1;
	[sflag:s0] =	ssyncset.done @!p0 $0x0  }
0x6b: {  	[sflag:s0] =	ssyncadd.s32 @!p0 s1  }
0x6c: {  	[bflag:$0x3] =	sbarrier.arrive $0xFFFF  }
0x6d: {  	_ =	shalt  }

// kernel: kernel.13.cloned.1.call-start
scs
__scs_entry_jumppad:
0x0: {  	(pc) =	sbr.rel $0x88, $3  }
0x1: {  	(tag) =	ssettag $0x0;
	lr =	simm.s32 $0x1  }
0x2: {  	[smem:$0x3F8F] =	sst lr;
	_ =	strace $0xD0000000  }
0x3: {  	_ = 	snop  }
0x4: {  	_ = 	snop  }
0x5: {  	_ = 	snop  }
0x6: {  	_ = 	snop  }
0x7: {  	_ = 	snop  }
__scs_overlays_trampoline_lowered:
0x8: {  	[smem:$0x3F9E] =	sst s0  }
0x9: {  	[smem:$0x3F9F] =	sst s1  }
0xa: {  	[smem:$0x3FA0] =	sst s2  }
0xb: {  	[smem:$0x3FA1] =	sst s3  }
0xc: {  	[smem:$0x3FA2] =	sst s4  }
0xd: {  	[smem:$0x3FA3] =	sst s5  }
0xe: {  	[smem:$0x3FA4] =	sst s6  }
0xf: {  	[smem:$0x3FA5] =	sst s7  }
0x10: {  	[smem:$0x3FA6] =	sst s8  }
0x11: {  	[smem:$0x3FA7] =	sst s9;
	s0 =	simm.s32 @!p0 $0x0  }
0x12: {  	s1 =	sld [smem:$0x3F8D];
	s0 =	simm.s32 @p0 $0x1  }
0x13: {  	[smem:$0x3FA8] =	sst s0;
	s0 =	simm.s32 @!p1 $0x0  }
0x14: {  	s2 =	sld [smem:$0x3F8C];
	s0 =	simm.s32 @p1 $0x1  }
0x15: {  	[smem:$0x3FA9] =	sst s0;
	s0 =	simm.s32 @!p2 $0x0  }
0x16: {  	s3 =	sld [smem:$0x3FDB];
	s0 =	simm.s32 @p2 $0x1  }
0x17: {  	s4 =	simm.s32 $0x1BF5;
	[smem:$0x3FAB] =	sst s0  }
0x18: {  	s0 =	sld [smem:$0x3F8E];
	_ =	swait.ge [sflag:s4], $0x0  }
0x19: {  	s7 =	sld [smem:$0x3F8F]  }
0x1a: {  	s8 =	sadd.s32 $0xFFFFE003, lr  }
0x1b: {  	s9 =	sadd.s32 $0xFFFFFEF7, lr;
	s5 =	simm.s32 $0xFFFFFFFF;
	p2 =	slt.u32 s8, $0xFFFFF086  }
0x1c: {  	p1 =	slt.u32 s9, $0xF7A;
	s5 =	simm.s32 @!p2 $0x0  }
0x1d: {  	s5 =	simm.s32 @p1 $0x1;
	p0 =	seq.s32 s7, s2  }
0x1e: {  	s7 =	smul.u32 @!p0 $0xF7A, s2;
	p2 =	seq.s32 @!p0 s5, $0x0  }
0x1f: {  	s9 =	smul.u32 $0xF7A, s1;
	s8 =	simm.s32 @!p0 $0x1BF5;
	p2 =	por !p2, p0  }
0x20: {  	[sflag:s8] =	ssyncset.s32 @!p0 $0xFFFFF086;
	s6 =	sadd.s32 @!p0 s3, s7;
	s7 =	simm.s32 @!p0 $0x108  }
0x21: {  	s3 =	sadd.s32 s3, s9;
	s6 =	sadd.s32 @!p0 $0x88, s6;
	s7 =	simm.s32 @p2 $0x1082  }
0x22: {  	[simem:s7], [sflag:s8] =	dma.local @!p0 [hbm:s6], $0xF7A  }
0x23: {  	s9 =	sor.u32 $0xD0000000, s2;
	s6 =	simm.s32 $0x108;
	_ =	swait.ge @!p0 [sflag:s8], $0x0  }
0x24: {  	s3 =	sadd.s32 $0x88, s3;
	s6 =	simm.s32 @!p1 $0x1082;
	[sflag:s4] =	ssyncset.s32 $0xFFFFF086  }
0x25: {  	[simem:s6], [sflag:s4] =	dma.local [hbm:s3], $0xF7A  }
0x26: {  	[smem:$0x3F8F] =	sst s1;
	(tag) =	ssettag s2;
	_ =	strace s9  }
0x27: {  	s1 =	sld [smem:$0x3F9F]  }
0x28: {  	s2 =	sld [smem:$0x3FA0]  }
0x29: {  	s4 =	sld [smem:$0x3FA2]  }
0x2a: {  	p0 =	seq.s32 s5, $0x0;
	s5 =	sld [smem:$0x3FA3]  }
0x2b: {  	s6 =	sld [smem:$0x3FA4]  }
0x2c: {  	s7 =	sld [smem:$0x3FA5]  }
0x2d: {  	s3 =	simm.s32 $0x108;
	s8 =	sld [smem:$0x3FA6]  }
0x2e: {  	s3 =	simm.s32 @!p0 $0x1082;
	s9 =	sld [smem:$0x3FA7]  }
0x2f: {  	lr =	sadd.s32 s0, s3;
	s0 =	sld [smem:$0x3F9E]  }
0x30: {  	s3 =	sld [smem:$0x3FA1]  }
0x31: {  	[smem:$0x3FAA] =	sst s10  }
0x32: {  	s10 =	sld [smem:$0x3FA8];
	_ =	sdelay $0x3  }
0x33: {  	p0 =	seq.s32 s10, $0x1;
	s10 =	sld [smem:$0x3FAA];
	_ =	sdelay $0x3  }
0x34: {  	[smem:$0x3FAA] =	sst s10  }
0x35: {  	s10 =	sld [smem:$0x3FA9];
	_ =	sdelay $0x3  }
0x36: {  	p1 =	seq.s32 s10, $0x1;
	s10 =	sld [smem:$0x3FAA];
	_ =	sdelay $0x3  }
0x37: {  	[smem:$0x3FAA] =	sst s10  }
0x38: {  	s10 =	sld [smem:$0x3FAB]  }
0x39: {  	_ = 	snop;
	(pc) =	sbr.ind lr, $3  }
0x3a: {  	_ = 	snop  }
0x3b: {  	_ = 	snop  }
0x3c: {  	p2 =	seq.s32 s10, $0x1;
	s10 =	sld [smem:$0x3FAA]  }
0x3d: {  	_ =	shalt  }
0x3e: {  	_ =	shalt  }
0x3f: {  	_ =	shalt  }
0x40: {  	_ =	shalt  }
0x41: {  	_ =	shalt  }
0x42: {  	_ =	shalt  }
0x43: {  	_ =	shalt  }
0x44: {  	_ =	shalt  }
0x45: {  	_ =	shalt  }
0x46: {  	_ =	shalt  }
0x47: {  	_ =	shalt  }
0x48: {  	_ =	shalt  }
0x49: {  	_ =	shalt  }
0x4a: {  	_ =	shalt  }
0x4b: {  	_ =	shalt  }
0x4c: {  	_ =	shalt  }
0x4d: {  	_ =	shalt  }
0x4e: {  	_ =	shalt  }
0x4f: {  	_ =	shalt  }
0x50: {  	_ =	shalt  }
0x51: {  	_ =	shalt  }
0x52: {  	_ =	shalt  }
0x53: {  	_ =	shalt  }
0x54: {  	_ =	shalt  }
0x55: {  	_ =	shalt  }
0x56: {  	_ =	shalt  }
0x57: {  	_ =	shalt  }
0x58: {  	_ =	shalt  }
0x59: {  	_ =	shalt  }
0x5a: {  	_ =	shalt  }
0x5b: {  	_ =	shalt  }
0x5c: {  	_ =	shalt  }
0x5d: {  	_ =	shalt  }
0x5e: {  	_ =	shalt  }
0x5f: {  	_ =	shalt  }
0x60: {  	_ =	shalt  }
0x61: {  	_ =	shalt  }
0x62: {  	_ =	shalt  }
0x63: {  	_ =	shalt  }
0x64: {  	_ =	shalt  }
0x65: {  	_ =	shalt  }
0x66: {  	_ =	shalt  }
0x67: {  	_ =	shalt  }
0x68: {  	_ =	shalt  }
0x69: {  	_ =	shalt  }
0x6a: {  	_ =	shalt  }
0x6b: {  	_ =	shalt  }
0x6c: {  	_ =	shalt  }
0x6d: {  	_ =	shalt  }
0x6e: {  	_ =	shalt  }
0x6f: {  	_ =	shalt  }
0x70: {  	_ =	shalt  }
0x71: {  	_ =	shalt  }
0x72: {  	_ =	shalt  }
0x73: {  	_ =	shalt  }
0x74: {  	_ =	shalt  }
0x75: {  	_ =	shalt  }
0x76: {  	_ =	shalt  }
0x77: {  	_ =	shalt  }
0x78: {  	_ =	shalt  }
0x79: {  	_ =	shalt  }
0x7a: {  	_ =	shalt  }
0x7b: {  	_ =	shalt  }
0x7c: {  	_ =	shalt  }
0x7d: {  	_ =	shalt  }
0x7e: {  	_ =	shalt  }
0x7f: {  	_ =	shalt  }
0x80: {  	_ =	shalt  }
0x81: {  	_ =	shalt  }
0x82: {  	_ =	shalt  }
0x83: {  	_ =	shalt  }
0x84: {  	_ =	shalt  }
0x85: {  	_ =	shalt  }
0x86: {  	_ =	shalt  }
0x87: {  	_ =	shalt  }
.Lfunc_end0:
.L_simem_size_0:
called_computation.1_lowered:
.L_overlay_start_0:
0x88: {  	s2 =	sld [smem:$0x3FD9]  }
0x89: {  	s3 =	sld [smem:$0x3FFE];
	_ =	sdelay $0x1  }
0x8a: {  	s1 =	srdreg.scid  }
0x8b: {  	s0 =	sand.u32 $0x1, s1  }
0x8c: {  	s15 =	sshll.u32 s0, $0xA;
	s2 =	sadd.s32 s3, s2  }
0x8d: {  	s2 =	sadd.s32 s2, s15  }
0x8e: {  	[smem:$0x3FB6] =	sst s2  }
0x8f: {  	_ = 	snop  }
0x90: {  	s2 =	sld [smem:$0x3FD0];
	_ =	sdelay $0x2  }
0x91: {  	s16 =	simm.s32 $0xC;
	s4 =	simm.s32 $0x10  }
0x92: {  	[smem:s4], [sflag:s16] =	dma.local [hbm:s2], $0x1  }
0x93: {  	_ =	swait.eq [sflag:s16], $0x1  }
0x94: {  	[sflag:s16] =	ssyncset.done $0x0  }
0x95: {  	[sflag:s16] =	ssyncadd.s32 $0xFFFFFFFF  }
0x96: {  	s17 =	sld [smem:$0x10];
	(tm) =	ssettm $0x1  }
0x97: {  	s18 =	sld [smem:$0x3FFB];
	_ =	sdelay $0x3  }
0x98: {  	_ =	strace s18  }
0x99: {  	s2 =	sld [smem:$0x3FFC];
	_ =	sdelay $0x3  }
0x9a: {  	_ =	strace s2  }
0x9b: {  	s2 =	sld [smem:$0x3FFD];
	_ =	sdelay $0x3  }
0x9c: {  	_ =	strace s2  }
0x9d: {  	_ =	strace $0x8FFFFFFF  }
0x9e: {  	s19 =	sld [smem:$0x3FDB];
	_ =	sdelay $0x1  }
0x9f: {  	s20 =	simm.s32 $_scs_section_size  }
0xa0: {  	s5 =	simm.s32 $_size__tile_overlayer_lowered;
	s6 =	simm.s32 $_tile_overlayer_lowered  }
0xa1: {  	s7 =	simm.s32 $0x1BFF;
	s21 =	sshll.u32 s6, $0x1;
	s4 =	sadd.s32 s20, s19  }
0xa2: {  	s22 =	simm.s32 $0x0;
	s5 =	sshll.u32 s5, $0x1;
	s6 =	sadd.s32 s21, s4  }
0xa3: {  	[timem:s22], [sflag:s7] =	dma.local [hbm:s6], s5  }
0xa4: {  	_ =	swait.ge [sflag:s7], s5  }
0xa5: {  	s5 =	ssub.s32 $0x0, s5;
	[sflag:s7] =	ssyncset.done $0x0  }
0xa6: {  	[sflag:s7] =	ssyncadd.s32 s5;
	_ =	sdelay $0x1  }
0xa7: {  	s23 =	simm.s32 $0x1B8B  }
0xa8: {  	_ =	swait.ge [sflag:s23], $0x1  }
0xa9: {  	[sflag:s23] =	ssyncset.done $0x0  }
0xaa: {  	[sflag:s23] =	ssyncadd.s32 $0xFFFFFFFF  }
0xab: {  	s5 =	sld [smem:$0x0]  }
0xac: {  	s6 =	sand.u32 $0xFFFFFFFE, s1  }
0xad: {  	p0 =	sne.s32 s1, s6  }
0xae: {  	s6 =	sshll.u32 @p0 s6, $0xE  }
0xaf: {  	s6 =	sadd.s32 @p0 $0x11B8D, s6;
	s7 =	sshll.u32 @p0 s5, $0x11  }
0xb0: {  	s6 =	sor.u32 @p0 s7, s6  }
0xb1: {  	[sflag:s6] =	ssyncadd.remote.s32 @p0 $0x1;
	_ =	sdelay $0x1  }
0xb2: {  	s6 =	simm.s32 @p0 $0x1B8D  }
0xb3: {  	_ =	swait.eq @p0 [sflag:s6], $0x1  }
0xb4: {  	[sflag:s6] =	ssyncadd.s32 @p0 $0xFFFFFFFF  }
0xb5: {  	s7 =	sshll.u32 @!p0 s1, $0xE  }
0xb6: {  	s7 =	sor.u32 @!p0 $0x4000, s7;
	s6 =	simm.s32 @!p0 $0x1B8D  }
0xb7: {  	s5 =	sshll.u32 @!p0 s5, $0x11;
	s7 =	sadd.s32 @!p0 $0x11B8D, s7;
	_ =	swait.eq @!p0 [sflag:s6], $0x1  }
0xb8: {  	s5 =	sor.u32 @!p0 s5, s7;
	[sflag:s6] =	ssyncadd.s32 @!p0 $0xFFFFFFFF  }
0xb9: {  	s25 =	simm.s32 $0x1B8E;
	s24 =	sld [smem:$0x3FFE];
	[sflag:s5] =	ssyncadd.remote.s32 @!p0 $0x1  }
0xba: {  	s26 =	simm.s32 $execute0_lowered;
	[smem:$0x3FD2] =	sst s25  }
0xbb: {  	s6 =	sshll.u32 s26, $0x1;
	_ =	strace $0x80000049;
	[dreg:$0x1] =	wrdreg $0xFFFFFFFF  }
0xbc: {  	s28 =	simm.s32 $_size_execute0_lowered;
	s4 =	sadd.s32 s4, s6;
	[dreg:$0x0] =	wrdreg $0x0  }
0xbd: {  	s6 =	sshll.u32 s28, $0x1;
	[dreg:$0x2] =	wrdreg s4  }
0xbe: {  	[dreg:$0x3] =	wrdreg s6  }
0xbf: {  	[dreg:$0x4] =	wrdreg $0xC0  }
0xc0: {  	_ =	task [dreg:s22], $0x5FFFF  }
0xc1: {  	[dreg:$0x1] =	wrdreg $0xFFFFFFFF  }
0xc2: {  	[dreg:$0x0] =	wrdreg $0x60  }
0xc3: {  	[dreg:$0x2] =	wrdreg s17  }
0xc4: {  	[dreg:$0x3] =	wrdreg s24  }
0xc5: {  	[dreg:$0x4] =	wrdreg $0x0  }
0xc6: {  	[dreg:$0x5] =	wrdreg $0xA  }
0xc7: {  	_ =	task.clear_ibuf [dreg:s22], $0x6FFFF;
	_ =	strace $0x90000049  }
0xc8: {  	s29 =	simm.s32 $0xA;
	_ =	strace $0x8000004B  }
0xc9: {  	_ =	swait.ge [sflag:s29], $0x1  }
0xca: {  	[sflag:s29] =	ssyncadd.s32 $0xFFFFFFFF  }
0xcb: {  	_ =	strace $0x9000004B  }
0xcc: {  	_ =	sfence  }
0xcd: {  	s30 =	sld [smem:$0x0];
	_ =	sdelay $0x2  }
0xce: {  	s31 =	sshll.u32 s1, $0xD;
	s1 =	sshrl.u32 s1, $0x2  }
0xcf: {  	s4 =	sand.u32 $0x4000, s31;
	s1 =	sadd.s32 s1, s30  }
0xd0: {  	s0 =	sor.u32 s4, s0;
	s1 =	sshll.u32 s1, $0x11  }
0xd1: {  	s0 =	sor.u32 s1, s0  }
0xd2: {  	s0 =	sadd.s32 $0x8F2B, s0  }
0xd3: {  	[sflag:s0] =	ssyncadd.remote.s32 $0x1  }
0xd4: {  	_ =	sfence.sel $0xFFFF  }
0xd5: {  	[dreg:$0x0] =	wrdreg $0xFFFFFFFF;
	(pc) =	sbr.abs _section_cstart, $3  }
0xd6: {  	[dreg:$0x1] =	wrdreg $0xFFFFFFFF  }
0xd7: {  	_ =	task.clear_ibuf [dreg:s22], $0x2FFFF;
	_ =	strace $0x9FFFFFFF  }
0xd8: {  	(tm) =	ssettm $0x7FFFFFFF  }
0xd9: {  	_ =	shalt  }
tec
execute0_lowered:
.L_overlay_start_1:
0x0: {  	(tag) =	ssettag $0x1  }
0x1: {  	s1 =	rddreg [dreg:$0x0]  }
0x2: {  	s5 =	rddreg [dreg:$0x1]  }
0x3: {  	s0 =	srdreg.scid;
	s3 =	rddreg [dreg:$0x2]  }
0x4: {  	s2 =	rddreg [dreg:$0x3];
	s4 =	simm.s32 $0x0;
	s14 =	simm.s32 $0xD900  }
0x5: {  	s15 =	simm.s32 $0x80;
	s16 =	simm.s32 $0x11200;
	s11 =	sand.u32 $0x1, s0  }
0x6: {  	s17 =	simm.s32 $0xA080;
	s0 =	stileid.u32;
	s6 =	smul.u32 $0x39000, s11  }
0x7: {  	s18 =	simm.s32 $0x13200;
	s19 =	simm.s32 $0x1;
	s7 =	smul.u32 $0x3900, s0  }
0x8: {  	s20 =	simm.s32 $0x2;
	[smem:$0x7FF] =	sst s4;
	s8 =	smul.u32 $0xA000, s0  }
0x9: {  	s21 =	simm.s32 $0x0;
	s26 =	smul.u32 $0xA0000, s11;
	_ =	strace $0x8000004A  }
0xa: {  	s10 =	ssub.s32 $0x2, s11;
	s31 =	sshll.u32 s0, $0x6;
	p0 =	sne.s32 s11, $0x0  }
0xb: {  	s30 =	sshrl.u32 s10, $0x1;
	s6 =	sadd.s32 s7, s6;
	s28 =	sadd.s32 s8, s26  }
0xc: {  	s29 =	sshrl.u32 s8, $0x3;
	s10 =	ssub.s32 s10, s30;
	s13 =	sadd.s32 s8, s3  }
.Ltmp0:
0xd: {  	s6 =	sshrl.u32 s6, $0x3;
	s7 =	sadd.s32 s29, s5;
	(pc) =	sbr.rel .LBB2_1-.Ltmp0, $4  }
0xe: {  	s10 =	smax.u32 s10, $0x1;
	s9 =	sadd.s32 s6, s5;
	s6 =	sshrl.u32 s28, $0x3  }
0xf: {  	s11 =	sshrl.u32 s13, $0x3;
	s13 =	simm.s32 $0xA000;
	s12 =	sadd.s32 s6, s5  }
0x10: {  	s5 =	sadd.s32 $0xB1A00, s7;
	s6 =	sor.u32 $0x1C03, s31;
	s7 =	sadd.s32 $0x2E000, s9  }
0x11: {  	s8 =	sadd.s32 $0x2600, s9;
	s9 =	sadd.s32 $0xC5A00, s12;
	s12 =	simm.s32 $0x3  }
.LBB2_4:
0x12: {  	[tilespmem:s18], [sflag:$0x2] =	stream.indirect.gather [hbm4b:s1+s15], $0x40, s23, s15, $0xb8;
	[tilespmem:$0x15200] =	vst v63  }
0x13: {  	s22 =	simm.s32 $0x11180;
	s23 =	simm.s32 $0x11100  }
.LBB2_8:
0x14: {  	_ =	swait.ge [sflag:s19], $0x2000  }
0x15: {  	[sflag:s19] =	ssyncset.done $0x0  }
0x16: {  	[sflag:s19] =	ssyncadd.s32 $0xFFFFE000  }
0x17: {  	[spmem:s3] =	stream.indirect.scatter.add.f32 [tilespmem:s16], [sflag:$0x3], $0x40, s23, s15, $0xb8;
	[tilespmem:$0x15200] =	vst v63  }
0x18: {  	_ =	swait.ge [sflag:s12], $0x2000  }
0x19: {  	[sflag:s12] =	ssyncset.done $0x0  }
0x1a: {  	[sflag:s12] =	ssyncadd.s32 $0xFFFFE000  }
0x1b: {  	_ =	swait.ge [sflag:s20], $0x2000  }
0x1c: {  	[sflag:s20] =	ssyncset.done $0x0  }
0x1d: {  	[sflag:s20] =	ssyncadd.s32 $0xFFFFE000  }
0x1e: {  	[spmem:s3] =	stream.indirect.scatter.add.f32 [tilespmem:s18], [sflag:$0x3], $0x40, s22, s15, $0xb8;
	[tilespmem:$0x15200] =	vst v63  }
0x1f: {  	_ =	swait.ge [sflag:s12], $0x2000  }
0x20: {  	s21 =	sadd.s32 $0x1, s21;
	[sflag:s12] =	ssyncset.done $0x0  }
0x21: {  	p1 =	sne.s32 s21, s10;
	[sflag:s12] =	ssyncadd.s32 $0xFFFFE000  }
.Ltmp1:
0x22: {  	[bflag:$0x0] =	sbarrier.arrive $0xFFFF;
	(pc) =	sbr.rel @!p1 .LBB2_9-.Ltmp1, $4  }
0x23: {  	[hbm:s9], [sflag:s6] =	dma.local [spmem:s11], $0x1400  }
0x24: {  	_ =	swait.ge [sflag:s12], $0x1400  }
0x25: {  	[sflag:s12] =	ssyncset.done $0x0  }
0x26: {  	[sflag:s12] =	ssyncadd.s32 $0xFFFFEC00  }
.LBB2_1:
0x27: {  	[spmem:s11], [sflag:s6] =	dma.local [hbm:s5], $0x1400  }
0x28: {  	_ =	swait.ge [sflag:s12], $0x1400  }
0x29: {  	[sflag:s12] =	ssyncset.done $0x0  }
0x2a: {  	[sflag:s12] =	ssyncadd.s32 $0xFFFFEC00  }
0x2b: {  	[tilespmem:s13], [sflag:$0x3] =	stream.linear.gather [hbm4b:s7+s4], $0x3900, $0x38;
	[tilespmem:$0x15200] =	vst v63  }
0x2c: {  	_ =	swait.ge [sflag:s12], $0x3900  }
0x2d: {  	[sflag:s12] =	ssyncset.done $0x0  }
0x2e: {  	[sflag:s12] =	ssyncadd.s32 $0xFFFFC700  }
0x2f: {  	[tilespmem:s14], [sflag:$0x3] =	stream.linear.gather [hbm4b:s8+s4], $0x3900, $0x38;
	[tilespmem:$0x15200] =	vst v63  }
0x30: {  	_ =	swait.ge [sflag:s12], $0x3900  }
0x31: {  	[sflag:s12] =	ssyncset.done $0x0  }
.Ltmp2:
0x32: {  	[sflag:s12] =	ssyncadd.s32 $0xFFFFC700;
	(pc) =	sbr.rel @p0 .LBB2_5-.Ltmp2, $4  }
0x33: {  	[bflag:$0x0] =	sbarrier.arrive $0xFFFF  }
0x34: {  	[tilespmem:s16], [sflag:$0x1] =	stream.indirect.gather [hbm4b:s1+s15], $0x40, s13, s15, $0xb8;
	[tilespmem:$0x15200] =	vst v63  }
0x35: {  	_ = 	snop  }
0x36: {  	[tilespmem:s18], [sflag:$0x2] =	stream.indirect.gather [hbm4b:s1+s15], $0x40, s17, s15, $0xb8;
	[tilespmem:$0x15200] =	vst v63  }
0x37: {  	_ =	swait.ge [sflag:s19], $0x2000  }
0x38: {  	[sflag:s19] =	ssyncset.done $0x0  }
0x39: {  	s22 =	simm.s32 $0xD900;
	[sflag:s19] =	ssyncadd.s32 $0xFFFFE000  }
0x3a: {  	[spmem:s3] =	stream.indirect.scatter.add.f32 [tilespmem:s16], [sflag:$0x3], $0x40, s22, s15, $0xb8;
	[tilespmem:$0x15200] =	vst v63  }
0x3b: {  	_ =	swait.ge [sflag:s12], $0x2000  }
0x3c: {  	[sflag:s12] =	ssyncset.done $0x0  }
0x3d: {  	s30 =	simm.s32 $0xA100;
	[sflag:s12] =	ssyncadd.s32 $0xFFFFE000  }
0x3e: {  	[tilespmem:s16], [sflag:$0x1] =	stream.indirect.gather [hbm4b:s1+s15], $0x40, s30, s15, $0xb8;
	[tilespmem:$0x15200] =	vst v63  }
0x3f: {  	_ =	swait.ge [sflag:s20], $0x2000  }
0x40: {  	p1 =	por $0x0, $0x0;
	[sflag:s20] =	ssyncset.done $0x0  }
.Ltmp3:
0x41: {  	s31 =	simm.s32 $0xD980;
	[sflag:s20] =	ssyncadd.s32 $0xFFFFE000;
	(pc) =	sbr.rel @p1 .LBB2_4-.Ltmp3, $4  }
0x42: {  	[spmem:s3] =	stream.indirect.scatter.add.f32 [tilespmem:s18], [sflag:$0x3], $0x40, s31, s15, $0xb8;
	[tilespmem:$0x15200] =	vst v63  }
0x43: {  	_ =	swait.ge [sflag:s12], $0x2000  }
0x44: {  	[sflag:s12] =	ssyncset.done $0x0  }
0x45: {  	s23 =	simm.s32 $0xA180;
	s22 =	simm.s32 $0x400;
	[sflag:s12] =	ssyncadd.s32 $0xFFFFE000  }
.LBB2_3:
0x46: {  	[tilespmem:s18], [sflag:$0x2] =	stream.indirect.gather [hbm4b:s1+s15], $0x40, s23, s15, $0xb8;
	[tilespmem:$0x15200] =	vst v63  }
0x47: {  	s23 =	smov.u32 s22  }
0x48: {  	p1 =	seq.s32 s22, $0xDC00;
	s22 =	sadd.s32 $0x400, s22;
	_ =	swait.ge [sflag:s19], $0x2000  }
0x49: {  	s23 =	sshra.s32 s23, $0x2;
	[sflag:s19] =	ssyncset.done $0x0  }
0x4a: {  	s24 =	sadd.s32 $0xD900, s23;
	[sflag:s19] =	ssyncadd.s32 $0xFFFFE000  }
0x4b: {  	[spmem:s3] =	stream.indirect.scatter.add.f32 [tilespmem:s16], [sflag:$0x3], $0x40, s24, s15, $0xb8;
	[tilespmem:$0x15200] =	vst v63  }
0x4c: {  	_ =	swait.ge [sflag:s12], $0x2000  }
0x4d: {  	[sflag:s12] =	ssyncset.done $0x0  }
0x4e: {  	s24 =	sadd.s32 $0xA100, s23;
	[sflag:s12] =	ssyncadd.s32 $0xFFFFE000  }
0x4f: {  	[tilespmem:s16], [sflag:$0x1] =	stream.indirect.gather [hbm4b:s1+s15], $0x40, s24, s15, $0xb8;
	[tilespmem:$0x15200] =	vst v63  }
0x50: {  	_ =	swait.ge [sflag:s20], $0x2000  }
0x51: {  	[sflag:s20] =	ssyncset.done $0x0  }
.Ltmp4:
0x52: {  	s24 =	sadd.s32 $0xD980, s23;
	[sflag:s20] =	ssyncadd.s32 $0xFFFFE000;
	(pc) =	sbr.rel @!p1 .LBB2_3-.Ltmp4, $4  }
0x53: {  	[spmem:s3] =	stream.indirect.scatter.add.f32 [tilespmem:s18], [sflag:$0x3], $0x40, s24, s15, $0xb8;
	[tilespmem:$0x15200] =	vst v63  }
0x54: {  	_ =	swait.ge [sflag:s12], $0x2000  }
0x55: {  	[sflag:s12] =	ssyncset.done $0x0  }
0x56: {  	s23 =	sadd.s32 $0xA180, s23;
	[sflag:s12] =	ssyncadd.s32 $0xFFFFE000  }
.Ltmp5:
0x57: {  	_ = 	snop;
	(pc) =	sbr.rel .LBB2_4-.Ltmp5, $1  }
0x58: {  	_ =	sdelay $0x3  }
.LBB2_5:
0x59: {  	_ =	swait.ge [sflag:s19], $0x2000  }
0x5a: {  	[sflag:s19] =	ssyncset.done $0x0  }
0x5b: {  	s22 =	simm.s32 $0xD900;
	[sflag:s19] =	ssyncadd.s32 $0xFFFFE000  }
0x5c: {  	[spmem:s3] =	stream.indirect.scatter.add.f32 [tilespmem:s16], [sflag:$0x3], $0x40, s22, s15, $0xb8;
	[tilespmem:$0x15200] =	vst v63  }
0x5d: {  	_ =	swait.ge [sflag:s12], $0x2000  }
0x5e: {  	[sflag:s12] =	ssyncset.done $0x0  }
0x5f: {  	s30 =	simm.s32 $0xA100;
	[sflag:s12] =	ssyncadd.s32 $0xFFFFE000  }
0x60: {  	[tilespmem:s16], [sflag:$0x1] =	stream.indirect.gather [hbm4b:s1+s15], $0x40, s30, s15, $0xb8;
	[tilespmem:$0x15200] =	vst v63  }
0x61: {  	_ =	swait.ge [sflag:s20], $0x2000  }
0x62: {  	[sflag:s20] =	ssyncset.done $0x0  }
0x63: {  	s31 =	simm.s32 $0xD980;
	[sflag:s20] =	ssyncadd.s32 $0xFFFFE000  }
0x64: {  	[spmem:s3] =	stream.indirect.scatter.add.f32 [tilespmem:s18], [sflag:$0x3], $0x40, s31, s15, $0xb8;
	[tilespmem:$0x15200] =	vst v63  }
0x65: {  	_ =	swait.ge [sflag:s12], $0x2000  }
0x66: {  	[sflag:s12] =	ssyncset.done $0x0  }
0x67: {  	s23 =	simm.s32 $0xA180;
	s22 =	simm.s32 $0x400;
	[sflag:s12] =	ssyncadd.s32 $0xFFFFE000  }
.LBB2_6:
0x68: {  	[tilespmem:s18], [sflag:$0x2] =	stream.indirect.gather [hbm4b:s1+s15], $0x40, s23, s15, $0xb8;
	[tilespmem:$0x15200] =	vst v63  }
0x69: {  	s23 =	smov.u32 s22  }
0x6a: {  	p1 =	sne.s32 s22, $0x5000;
	s22 =	sadd.s32 $0x400, s22;
	_ =	swait.ge [sflag:s19], $0x2000  }
0x6b: {  	s23 =	sshra.s32 s23, $0x2;
	[sflag:s19] =	ssyncset.done $0x0  }
0x6c: {  	s24 =	sadd.s32 $0xD900, s23;
	[sflag:s19] =	ssyncadd.s32 $0xFFFFE000  }
0x6d: {  	[spmem:s3] =	stream.indirect.scatter.add.f32 [tilespmem:s16], [sflag:$0x3], $0x40, s24, s15, $0xb8;
	[tilespmem:$0x15200] =	vst v63  }
0x6e: {  	_ =	swait.ge [sflag:s12], $0x2000  }
0x6f: {  	[sflag:s12] =	ssyncset.done $0x0  }
0x70: {  	s24 =	sadd.s32 $0xA100, s23;
	[sflag:s12] =	ssyncadd.s32 $0xFFFFE000  }
0x71: {  	[tilespmem:s16], [sflag:$0x1] =	stream.indirect.gather [hbm4b:s1+s15], $0x40, s24, s15, $0xb8;
	[tilespmem:$0x15200] =	vst v63  }
0x72: {  	_ =	swait.ge [sflag:s20], $0x2000  }
0x73: {  	[sflag:s20] =	ssyncset.done $0x0  }
.Ltmp6:
0x74: {  	s24 =	sadd.s32 $0xD980, s23;
	[sflag:s20] =	ssyncadd.s32 $0xFFFFE000;
	(pc) =	sbr.rel @p1 .LBB2_6-.Ltmp6, $4  }
0x75: {  	[spmem:s3] =	stream.indirect.scatter.add.f32 [tilespmem:s18], [sflag:$0x3], $0x40, s24, s15, $0xb8;
	[tilespmem:$0x15200] =	vst v63  }
0x76: {  	_ =	swait.ge [sflag:s12], $0x2000  }
0x77: {  	[sflag:s12] =	ssyncset.done $0x0  }
0x78: {  	s23 =	sadd.s32 $0xA180, s23;
	[sflag:s12] =	ssyncadd.s32 $0xFFFFE000  }
.Ltmp7:
0x79: {  	(pc) =	sbr.rel .LBB2_8-.Ltmp7, $3  }
0x7a: {  	_ =	sdelay $0x1  }
0x7b: {  	[tilespmem:s18], [sflag:$0x2] =	stream.indirect.gather [hbm4b:s1+s15], $0x40, s23, s15, $0xb8;
	[tilespmem:$0x15200] =	vst v63  }
0x7c: {  	s22 =	simm.s32 $0xEE80;
	s23 =	simm.s32 $0xEE00  }
.LBB2_9:
0x7d: {  	_ =	sfence.sel $0x180000  }
0x7e: {  	[bflag:$0x0] =	sbarrier.arrive $0xFFFF  }
0x7f: {  	p0 =	sne.s32 s0, $0x0;
	_ =	strace $0x9000004A  }
0x80: {  	s0 =	sadd.s32 @!p0 $0x100000, s2;
	[bflag:$0x2] =	sbarrier.arrive $0xFFFF  }
0x81: {  	[sflag:s0] =	ssyncadd.tile.s32 @!p0 $0x1;
	_ =	shalt  }
.Lfunc_end2:
_tile_overlayer_lowered:
.L_overlay_start_2:
0x82: {  	(tag) =	ssettag $0x2  }
0x83: {  	s0 =	rddreg [dreg:$0x0];
	s2 =	stileid.u32  }
0x84: {  	s1 =	rddreg [dreg:$0x1];
	p0 =	sne.s32 s2, $0x0  }
0x85: {  	s3 =	rddreg [dreg:$0x2];
	[bflag:$0x3] =	sbarrier.arrive $0xFFFF;
	s2 =	simm.s32 @!p0 $0x1C03  }
0x86: {  	[timem:s3], [sflag:s2] =	dma.local @!p0 [hbm:s0], s1  }
0x87: {  	s0 =	simm.s32 @!p0 $0x3  }
0x88: {  	_ =	swait.ge @!p0 [sflag:s0], s1  }
0x89: {  	s1 =	ssub.s32 @!p0 $0x0, s1;
	[sflag:s0] =	ssyncset.done @!p0 $0x0  }
0x8a: {  	[sflag:s0] =	ssyncadd.s32 @!p0 s1  }
0x8b: {  	[bflag:$0x3] =	sbarrier.arrive $0xFFFF  }
0x8c: {  	_ =	shalt  }

// kernel: kernel.16.cloned.1.call-start
scs
__scs_entry_jumppad:
0x0: {  	(pc) =	sbr.rel $0x88, $3  }
0x1: {  	(tag) =	ssettag $0x0;
	lr =	simm.s32 $0x1  }
0x2: {  	[smem:$0x3F8F] =	sst lr;
	_ =	strace $0xD0000000  }
0x3: {  	_ = 	snop  }
0x4: {  	_ = 	snop  }
0x5: {  	_ = 	snop  }
0x6: {  	_ = 	snop  }
0x7: {  	_ = 	snop  }
__scs_overlays_trampoline_lowered:
0x8: {  	[smem:$0x3F9E] =	sst s0  }
0x9: {  	[smem:$0x3F9F] =	sst s1  }
0xa: {  	[smem:$0x3FA0] =	sst s2  }
0xb: {  	[smem:$0x3FA1] =	sst s3  }
0xc: {  	[smem:$0x3FA2] =	sst s4  }
0xd: {  	[smem:$0x3FA3] =	sst s5  }
0xe: {  	[smem:$0x3FA4] =	sst s6  }
0xf: {  	[smem:$0x3FA5] =	sst s7  }
0x10: {  	[smem:$0x3FA6] =	sst s8  }
0x11: {  	[smem:$0x3FA7] =	sst s9;
	s0 =	simm.s32 @!p0 $0x0  }
0x12: {  	s1 =	sld [smem:$0x3F8D];
	s0 =	simm.s32 @p0 $0x1  }
0x13: {  	[smem:$0x3FA8] =	sst s0;
	s0 =	simm.s32 @!p1 $0x0  }
0x14: {  	s2 =	sld [smem:$0x3F8C];
	s0 =	simm.s32 @p1 $0x1  }
0x15: {  	[smem:$0x3FA9] =	sst s0;
	s0 =	simm.s32 @!p2 $0x0  }
0x16: {  	s3 =	sld [smem:$0x3FDB];
	s0 =	simm.s32 @p2 $0x1  }
0x17: {  	s4 =	simm.s32 $0x1BF5;
	[smem:$0x3FAB] =	sst s0  }
0x18: {  	s0 =	sld [smem:$0x3F8E];
	_ =	swait.ge [sflag:s4], $0x0  }
0x19: {  	s7 =	sld [smem:$0x3F8F]  }
0x1a: {  	s8 =	sadd.s32 $0xFFFFE003, lr  }
0x1b: {  	s9 =	sadd.s32 $0xFFFFFEF7, lr;
	s5 =	simm.s32 $0xFFFFFFFF;
	p2 =	slt.u32 s8, $0xFFFFF086  }
0x1c: {  	p1 =	slt.u32 s9, $0xF7A;
	s5 =	simm.s32 @!p2 $0x0  }
0x1d: {  	s5 =	simm.s32 @p1 $0x1;
	p0 =	seq.s32 s7, s2  }
0x1e: {  	s7 =	smul.u32 @!p0 $0xF7A, s2;
	p2 =	seq.s32 @!p0 s5, $0x0  }
0x1f: {  	s9 =	smul.u32 $0xF7A, s1;
	s8 =	simm.s32 @!p0 $0x1BF5;
	p2 =	por !p2, p0  }
0x20: {  	[sflag:s8] =	ssyncset.s32 @!p0 $0xFFFFF086;
	s6 =	sadd.s32 @!p0 s3, s7;
	s7 =	simm.s32 @!p0 $0x108  }
0x21: {  	s3 =	sadd.s32 s3, s9;
	s6 =	sadd.s32 @!p0 $0x88, s6;
	s7 =	simm.s32 @p2 $0x1082  }
0x22: {  	[simem:s7], [sflag:s8] =	dma.local @!p0 [hbm:s6], $0xF7A  }
0x23: {  	s9 =	sor.u32 $0xD0000000, s2;
	s6 =	simm.s32 $0x108;
	_ =	swait.ge @!p0 [sflag:s8], $0x0  }
0x24: {  	s3 =	sadd.s32 $0x88, s3;
	s6 =	simm.s32 @!p1 $0x1082;
	[sflag:s4] =	ssyncset.s32 $0xFFFFF086  }
0x25: {  	[simem:s6], [sflag:s4] =	dma.local [hbm:s3], $0xF7A  }
0x26: {  	[smem:$0x3F8F] =	sst s1;
	(tag) =	ssettag s2;
	_ =	strace s9  }
0x27: {  	s1 =	sld [smem:$0x3F9F]  }
0x28: {  	s2 =	sld [smem:$0x3FA0]  }
0x29: {  	s4 =	sld [smem:$0x3FA2]  }
0x2a: {  	p0 =	seq.s32 s5, $0x0;
	s5 =	sld [smem:$0x3FA3]  }
0x2b: {  	s6 =	sld [smem:$0x3FA4]  }
0x2c: {  	s7 =	sld [smem:$0x3FA5]  }
0x2d: {  	s3 =	simm.s32 $0x108;
	s8 =	sld [smem:$0x3FA6]  }
0x2e: {  	s3 =	simm.s32 @!p0 $0x1082;
	s9 =	sld [smem:$0x3FA7]  }
0x2f: {  	lr =	sadd.s32 s0, s3;
	s0 =	sld [smem:$0x3F9E]  }
0x30: {  	s3 =	sld [smem:$0x3FA1]  }
0x31: {  	[smem:$0x3FAA] =	sst s10  }
0x32: {  	s10 =	sld [smem:$0x3FA8];
	_ =	sdelay $0x3  }
0x33: {  	p0 =	seq.s32 s10, $0x1;
	s10 =	sld [smem:$0x3FAA];
	_ =	sdelay $0x3  }
0x34: {  	[smem:$0x3FAA] =	sst s10  }
0x35: {  	s10 =	sld [smem:$0x3FA9];
	_ =	sdelay $0x3  }
0x36: {  	p1 =	seq.s32 s10, $0x1;
	s10 =	sld [smem:$0x3FAA];
	_ =	sdelay $0x3  }
0x37: {  	[smem:$0x3FAA] =	sst s10  }
0x38: {  	s10 =	sld [smem:$0x3FAB]  }
0x39: {  	_ = 	snop;
	(pc) =	sbr.ind lr, $3  }
0x3a: {  	_ = 	snop  }
0x3b: {  	_ = 	snop  }
0x3c: {  	p2 =	seq.s32 s10, $0x1;
	s10 =	sld [smem:$0x3FAA]  }
0x3d: {  	_ =	shalt  }
0x3e: {  	_ =	shalt  }
0x3f: {  	_ =	shalt  }
0x40: {  	_ =	shalt  }
0x41: {  	_ =	shalt  }
0x42: {  	_ =	shalt  }
0x43: {  	_ =	shalt  }
0x44: {  	_ =	shalt  }
0x45: {  	_ =	shalt  }
0x46: {  	_ =	shalt  }
0x47: {  	_ =	shalt  }
0x48: {  	_ =	shalt  }
0x49: {  	_ =	shalt  }
0x4a: {  	_ =	shalt  }
0x4b: {  	_ =	shalt  }
0x4c: {  	_ =	shalt  }
0x4d: {  	_ =	shalt  }
0x4e: {  	_ =	shalt  }
0x4f: {  	_ =	shalt  }
0x50: {  	_ =	shalt  }
0x51: {  	_ =	shalt  }
0x52: {  	_ =	shalt  }
0x53: {  	_ =	shalt  }
0x54: {  	_ =	shalt  }
0x55: {  	_ =	shalt  }
0x56: {  	_ =	shalt  }
0x57: {  	_ =	shalt  }
0x58: {  	_ =	shalt  }
0x59: {  	_ =	shalt  }
0x5a: {  	_ =	shalt  }
0x5b: {  	_ =	shalt  }
0x5c: {  	_ =	shalt  }
0x5d: {  	_ =	shalt  }
0x5e: {  	_ =	shalt  }
0x5f: {  	_ =	shalt  }
0x60: {  	_ =	shalt  }
0x61: {  	_ =	shalt  }
0x62: {  	_ =	shalt  }
0x63: {  	_ =	shalt  }
0x64: {  	_ =	shalt  }
0x65: {  	_ =	shalt  }
0x66: {  	_ =	shalt  }
0x67: {  	_ =	shalt  }
0x68: {  	_ =	shalt  }
0x69: {  	_ =	shalt  }
0x6a: {  	_ =	shalt  }
0x6b: {  	_ =	shalt  }
0x6c: {  	_ =	shalt  }
0x6d: {  	_ =	shalt  }
0x6e: {  	_ =	shalt  }
0x6f: {  	_ =	shalt  }
0x70: {  	_ =	shalt  }
0x71: {  	_ =	shalt  }
0x72: {  	_ =	shalt  }
0x73: {  	_ =	shalt  }
0x74: {  	_ =	shalt  }
0x75: {  	_ =	shalt  }
0x76: {  	_ =	shalt  }
0x77: {  	_ =	shalt  }
0x78: {  	_ =	shalt  }
0x79: {  	_ =	shalt  }
0x7a: {  	_ =	shalt  }
0x7b: {  	_ =	shalt  }
0x7c: {  	_ =	shalt  }
0x7d: {  	_ =	shalt  }
0x7e: {  	_ =	shalt  }
0x7f: {  	_ =	shalt  }
0x80: {  	_ =	shalt  }
0x81: {  	_ =	shalt  }
0x82: {  	_ =	shalt  }
0x83: {  	_ =	shalt  }
0x84: {  	_ =	shalt  }
0x85: {  	_ =	shalt  }
0x86: {  	_ =	shalt  }
0x87: {  	_ =	shalt  }
.Lfunc_end0:
.L_simem_size_0:
called_computation.2_lowered:
.L_overlay_start_0:
0x88: {  	s2 =	sld [smem:$0x3FD9]  }
0x89: {  	s3 =	sld [smem:$0x3FFE];
	_ =	sdelay $0x1  }
0x8a: {  	s1 =	srdreg.scid  }
0x8b: {  	s0 =	sand.u32 $0x1, s1  }
0x8c: {  	s17 =	sshll.u32 s0, $0xA;
	s2 =	sadd.s32 s3, s2  }
0x8d: {  	s2 =	sadd.s32 s2, s17  }
0x8e: {  	[smem:$0x3FB6] =	sst s2  }
0x8f: {  	_ = 	snop  }
0x90: {  	(tm) =	ssettm $0x1  }
0x91: {  	s18 =	sld [smem:$0x3FFB];
	_ =	sdelay $0x3  }
0x92: {  	_ =	strace s18  }
0x93: {  	s2 =	sld [smem:$0x3FFC];
	_ =	sdelay $0x3  }
0x94: {  	_ =	strace s2  }
0x95: {  	s2 =	sld [smem:$0x3FFD];
	_ =	sdelay $0x3  }
0x96: {  	_ =	strace s2  }
0x97: {  	_ =	strace $0x8FFFFFFF  }
0x98: {  	s19 =	sld [smem:$0x3FDB];
	_ =	sdelay $0x1  }
0x99: {  	s20 =	simm.s32 $_scs_section_size  }
0x9a: {  	s4 =	simm.s32 $_size__tile_overlayer_lowered;
	s5 =	simm.s32 $_tile_overlayer_lowered  }
0x9b: {  	s6 =	simm.s32 $0x1BFF;
	s21 =	sshll.u32 s5, $0x1;
	s3 =	sadd.s32 s20, s19  }
0x9c: {  	s22 =	simm.s32 $0x0;
	s4 =	sshll.u32 s4, $0x1;
	s5 =	sadd.s32 s21, s3  }
0x9d: {  	[timem:s22], [sflag:s6] =	dma.local [hbm:s5], s4  }
0x9e: {  	_ =	swait.ge [sflag:s6], s4  }
0x9f: {  	s4 =	ssub.s32 $0x0, s4;
	[sflag:s6] =	ssyncset.done $0x0  }
0xa0: {  	[sflag:s6] =	ssyncadd.s32 s4;
	_ =	sdelay $0x1  }
0xa1: {  	s23 =	simm.s32 $0x1B8B  }
0xa2: {  	_ =	swait.ge [sflag:s23], $0x1  }
0xa3: {  	[sflag:s23] =	ssyncset.done $0x0  }
0xa4: {  	[sflag:s23] =	ssyncadd.s32 $0xFFFFFFFF  }
0xa5: {  	s4 =	sld [smem:$0x0]  }
0xa6: {  	s5 =	sand.u32 $0xFFFFFFFE, s1  }
0xa7: {  	p0 =	sne.s32 s1, s5  }
0xa8: {  	s5 =	sshll.u32 @p0 s5, $0xE  }
0xa9: {  	s5 =	sadd.s32 @p0 $0x11B8D, s5;
	s6 =	sshll.u32 @p0 s4, $0x11  }
0xaa: {  	s5 =	sor.u32 @p0 s6, s5  }
0xab: {  	[sflag:s5] =	ssyncadd.remote.s32 @p0 $0x1;
	_ =	sdelay $0x1  }
0xac: {  	s5 =	simm.s32 @p0 $0x1B8D  }
0xad: {  	_ =	swait.eq @p0 [sflag:s5], $0x1  }
0xae: {  	[sflag:s5] =	ssyncadd.s32 @p0 $0xFFFFFFFF  }
0xaf: {  	s6 =	sshll.u32 @!p0 s1, $0xE  }
0xb0: {  	s6 =	sor.u32 @!p0 $0x4000, s6;
	s5 =	simm.s32 @!p0 $0x1B8D  }
0xb1: {  	s4 =	sshll.u32 @!p0 s4, $0x11;
	s6 =	sadd.s32 @!p0 $0x11B8D, s6;
	_ =	swait.eq @!p0 [sflag:s5], $0x1  }
0xb2: {  	s4 =	sor.u32 @!p0 s4, s6;
	[sflag:s5] =	ssyncadd.s32 @!p0 $0xFFFFFFFF  }
0xb3: {  	s25 =	simm.s32 $0x1B8E;
	s24 =	sld [smem:$0x3FFE];
	[sflag:s4] =	ssyncadd.remote.s32 @!p0 $0x1  }
0xb4: {  	s26 =	simm.s32 $execute0_lowered;
	[smem:$0x3FD2] =	sst s25  }
0xb5: {  	s5 =	sshll.u32 s26, $0x1;
	_ =	strace $0x8000004C;
	[dreg:$0x1] =	wrdreg $0xFFFFFFFF  }
0xb6: {  	s28 =	simm.s32 $_size_execute0_lowered;
	s3 =	sadd.s32 s3, s5;
	[dreg:$0x0] =	wrdreg $0x0  }
0xb7: {  	s5 =	sshll.u32 s28, $0x1;
	[dreg:$0x2] =	wrdreg s3  }
0xb8: {  	[dreg:$0x3] =	wrdreg s5  }
0xb9: {  	[dreg:$0x4] =	wrdreg $0xC0  }
0xba: {  	_ =	task [dreg:s22], $0x5FFFF  }
0xbb: {  	[dreg:$0x1] =	wrdreg $0xFFFFFFFF  }
0xbc: {  	[dreg:$0x0] =	wrdreg $0x60  }
0xbd: {  	[dreg:$0x2] =	wrdreg s24  }
0xbe: {  	[dreg:$0x3] =	wrdreg $0x0  }
0xbf: {  	[dreg:$0x4] =	wrdreg $0xB  }
0xc0: {  	_ =	task.clear_ibuf [dreg:s22], $0x5FFFF;
	_ =	strace $0x9000004C  }
0xc1: {  	s29 =	simm.s32 $0xB;
	_ =	strace $0x8000004E  }
0xc2: {  	_ =	swait.ge [sflag:s29], $0x1  }
0xc3: {  	[sflag:s29] =	ssyncadd.s32 $0xFFFFFFFF  }
0xc4: {  	_ =	strace $0x9000004E  }
0xc5: {  	_ =	sfence  }
0xc6: {  	s30 =	sld [smem:$0x0];
	_ =	sdelay $0x2  }
0xc7: {  	s31 =	sshll.u32 s1, $0xD;
	s1 =	sshrl.u32 s1, $0x2  }
0xc8: {  	s4 =	sand.u32 $0x4000, s31;
	s1 =	sadd.s32 s1, s30  }
0xc9: {  	s0 =	sor.u32 s4, s0;
	s1 =	sshll.u32 s1, $0x11  }
0xca: {  	s0 =	sor.u32 s1, s0  }
0xcb: {  	s0 =	sadd.s32 $0x8F2B, s0  }
0xcc: {  	[sflag:s0] =	ssyncadd.remote.s32 $0x1  }
0xcd: {  	_ =	sfence.sel $0xFFFF  }
0xce: {  	[dreg:$0x0] =	wrdreg $0xFFFFFFFF;
	(pc) =	sbr.abs _section_cstart, $3  }
0xcf: {  	[dreg:$0x1] =	wrdreg $0xFFFFFFFF  }
0xd0: {  	_ =	task.clear_ibuf [dreg:s22], $0x2FFFF;
	_ =	strace $0x9FFFFFFF  }
0xd1: {  	(tm) =	ssettm $0x7FFFFFFF  }
tec
execute0_lowered:
.L_overlay_start_1:
0x0: {  	(tag) =	ssettag $0x1  }
0x1: {  	s5 =	rddreg [dreg:$0x0]  }
0x2: {  	s2 =	rddreg [dreg:$0x1]  }
0x3: {  	s0 =	srdreg.scid;
	s1 =	rddreg [dreg:$0x2]  }
0x4: {  	s3 =	simm.s32 $0x0;
	s14 =	simm.s32 $0x17900;
	s15 =	simm.s32 $0x40  }
0x5: {  	s16 =	simm.s32 $0x1B200;
	s17 =	simm.s32 $0x14040;
	s11 =	sand.u32 $0x1, s0  }
0x6: {  	s18 =	simm.s32 $0x1D200;
	s0 =	stileid.u32;
	s4 =	smul.u32 $0x39000, s11  }
0x7: {  	s19 =	simm.s32 $0x1;
	s20 =	simm.s32 $0x2;
	s6 =	smul.u32 $0x3900, s0  }
0x8: {  	s21 =	simm.s32 $0x0;
	[smem:$0x7FF] =	sst s3;
	s7 =	smul.u32 $0x14000, s0  }
0x9: {  	s29 =	smul.u32 $0x140000, s11;
	_ =	strace $0x8000004D;
	s10 =	ssub.s32 $0x2, s11  }
0xa: {  	s31 =	sshll.u32 s0, $0x6;
	p0 =	sne.s32 s11, $0x0;
	s30 =	sshrl.u32 s10, $0x1  }
0xb: {  	s4 =	sadd.s32 s6, s4;
	s6 =	sadd.s32 s7, s29;
	s9 =	sshrl.u32 s7, $0x3  }
0xc: {  	s10 =	ssub.s32 s10, s30;
	s13 =	sadd.s32 s7, s2;
	s8 =	sshrl.u32 s4, $0x3  }
.Ltmp0:
0xd: {  	s4 =	sadd.s32 $0x8A800, s5;
	s6 =	sshrl.u32 s6, $0x3;
	(pc) =	sbr.rel .LBB2_1-.Ltmp0, $4  }
0xe: {  	s9 =	sadd.s32 s9, s5;
	s10 =	smax.u32 s10, $0x1;
	s11 =	sshrl.u32 s13, $0x3  }
0xf: {  	s13 =	simm.s32 $0x14000;
	s8 =	sadd.s32 s8, s5;
	s12 =	sadd.s32 s6, s5  }
0x10: {  	s5 =	sadd.s32 $0x10A200, s9;
	s6 =	sor.u32 $0x1C03, s31;
	s7 =	sadd.s32 $0xFBE00, s8  }
0x11: {  	s8 =	sadd.s32 $0xEDA00, s8;
	s9 =	sadd.s32 $0x132200, s12;
	s12 =	simm.s32 $0x3  }
.LBB2_4:
0x12: {  	[tilespmem:s18], [sflag:$0x2] =	stream.indirect.gather [hbm4b:s4+s15], $0x80, s23, s15, $0xb8;
	[tilespmem:$0x1F200] =	vst v63  }
0x13: {  	s22 =	simm.s32 $0x1B1C0;
	s23 =	simm.s32 $0x1B180  }
.LBB2_8:
0x14: {  	_ =	swait.ge [sflag:s19], $0x2000  }
0x15: {  	[sflag:s19] =	ssyncset.done $0x0  }
0x16: {  	[sflag:s19] =	ssyncadd.s32 $0xFFFFE000  }
0x17: {  	[spmem:s2] =	stream.indirect.scatter.add.f32 [tilespmem:s16], [sflag:$0x3], $0x80, s23, s15, $0xb8;
	[tilespmem:$0x1F200] =	vst v63  }
0x18: {  	_ =	swait.ge [sflag:s12], $0x2000  }
0x19: {  	[sflag:s12] =	ssyncset.done $0x0  }
0x1a: {  	[sflag:s12] =	ssyncadd.s32 $0xFFFFE000  }
0x1b: {  	_ =	swait.ge [sflag:s20], $0x2000  }
0x1c: {  	[sflag:s20] =	ssyncset.done $0x0  }
0x1d: {  	[sflag:s20] =	ssyncadd.s32 $0xFFFFE000  }
0x1e: {  	[spmem:s2] =	stream.indirect.scatter.add.f32 [tilespmem:s18], [sflag:$0x3], $0x80, s22, s15, $0xb8;
	[tilespmem:$0x1F200] =	vst v63  }
0x1f: {  	_ =	swait.ge [sflag:s12], $0x2000  }
0x20: {  	s21 =	sadd.s32 $0x1, s21;
	[sflag:s12] =	ssyncset.done $0x0  }
0x21: {  	p1 =	sne.s32 s21, s10;
	[sflag:s12] =	ssyncadd.s32 $0xFFFFE000  }
.Ltmp1:
0x22: {  	[bflag:$0x0] =	sbarrier.arrive $0xFFFF;
	(pc) =	sbr.rel @!p1 .LBB2_9-.Ltmp1, $4  }
0x23: {  	[hbm:s9], [sflag:s6] =	dma.local [spmem:s11], $0x2800  }
0x24: {  	_ =	swait.ge [sflag:s12], $0x2800  }
0x25: {  	[sflag:s12] =	ssyncset.done $0x0  }
0x26: {  	[sflag:s12] =	ssyncadd.s32 $0xFFFFD800  }
.LBB2_1:
0x27: {  	[spmem:s11], [sflag:s6] =	dma.local [hbm:s5], $0x2800  }
0x28: {  	_ =	swait.ge [sflag:s12], $0x2800  }
0x29: {  	[sflag:s12] =	ssyncset.done $0x0  }
0x2a: {  	[sflag:s12] =	ssyncadd.s32 $0xFFFFD800  }
0x2b: {  	[tilespmem:s13], [sflag:$0x3] =	stream.linear.gather [hbm4b:s7+s3], $0x3900, $0x38;
	[tilespmem:$0x1F200] =	vst v63  }
0x2c: {  	_ =	swait.ge [sflag:s12], $0x3900  }
0x2d: {  	[sflag:s12] =	ssyncset.done $0x0  }
0x2e: {  	[sflag:s12] =	ssyncadd.s32 $0xFFFFC700  }
0x2f: {  	[tilespmem:s14], [sflag:$0x3] =	stream.linear.gather [hbm4b:s8+s3], $0x3900, $0x38;
	[tilespmem:$0x1F200] =	vst v63  }
0x30: {  	_ =	swait.ge [sflag:s12], $0x3900  }
0x31: {  	[sflag:s12] =	ssyncset.done $0x0  }
.Ltmp2:
0x32: {  	[sflag:s12] =	ssyncadd.s32 $0xFFFFC700;
	(pc) =	sbr.rel @p0 .LBB2_5-.Ltmp2, $4  }
0x33: {  	[bflag:$0x0] =	sbarrier.arrive $0xFFFF  }
0x34: {  	[tilespmem:s16], [sflag:$0x1] =	stream.indirect.gather [hbm4b:s4+s15], $0x80, s13, s15, $0xb8;
	[tilespmem:$0x1F200] =	vst v63  }
0x35: {  	_ = 	snop  }
0x36: {  	[tilespmem:s18], [sflag:$0x2] =	stream.indirect.gather [hbm4b:s4+s15], $0x80, s17, s15, $0xb8;
	[tilespmem:$0x1F200] =	vst v63  }
0x37: {  	_ =	swait.ge [sflag:s19], $0x2000  }
0x38: {  	[sflag:s19] =	ssyncset.done $0x0  }
0x39: {  	s22 =	simm.s32 $0x17900;
	[sflag:s19] =	ssyncadd.s32 $0xFFFFE000  }
0x3a: {  	[spmem:s2] =	stream.indirect.scatter.add.f32 [tilespmem:s16], [sflag:$0x3], $0x80, s22, s15, $0xb8;
	[tilespmem:$0x1F200] =	vst v63  }
0x3b: {  	_ =	swait.ge [sflag:s12], $0x2000  }
0x3c: {  	[sflag:s12] =	ssyncset.done $0x0  }
0x3d: {  	s30 =	simm.s32 $0x14080;
	[sflag:s12] =	ssyncadd.s32 $0xFFFFE000  }
0x3e: {  	[tilespmem:s16], [sflag:$0x1] =	stream.indirect.gather [hbm4b:s4+s15], $0x80, s30, s15, $0xb8;
	[tilespmem:$0x1F200] =	vst v63  }
0x3f: {  	_ =	swait.ge [sflag:s20], $0x2000  }
0x40: {  	p1 =	por $0x0, $0x0;
	[sflag:s20] =	ssyncset.done $0x0  }
.Ltmp3:
0x41: {  	s31 =	simm.s32 $0x17940;
	[sflag:s20] =	ssyncadd.s32 $0xFFFFE000;
	(pc) =	sbr.rel @p1 .LBB2_4-.Ltmp3, $4  }
0x42: {  	[spmem:s2] =	stream.indirect.scatter.add.f32 [tilespmem:s18], [sflag:$0x3], $0x80, s31, s15, $0xb8;
	[tilespmem:$0x1F200] =	vst v63  }
0x43: {  	_ =	swait.ge [sflag:s12], $0x2000  }
0x44: {  	[sflag:s12] =	ssyncset.done $0x0  }
0x45: {  	s23 =	simm.s32 $0x140C0;
	s22 =	simm.s32 $0x200;
	[sflag:s12] =	ssyncadd.s32 $0xFFFFE000  }
.LBB2_3:
0x46: {  	[tilespmem:s18], [sflag:$0x2] =	stream.indirect.gather [hbm4b:s4+s15], $0x80, s23, s15, $0xb8;
	[tilespmem:$0x1F200] =	vst v63  }
0x47: {  	s23 =	smov.u32 s22  }
0x48: {  	p1 =	seq.s32 s22, $0xE000;
	s22 =	sadd.s32 $0x200, s22;
	_ =	swait.ge [sflag:s19], $0x2000  }
0x49: {  	s23 =	sshra.s32 s23, $0x2;
	[sflag:s19] =	ssyncset.done $0x0  }
0x4a: {  	s24 =	sadd.s32 $0x17900, s23;
	[sflag:s19] =	ssyncadd.s32 $0xFFFFE000  }
0x4b: {  	[spmem:s2] =	stream.indirect.scatter.add.f32 [tilespmem:s16], [sflag:$0x3], $0x80, s24, s15, $0xb8;
	[tilespmem:$0x1F200] =	vst v63  }
0x4c: {  	_ =	swait.ge [sflag:s12], $0x2000  }
0x4d: {  	[sflag:s12] =	ssyncset.done $0x0  }
0x4e: {  	s24 =	sadd.s32 $0x14080, s23;
	[sflag:s12] =	ssyncadd.s32 $0xFFFFE000  }
0x4f: {  	[tilespmem:s16], [sflag:$0x1] =	stream.indirect.gather [hbm4b:s4+s15], $0x80, s24, s15, $0xb8;
	[tilespmem:$0x1F200] =	vst v63  }
0x50: {  	_ =	swait.ge [sflag:s20], $0x2000  }
0x51: {  	[sflag:s20] =	ssyncset.done $0x0  }
.Ltmp4:
0x52: {  	s24 =	sadd.s32 $0x17940, s23;
	[sflag:s20] =	ssyncadd.s32 $0xFFFFE000;
	(pc) =	sbr.rel @!p1 .LBB2_3-.Ltmp4, $4  }
0x53: {  	[spmem:s2] =	stream.indirect.scatter.add.f32 [tilespmem:s18], [sflag:$0x3], $0x80, s24, s15, $0xb8;
	[tilespmem:$0x1F200] =	vst v63  }
0x54: {  	_ =	swait.ge [sflag:s12], $0x2000  }
0x55: {  	[sflag:s12] =	ssyncset.done $0x0  }
0x56: {  	s23 =	sadd.s32 $0x140C0, s23;
	[sflag:s12] =	ssyncadd.s32 $0xFFFFE000  }
.Ltmp5:
0x57: {  	_ = 	snop;
	(pc) =	sbr.rel .LBB2_4-.Ltmp5, $1  }
0x58: {  	_ =	sdelay $0x3  }
.LBB2_5:
0x59: {  	_ =	swait.ge [sflag:s19], $0x2000  }
0x5a: {  	[sflag:s19] =	ssyncset.done $0x0  }
0x5b: {  	s22 =	simm.s32 $0x17900;
	[sflag:s19] =	ssyncadd.s32 $0xFFFFE000  }
0x5c: {  	[spmem:s2] =	stream.indirect.scatter.add.f32 [tilespmem:s16], [sflag:$0x3], $0x80, s22, s15, $0xb8;
	[tilespmem:$0x1F200] =	vst v63  }
0x5d: {  	_ =	swait.ge [sflag:s12], $0x2000  }
0x5e: {  	[sflag:s12] =	ssyncset.done $0x0  }
0x5f: {  	s30 =	simm.s32 $0x14080;
	[sflag:s12] =	ssyncadd.s32 $0xFFFFE000  }
0x60: {  	[tilespmem:s16], [sflag:$0x1] =	stream.indirect.gather [hbm4b:s4+s15], $0x80, s30, s15, $0xb8;
	[tilespmem:$0x1F200] =	vst v63  }
0x61: {  	_ =	swait.ge [sflag:s20], $0x2000  }
0x62: {  	[sflag:s20] =	ssyncset.done $0x0  }
0x63: {  	s31 =	simm.s32 $0x17940;
	[sflag:s20] =	ssyncadd.s32 $0xFFFFE000  }
0x64: {  	[spmem:s2] =	stream.indirect.scatter.add.f32 [tilespmem:s18], [sflag:$0x3], $0x80, s31, s15, $0xb8;
	[tilespmem:$0x1F200] =	vst v63  }
0x65: {  	_ =	swait.ge [sflag:s12], $0x2000  }
0x66: {  	[sflag:s12] =	ssyncset.done $0x0  }
0x67: {  	s23 =	simm.s32 $0x140C0;
	s22 =	simm.s32 $0x200;
	[sflag:s12] =	ssyncadd.s32 $0xFFFFE000  }
.LBB2_6:
0x68: {  	[tilespmem:s18], [sflag:$0x2] =	stream.indirect.gather [hbm4b:s4+s15], $0x80, s23, s15, $0xb8;
	[tilespmem:$0x1F200] =	vst v63  }
0x69: {  	s23 =	smov.u32 s22  }
0x6a: {  	p1 =	sne.s32 s22, $0x5400;
	s22 =	sadd.s32 $0x200, s22;
	_ =	swait.ge [sflag:s19], $0x2000  }
0x6b: {  	s23 =	sshra.s32 s23, $0x2;
	[sflag:s19] =	ssyncset.done $0x0  }
0x6c: {  	s24 =	sadd.s32 $0x17900, s23;
	[sflag:s19] =	ssyncadd.s32 $0xFFFFE000  }
0x6d: {  	[spmem:s2] =	stream.indirect.scatter.add.f32 [tilespmem:s16], [sflag:$0x3], $0x80, s24, s15, $0xb8;
	[tilespmem:$0x1F200] =	vst v63  }
0x6e: {  	_ =	swait.ge [sflag:s12], $0x2000  }
0x6f: {  	[sflag:s12] =	ssyncset.done $0x0  }
0x70: {  	s24 =	sadd.s32 $0x14080, s23;
	[sflag:s12] =	ssyncadd.s32 $0xFFFFE000  }
0x71: {  	[tilespmem:s16], [sflag:$0x1] =	stream.indirect.gather [hbm4b:s4+s15], $0x80, s24, s15, $0xb8;
	[tilespmem:$0x1F200] =	vst v63  }
0x72: {  	_ =	swait.ge [sflag:s20], $0x2000  }
0x73: {  	[sflag:s20] =	ssyncset.done $0x0  }
.Ltmp6:
0x74: {  	s24 =	sadd.s32 $0x17940, s23;
	[sflag:s20] =	ssyncadd.s32 $0xFFFFE000;
	(pc) =	sbr.rel @p1 .LBB2_6-.Ltmp6, $4  }
0x75: {  	[spmem:s2] =	stream.indirect.scatter.add.f32 [tilespmem:s18], [sflag:$0x3], $0x80, s24, s15, $0xb8;
	[tilespmem:$0x1F200] =	vst v63  }
0x76: {  	_ =	swait.ge [sflag:s12], $0x2000  }
0x77: {  	[sflag:s12] =	ssyncset.done $0x0  }
0x78: {  	s23 =	sadd.s32 $0x140C0, s23;
	[sflag:s12] =	ssyncadd.s32 $0xFFFFE000  }
.Ltmp7:
0x79: {  	(pc) =	sbr.rel .LBB2_8-.Ltmp7, $3  }
0x7a: {  	_ =	sdelay $0x1  }
0x7b: {  	[tilespmem:s18], [sflag:$0x2] =	stream.indirect.gather [hbm4b:s4+s15], $0x80, s23, s15, $0xb8;
	[tilespmem:$0x1F200] =	vst v63  }
0x7c: {  	s22 =	simm.s32 $0x18EC0;
	s23 =	simm.s32 $0x18E80  }
.LBB2_9:
0x7d: {  	_ =	sfence.sel $0x180000  }
0x7e: {  	[bflag:$0x0] =	sbarrier.arrive $0xFFFF  }
0x7f: {  	p0 =	sne.s32 s0, $0x0;
	_ =	strace $0x9000004D  }
0x80: {  	s0 =	sadd.s32 @!p0 $0x100000, s1;
	[bflag:$0x2] =	sbarrier.arrive $0xFFFF  }
0x81: {  	[sflag:s0] =	ssyncadd.tile.s32 @!p0 $0x1;
	_ =	shalt  }
.Lfunc_end2:
_tile_overlayer_lowered:
.L_overlay_start_2:
0x82: {  	(tag) =	ssettag $0x2  }
0x83: {  	s0 =	rddreg [dreg:$0x0];
	s2 =	stileid.u32  }
0x84: {  	s1 =	rddreg [dreg:$0x1];
	p0 =	sne.s32 s2, $0x0  }
0x85: {  	s3 =	rddreg [dreg:$0x2];
	[bflag:$0x3] =	sbarrier.arrive $0xFFFF;
	s2 =	simm.s32 @!p0 $0x1C03  }
0x86: {  	[timem:s3], [sflag:s2] =	dma.local @!p0 [hbm:s0], s1  }
0x87: {  	s0 =	simm.s32 @!p0 $0x3  }
0x88: {  	_ =	swait.ge @!p0 [sflag:s0], s1  }
0x89: {  	s1 =	ssub.s32 @!p0 $0x0, s1;
	[sflag:s0] =	ssyncset.done @!p0 $0x0  }
0x8a: {  	[sflag:s0] =	ssyncadd.s32 @!p0 s1  }
0x8b: {  	[bflag:$0x3] =	sbarrier.arrive $0xFFFF  }
0x8c: {  	_ =	shalt  }

// kernel: kernel.19.cloned.1.call-start
scs
__scs_entry_jumppad:
0x0: {  	(pc) =	sbr.rel $0x88, $3  }
0x1: {  	(tag) =	ssettag $0x0;
	lr =	simm.s32 $0x1  }
0x2: {  	[smem:$0x3F8F] =	sst lr;
	_ =	strace $0xD0000000  }
0x3: {  	_ = 	snop  }
0x4: {  	_ = 	snop  }
0x5: {  	_ = 	snop  }
0x6: {  	_ = 	snop  }
0x7: {  	_ = 	snop  }
__scs_overlays_trampoline_lowered:
0x8: {  	[smem:$0x3F9E] =	sst s0  }
0x9: {  	[smem:$0x3F9F] =	sst s1  }
0xa: {  	[smem:$0x3FA0] =	sst s2  }
0xb: {  	[smem:$0x3FA1] =	sst s3  }
0xc: {  	[smem:$0x3FA2] =	sst s4  }
0xd: {  	[smem:$0x3FA3] =	sst s5  }
0xe: {  	[smem:$0x3FA4] =	sst s6  }
0xf: {  	[smem:$0x3FA5] =	sst s7  }
0x10: {  	[smem:$0x3FA6] =	sst s8  }
0x11: {  	[smem:$0x3FA7] =	sst s9;
	s0 =	simm.s32 @!p0 $0x0  }
0x12: {  	s1 =	sld [smem:$0x3F8D];
	s0 =	simm.s32 @p0 $0x1  }
0x13: {  	[smem:$0x3FA8] =	sst s0;
	s0 =	simm.s32 @!p1 $0x0  }
0x14: {  	s2 =	sld [smem:$0x3F8C];
	s0 =	simm.s32 @p1 $0x1  }
0x15: {  	[smem:$0x3FA9] =	sst s0;
	s0 =	simm.s32 @!p2 $0x0  }
0x16: {  	s3 =	sld [smem:$0x3FDB];
	s0 =	simm.s32 @p2 $0x1  }
0x17: {  	s4 =	simm.s32 $0x1BF5;
	[smem:$0x3FAB] =	sst s0  }
0x18: {  	s0 =	sld [smem:$0x3F8E];
	_ =	swait.ge [sflag:s4], $0x0  }
0x19: {  	s7 =	sld [smem:$0x3F8F]  }
0x1a: {  	s8 =	sadd.s32 $0xFFFFE003, lr  }
0x1b: {  	s9 =	sadd.s32 $0xFFFFFEF7, lr;
	s5 =	simm.s32 $0xFFFFFFFF;
	p2 =	slt.u32 s8, $0xFFFFF086  }
0x1c: {  	p1 =	slt.u32 s9, $0xF7A;
	s5 =	simm.s32 @!p2 $0x0  }
0x1d: {  	s5 =	simm.s32 @p1 $0x1;
	p0 =	seq.s32 s7, s2  }
0x1e: {  	s7 =	smul.u32 @!p0 $0xF7A, s2;
	p2 =	seq.s32 @!p0 s5, $0x0  }
0x1f: {  	s9 =	smul.u32 $0xF7A, s1;
	s8 =	simm.s32 @!p0 $0x1BF5;
	p2 =	por !p2, p0  }
0x20: {  	[sflag:s8] =	ssyncset.s32 @!p0 $0xFFFFF086;
	s6 =	sadd.s32 @!p0 s3, s7;
	s7 =	simm.s32 @!p0 $0x108  }
0x21: {  	s3 =	sadd.s32 s3, s9;
	s6 =	sadd.s32 @!p0 $0x88, s6;
	s7 =	simm.s32 @p2 $0x1082  }
0x22: {  	[simem:s7], [sflag:s8] =	dma.local @!p0 [hbm:s6], $0xF7A  }
0x23: {  	s9 =	sor.u32 $0xD0000000, s2;
	s6 =	simm.s32 $0x108;
	_ =	swait.ge @!p0 [sflag:s8], $0x0  }
0x24: {  	s3 =	sadd.s32 $0x88, s3;
	s6 =	simm.s32 @!p1 $0x1082;
	[sflag:s4] =	ssyncset.s32 $0xFFFFF086  }
0x25: {  	[simem:s6], [sflag:s4] =	dma.local [hbm:s3], $0xF7A  }
0x26: {  	[smem:$0x3F8F] =	sst s1;
	(tag) =	ssettag s2;
	_ =	strace s9  }
0x27: {  	s1 =	sld [smem:$0x3F9F]  }
0x28: {  	s2 =	sld [smem:$0x3FA0]  }
0x29: {  	s4 =	sld [smem:$0x3FA2]  }
0x2a: {  	p0 =	seq.s32 s5, $0x0;
	s5 =	sld [smem:$0x3FA3]  }
0x2b: {  	s6 =	sld [smem:$0x3FA4]  }
0x2c: {  	s7 =	sld [smem:$0x3FA5]  }
0x2d: {  	s3 =	simm.s32 $0x108;
	s8 =	sld [smem:$0x3FA6]  }
0x2e: {  	s3 =	simm.s32 @!p0 $0x1082;
	s9 =	sld [smem:$0x3FA7]  }
0x2f: {  	lr =	sadd.s32 s0, s3;
	s0 =	sld [smem:$0x3F9E]  }
0x30: {  	s3 =	sld [smem:$0x3FA1]  }
0x31: {  	[smem:$0x3FAA] =	sst s10  }
0x32: {  	s10 =	sld [smem:$0x3FA8];
	_ =	sdelay $0x3  }
0x33: {  	p0 =	seq.s32 s10, $0x1;
	s10 =	sld [smem:$0x3FAA];
	_ =	sdelay $0x3  }
0x34: {  	[smem:$0x3FAA] =	sst s10  }
0x35: {  	s10 =	sld [smem:$0x3FA9];
	_ =	sdelay $0x3  }
0x36: {  	p1 =	seq.s32 s10, $0x1;
	s10 =	sld [smem:$0x3FAA];
	_ =	sdelay $0x3  }
0x37: {  	[smem:$0x3FAA] =	sst s10  }
0x38: {  	s10 =	sld [smem:$0x3FAB]  }
0x39: {  	_ = 	snop;
	(pc) =	sbr.ind lr, $3  }
0x3a: {  	_ = 	snop  }
0x3b: {  	_ = 	snop  }
0x3c: {  	p2 =	seq.s32 s10, $0x1;
	s10 =	sld [smem:$0x3FAA]  }
0x3d: {  	_ =	shalt  }
0x3e: {  	_ =	shalt  }
0x3f: {  	_ =	shalt  }
0x40: {  	_ =	shalt  }
0x41: {  	_ =	shalt  }
0x42: {  	_ =	shalt  }
0x43: {  	_ =	shalt  }
0x44: {  	_ =	shalt  }
0x45: {  	_ =	shalt  }
0x46: {  	_ =	shalt  }
0x47: {  	_ =	shalt  }
0x48: {  	_ =	shalt  }
0x49: {  	_ =	shalt  }
0x4a: {  	_ =	shalt  }
0x4b: {  	_ =	shalt  }
0x4c: {  	_ =	shalt  }
0x4d: {  	_ =	shalt  }
0x4e: {  	_ =	shalt  }
0x4f: {  	_ =	shalt  }
0x50: {  	_ =	shalt  }
0x51: {  	_ =	shalt  }
0x52: {  	_ =	shalt  }
0x53: {  	_ =	shalt  }
0x54: {  	_ =	shalt  }
0x55: {  	_ =	shalt  }
0x56: {  	_ =	shalt  }
0x57: {  	_ =	shalt  }
0x58: {  	_ =	shalt  }
0x59: {  	_ =	shalt  }
0x5a: {  	_ =	shalt  }
0x5b: {  	_ =	shalt  }
0x5c: {  	_ =	shalt  }
0x5d: {  	_ =	shalt  }
0x5e: {  	_ =	shalt  }
0x5f: {  	_ =	shalt  }
0x60: {  	_ =	shalt  }
0x61: {  	_ =	shalt  }
0x62: {  	_ =	shalt  }
0x63: {  	_ =	shalt  }
0x64: {  	_ =	shalt  }
0x65: {  	_ =	shalt  }
0x66: {  	_ =	shalt  }
0x67: {  	_ =	shalt  }
0x68: {  	_ =	shalt  }
0x69: {  	_ =	shalt  }
0x6a: {  	_ =	shalt  }
0x6b: {  	_ =	shalt  }
0x6c: {  	_ =	shalt  }
0x6d: {  	_ =	shalt  }
0x6e: {  	_ =	shalt  }
0x6f: {  	_ =	shalt  }
0x70: {  	_ =	shalt  }
0x71: {  	_ =	shalt  }
0x72: {  	_ =	shalt  }
0x73: {  	_ =	shalt  }
0x74: {  	_ =	shalt  }
0x75: {  	_ =	shalt  }
0x76: {  	_ =	shalt  }
0x77: {  	_ =	shalt  }
0x78: {  	_ =	shalt  }
0x79: {  	_ =	shalt  }
0x7a: {  	_ =	shalt  }
0x7b: {  	_ =	shalt  }
0x7c: {  	_ =	shalt  }
0x7d: {  	_ =	shalt  }
0x7e: {  	_ =	shalt  }
0x7f: {  	_ =	shalt  }
0x80: {  	_ =	shalt  }
0x81: {  	_ =	shalt  }
0x82: {  	_ =	shalt  }
0x83: {  	_ =	shalt  }
0x84: {  	_ =	shalt  }
0x85: {  	_ =	shalt  }
0x86: {  	_ =	shalt  }
0x87: {  	_ =	shalt  }
.Lfunc_end0:
.L_simem_size_0:
called_computation.3_lowered:
.L_overlay_start_0:
0x88: {  	s2 =	sld [smem:$0x3FD9]  }
0x89: {  	s3 =	sld [smem:$0x3FFE];
	_ =	sdelay $0x1  }
0x8a: {  	s1 =	srdreg.scid  }
0x8b: {  	s0 =	sand.u32 $0x1, s1  }
0x8c: {  	s14 =	sshll.u32 s0, $0xA;
	s2 =	sadd.s32 s3, s2  }
0x8d: {  	s2 =	sadd.s32 s2, s14  }
0x8e: {  	[smem:$0x3FB6] =	sst s2  }
0x8f: {  	_ = 	snop  }
0x90: {  	s2 =	sld [smem:$0x3FD0];
	_ =	sdelay $0x2  }
0x91: {  	s15 =	simm.s32 $0xC;
	s4 =	simm.s32 $0x10  }
0x92: {  	[smem:s4], [sflag:s15] =	dma.local [hbm:s2], $0x1  }
0x93: {  	_ =	swait.eq [sflag:s15], $0x1  }
0x94: {  	[sflag:s15] =	ssyncset.done $0x0  }
0x95: {  	[sflag:s15] =	ssyncadd.s32 $0xFFFFFFFF  }
0x96: {  	s16 =	sld [smem:$0x10];
	(tm) =	ssettm $0x1  }
0x97: {  	s17 =	sld [smem:$0x3FFB];
	_ =	sdelay $0x3  }
0x98: {  	_ =	strace s17  }
0x99: {  	s3 =	sld [smem:$0x3FFC];
	_ =	sdelay $0x3  }
0x9a: {  	_ =	strace s3  }
0x9b: {  	s3 =	sld [smem:$0x3FFD];
	_ =	sdelay $0x3  }
0x9c: {  	_ =	strace s3  }
0x9d: {  	_ =	strace $0x8FFFFFFF  }
0x9e: {  	s18 =	sld [smem:$0x3FDB];
	_ =	sdelay $0x1  }
0x9f: {  	s19 =	simm.s32 $_scs_section_size  }
0xa0: {  	s5 =	simm.s32 $_size__tile_overlayer_lowered;
	s6 =	simm.s32 $_tile_overlayer_lowered  }
0xa1: {  	s22 =	simm.s32 $0x1BFF;
	s21 =	sshll.u32 s6, $0x1;
	s3 =	sadd.s32 s19, s18  }
0xa2: {  	s7 =	simm.s32 $0x0;
	s20 =	sshll.u32 s5, $0x1;
	s5 =	sadd.s32 s21, s3  }
0xa3: {  	[timem:s7], [sflag:s22] =	dma.local [hbm:s5], s20  }
0xa4: {  	_ =	swait.ge [sflag:s22], s20  }
0xa5: {  	s4 =	ssub.s32 $0x0, s20;
	[sflag:s22] =	ssyncset.done $0x0  }
0xa6: {  	[sflag:s22] =	ssyncadd.s32 s4;
	_ =	sdelay $0x1  }
0xa7: {  	s23 =	simm.s32 $0x1B8B  }
0xa8: {  	_ =	swait.ge [sflag:s23], $0x1  }
0xa9: {  	[sflag:s23] =	ssyncset.done $0x0  }
0xaa: {  	s25 =	simm.s32 $0x1B8E;
	s24 =	sld [smem:$0x3FFE];
	[sflag:s23] =	ssyncadd.s32 $0xFFFFFFFF  }
0xab: {  	s26 =	simm.s32 $execute0_lowered;
	[smem:$0x3FD2] =	sst s25  }
0xac: {  	s5 =	sshll.u32 s26, $0x1;
	_ =	strace $0x8000004F;
	[dreg:$0x1] =	wrdreg $0xFFFFFFFF  }
0xad: {  	s28 =	simm.s32 $_size_execute0_lowered;
	s3 =	sadd.s32 s3, s5;
	[dreg:$0x0] =	wrdreg $0x0  }
0xae: {  	s5 =	sshll.u32 s28, $0x1;
	[dreg:$0x2] =	wrdreg s3  }
0xaf: {  	[dreg:$0x3] =	wrdreg s5  }
0xb0: {  	[dreg:$0x4] =	wrdreg $0xC0  }
0xb1: {  	_ =	task [dreg:s7], $0x5FFFF  }
0xb2: {  	[dreg:$0x1] =	wrdreg $0xFFFFFFFF  }
0xb3: {  	[dreg:$0x0] =	wrdreg $0x60  }
0xb4: {  	[dreg:$0x2] =	wrdreg s16  }
0xb5: {  	[dreg:$0x3] =	wrdreg s24  }
0xb6: {  	[dreg:$0x4] =	wrdreg $0x0  }
0xb7: {  	[dreg:$0x5] =	wrdreg $0x9  }
0xb8: {  	_ =	task.clear_ibuf [dreg:s7], $0x6FFFF;
	_ =	strace $0x9000004F  }
0xb9: {  	s29 =	simm.s32 $0x9;
	_ =	strace $0x80000051  }
0xba: {  	_ =	swait.ge [sflag:s29], $0x1  }
0xbb: {  	[sflag:s29] =	ssyncadd.s32 $0xFFFFFFFF  }
0xbc: {  	_ =	strace $0x90000051  }
0xbd: {  	_ =	sfence  }
0xbe: {  	s30 =	sld [smem:$0x0];
	_ =	sdelay $0x2  }
0xbf: {  	s31 =	sshll.u32 s1, $0xD;
	s1 =	sshrl.u32 s1, $0x2  }
0xc0: {  	s3 =	sand.u32 $0x4000, s31;
	s1 =	sadd.s32 s1, s30  }
0xc1: {  	s0 =	sor.u32 s3, s0;
	s1 =	sshll.u32 s1, $0x11  }
0xc2: {  	s0 =	sor.u32 s1, s0  }
0xc3: {  	s0 =	sadd.s32 $0x8F2B, s0  }
0xc4: {  	[sflag:s0] =	ssyncadd.remote.s32 $0x1  }
0xc5: {  	_ =	sfence.sel $0xFFFF  }
0xc6: {  	[dreg:$0x0] =	wrdreg $0xFFFFFFFF;
	(pc) =	sbr.abs _section_cstart, $3  }
0xc7: {  	[dreg:$0x1] =	wrdreg $0xFFFFFFFF  }
0xc8: {  	_ =	task.clear_ibuf [dreg:s7], $0x2FFFF;
	_ =	strace $0x9FFFFFFF  }
0xc9: {  	(tm) =	ssettm $0x7FFFFFFF  }
tec
execute0_lowered:
.L_overlay_start_1:
0x0: {  	(tag) =	ssettag $0x1  }
0x1: {  	s1 =	rddreg [dreg:$0x0]  }
0x2: {  	s5 =	rddreg [dreg:$0x1]  }
0x3: {  	s0 =	srdreg.scid;
	s3 =	rddreg [dreg:$0x2]  }
0x4: {  	s2 =	rddreg [dreg:$0x3];
	s4 =	simm.s32 $0x0;
	s14 =	simm.s32 $0xD900  }
0x5: {  	s15 =	simm.s32 $0x80;
	s16 =	simm.s32 $0x11200;
	s11 =	sand.u32 $0x1, s0  }
0x6: {  	s17 =	simm.s32 $0xA080;
	s0 =	stileid.u32;
	s6 =	smul.u32 $0x39000, s11  }
0x7: {  	s18 =	simm.s32 $0x13200;
	s19 =	simm.s32 $0x1;
	s7 =	smul.u32 $0x3900, s0  }
0x8: {  	s20 =	simm.s32 $0x2;
	[smem:$0x7FF] =	sst s4;
	s8 =	smul.u32 $0xA000, s0  }
0x9: {  	s21 =	simm.s32 $0x0;
	s26 =	smul.u32 $0xA0000, s11;
	_ =	strace $0x80000050  }
0xa: {  	s10 =	ssub.s32 $0x2, s11;
	s31 =	sshll.u32 s0, $0x6;
	p0 =	sne.s32 s11, $0x0  }
0xb: {  	s30 =	sshrl.u32 s10, $0x1;
	s6 =	sadd.s32 s7, s6;
	s28 =	sadd.s32 s8, s26  }
0xc: {  	s29 =	sshrl.u32 s8, $0x3;
	s10 =	ssub.s32 s10, s30;
	s13 =	sadd.s32 s8, s3  }
.Ltmp0:
0xd: {  	s6 =	sshrl.u32 s6, $0x3;
	s7 =	sadd.s32 s29, s5;
	(pc) =	sbr.rel .LBB2_1-.Ltmp0, $4  }
0xe: {  	s10 =	smax.u32 s10, $0x1;
	s9 =	sadd.s32 s6, s5;
	s6 =	sshrl.u32 s28, $0x3  }
0xf: {  	s11 =	sshrl.u32 s13, $0x3;
	s13 =	simm.s32 $0xA000;
	s12 =	sadd.s32 s6, s5  }
0x10: {  	s5 =	sadd.s32 $0xB1A00, s7;
	s6 =	sor.u32 $0x1C03, s31;
	s7 =	sadd.s32 $0x2E000, s9  }
0x11: {  	s8 =	sadd.s32 $0x2600, s9;
	s9 =	sadd.s32 $0x132200, s12;
	s12 =	simm.s32 $0x3  }
.LBB2_4:
0x12: {  	[tilespmem:s18], [sflag:$0x2] =	stream.indirect.gather [hbm4b:s1+s15], $0x40, s23, s15, $0xb8;
	[tilespmem:$0x15200] =	vst v63  }
0x13: {  	s22 =	simm.s32 $0x11180;
	s23 =	simm.s32 $0x11100  }
.LBB2_8:
0x14: {  	_ =	swait.ge [sflag:s19], $0x2000  }
0x15: {  	[sflag:s19] =	ssyncset.done $0x0  }
0x16: {  	[sflag:s19] =	ssyncadd.s32 $0xFFFFE000  }
0x17: {  	[spmem:s3] =	stream.indirect.scatter.add.f32 [tilespmem:s16], [sflag:$0x3], $0x40, s23, s15, $0xb8;
	[tilespmem:$0x15200] =	vst v63  }
0x18: {  	_ =	swait.ge [sflag:s12], $0x2000  }
0x19: {  	[sflag:s12] =	ssyncset.done $0x0  }
0x1a: {  	[sflag:s12] =	ssyncadd.s32 $0xFFFFE000  }
0x1b: {  	_ =	swait.ge [sflag:s20], $0x2000  }
0x1c: {  	[sflag:s20] =	ssyncset.done $0x0  }
0x1d: {  	[sflag:s20] =	ssyncadd.s32 $0xFFFFE000  }
0x1e: {  	[spmem:s3] =	stream.indirect.scatter.add.f32 [tilespmem:s18], [sflag:$0x3], $0x40, s22, s15, $0xb8;
	[tilespmem:$0x15200] =	vst v63  }
0x1f: {  	_ =	swait.ge [sflag:s12], $0x2000  }
0x20: {  	s21 =	sadd.s32 $0x1, s21;
	[sflag:s12] =	ssyncset.done $0x0  }
0x21: {  	p1 =	sne.s32 s21, s10;
	[sflag:s12] =	ssyncadd.s32 $0xFFFFE000  }
.Ltmp1:
0x22: {  	[bflag:$0x0] =	sbarrier.arrive $0xFFFF;
	(pc) =	sbr.rel @!p1 .LBB2_9-.Ltmp1, $4  }
0x23: {  	[hbm:s9], [sflag:s6] =	dma.local [spmem:s11], $0x1400  }
0x24: {  	_ =	swait.ge [sflag:s12], $0x1400  }
0x25: {  	[sflag:s12] =	ssyncset.done $0x0  }
0x26: {  	[sflag:s12] =	ssyncadd.s32 $0xFFFFEC00  }
.LBB2_1:
0x27: {  	[spmem:s11], [sflag:s6] =	dma.local [hbm:s5], $0x1400  }
0x28: {  	_ =	swait.ge [sflag:s12], $0x1400  }
0x29: {  	[sflag:s12] =	ssyncset.done $0x0  }
0x2a: {  	[sflag:s12] =	ssyncadd.s32 $0xFFFFEC00  }
0x2b: {  	[tilespmem:s13], [sflag:$0x3] =	stream.linear.gather [hbm4b:s7+s4], $0x3900, $0x38;
	[tilespmem:$0x15200] =	vst v63  }
0x2c: {  	_ =	swait.ge [sflag:s12], $0x3900  }
0x2d: {  	[sflag:s12] =	ssyncset.done $0x0  }
0x2e: {  	[sflag:s12] =	ssyncadd.s32 $0xFFFFC700  }
0x2f: {  	[tilespmem:s14], [sflag:$0x3] =	stream.linear.gather [hbm4b:s8+s4], $0x3900, $0x38;
	[tilespmem:$0x15200] =	vst v63  }
0x30: {  	_ =	swait.ge [sflag:s12], $0x3900  }
0x31: {  	[sflag:s12] =	ssyncset.done $0x0  }
.Ltmp2:
0x32: {  	[sflag:s12] =	ssyncadd.s32 $0xFFFFC700;
	(pc) =	sbr.rel @p0 .LBB2_5-.Ltmp2, $4  }
0x33: {  	[bflag:$0x0] =	sbarrier.arrive $0xFFFF  }
0x34: {  	[tilespmem:s16], [sflag:$0x1] =	stream.indirect.gather [hbm4b:s1+s15], $0x40, s13, s15, $0xb8;
	[tilespmem:$0x15200] =	vst v63  }
0x35: {  	_ = 	snop  }
0x36: {  	[tilespmem:s18], [sflag:$0x2] =	stream.indirect.gather [hbm4b:s1+s15], $0x40, s17, s15, $0xb8;
	[tilespmem:$0x15200] =	vst v63  }
0x37: {  	_ =	swait.ge [sflag:s19], $0x2000  }
0x38: {  	[sflag:s19] =	ssyncset.done $0x0  }
0x39: {  	s22 =	simm.s32 $0xD900;
	[sflag:s19] =	ssyncadd.s32 $0xFFFFE000  }
0x3a: {  	[spmem:s3] =	stream.indirect.scatter.add.f32 [tilespmem:s16], [sflag:$0x3], $0x40, s22, s15, $0xb8;
	[tilespmem:$0x15200] =	vst v63  }
0x3b: {  	_ =	swait.ge [sflag:s12], $0x2000  }
0x3c: {  	[sflag:s12] =	ssyncset.done $0x0  }
0x3d: {  	s30 =	simm.s32 $0xA100;
	[sflag:s12] =	ssyncadd.s32 $0xFFFFE000  }
0x3e: {  	[tilespmem:s16], [sflag:$0x1] =	stream.indirect.gather [hbm4b:s1+s15], $0x40, s30, s15, $0xb8;
	[tilespmem:$0x15200] =	vst v63  }
0x3f: {  	_ =	swait.ge [sflag:s20], $0x2000  }
0x40: {  	p1 =	por $0x0, $0x0;
	[sflag:s20] =	ssyncset.done $0x0  }
.Ltmp3:
0x41: {  	s31 =	simm.s32 $0xD980;
	[sflag:s20] =	ssyncadd.s32 $0xFFFFE000;
	(pc) =	sbr.rel @p1 .LBB2_4-.Ltmp3, $4  }
0x42: {  	[spmem:s3] =	stream.indirect.scatter.add.f32 [tilespmem:s18], [sflag:$0x3], $0x40, s31, s15, $0xb8;
	[tilespmem:$0x15200] =	vst v63  }
0x43: {  	_ =	swait.ge [sflag:s12], $0x2000  }
0x44: {  	[sflag:s12] =	ssyncset.done $0x0  }
0x45: {  	s23 =	simm.s32 $0xA180;
	s22 =	simm.s32 $0x400;
	[sflag:s12] =	ssyncadd.s32 $0xFFFFE000  }
.LBB2_3:
0x46: {  	[tilespmem:s18], [sflag:$0x2] =	stream.indirect.gather [hbm4b:s1+s15], $0x40, s23, s15, $0xb8;
	[tilespmem:$0x15200] =	vst v63  }
0x47: {  	s23 =	smov.u32 s22  }
0x48: {  	p1 =	seq.s32 s22, $0xDC00;
	s22 =	sadd.s32 $0x400, s22;
	_ =	swait.ge [sflag:s19], $0x2000  }
0x49: {  	s23 =	sshra.s32 s23, $0x2;
	[sflag:s19] =	ssyncset.done $0x0  }
0x4a: {  	s24 =	sadd.s32 $0xD900, s23;
	[sflag:s19] =	ssyncadd.s32 $0xFFFFE000  }
0x4b: {  	[spmem:s3] =	stream.indirect.scatter.add.f32 [tilespmem:s16], [sflag:$0x3], $0x40, s24, s15, $0xb8;
	[tilespmem:$0x15200] =	vst v63  }
0x4c: {  	_ =	swait.ge [sflag:s12], $0x2000  }
0x4d: {  	[sflag:s12] =	ssyncset.done $0x0  }
0x4e: {  	s24 =	sadd.s32 $0xA100, s23;
	[sflag:s12] =	ssyncadd.s32 $0xFFFFE000  }
0x4f: {  	[tilespmem:s16], [sflag:$0x1] =	stream.indirect.gather [hbm4b:s1+s15], $0x40, s24, s15, $0xb8;
	[tilespmem:$0x15200] =	vst v63  }
0x50: {  	_ =	swait.ge [sflag:s20], $0x2000  }
0x51: {  	[sflag:s20] =	ssyncset.done $0x0  }
.Ltmp4:
0x52: {  	s24 =	sadd.s32 $0xD980, s23;
	[sflag:s20] =	ssyncadd.s32 $0xFFFFE000;
	(pc) =	sbr.rel @!p1 .LBB2_3-.Ltmp4, $4  }
0x53: {  	[spmem:s3] =	stream.indirect.scatter.add.f32 [tilespmem:s18], [sflag:$0x3], $0x40, s24, s15, $0xb8;
	[tilespmem:$0x15200] =	vst v63  }
0x54: {  	_ =	swait.ge [sflag:s12], $0x2000  }
0x55: {  	[sflag:s12] =	ssyncset.done $0x0  }
0x56: {  	s23 =	sadd.s32 $0xA180, s23;
	[sflag:s12] =	ssyncadd.s32 $0xFFFFE000  }
.Ltmp5:
0x57: {  	_ = 	snop;
	(pc) =	sbr.rel .LBB2_4-.Ltmp5, $1  }
0x58: {  	_ =	sdelay $0x3  }
.LBB2_5:
0x59: {  	_ =	swait.ge [sflag:s19], $0x2000  }
0x5a: {  	[sflag:s19] =	ssyncset.done $0x0  }
0x5b: {  	s22 =	simm.s32 $0xD900;
	[sflag:s19] =	ssyncadd.s32 $0xFFFFE000  }
0x5c: {  	[spmem:s3] =	stream.indirect.scatter.add.f32 [tilespmem:s16], [sflag:$0x3], $0x40, s22, s15, $0xb8;
	[tilespmem:$0x15200] =	vst v63  }
0x5d: {  	_ =	swait.ge [sflag:s12], $0x2000  }
0x5e: {  	[sflag:s12] =	ssyncset.done $0x0  }
0x5f: {  	s30 =	simm.s32 $0xA100;
	[sflag:s12] =	ssyncadd.s32 $0xFFFFE000  }
0x60: {  	[tilespmem:s16], [sflag:$0x1] =	stream.indirect.gather [hbm4b:s1+s15], $0x40, s30, s15, $0xb8;
	[tilespmem:$0x15200] =	vst v63  }
0x61: {  	_ =	swait.ge [sflag:s20], $0x2000  }
0x62: {  	[sflag:s20] =	ssyncset.done $0x0  }
0x63: {  	s31 =	simm.s32 $0xD980;
	[sflag:s20] =	ssyncadd.s32 $0xFFFFE000  }
0x64: {  	[spmem:s3] =	stream.indirect.scatter.add.f32 [tilespmem:s18], [sflag:$0x3], $0x40, s31, s15, $0xb8;
	[tilespmem:$0x15200] =	vst v63  }
0x65: {  	_ =	swait.ge [sflag:s12], $0x2000  }
0x66: {  	[sflag:s12] =	ssyncset.done $0x0  }
0x67: {  	s23 =	simm.s32 $0xA180;
	s22 =	simm.s32 $0x400;
	[sflag:s12] =	ssyncadd.s32 $0xFFFFE000  }
.LBB2_6:
0x68: {  	[tilespmem:s18], [sflag:$0x2] =	stream.indirect.gather [hbm4b:s1+s15], $0x40, s23, s15, $0xb8;
	[tilespmem:$0x15200] =	vst v63  }
0x69: {  	s23 =	smov.u32 s22  }
0x6a: {  	p1 =	sne.s32 s22, $0x5000;
	s22 =	sadd.s32 $0x400, s22;
	_ =	swait.ge [sflag:s19], $0x2000  }
0x6b: {  	s23 =	sshra.s32 s23, $0x2;
	[sflag:s19] =	ssyncset.done $0x0  }
0x6c: {  	s24 =	sadd.s32 $0xD900, s23;
	[sflag:s19] =	ssyncadd.s32 $0xFFFFE000  }
0x6d: {  	[spmem:s3] =	stream.indirect.scatter.add.f32 [tilespmem:s16], [sflag:$0x3], $0x40, s24, s15, $0xb8;
	[tilespmem:$0x15200] =	vst v63  }
0x6e: {  	_ =	swait.ge [sflag:s12], $0x2000  }
0x6f: {  	[sflag:s12] =	ssyncset.done $0x0  }
0x70: {  	s24 =	sadd.s32 $0xA100, s23;
	[sflag:s12] =	ssyncadd.s32 $0xFFFFE000  }
0x71: {  	[tilespmem:s16], [sflag:$0x1] =	stream.indirect.gather [hbm4b:s1+s15], $0x40, s24, s15, $0xb8;
	[tilespmem:$0x15200] =	vst v63  }
0x72: {  	_ =	swait.ge [sflag:s20], $0x2000  }
0x73: {  	[sflag:s20] =	ssyncset.done $0x0  }
.Ltmp6:
0x74: {  	s24 =	sadd.s32 $0xD980, s23;
	[sflag:s20] =	ssyncadd.s32 $0xFFFFE000;
	(pc) =	sbr.rel @p1 .LBB2_6-.Ltmp6, $4  }
0x75: {  	[spmem:s3] =	stream.indirect.scatter.add.f32 [tilespmem:s18], [sflag:$0x3], $0x40, s24, s15, $0xb8;
	[tilespmem:$0x15200] =	vst v63  }
0x76: {  	_ =	swait.ge [sflag:s12], $0x2000  }
0x77: {  	[sflag:s12] =	ssyncset.done $0x0  }
0x78: {  	s23 =	sadd.s32 $0xA180, s23;
	[sflag:s12] =	ssyncadd.s32 $0xFFFFE000  }
.Ltmp7:
0x79: {  	(pc) =	sbr.rel .LBB2_8-.Ltmp7, $3  }
0x7a: {  	_ =	sdelay $0x1  }
0x7b: {  	[tilespmem:s18], [sflag:$0x2] =	stream.indirect.gather [hbm4b:s1+s15], $0x40, s23, s15, $0xb8;
	[tilespmem:$0x15200] =	vst v63  }
0x7c: {  	s22 =	simm.s32 $0xEE80;
	s23 =	simm.s32 $0xEE00  }
.LBB2_9:
0x7d: {  	_ =	sfence.sel $0x180000  }
0x7e: {  	[bflag:$0x0] =	sbarrier.arrive $0xFFFF  }
0x7f: {  	p0 =	sne.s32 s0, $0x0;
	_ =	strace $0x90000050  }
0x80: {  	s0 =	sadd.s32 @!p0 $0x100000, s2;
	[bflag:$0x2] =	sbarrier.arrive $0xFFFF  }
0x81: {  	[sflag:s0] =	ssyncadd.tile.s32 @!p0 $0x1;
	_ =	shalt  }
.Lfunc_end2:
_tile_overlayer_lowered:
.L_overlay_start_2:
0x82: {  	(tag) =	ssettag $0x2  }
0x83: {  	s0 =	rddreg [dreg:$0x0];
	s2 =	stileid.u32  }
0x84: {  	s1 =	rddreg [dreg:$0x1];
	p0 =	sne.s32 s2, $0x0  }
0x85: {  	s3 =	rddreg [dreg:$0x2];
	[bflag:$0x3] =	sbarrier.arrive $0xFFFF;
	s2 =	simm.s32 @!p0 $0x1C03  }
0x86: {  	[timem:s3], [sflag:s2] =	dma.local @!p0 [hbm:s0], s1  }
0x87: {  	s0 =	simm.s32 @!p0 $0x3  }
0x88: {  	_ =	swait.ge @!p0 [sflag:s0], s1  }
0x89: {  	s1 =	ssub.s32 @!p0 $0x0, s1;
	[sflag:s0] =	ssyncset.done @!p0 $0x0  }
0x8a: {  	[sflag:s0] =	ssyncadd.s32 @!p0 s1  }
0x8b: {  	[bflag:$0x3] =	sbarrier.arrive $0xFFFF  }
0x8c: {  	_ =	shalt  }

// kernel: kernel.22.cloned.1.call-start
scs
__scs_entry_jumppad:
0x0: {  	(pc) =	sbr.rel $0x88, $3  }
0x1: {  	(tag) =	ssettag $0x0;
	lr =	simm.s32 $0x1  }
0x2: {  	[smem:$0x3F8F] =	sst lr;
	_ =	strace $0xD0000000  }
0x3: {  	_ = 	snop  }
0x4: {  	_ = 	snop  }
0x5: {  	_ = 	snop  }
0x6: {  	_ = 	snop  }
0x7: {  	_ = 	snop  }
__scs_overlays_trampoline_lowered:
0x8: {  	[smem:$0x3F9E] =	sst s0  }
0x9: {  	[smem:$0x3F9F] =	sst s1  }
0xa: {  	[smem:$0x3FA0] =	sst s2  }
0xb: {  	[smem:$0x3FA1] =	sst s3  }
0xc: {  	[smem:$0x3FA2] =	sst s4  }
0xd: {  	[smem:$0x3FA3] =	sst s5  }
0xe: {  	[smem:$0x3FA4] =	sst s6  }
0xf: {  	[smem:$0x3FA5] =	sst s7  }
0x10: {  	[smem:$0x3FA6] =	sst s8  }
0x11: {  	[smem:$0x3FA7] =	sst s9;
	s0 =	simm.s32 @!p0 $0x0  }
0x12: {  	s1 =	sld [smem:$0x3F8D];
	s0 =	simm.s32 @p0 $0x1  }
0x13: {  	[smem:$0x3FA8] =	sst s0;
	s0 =	simm.s32 @!p1 $0x0  }
0x14: {  	s2 =	sld [smem:$0x3F8C];
	s0 =	simm.s32 @p1 $0x1  }
0x15: {  	[smem:$0x3FA9] =	sst s0;
	s0 =	simm.s32 @!p2 $0x0  }
0x16: {  	s3 =	sld [smem:$0x3FDB];
	s0 =	simm.s32 @p2 $0x1  }
0x17: {  	s4 =	simm.s32 $0x1BF5;
	[smem:$0x3FAB] =	sst s0  }
0x18: {  	s0 =	sld [smem:$0x3F8E];
	_ =	swait.ge [sflag:s4], $0x0  }
0x19: {  	s7 =	sld [smem:$0x3F8F]  }
0x1a: {  	s8 =	sadd.s32 $0xFFFFE003, lr  }
0x1b: {  	s9 =	sadd.s32 $0xFFFFFEF7, lr;
	s5 =	simm.s32 $0xFFFFFFFF;
	p2 =	slt.u32 s8, $0xFFFFF086  }
0x1c: {  	p1 =	slt.u32 s9, $0xF7A;
	s5 =	simm.s32 @!p2 $0x0  }
0x1d: {  	s5 =	simm.s32 @p1 $0x1;
	p0 =	seq.s32 s7, s2  }
0x1e: {  	s7 =	smul.u32 @!p0 $0xF7A, s2;
	p2 =	seq.s32 @!p0 s5, $0x0  }
0x1f: {  	s9 =	smul.u32 $0xF7A, s1;
	s8 =	simm.s32 @!p0 $0x1BF5;
	p2 =	por !p2, p0  }
0x20: {  	[sflag:s8] =	ssyncset.s32 @!p0 $0xFFFFF086;
	s6 =	sadd.s32 @!p0 s3, s7;
	s7 =	simm.s32 @!p0 $0x108  }
0x21: {  	s3 =	sadd.s32 s3, s9;
	s6 =	sadd.s32 @!p0 $0x88, s6;
	s7 =	simm.s32 @p2 $0x1082  }
0x22: {  	[simem:s7], [sflag:s8] =	dma.local @!p0 [hbm:s6], $0xF7A  }
0x23: {  	s9 =	sor.u32 $0xD0000000, s2;
	s6 =	simm.s32 $0x108;
	_ =	swait.ge @!p0 [sflag:s8], $0x0  }
0x24: {  	s3 =	sadd.s32 $0x88, s3;
	s6 =	simm.s32 @!p1 $0x1082;
	[sflag:s4] =	ssyncset.s32 $0xFFFFF086  }
0x25: {  	[simem:s6], [sflag:s4] =	dma.local [hbm:s3], $0xF7A  }
0x26: {  	[smem:$0x3F8F] =	sst s1;
	(tag) =	ssettag s2;
	_ =	strace s9  }
0x27: {  	s1 =	sld [smem:$0x3F9F]  }
0x28: {  	s2 =	sld [smem:$0x3FA0]  }
0x29: {  	s4 =	sld [smem:$0x3FA2]  }
0x2a: {  	p0 =	seq.s32 s5, $0x0;
	s5 =	sld [smem:$0x3FA3]  }
0x2b: {  	s6 =	sld [smem:$0x3FA4]  }
0x2c: {  	s7 =	sld [smem:$0x3FA5]  }
0x2d: {  	s3 =	simm.s32 $0x108;
	s8 =	sld [smem:$0x3FA6]  }
0x2e: {  	s3 =	simm.s32 @!p0 $0x1082;
	s9 =	sld [smem:$0x3FA7]  }
0x2f: {  	lr =	sadd.s32 s0, s3;
	s0 =	sld [smem:$0x3F9E]  }
0x30: {  	s3 =	sld [smem:$0x3FA1]  }
0x31: {  	[smem:$0x3FAA] =	sst s10  }
0x32: {  	s10 =	sld [smem:$0x3FA8];
	_ =	sdelay $0x3  }
0x33: {  	p0 =	seq.s32 s10, $0x1;
	s10 =	sld [smem:$0x3FAA];
	_ =	sdelay $0x3  }
0x34: {  	[smem:$0x3FAA] =	sst s10  }
0x35: {  	s10 =	sld [smem:$0x3FA9];
	_ =	sdelay $0x3  }
0x36: {  	p1 =	seq.s32 s10, $0x1;
	s10 =	sld [smem:$0x3FAA];
	_ =	sdelay $0x3  }
0x37: {  	[smem:$0x3FAA] =	sst s10  }
0x38: {  	s10 =	sld [smem:$0x3FAB]  }
0x39: {  	_ = 	snop;
	(pc) =	sbr.ind lr, $3  }
0x3a: {  	_ = 	snop  }
0x3b: {  	_ = 	snop  }
0x3c: {  	p2 =	seq.s32 s10, $0x1;
	s10 =	sld [smem:$0x3FAA]  }
0x3d: {  	_ =	shalt  }
0x3e: {  	_ =	shalt  }
0x3f: {  	_ =	shalt  }
0x40: {  	_ =	shalt  }
0x41: {  	_ =	shalt  }
0x42: {  	_ =	shalt  }
0x43: {  	_ =	shalt  }
0x44: {  	_ =	shalt  }
0x45: {  	_ =	shalt  }
0x46: {  	_ =	shalt  }
0x47: {  	_ =	shalt  }
0x48: {  	_ =	shalt  }
0x49: {  	_ =	shalt  }
0x4a: {  	_ =	shalt  }
0x4b: {  	_ =	shalt  }
0x4c: {  	_ =	shalt  }
0x4d: {  	_ =	shalt  }
0x4e: {  	_ =	shalt  }
0x4f: {  	_ =	shalt  }
0x50: {  	_ =	shalt  }
0x51: {  	_ =	shalt  }
0x52: {  	_ =	shalt  }
0x53: {  	_ =	shalt  }
0x54: {  	_ =	shalt  }
0x55: {  	_ =	shalt  }
0x56: {  	_ =	shalt  }
0x57: {  	_ =	shalt  }
0x58: {  	_ =	shalt  }
0x59: {  	_ =	shalt  }
0x5a: {  	_ =	shalt  }
0x5b: {  	_ =	shalt  }
0x5c: {  	_ =	shalt  }
0x5d: {  	_ =	shalt  }
0x5e: {  	_ =	shalt  }
0x5f: {  	_ =	shalt  }
0x60: {  	_ =	shalt  }
0x61: {  	_ =	shalt  }
0x62: {  	_ =	shalt  }
0x63: {  	_ =	shalt  }
0x64: {  	_ =	shalt  }
0x65: {  	_ =	shalt  }
0x66: {  	_ =	shalt  }
0x67: {  	_ =	shalt  }
0x68: {  	_ =	shalt  }
0x69: {  	_ =	shalt  }
0x6a: {  	_ =	shalt  }
0x6b: {  	_ =	shalt  }
0x6c: {  	_ =	shalt  }
0x6d: {  	_ =	shalt  }
0x6e: {  	_ =	shalt  }
0x6f: {  	_ =	shalt  }
0x70: {  	_ =	shalt  }
0x71: {  	_ =	shalt  }
0x72: {  	_ =	shalt  }
0x73: {  	_ =	shalt  }
0x74: {  	_ =	shalt  }
0x75: {  	_ =	shalt  }
0x76: {  	_ =	shalt  }
0x77: {  	_ =	shalt  }
0x78: {  	_ =	shalt  }
0x79: {  	_ =	shalt  }
0x7a: {  	_ =	shalt  }
0x7b: {  	_ =	shalt  }
0x7c: {  	_ =	shalt  }
0x7d: {  	_ =	shalt  }
0x7e: {  	_ =	shalt  }
0x7f: {  	_ =	shalt  }
0x80: {  	_ =	shalt  }
0x81: {  	_ =	shalt  }
0x82: {  	_ =	shalt  }
0x83: {  	_ =	shalt  }
0x84: {  	_ =	shalt  }
0x85: {  	_ =	shalt  }
0x86: {  	_ =	shalt  }
0x87: {  	_ =	shalt  }
.Lfunc_end0:
.L_simem_size_0:
called_computation.4_lowered:
.L_overlay_start_0:
0x88: {  	s2 =	sld [smem:$0x3FD9]  }
0x89: {  	s3 =	sld [smem:$0x3FFE];
	_ =	sdelay $0x1  }
0x8a: {  	s1 =	srdreg.scid  }
0x8b: {  	s0 =	sand.u32 $0x1, s1  }
0x8c: {  	s17 =	sshll.u32 s0, $0xA;
	s2 =	sadd.s32 s3, s2  }
0x8d: {  	s2 =	sadd.s32 s2, s17  }
0x8e: {  	[smem:$0x3FB6] =	sst s2  }
0x8f: {  	_ = 	snop  }
0x90: {  	(tm) =	ssettm $0x1  }
0x91: {  	s18 =	sld [smem:$0x3FFB];
	_ =	sdelay $0x3  }
0x92: {  	_ =	strace s18  }
0x93: {  	s2 =	sld [smem:$0x3FFC];
	_ =	sdelay $0x3  }
0x94: {  	_ =	strace s2  }
0x95: {  	s2 =	sld [smem:$0x3FFD];
	_ =	sdelay $0x3  }
0x96: {  	_ =	strace s2  }
0x97: {  	_ =	strace $0x8FFFFFFF  }
0x98: {  	s19 =	sld [smem:$0x3FDB];
	_ =	sdelay $0x1  }
0x99: {  	s20 =	simm.s32 $_scs_section_size  }
0x9a: {  	s4 =	simm.s32 $_size__tile_overlayer_lowered;
	s5 =	simm.s32 $_tile_overlayer_lowered  }
0x9b: {  	s6 =	simm.s32 $0x1BFF;
	s21 =	sshll.u32 s5, $0x1;
	s3 =	sadd.s32 s20, s19  }
0x9c: {  	s22 =	simm.s32 $0x0;
	s4 =	sshll.u32 s4, $0x1;
	s5 =	sadd.s32 s21, s3  }
0x9d: {  	[timem:s22], [sflag:s6] =	dma.local [hbm:s5], s4  }
0x9e: {  	_ =	swait.ge [sflag:s6], s4  }
0x9f: {  	s4 =	ssub.s32 $0x0, s4;
	[sflag:s6] =	ssyncset.done $0x0  }
0xa0: {  	[sflag:s6] =	ssyncadd.s32 s4;
	_ =	sdelay $0x1  }
0xa1: {  	s23 =	simm.s32 $0x1B8B  }
0xa2: {  	_ =	swait.ge [sflag:s23], $0x1  }
0xa3: {  	[sflag:s23] =	ssyncset.done $0x0  }
0xa4: {  	[sflag:s23] =	ssyncadd.s32 $0xFFFFFFFF  }
0xa5: {  	s4 =	sld [smem:$0x0]  }
0xa6: {  	s5 =	sand.u32 $0xFFFFFFFE, s1  }
0xa7: {  	p0 =	sne.s32 s1, s5  }
0xa8: {  	s5 =	sshll.u32 @p0 s5, $0xE  }
0xa9: {  	s5 =	sadd.s32 @p0 $0x11B8D, s5;
	s6 =	sshll.u32 @p0 s4, $0x11  }
0xaa: {  	s5 =	sor.u32 @p0 s6, s5  }
0xab: {  	[sflag:s5] =	ssyncadd.remote.s32 @p0 $0x1;
	_ =	sdelay $0x1  }
0xac: {  	s5 =	simm.s32 @p0 $0x1B8D  }
0xad: {  	_ =	swait.eq @p0 [sflag:s5], $0x1  }
0xae: {  	[sflag:s5] =	ssyncadd.s32 @p0 $0xFFFFFFFF  }
0xaf: {  	s6 =	sshll.u32 @!p0 s1, $0xE  }
0xb0: {  	s6 =	sor.u32 @!p0 $0x4000, s6;
	s5 =	simm.s32 @!p0 $0x1B8D  }
0xb1: {  	s4 =	sshll.u32 @!p0 s4, $0x11;
	s6 =	sadd.s32 @!p0 $0x11B8D, s6;
	_ =	swait.eq @!p0 [sflag:s5], $0x1  }
0xb2: {  	s4 =	sor.u32 @!p0 s4, s6;
	[sflag:s5] =	ssyncadd.s32 @!p0 $0xFFFFFFFF  }
0xb3: {  	s25 =	simm.s32 $0x1B8E;
	s24 =	sld [smem:$0x3FFE];
	[sflag:s4] =	ssyncadd.remote.s32 @!p0 $0x1  }
0xb4: {  	s26 =	simm.s32 $execute0_lowered;
	[smem:$0x3FD2] =	sst s25  }
0xb5: {  	s5 =	sshll.u32 s26, $0x1;
	_ =	strace $0x80000052;
	[dreg:$0x1] =	wrdreg $0xFFFFFFFF  }
0xb6: {  	s28 =	simm.s32 $_size_execute0_lowered;
	s3 =	sadd.s32 s3, s5;
	[dreg:$0x0] =	wrdreg $0x0  }
0xb7: {  	s5 =	sshll.u32 s28, $0x1;
	[dreg:$0x2] =	wrdreg s3  }
0xb8: {  	[dreg:$0x3] =	wrdreg s5  }
0xb9: {  	[dreg:$0x4] =	wrdreg $0xC0  }
0xba: {  	_ =	task [dreg:s22], $0x5FFFF  }
0xbb: {  	[dreg:$0x1] =	wrdreg $0xFFFFFFFF  }
0xbc: {  	[dreg:$0x0] =	wrdreg $0x60  }
0xbd: {  	[dreg:$0x2] =	wrdreg s24  }
0xbe: {  	[dreg:$0x3] =	wrdreg $0x0  }
0xbf: {  	[dreg:$0x4] =	wrdreg $0xA  }
0xc0: {  	_ =	task.clear_ibuf [dreg:s22], $0x5FFFF;
	_ =	strace $0x90000052  }
0xc1: {  	s29 =	simm.s32 $0xA;
	_ =	strace $0x80000054  }
0xc2: {  	_ =	swait.ge [sflag:s29], $0x1  }
0xc3: {  	[sflag:s29] =	ssyncadd.s32 $0xFFFFFFFF  }
0xc4: {  	_ =	strace $0x90000054  }
0xc5: {  	_ =	sfence  }
0xc6: {  	s30 =	sld [smem:$0x0];
	_ =	sdelay $0x2  }
0xc7: {  	s31 =	sshll.u32 s1, $0xD;
	s1 =	sshrl.u32 s1, $0x2  }
0xc8: {  	s4 =	sand.u32 $0x4000, s31;
	s1 =	sadd.s32 s1, s30  }
0xc9: {  	s0 =	sor.u32 s4, s0;
	s1 =	sshll.u32 s1, $0x11  }
0xca: {  	s0 =	sor.u32 s1, s0  }
0xcb: {  	s0 =	sadd.s32 $0x8F2B, s0  }
0xcc: {  	[sflag:s0] =	ssyncadd.remote.s32 $0x1  }
0xcd: {  	_ =	sfence.sel $0xFFFF  }
0xce: {  	[dreg:$0x0] =	wrdreg $0xFFFFFFFF;
	(pc) =	sbr.abs _section_cstart, $3  }
0xcf: {  	[dreg:$0x1] =	wrdreg $0xFFFFFFFF  }
0xd0: {  	_ =	task.clear_ibuf [dreg:s22], $0x2FFFF;
	_ =	strace $0x9FFFFFFF  }
0xd1: {  	(tm) =	ssettm $0x7FFFFFFF  }
tec
execute0_lowered:
.L_overlay_start_1:
0x0: {  	(tag) =	ssettag $0x1  }
0x1: {  	s5 =	rddreg [dreg:$0x0]  }
0x2: {  	s2 =	rddreg [dreg:$0x1]  }
0x3: {  	s0 =	srdreg.scid;
	s1 =	rddreg [dreg:$0x2]  }
0x4: {  	s3 =	simm.s32 $0x0;
	s14 =	simm.s32 $0x17900;
	s15 =	simm.s32 $0x40  }
0x5: {  	s16 =	simm.s32 $0x1B200;
	s17 =	simm.s32 $0x14040;
	s11 =	sand.u32 $0x1, s0  }
0x6: {  	s18 =	simm.s32 $0x1D200;
	s0 =	stileid.u32;
	s4 =	smul.u32 $0x39000, s11  }
0x7: {  	s19 =	simm.s32 $0x1;
	s20 =	simm.s32 $0x2;
	s6 =	smul.u32 $0x3900, s0  }
0x8: {  	s21 =	simm.s32 $0x0;
	[smem:$0x7FF] =	sst s3;
	s7 =	smul.u32 $0x14000, s0  }
0x9: {  	s29 =	smul.u32 $0x140000, s11;
	_ =	strace $0x80000053;
	s10 =	ssub.s32 $0x2, s11  }
0xa: {  	s31 =	sshll.u32 s0, $0x6;
	p0 =	sne.s32 s11, $0x0;
	s30 =	sshrl.u32 s10, $0x1  }
0xb: {  	s4 =	sadd.s32 s6, s4;
	s6 =	sadd.s32 s7, s29;
	s9 =	sshrl.u32 s7, $0x3  }
0xc: {  	s10 =	ssub.s32 s10, s30;
	s13 =	sadd.s32 s7, s2;
	s8 =	sshrl.u32 s4, $0x3  }
.Ltmp0:
0xd: {  	s4 =	sadd.s32 $0xC5A00, s5;
	s6 =	sshrl.u32 s6, $0x3;
	(pc) =	sbr.rel .LBB2_1-.Ltmp0, $4  }
0xe: {  	s9 =	sadd.s32 s9, s5;
	s10 =	smax.u32 s10, $0x1;
	s11 =	sshrl.u32 s13, $0x3  }
0xf: {  	s13 =	simm.s32 $0x14000;
	s8 =	sadd.s32 s8, s5;
	s12 =	sadd.s32 s6, s5  }
0x10: {  	s5 =	sadd.s32 $0x10A200, s9;
	s6 =	sor.u32 $0x1C03, s31;
	s7 =	sadd.s32 $0xFBE00, s8  }
0x11: {  	s8 =	sadd.s32 $0xEDA00, s8;
	s9 =	sadd.s32 $0x3C400, s12;
	s12 =	simm.s32 $0x3  }
.LBB2_4:
0x12: {  	[tilespmem:s18], [sflag:$0x2] =	stream.indirect.gather [hbm4b:s4+s15], $0x80, s23, s15, $0xb8;
	[tilespmem:$0x1F200] =	vst v63  }
0x13: {  	s22 =	simm.s32 $0x1B1C0;
	s23 =	simm.s32 $0x1B180  }
.LBB2_8:
0x14: {  	_ =	swait.ge [sflag:s19], $0x2000  }
0x15: {  	[sflag:s19] =	ssyncset.done $0x0  }
0x16: {  	[sflag:s19] =	ssyncadd.s32 $0xFFFFE000  }
0x17: {  	[spmem:s2] =	stream.indirect.scatter.add.f32 [tilespmem:s16], [sflag:$0x3], $0x80, s23, s15, $0xb8;
	[tilespmem:$0x1F200] =	vst v63  }
0x18: {  	_ =	swait.ge [sflag:s12], $0x2000  }
0x19: {  	[sflag:s12] =	ssyncset.done $0x0  }
0x1a: {  	[sflag:s12] =	ssyncadd.s32 $0xFFFFE000  }
0x1b: {  	_ =	swait.ge [sflag:s20], $0x2000  }
0x1c: {  	[sflag:s20] =	ssyncset.done $0x0  }
0x1d: {  	[sflag:s20] =	ssyncadd.s32 $0xFFFFE000  }
0x1e: {  	[spmem:s2] =	stream.indirect.scatter.add.f32 [tilespmem:s18], [sflag:$0x3], $0x80, s22, s15, $0xb8;
	[tilespmem:$0x1F200] =	vst v63  }
0x1f: {  	_ =	swait.ge [sflag:s12], $0x2000  }
0x20: {  	s21 =	sadd.s32 $0x1, s21;
	[sflag:s12] =	ssyncset.done $0x0  }
0x21: {  	p1 =	sne.s32 s21, s10;
	[sflag:s12] =	ssyncadd.s32 $0xFFFFE000  }
.Ltmp1:
0x22: {  	[bflag:$0x0] =	sbarrier.arrive $0xFFFF;
	(pc) =	sbr.rel @!p1 .LBB2_9-.Ltmp1, $4  }
0x23: {  	[hbm:s9], [sflag:s6] =	dma.local [spmem:s11], $0x2800  }
0x24: {  	_ =	swait.ge [sflag:s12], $0x2800  }
0x25: {  	[sflag:s12] =	ssyncset.done $0x0  }
0x26: {  	[sflag:s12] =	ssyncadd.s32 $0xFFFFD800  }
.LBB2_1:
0x27: {  	[spmem:s11], [sflag:s6] =	dma.local [hbm:s5], $0x2800  }
0x28: {  	_ =	swait.ge [sflag:s12], $0x2800  }
0x29: {  	[sflag:s12] =	ssyncset.done $0x0  }
0x2a: {  	[sflag:s12] =	ssyncadd.s32 $0xFFFFD800  }
0x2b: {  	[tilespmem:s13], [sflag:$0x3] =	stream.linear.gather [hbm4b:s7+s3], $0x3900, $0x38;
	[tilespmem:$0x1F200] =	vst v63  }
0x2c: {  	_ =	swait.ge [sflag:s12], $0x3900  }
0x2d: {  	[sflag:s12] =	ssyncset.done $0x0  }
0x2e: {  	[sflag:s12] =	ssyncadd.s32 $0xFFFFC700  }
0x2f: {  	[tilespmem:s14], [sflag:$0x3] =	stream.linear.gather [hbm4b:s8+s3], $0x3900, $0x38;
	[tilespmem:$0x1F200] =	vst v63  }
0x30: {  	_ =	swait.ge [sflag:s12], $0x3900  }
0x31: {  	[sflag:s12] =	ssyncset.done $0x0  }
.Ltmp2:
0x32: {  	[sflag:s12] =	ssyncadd.s32 $0xFFFFC700;
	(pc) =	sbr.rel @p0 .LBB2_5-.Ltmp2, $4  }
0x33: {  	[bflag:$0x0] =	sbarrier.arrive $0xFFFF  }
0x34: {  	[tilespmem:s16], [sflag:$0x1] =	stream.indirect.gather [hbm4b:s4+s15], $0x80, s13, s15, $0xb8;
	[tilespmem:$0x1F200] =	vst v63  }
0x35: {  	_ = 	snop  }
0x36: {  	[tilespmem:s18], [sflag:$0x2] =	stream.indirect.gather [hbm4b:s4+s15], $0x80, s17, s15, $0xb8;
	[tilespmem:$0x1F200] =	vst v63  }
0x37: {  	_ =	swait.ge [sflag:s19], $0x2000  }
0x38: {  	[sflag:s19] =	ssyncset.done $0x0  }
0x39: {  	s22 =	simm.s32 $0x17900;
	[sflag:s19] =	ssyncadd.s32 $0xFFFFE000  }
0x3a: {  	[spmem:s2] =	stream.indirect.scatter.add.f32 [tilespmem:s16], [sflag:$0x3], $0x80, s22, s15, $0xb8;
	[tilespmem:$0x1F200] =	vst v63  }
0x3b: {  	_ =	swait.ge [sflag:s12], $0x2000  }
0x3c: {  	[sflag:s12] =	ssyncset.done $0x0  }
0x3d: {  	s30 =	simm.s32 $0x14080;
	[sflag:s12] =	ssyncadd.s32 $0xFFFFE000  }
0x3e: {  	[tilespmem:s16], [sflag:$0x1] =	stream.indirect.gather [hbm4b:s4+s15], $0x80, s30, s15, $0xb8;
	[tilespmem:$0x1F200] =	vst v63  }
0x3f: {  	_ =	swait.ge [sflag:s20], $0x2000  }
0x40: {  	p1 =	por $0x0, $0x0;
	[sflag:s20] =	ssyncset.done $0x0  }
.Ltmp3:
0x41: {  	s31 =	simm.s32 $0x17940;
	[sflag:s20] =	ssyncadd.s32 $0xFFFFE000;
	(pc) =	sbr.rel @p1 .LBB2_4-.Ltmp3, $4  }
0x42: {  	[spmem:s2] =	stream.indirect.scatter.add.f32 [tilespmem:s18], [sflag:$0x3], $0x80, s31, s15, $0xb8;
	[tilespmem:$0x1F200] =	vst v63  }
0x43: {  	_ =	swait.ge [sflag:s12], $0x2000  }
0x44: {  	[sflag:s12] =	ssyncset.done $0x0  }
0x45: {  	s23 =	simm.s32 $0x140C0;
	s22 =	simm.s32 $0x200;
	[sflag:s12] =	ssyncadd.s32 $0xFFFFE000  }
.LBB2_3:
0x46: {  	[tilespmem:s18], [sflag:$0x2] =	stream.indirect.gather [hbm4b:s4+s15], $0x80, s23, s15, $0xb8;
	[tilespmem:$0x1F200] =	vst v63  }
0x47: {  	s23 =	smov.u32 s22  }
0x48: {  	p1 =	seq.s32 s22, $0xE000;
	s22 =	sadd.s32 $0x200, s22;
	_ =	swait.ge [sflag:s19], $0x2000  }
0x49: {  	s23 =	sshra.s32 s23, $0x2;
	[sflag:s19] =	ssyncset.done $0x0  }
0x4a: {  	s24 =	sadd.s32 $0x17900, s23;
	[sflag:s19] =	ssyncadd.s32 $0xFFFFE000  }
0x4b: {  	[spmem:s2] =	stream.indirect.scatter.add.f32 [tilespmem:s16], [sflag:$0x3], $0x80, s24, s15, $0xb8;
	[tilespmem:$0x1F200] =	vst v63  }
0x4c: {  	_ =	swait.ge [sflag:s12], $0x2000  }
0x4d: {  	[sflag:s12] =	ssyncset.done $0x0  }
0x4e: {  	s24 =	sadd.s32 $0x14080, s23;
	[sflag:s12] =	ssyncadd.s32 $0xFFFFE000  }
0x4f: {  	[tilespmem:s16], [sflag:$0x1] =	stream.indirect.gather [hbm4b:s4+s15], $0x80, s24, s15, $0xb8;
	[tilespmem:$0x1F200] =	vst v63  }
0x50: {  	_ =	swait.ge [sflag:s20], $0x2000  }
0x51: {  	[sflag:s20] =	ssyncset.done $0x0  }
.Ltmp4:
0x52: {  	s24 =	sadd.s32 $0x17940, s23;
	[sflag:s20] =	ssyncadd.s32 $0xFFFFE000;
	(pc) =	sbr.rel @!p1 .LBB2_3-.Ltmp4, $4  }
0x53: {  	[spmem:s2] =	stream.indirect.scatter.add.f32 [tilespmem:s18], [sflag:$0x3], $0x80, s24, s15, $0xb8;
	[tilespmem:$0x1F200] =	vst v63  }
0x54: {  	_ =	swait.ge [sflag:s12], $0x2000  }
0x55: {  	[sflag:s12] =	ssyncset.done $0x0  }
0x56: {  	s23 =	sadd.s32 $0x140C0, s23;
	[sflag:s12] =	ssyncadd.s32 $0xFFFFE000  }
.Ltmp5:
0x57: {  	_ = 	snop;
	(pc) =	sbr.rel .LBB2_4-.Ltmp5, $1  }
0x58: {  	_ =	sdelay $0x3  }
.LBB2_5:
0x59: {  	_ =	swait.ge [sflag:s19], $0x2000  }
0x5a: {  	[sflag:s19] =	ssyncset.done $0x0  }
0x5b: {  	s22 =	simm.s32 $0x17900;
	[sflag:s19] =	ssyncadd.s32 $0xFFFFE000  }
0x5c: {  	[spmem:s2] =	stream.indirect.scatter.add.f32 [tilespmem:s16], [sflag:$0x3], $0x80, s22, s15, $0xb8;
	[tilespmem:$0x1F200] =	vst v63  }
0x5d: {  	_ =	swait.ge [sflag:s12], $0x2000  }
0x5e: {  	[sflag:s12] =	ssyncset.done $0x0  }
0x5f: {  	s30 =	simm.s32 $0x14080;
	[sflag:s12] =	ssyncadd.s32 $0xFFFFE000  }
0x60: {  	[tilespmem:s16], [sflag:$0x1] =	stream.indirect.gather [hbm4b:s4+s15], $0x80, s30, s15, $0xb8;
	[tilespmem:$0x1F200] =	vst v63  }
0x61: {  	_ =	swait.ge [sflag:s20], $0x2000  }
0x62: {  	[sflag:s20] =	ssyncset.done $0x0  }
0x63: {  	s31 =	simm.s32 $0x17940;
	[sflag:s20] =	ssyncadd.s32 $0xFFFFE000  }
0x64: {  	[spmem:s2] =	stream.indirect.scatter.add.f32 [tilespmem:s18], [sflag:$0x3], $0x80, s31, s15, $0xb8;
	[tilespmem:$0x1F200] =	vst v63  }
0x65: {  	_ =	swait.ge [sflag:s12], $0x2000  }
0x66: {  	[sflag:s12] =	ssyncset.done $0x0  }
0x67: {  	s23 =	simm.s32 $0x140C0;
	s22 =	simm.s32 $0x200;
	[sflag:s12] =	ssyncadd.s32 $0xFFFFE000  }
.LBB2_6:
0x68: {  	[tilespmem:s18], [sflag:$0x2] =	stream.indirect.gather [hbm4b:s4+s15], $0x80, s23, s15, $0xb8;
	[tilespmem:$0x1F200] =	vst v63  }
0x69: {  	s23 =	smov.u32 s22  }
0x6a: {  	p1 =	sne.s32 s22, $0x5400;
	s22 =	sadd.s32 $0x200, s22;
	_ =	swait.ge [sflag:s19], $0x2000  }
0x6b: {  	s23 =	sshra.s32 s23, $0x2;
	[sflag:s19] =	ssyncset.done $0x0  }
0x6c: {  	s24 =	sadd.s32 $0x17900, s23;
	[sflag:s19] =	ssyncadd.s32 $0xFFFFE000  }
0x6d: {  	[spmem:s2] =	stream.indirect.scatter.add.f32 [tilespmem:s16], [sflag:$0x3], $0x80, s24, s15, $0xb8;
	[tilespmem:$0x1F200] =	vst v63  }
0x6e: {  	_ =	swait.ge [sflag:s12], $0x2000  }
0x6f: {  	[sflag:s12] =	ssyncset.done $0x0  }
0x70: {  	s24 =	sadd.s32 $0x14080, s23;
	[sflag:s12] =	ssyncadd.s32 $0xFFFFE000  }
0x71: {  	[tilespmem:s16], [sflag:$0x1] =	stream.indirect.gather [hbm4b:s4+s15], $0x80, s24, s15, $0xb8;
	[tilespmem:$0x1F200] =	vst v63  }
0x72: {  	_ =	swait.ge [sflag:s20], $0x2000  }
0x73: {  	[sflag:s20] =	ssyncset.done $0x0  }
.Ltmp6:
0x74: {  	s24 =	sadd.s32 $0x17940, s23;
	[sflag:s20] =	ssyncadd.s32 $0xFFFFE000;
	(pc) =	sbr.rel @p1 .LBB2_6-.Ltmp6, $4  }
0x75: {  	[spmem:s2] =	stream.indirect.scatter.add.f32 [tilespmem:s18], [sflag:$0x3], $0x80, s24, s15, $0xb8;
	[tilespmem:$0x1F200] =	vst v63  }
0x76: {  	_ =	swait.ge [sflag:s12], $0x2000  }
0x77: {  	[sflag:s12] =	ssyncset.done $0x0  }
0x78: {  	s23 =	sadd.s32 $0x140C0, s23;
	[sflag:s12] =	ssyncadd.s32 $0xFFFFE000  }
.Ltmp7:
0x79: {  	(pc) =	sbr.rel .LBB2_8-.Ltmp7, $3  }
0x7a: {  	_ =	sdelay $0x1  }
0x7b: {  	[tilespmem:s18], [sflag:$0x2] =	stream.indirect.gather [hbm4b:s4+s15], $0x80, s23, s15, $0xb8;
	[tilespmem:$0x1F200] =	vst v63  }
0x7c: {  	s22 =	simm.s32 $0x18EC0;
	s23 =	simm.s32 $0x18E80  }
.LBB2_9:
0x7d: {  	_ =	sfence.sel $0x180000  }
0x7e: {  	[bflag:$0x0] =	sbarrier.arrive $0xFFFF  }
0x7f: {  	p0 =	sne.s32 s0, $0x0;
	_ =	strace $0x90000053  }
0x80: {  	s0 =	sadd.s32 @!p0 $0x100000, s1;
	[bflag:$0x2] =	sbarrier.arrive $0xFFFF  }
0x81: {  	[sflag:s0] =	ssyncadd.tile.s32 @!p0 $0x1;
	_ =	shalt  }
.Lfunc_end2:
_tile_overlayer_lowered:
.L_overlay_start_2:
0x82: {  	(tag) =	ssettag $0x2  }
0x83: {  	s0 =	rddreg [dreg:$0x0];
	s2 =	stileid.u32  }
0x84: {  	s1 =	rddreg [dreg:$0x1];
	p0 =	sne.s32 s2, $0x0  }
0x85: {  	s3 =	rddreg [dreg:$0x2];
	[bflag:$0x3] =	sbarrier.arrive $0xFFFF;
	s2 =	simm.s32 @!p0 $0x1C03  }
0x86: {  	[timem:s3], [sflag:s2] =	dma.local @!p0 [hbm:s0], s1  }
0x87: {  	s0 =	simm.s32 @!p0 $0x3  }
0x88: {  	_ =	swait.ge @!p0 [sflag:s0], s1  }
0x89: {  	s1 =	ssub.s32 @!p0 $0x0, s1;
	[sflag:s0] =	ssyncset.done @!p0 $0x0  }
0x8a: {  	[sflag:s0] =	ssyncadd.s32 @!p0 s1  }
0x8b: {  	[bflag:$0x3] =	sbarrier.arrive $0xFFFF  }
0x8c: {  	_ =	shalt  }

</sc_bundles>
